<compile_context>
chip_gen: v7x
topology: tpu7x:2x2x1
jax: 0.10.2.dev20260603
libtpu: 0.0.44.dev20260713+nightly
codegen_flags: <defaults>
</compile_context>

<pallas_src>
import functools

import jax
import jax.numpy as jnp
import numpy as np
from jax import lax
from jax.experimental import pallas as pl
from jax.experimental.pallas import tpu as pltpu
from jax.experimental.pallas import tpu_sc as plsc

NUM_CORES = 2
NUM_SUBCORES = 16
NW = NUM_CORES * NUM_SUBCORES
LANES = 16

F = 26
V = 100000
D = 64
B = 4096
B_W = B // NW
ROWS_W = B_W * F
CB = 8
CROWS = CB * F
NCHUNK = B_W // CB

_OFFPAIR = np.concatenate([
    np.arange(16, dtype=np.int64) * V,
    np.arange(10, 26, dtype=np.int64) * V,
]).astype(np.int32)

_mesh = plsc.VectorSubcoreMesh(core_axis_name="c", subcore_axis_name="s")


@functools.partial(
    pl.kernel,
    mesh=_mesh,
    compiler_params=pltpu.CompilerParams(use_tc_tiling_on_sc=True),
    out_type=jax.ShapeDtypeStruct((B, F, D), jnp.float32),
    scratch_types=[
        pltpu.VMEM((B_W, 128), jnp.int32),
        pltpu.VMEM((32,), jnp.int32),
        pltpu.VMEM((ROWS_W,), jnp.int32),
        pltpu.VMEM((CB, F, D), jnp.float32),
        pltpu.VMEM((CB, F, D), jnp.float32),
        pltpu.SemaphoreType.DMA,
        pltpu.SemaphoreType.DMA,
    ],
)
def _sc_gather(x_hbm, offpair_hbm, tab_hbm, out_hbm,
               xblk_v, offpair_v, xflat, buf0, buf1, gsem0, gsem1):
    wid = lax.axis_index("s") * NUM_CORES + lax.axis_index("c")
    b_base = wid * B_W

    pltpu.sync_copy(x_hbm.at[pl.ds(b_base, B_W), :], xblk_v)
    pltpu.sync_copy(offpair_hbm, offpair_v)

    offa = offpair_v[pl.ds(0, LANES)]
    offb = offpair_v[pl.ds(LANES, LANES)]

    def repack_body(r, _):
        p = r * F
        xflat[pl.ds(p, LANES)] = xblk_v[r, pl.ds(0, LANES)] + offa
        xflat[pl.ds(p + 10, LANES)] = xblk_v[r, pl.ds(10, LANES)] + offb
        return 0

    lax.fori_loop(0, B_W, repack_body, 0)

    def gather_start(c, buf, sem):
        def group_body(g, _):
            q0 = g * LANES
            vec = xflat[pl.ds(c * CROWS + q0, LANES)]
            for l in range(LANES):
                r = vec[l]
                q = q0 + l
                bq = q // F
                fq = q - bq * F
                pltpu.make_async_copy(
                    tab_hbm.at[r], buf.at[bq, fq], sem).start()
            return 0
        lax.fori_loop(0, CROWS // LANES, group_body, 0)

    def gather_wait(buf, sem):
        pltpu.make_async_copy(out_hbm.at[pl.ds(0, CB), :, :], buf, sem).wait()

    def scatter(c, buf):
        pltpu.sync_copy(buf, out_hbm.at[pl.ds(b_base + c * CB, CB), :, :])

    gather_start(0, buf0, gsem0)
    gather_start(1, buf1, gsem1)

    def loop_body(i, _):
        for b, (buf, sem) in enumerate(((buf0, gsem0), (buf1, gsem1))):
            c = 2 * i + b
            gather_wait(buf, sem)
            scatter(c, buf)
            gather_start(c + 2, buf, sem)
        return 0

    lax.fori_loop(0, (NCHUNK - 2) // 2, loop_body, 0)

    for b, (buf, sem) in enumerate(((buf0, gsem0), (buf1, gsem1))):
        c = NCHUNK - 2 + b
        gather_wait(buf, sem)
        scatter(c, buf)


def kernel(X, tables):
    x = jnp.pad(jnp.asarray(X, jnp.int32), ((0, 0), (0, 128 - F)))
    tab = tables.reshape(F * V, D)
    return _sc_gather(x, jnp.asarray(_OFFPAIR), tab)

# --- scband reference (transcript-rebuilt; emitter-appended) ---
"""Pipeline reference for scband-embedding-layer-15341623181827 (READ-ONLY COPY).

The authoritative reference and input builder live on the scoring server;
editing this copy changes nothing except your own understanding.
"""

import jax, jax.numpy as jnp
import numpy as np

NUM_FIELDS = 26
VOCAB = 100000
EMBED_DIM = 64
BATCH = 4096

def setup_inputs(seed: int = 0) -> dict:
    key = jax.random.key(seed)
    k_idx, k_tab = jax.random.split(key)
    # X: one categorical index per field per example
    X = jax.random.randint(k_idx, (BATCH, NUM_FIELDS), 0, VOCAB, dtype=jnp.int64)
    # One embedding table per field, stacked: [F, V, D]
    tables = jax.random.normal(k_tab, (NUM_FIELDS, VOCAB, EMBED_DIM), dtype=jnp.float32) * 0.01
    return {"X": X, "tables": tables}

def reference(X, tables):
    # Faithful to EmbeddingLayer.forward with all-categorical feature_map:
    # for each field f: emb_f = embedding_layer[C_f](X[:, f])  (gather from table f)
    # then dict2tensor stacks along dim=1 -> [B, F, D]
    field_ids = jnp.arange(NUM_FIELDS)[None, :]  # [1, F]
    feature_emb = tables[field_ids, X]           # gather -> [B, F, D]
    return feature_emb

if __name__ == "__main__":
    import jax
    _d = setup_inputs()
    print(jax.jit(kernel)(*tuple(_d.values())))

</pallas_src>

<mosaic_0001>
#map = affine_map<(d0, d1) -> (0, 0)>
#map1 = affine_map<(d0, d1) -> (0)>
#map2 = affine_map<(d0, d1) -> (0, 0, 0)>
module attributes {stable_mosaic.version = 14 : i64} {
  func.func @_sc_gather(%arg0: i32, %arg1: i32, %arg2: memref<4096x128xi32, #tpu.memory_space<hbm>>, %arg3: memref<32xi32, #tpu.memory_space<hbm>>, %arg4: memref<2600000x64xf32, #tpu.memory_space<hbm>>, %arg5: memref<4096x26x64xf32, #tpu.memory_space<hbm>>, %arg6: memref<128x128xi32, #tpu.memory_space<vmem>>, %arg7: memref<32xi32, #tpu.memory_space<vmem>>, %arg8: memref<3328xi32, #tpu.memory_space<vmem>>, %arg9: memref<8x26x64xf32, #tpu.memory_space<vmem>>, %arg10: memref<8x26x64xf32, #tpu.memory_space<vmem>>, %arg11: memref<!tpu.dma_semaphore, #tpu.memory_space<semaphore_mem>>, %arg12: memref<!tpu.dma_semaphore, #tpu.memory_space<semaphore_mem>>) attributes {dimension_semantics = [#tpu.dimension_semantics<core_parallel>, #tpu.dimension_semantics<subcore_parallel>], iteration_bounds = array<i64: 2, 16>, scalar_prefetch = 0 : i64, scratch_operands = 7 : i64, tpu.core_type = #tpu.core_type<sc_vector_subcore>, window_params = [{transform_indices = #map}, {transform_indices = #map1}, {transform_indices = #map}, {transform_indices = #map2}]} {
    %mul3A = arith.constant 2 : i32
    %mul3A_0 = arith.muli %arg1, %mul3A : i32
    %add3A = arith.addi %mul3A_0, %arg0 : i32
    %mul3A_1 = arith.constant 128 : i32
    %mul3A_2 = arith.muli %add3A, %mul3A_1 : i32
    "tpu.region"() ({
      %run_scoped3A = tpu.sem_alloc : memref<!tpu.dma_semaphore, #tpu.memory_space<semaphore_mem>>
      %dma_start3A = arith.constant 0 : i32
      %dma_start3A_54 = tpu.memref_slice %arg2[%mul3A_2, %dma_start3A] : memref<4096x128xi32, #tpu.memory_space<hbm>> -> memref<128x128xi32, #tpu.memory_space<hbm>>
      %dma_start3A_55 = arith.constant 0 : i32
      %dma_start3A_56 = tpu.memref_slice %arg2[%mul3A_2, %dma_start3A_55] : memref<4096x128xi32, #tpu.memory_space<hbm>> -> memref<128x128xi32, #tpu.memory_space<hbm>>
      tpu.enqueue_dma source(%dma_start3A_56 : memref<128x128xi32, #tpu.memory_space<hbm>>) target(%arg6 : memref<128x128xi32, #tpu.memory_space<vmem>>) target_semaphore(%run_scoped3A : memref<!tpu.dma_semaphore, #tpu.memory_space<semaphore_mem>>)
      %dma_wait3A_57 = arith.constant 0 : i32
      %dma_wait3A_58 = tpu.memref_slice %arg2[%mul3A_2, %dma_wait3A_57] : memref<4096x128xi32, #tpu.memory_space<hbm>> -> memref<128x128xi32, #tpu.memory_space<hbm>>
      %dma_wait3A_59 = arith.constant 0 : i32
      %dma_wait3A_60 = tpu.memref_slice %arg2[%mul3A_2, %dma_wait3A_59] : memref<4096x128xi32, #tpu.memory_space<hbm>> -> memref<128x128xi32, #tpu.memory_space<hbm>>
      tpu.wait_dma2 semaphore(%run_scoped3A : memref<!tpu.dma_semaphore, #tpu.memory_space<semaphore_mem>>) src(%dma_wait3A_60 : memref<128x128xi32, #tpu.memory_space<hbm>>) dst(%arg6 : memref<128x128xi32, #tpu.memory_space<vmem>>)
      tpu.yield
    }) : () -> ()
    "tpu.region"() ({
      %run_scoped3A = tpu.sem_alloc : memref<!tpu.dma_semaphore, #tpu.memory_space<semaphore_mem>>
      tpu.enqueue_dma source(%arg3 : memref<32xi32, #tpu.memory_space<hbm>>) target(%arg7 : memref<32xi32, #tpu.memory_space<vmem>>) target_semaphore(%run_scoped3A : memref<!tpu.dma_semaphore, #tpu.memory_space<semaphore_mem>>)
      tpu.wait_dma2 semaphore(%run_scoped3A : memref<!tpu.dma_semaphore, #tpu.memory_space<semaphore_mem>>) src(%arg3 : memref<32xi32, #tpu.memory_space<hbm>>) dst(%arg7 : memref<32xi32, #tpu.memory_space<vmem>>)
      tpu.yield
    }) : () -> ()
    %get3A = arith.constant 0 : index
    %get3A_3 = tpu.vector_load %arg7[%get3A] {strides = array<i32>} : memref<32xi32, #tpu.memory_space<vmem>>, vector<16xi32>,
    %get3A_4 = vector.shape_cast %get3A_3 : vector<16xi32> to vector<16xi32>
    %get3A_5 = arith.constant 16 : index
    %get3A_6 = tpu.vector_load %arg7[%get3A_5] {strides = array<i32>} : memref<32xi32, #tpu.memory_space<vmem>>, vector<16xi32>,
    %get3A_7 = vector.shape_cast %get3A_6 : vector<16xi32> to vector<16xi32>
    %scan3A = arith.constant 0 : i32
    %scan3A_8 = arith.constant 0 : i32
    %scan3A_9 = arith.constant 128 : i32
    %scan3A_10 = arith.addi %scan3A_8, %scan3A_9 : i32
    %scan3A_11 = arith.constant 1 : i32
    %scan3A_12 = scf.for %scan3A_54 = %scan3A_8 to %scan3A_10 step %scan3A_11 iter_args(%scan3A_55 = %scan3A) -> (i32)  : i32 {
      %mul3A_56 = arith.constant 26 : i32
      %mul3A_57 = arith.muli %scan3A_54, %mul3A_56 : i32
      %get3A_58 = arith.index_cast %scan3A_54 : i32 to index
      %get3A_59 = arith.constant 0 : index
      %get3A_60 = tpu.vector_load %arg6[%get3A_58, %get3A_59] {strides = array<i32>} : memref<128x128xi32, #tpu.memory_space<vmem>>, vector<1x16xi32>,
      %get3A_61 = vector.shape_cast %get3A_60 : vector<1x16xi32> to vector<16xi32>
      %add3A_62 = arith.addi %get3A_61, %get3A_4 : vector<16xi32>
      %swap3A = arith.index_cast %mul3A_57 : i32 to index
      %swap3A_63 = tpu.vector_load %arg8[%swap3A] {strides = array<i32>} : memref<3328xi32, #tpu.memory_space<vmem>>, vector<16xi32>,
      %swap3A_64 = vector.shape_cast %swap3A_63 : vector<16xi32> to vector<16xi32>
      %swap3A_65 = vector.shape_cast %add3A_62 : vector<16xi32> to vector<16xi32>
      tpu.vector_store %arg8[%swap3A], %swap3A_65 {strides = array<i32>} : memref<3328xi32, #tpu.memory_space<vmem>>, vector<16xi32>,
      %get3A_66 = arith.index_cast %scan3A_54 : i32 to index
      %get3A_67 = arith.constant 10 : index
      %get3A_68 = tpu.vector_load %arg6[%get3A_66, %get3A_67] {strides = array<i32>} : memref<128x128xi32, #tpu.memory_space<vmem>>, vector<1x16xi32>,
      %get3A_69 = vector.shape_cast %get3A_68 : vector<1x16xi32> to vector<16xi32>
      %add3A_70 = arith.addi %get3A_69, %get3A_7 : vector<16xi32>
      %add3A_71 = arith.constant 10 : i32
      %add3A_72 = arith.addi %mul3A_57, %add3A_71 : i32
      %swap3A_73 = arith.index_cast %add3A_72 : i32 to index
      %swap3A_74 = tpu.vector_load %arg8[%swap3A_73] {strides = array<i32>} : memref<3328xi32, #tpu.memory_space<vmem>>, vector<16xi32>,
      %swap3A_75 = vector.shape_cast %swap3A_74 : vector<16xi32> to vector<16xi32>
      %swap3A_76 = vector.shape_cast %add3A_70 : vector<16xi32> to vector<16xi32>
      tpu.vector_store %arg8[%swap3A_73], %swap3A_76 {strides = array<i32>} : memref<3328xi32, #tpu.memory_space<vmem>>, vector<16xi32>,
      %scan3A_77 = arith.constant 0 : i32
      scf.yield %scan3A_77 : i32
    }
    %scan3A_13 = arith.constant 128 : i32
    %scan3A_14 = arith.constant 0 : i32
    %scan3A_15 = arith.constant 0 : i32
    %scan3A_16 = arith.constant 13 : i32
    %scan3A_17 = arith.addi %scan3A_15, %scan3A_16 : i32
    %scan3A_18 = arith.constant 1 : i32
    %scan3A_19 = scf.for %scan3A_54 = %scan3A_15 to %scan3A_17 step %scan3A_18 iter_args(%scan3A_55 = %scan3A_14) -> (i32)  : i32 {
      %mul3A_56 = arith.constant 16 : i32
      %mul3A_57 = arith.muli %scan3A_54, %mul3A_56 : i32
      %add3A_58 = arith.constant 0 : i32
      %add3A_59 = arith.addi %add3A_58, %mul3A_57 : i32
      %get3A_60 = arith.index_cast %add3A_59 : i32 to index
      %get3A_61 = tpu.vector_load %arg8[%get3A_60] {strides = array<i32>} : memref<3328xi32, #tpu.memory_space<vmem>>, vector<16xi32>,
      %get3A_62 = vector.shape_cast %get3A_61 : vector<16xi32> to vector<16xi32>
      %slice3A = vector.extract_strided_slice %get3A_62 {offsets = [0], sizes = [1], strides = [1]} : vector<16xi32> to vector<1xi32>
      %squeeze3A = vector.extract %slice3A[0] : i32 from vector<1xi32>
      %add3A_63 = arith.constant 0 : i32
      %add3A_64 = arith.addi %mul3A_57, %add3A_63 : i32
      %jit3A = arith.constant 26 : i32
      %div3A = arith.divsi %add3A_64, %jit3A : i32
      %sign3A = arith.constant 0 : i32
      %sign3A_65 = arith.cmpi sgt, %add3A_64, %sign3A : i32
      %sign3A_66 = arith.extui %sign3A_65 : i1 to i32
      %sign3A_67 = arith.constant 0 : i32
      %sign3A_68 = arith.cmpi slt, %add3A_64, %sign3A_67 : i32
      %sign3A_69 = arith.extui %sign3A_68 : i1 to i32
      %sign3A_70 = arith.subi %sign3A_66, %sign3A_69 : i32
      %sign3A_71 = arith.constant 0 : i32
      %sign3A_72 = arith.cmpi sgt, %jit3A, %sign3A_71 : i32
      %sign3A_73 = arith.extui %sign3A_72 : i1 to i32
      %sign3A_74 = arith.constant 0 : i32
      %sign3A_75 = arith.cmpi slt, %jit3A, %sign3A_74 : i32
      %sign3A_76 = arith.extui %sign3A_75 : i1 to i32
      %sign3A_77 = arith.subi %sign3A_73, %sign3A_76 : i32
      %ne3A = arith.cmpi ne, %sign3A_70, %sign3A_77 : i32
      %rem3A = arith.remsi %add3A_64, %jit3A : i32
      %ne3A_78 = arith.constant 0 : i32
      %ne3A_79 = arith.cmpi ne, %rem3A, %ne3A_78 : i32
      %and3A = arith.andi %ne3A, %ne3A_79 : i1
      %sub3A = arith.constant 1 : i32
      %sub3A_80 = arith.subi %div3A, %sub3A : i32
      %select_n3A = arith.select %and3A, %sub3A_80, %div3A : i32
      %mul3A_81 = arith.constant 26 : i32
      %mul3A_82 = arith.muli %select_n3A, %mul3A_81 : i32
      %sub3A_83 = arith.subi %add3A_64, %mul3A_82 : i32
      %dma_start3A = arith.constant 0 : i32
      %dma_start3A_84 = tpu.memref_slice %arg9[%select_n3A, %sub3A_83, %dma_start3A] : memref<8x26x64xf32, #tpu.memory_space<vmem>> -> memref<1x1x64xf32, #tpu.memory_space<vmem>>
      %dma_start3A_85 = tpu.memref_squeeze %dma_start3A_84 : memref<1x1x64xf32, #tpu.memory_space<vmem>> -> memref<64xf32, #tpu.memory_space<vmem>>
      %dma_start3A_86 = arith.constant 0 : i32
      %dma_start3A_87 = tpu.memref_slice %arg4[%squeeze3A, %dma_start3A_86] : memref<2600000x64xf32, #tpu.memory_space<hbm>> -> memref<1x64xf32, #tpu.memory_space<hbm>>
      %dma_start3A_88 = tpu.memref_squeeze %dma_start3A_87 : memref<1x64xf32, #tpu.memory_space<hbm>> -> memref<64xf32, #tpu.memory_space<hbm>>
      %dma_start3A_89 = arith.constant 0 : i32
      %dma_start3A_90 = tpu.memref_slice %arg9[%select_n3A, %sub3A_83, %dma_start3A_89] : memref<8x26x64xf32, #tpu.memory_space<vmem>> -> memref<1x1x64xf32, #tpu.memory_space<vmem>>
      %dma_start3A_91 = tpu.memref_squeeze %dma_start3A_90 : memref<1x1x64xf32, #tpu.memory_space<vmem>> -> memref<64xf32, #tpu.memory_space<vmem>>
      %dma_start3A_92 = arith.constant 0 : i32
      %dma_start3A_93 = tpu.memref_slice %arg4[%squeeze3A, %dma_start3A_92] : memref<2600000x64xf32, #tpu.memory_space<hbm>> -> memref<1x64xf32, #tpu.memory_space<hbm>>
      %dma_start3A_94 = tpu.memref_squeeze %dma_start3A_93 : memref<1x64xf32, #tpu.memory_space<hbm>> -> memref<64xf32, #tpu.memory_space<hbm>>
      tpu.enqueue_dma source(%dma_start3A_94 : memref<64xf32, #tpu.memory_space<hbm>>) target(%dma_start3A_91 : memref<64xf32, #tpu.memory_space<vmem>>) target_semaphore(%arg11 : memref<!tpu.dma_semaphore, #tpu.memory_space<semaphore_mem>>)
      %slice3A_95 = vector.extract_strided_slice %get3A_62 {offsets = [1], sizes = [1], strides = [1]} : vector<16xi32> to vector<1xi32>
      %squeeze3A_96 = vector.extract %slice3A_95[0] : i32 from vector<1xi32>
      %add3A_97 = arith.constant 1 : i32
      %add3A_98 = arith.addi %mul3A_57, %add3A_97 : i32
      %jit3A_99 = arith.constant 26 : i32
      %div3A_100 = arith.divsi %add3A_98, %jit3A_99 : i32
      %sign3A_101 = arith.constant 0 : i32
      %sign3A_102 = arith.cmpi sgt, %add3A_98, %sign3A_101 : i32
      %sign3A_103 = arith.extui %sign3A_102 : i1 to i32
      %sign3A_104 = arith.constant 0 : i32
      %sign3A_105 = arith.cmpi slt, %add3A_98, %sign3A_104 : i32
      %sign3A_106 = arith.extui %sign3A_105 : i1 to i32
      %sign3A_107 = arith.subi %sign3A_103, %sign3A_106 : i32
      %sign3A_108 = arith.constant 0 : i32
      %sign3A_109 = arith.cmpi sgt, %jit3A_99, %sign3A_108 : i32
      %sign3A_110 = arith.extui %sign3A_109 : i1 to i32
      %sign3A_111 = arith.constant 0 : i32
      %sign3A_112 = arith.cmpi slt, %jit3A_99, %sign3A_111 : i32
      %sign3A_113 = arith.extui %sign3A_112 : i1 to i32
      %sign3A_114 = arith.subi %sign3A_110, %sign3A_113 : i32
      %ne3A_115 = arith.cmpi ne, %sign3A_107, %sign3A_114 : i32
      %rem3A_116 = arith.remsi %add3A_98, %jit3A_99 : i32
      %ne3A_117 = arith.constant 0 : i32
      %ne3A_118 = arith.cmpi ne, %rem3A_116, %ne3A_117 : i32
      %and3A_119 = arith.andi %ne3A_115, %ne3A_118 : i1
      %sub3A_120 = arith.constant 1 : i32
      %sub3A_121 = arith.subi %div3A_100, %sub3A_120 : i32
      %select_n3A_122 = arith.select %and3A_119, %sub3A_121, %div3A_100 : i32
      %mul3A_123 = arith.constant 26 : i32
      %mul3A_124 = arith.muli %select_n3A_122, %mul3A_123 : i32
      %sub3A_125 = arith.subi %add3A_98, %mul3A_124 : i32
      %dma_start3A_126 = arith.constant 0 : i32
      %dma_start3A_127 = tpu.memref_slice %arg9[%select_n3A_122, %sub3A_125, %dma_start3A_126] : memref<8x26x64xf32, #tpu.memory_space<vmem>> -> memref<1x1x64xf32, #tpu.memory_space<vmem>>
      %dma_start3A_128 = tpu.memref_squeeze %dma_start3A_127 : memref<1x1x64xf32, #tpu.memory_space<vmem>> -> memref<64xf32, #tpu.memory_space<vmem>>
      %dma_start3A_129 = arith.constant 0 : i32
      %dma_start3A_130 = tpu.memref_slice %arg4[%squeeze3A_96, %dma_start3A_129] : memref<2600000x64xf32, #tpu.memory_space<hbm>> -> memref<1x64xf32, #tpu.memory_space<hbm>>
      %dma_start3A_131 = tpu.memref_squeeze %dma_start3A_130 : memref<1x64xf32, #tpu.memory_space<hbm>> -> memref<64xf32, #tpu.memory_space<hbm>>
      %dma_start3A_132 = arith.constant 0 : i32
      %dma_start3A_133 = tpu.memref_slice %arg9[%select_n3A_122, %sub3A_125, %dma_start3A_132] : memref<8x26x64xf32, #tpu.memory_space<vmem>> -> memref<1x1x64xf32, #tpu.memory_space<vmem>>
      %dma_start3A_134 = tpu.memref_squeeze %dma_start3A_133 : memref<1x1x64xf32, #tpu.memory_space<vmem>> -> memref<64xf32, #tpu.memory_space<vmem>>
      %dma_start3A_135 = arith.constant 0 : i32
      %dma_start3A_136 = tpu.memref_slice %arg4[%squeeze3A_96, %dma_start3A_135] : memref<2600000x64xf32, #tpu.memory_space<hbm>> -> memref<1x64xf32, #tpu.memory_space<hbm>>
      %dma_start3A_137 = tpu.memref_squeeze %dma_start3A_136 : memref<1x64xf32, #tpu.memory_space<hbm>> -> memref<64xf32, #tpu.memory_space<hbm>>
      tpu.enqueue_dma source(%dma_start3A_137 : memref<64xf32, #tpu.memory_space<hbm>>) target(%dma_start3A_134 : memref<64xf32, #tpu.memory_space<vmem>>) target_semaphore(%arg11 : memref<!tpu.dma_semaphore, #tpu.memory_space<semaphore_mem>>)
      %slice3A_138 = vector.extract_strided_slice %get3A_62 {offsets = [2], sizes = [1], strides = [1]} : vector<16xi32> to vector<1xi32>
      %squeeze3A_139 = vector.extract %slice3A_138[0] : i32 from vector<1xi32>
      %add3A_140 = arith.constant 2 : i32
      %add3A_141 = arith.addi %mul3A_57, %add3A_140 : i32
      %jit3A_142 = arith.constant 26 : i32
      %div3A_143 = arith.divsi %add3A_141, %jit3A_142 : i32
      %sign3A_144 = arith.constant 0 : i32
      %sign3A_145 = arith.cmpi sgt, %add3A_141, %sign3A_144 : i32
      %sign3A_146 = arith.extui %sign3A_145 : i1 to i32
      %sign3A_147 = arith.constant 0 : i32
      %sign3A_148 = arith.cmpi slt, %add3A_141, %sign3A_147 : i32
      %sign3A_149 = arith.extui %sign3A_148 : i1 to i32
      %sign3A_150 = arith.subi %sign3A_146, %sign3A_149 : i32
      %sign3A_151 = arith.constant 0 : i32
      %sign3A_152 = arith.cmpi sgt, %jit3A_142, %sign3A_151 : i32
      %sign3A_153 = arith.extui %sign3A_152 : i1 to i32
      %sign3A_154 = arith.constant 0 : i32
      %sign3A_155 = arith.cmpi slt, %jit3A_142, %sign3A_154 : i32
      %sign3A_156 = arith.extui %sign3A_155 : i1 to i32
      %sign3A_157 = arith.subi %sign3A_153, %sign3A_156 : i32
      %ne3A_158 = arith.cmpi ne, %sign3A_150, %sign3A_157 : i32
      %rem3A_159 = arith.remsi %add3A_141, %jit3A_142 : i32
      %ne3A_160 = arith.constant 0 : i32
      %ne3A_161 = arith.cmpi ne, %rem3A_159, %ne3A_160 : i32
      %and3A_162 = arith.andi %ne3A_158, %ne3A_161 : i1
      %sub3A_163 = arith.constant 1 : i32
      %sub3A_164 = arith.subi %div3A_143, %sub3A_163 : i32
      %select_n3A_165 = arith.select %and3A_162, %sub3A_164, %div3A_143 : i32
      %mul3A_166 = arith.constant 26 : i32
      %mul3A_167 = arith.muli %select_n3A_165, %mul3A_166 : i32
      %sub3A_168 = arith.subi %add3A_141, %mul3A_167 : i32
      %dma_start3A_169 = arith.constant 0 : i32
      %dma_start3A_170 = tpu.memref_slice %arg9[%select_n3A_165, %sub3A_168, %dma_start3A_169] : memref<8x26x64xf32, #tpu.memory_space<vmem>> -> memref<1x1x64xf32, #tpu.memory_space<vmem>>
      %dma_start3A_171 = tpu.memref_squeeze %dma_start3A_170 : memref<1x1x64xf32, #tpu.memory_space<vmem>> -> memref<64xf32, #tpu.memory_space<vmem>>
      %dma_start3A_172 = arith.constant 0 : i32
      %dma_start3A_173 = tpu.memref_slice %arg4[%squeeze3A_139, %dma_start3A_172] : memref<2600000x64xf32, #tpu.memory_space<hbm>> -> memref<1x64xf32, #tpu.memory_space<hbm>>
      %dma_start3A_174 = tpu.memref_squeeze %dma_start3A_173 : memref<1x64xf32, #tpu.memory_space<hbm>> -> memref<64xf32, #tpu.memory_space<hbm>>
      %dma_start3A_175 = arith.constant 0 : i32
      %dma_start3A_176 = tpu.memref_slice %arg9[%select_n3A_165, %sub3A_168, %dma_start3A_175] : memref<8x26x64xf32, #tpu.memory_space<vmem>> -> memref<1x1x64xf32, #tpu.memory_space<vmem>>
      %dma_start3A_177 = tpu.memref_squeeze %dma_start3A_176 : memref<1x1x64xf32, #tpu.memory_space<vmem>> -> memref<64xf32, #tpu.memory_space<vmem>>
      %dma_start3A_178 = arith.constant 0 : i32
      %dma_start3A_179 = tpu.memref_slice %arg4[%squeeze3A_139, %dma_start3A_178] : memref<2600000x64xf32, #tpu.memory_space<hbm>> -> memref<1x64xf32, #tpu.memory_space<hbm>>
      %dma_start3A_180 = tpu.memref_squeeze %dma_start3A_179 : memref<1x64xf32, #tpu.memory_space<hbm>> -> memref<64xf32, #tpu.memory_space<hbm>>
      tpu.enqueue_dma source(%dma_start3A_180 : memref<64xf32, #tpu.memory_space<hbm>>) target(%dma_start3A_177 : memref<64xf32, #tpu.memory_space<vmem>>) target_semaphore(%arg11 : memref<!tpu.dma_semaphore, #tpu.memory_space<semaphore_mem>>)
      %slice3A_181 = vector.extract_strided_slice %get3A_62 {offsets = [3], sizes = [1], strides = [1]} : vector<16xi32> to vector<1xi32>
      %squeeze3A_182 = vector.extract %slice3A_181[0] : i32 from vector<1xi32>
      %add3A_183 = arith.constant 3 : i32
      %add3A_184 = arith.addi %mul3A_57, %add3A_183 : i32
      %jit3A_185 = arith.constant 26 : i32
      %div3A_186 = arith.divsi %add3A_184, %jit3A_185 : i32
      %sign3A_187 = arith.constant 0 : i32
      %sign3A_188 = arith.cmpi sgt, %add3A_184, %sign3A_187 : i32
      %sign3A_189 = arith.extui %sign3A_188 : i1 to i32
      %sign3A_190 = arith.constant 0 : i32
      %sign3A_191 = arith.cmpi slt, %add3A_184, %sign3A_190 : i32
      %sign3A_192 = arith.extui %sign3A_191 : i1 to i32
      %sign3A_193 = arith.subi %sign3A_189, %sign3A_192 : i32
      %sign3A_194 = arith.constant 0 : i32
      %sign3A_195 = arith.cmpi sgt, %jit3A_185, %sign3A_194 : i32
      %sign3A_196 = arith.extui %sign3A_195 : i1 to i32
      %sign3A_197 = arith.constant 0 : i32
      %sign3A_198 = arith.cmpi slt, %jit3A_185, %sign3A_197 : i32
      %sign3A_199 = arith.extui %sign3A_198 : i1 to i32
      %sign3A_200 = arith.subi %sign3A_196, %sign3A_199 : i32
      %ne3A_201 = arith.cmpi ne, %sign3A_193, %sign3A_200 : i32
      %rem3A_202 = arith.remsi %add3A_184, %jit3A_185 : i32
      %ne3A_203 = arith.constant 0 : i32
      %ne3A_204 = arith.cmpi ne, %rem3A_202, %ne3A_203 : i32
      %and3A_205 = arith.andi %ne3A_201, %ne3A_204 : i1
      %sub3A_206 = arith.constant 1 : i32
      %sub3A_207 = arith.subi %div3A_186, %sub3A_206 : i32
      %select_n3A_208 = arith.select %and3A_205, %sub3A_207, %div3A_186 : i32
      %mul3A_209 = arith.constant 26 : i32
      %mul3A_210 = arith.muli %select_n3A_208, %mul3A_209 : i32
      %sub3A_211 = arith.subi %add3A_184, %mul3A_210 : i32
      %dma_start3A_212 = arith.constant 0 : i32
      %dma_start3A_213 = tpu.memref_slice %arg9[%select_n3A_208, %sub3A_211, %dma_start3A_212] : memref<8x26x64xf32, #tpu.memory_space<vmem>> -> memref<1x1x64xf32, #tpu.memory_space<vmem>>
      %dma_start3A_214 = tpu.memref_squeeze %dma_start3A_213 : memref<1x1x64xf32, #tpu.memory_space<vmem>> -> memref<64xf32, #tpu.memory_space<vmem>>
      %dma_start3A_215 = arith.constant 0 : i32
      %dma_start3A_216 = tpu.memref_slice %arg4[%squeeze3A_182, %dma_start3A_215] : memref<2600000x64xf32, #tpu.memory_space<hbm>> -> memref<1x64xf32, #tpu.memory_space<hbm>>
      %dma_start3A_217 = tpu.memref_squeeze %dma_start3A_216 : memref<1x64xf32, #tpu.memory_space<hbm>> -> memref<64xf32, #tpu.memory_space<hbm>>
      %dma_start3A_218 = arith.constant 0 : i32
      %dma_start3A_219 = tpu.memref_slice %arg9[%select_n3A_208, %sub3A_211, %dma_start3A_218] : memref<8x26x64xf32, #tpu.memory_space<vmem>> -> memref<1x1x64xf32, #tpu.memory_space<vmem>>
      %dma_start3A_220 = tpu.memref_squeeze %dma_start3A_219 : memref<1x1x64xf32, #tpu.memory_space<vmem>> -> memref<64xf32, #tpu.memory_space<vmem>>
      %dma_start3A_221 = arith.constant 0 : i32
      %dma_start3A_222 = tpu.memref_slice %arg4[%squeeze3A_182, %dma_start3A_221] : memref<2600000x64xf32, #tpu.memory_space<hbm>> -> memref<1x64xf32, #tpu.memory_space<hbm>>
      %dma_start3A_223 = tpu.memref_squeeze %dma_start3A_222 : memref<1x64xf32, #tpu.memory_space<hbm>> -> memref<64xf32, #tpu.memory_space<hbm>>
      tpu.enqueue_dma source(%dma_start3A_223 : memref<64xf32, #tpu.memory_space<hbm>>) target(%dma_start3A_220 : memref<64xf32, #tpu.memory_space<vmem>>) target_semaphore(%arg11 : memref<!tpu.dma_semaphore, #tpu.memory_space<semaphore_mem>>)
      %slice3A_224 = vector.extract_strided_slice %get3A_62 {offsets = [4], sizes = [1], strides = [1]} : vector<16xi32> to vector<1xi32>
      %squeeze3A_225 = vector.extract %slice3A_224[0] : i32 from vector<1xi32>
      %add3A_226 = arith.constant 4 : i32
      %add3A_227 = arith.addi %mul3A_57, %add3A_226 : i32
      %jit3A_228 = arith.constant 26 : i32
      %div3A_229 = arith.divsi %add3A_227, %jit3A_228 : i32
      %sign3A_230 = arith.constant 0 : i32
      %sign3A_231 = arith.cmpi sgt, %add3A_227, %sign3A_230 : i32
      %sign3A_232 = arith.extui %sign3A_231 : i1 to i32
      %sign3A_233 = arith.constant 0 : i32
      %sign3A_234 = arith.cmpi slt, %add3A_227, %sign3A_233 : i32
      %sign3A_235 = arith.extui %sign3A_234 : i1 to i32
      %sign3A_236 = arith.subi %sign3A_232, %sign3A_235 : i32
      %sign3A_237 = arith.constant 0 : i32
      %sign3A_238 = arith.cmpi sgt, %jit3A_228, %sign3A_237 : i32
      %sign3A_239 = arith.extui %sign3A_238 : i1 to i32
      %sign3A_240 = arith.constant 0 : i32
      %sign3A_241 = arith.cmpi slt, %jit3A_228, %sign3A_240 : i32
      %sign3A_242 = arith.extui %sign3A_241 : i1 to i32
      %sign3A_243 = arith.subi %sign3A_239, %sign3A_242 : i32
      %ne3A_244 = arith.cmpi ne, %sign3A_236, %sign3A_243 : i32
      %rem3A_245 = arith.remsi %add3A_227, %jit3A_228 : i32
      %ne3A_246 = arith.constant 0 : i32
      %ne3A_247 = arith.cmpi ne, %rem3A_245, %ne3A_246 : i32
      %and3A_248 = arith.andi %ne3A_244, %ne3A_247 : i1
      %sub3A_249 = arith.constant 1 : i32
      %sub3A_250 = arith.subi %div3A_229, %sub3A_249 : i32
      %select_n3A_251 = arith.select %and3A_248, %sub3A_250, %div3A_229 : i32
      %mul3A_252 = arith.constant 26 : i32
      %mul3A_253 = arith.muli %select_n3A_251, %mul3A_252 : i32
      %sub3A_254 = arith.subi %add3A_227, %mul3A_253 : i32
      %dma_start3A_255 = arith.constant 0 : i32
      %dma_start3A_256 = tpu.memref_slice %arg9[%select_n3A_251, %sub3A_254, %dma_start3A_255] : memref<8x26x64xf32, #tpu.memory_space<vmem>> -> memref<1x1x64xf32, #tpu.memory_space<vmem>>
      %dma_start3A_257 = tpu.memref_squeeze %dma_start3A_256 : memref<1x1x64xf32, #tpu.memory_space<vmem>> -> memref<64xf32, #tpu.memory_space<vmem>>
      %dma_start3A_258 = arith.constant 0 : i32
      %dma_start3A_259 = tpu.memref_slice %arg4[%squeeze3A_225, %dma_start3A_258] : memref<2600000x64xf32, #tpu.memory_space<hbm>> -> memref<1x64xf32, #tpu.memory_space<hbm>>
      %dma_start3A_260 = tpu.memref_squeeze %dma_start3A_259 : memref<1x64xf32, #tpu.memory_space<hbm>> -> memref<64xf32, #tpu.memory_space<hbm>>
      %dma_start3A_261 = arith.constant 0 : i32
      %dma_start3A_262 = tpu.memref_slice %arg9[%select_n3A_251, %sub3A_254, %dma_start3A_261] : memref<8x26x64xf32, #tpu.memory_space<vmem>> -> memref<1x1x64xf32, #tpu.memory_space<vmem>>
      %dma_start3A_263 = tpu.memref_squeeze %dma_start3A_262 : memref<1x1x64xf32, #tpu.memory_space<vmem>> -> memref<64xf32, #tpu.memory_space<vmem>>
      %dma_start3A_264 = arith.constant 0 : i32
      %dma_start3A_265 = tpu.memref_slice %arg4[%squeeze3A_225, %dma_start3A_264] : memref<2600000x64xf32, #tpu.memory_space<hbm>> -> memref<1x64xf32, #tpu.memory_space<hbm>>
      %dma_start3A_266 = tpu.memref_squeeze %dma_start3A_265 : memref<1x64xf32, #tpu.memory_space<hbm>> -> memref<64xf32, #tpu.memory_space<hbm>>
      tpu.enqueue_dma source(%dma_start3A_266 : memref<64xf32, #tpu.memory_space<hbm>>) target(%dma_start3A_263 : memref<64xf32, #tpu.memory_space<vmem>>) target_semaphore(%arg11 : memref<!tpu.dma_semaphore, #tpu.memory_space<semaphore_mem>>)
      %slice3A_267 = vector.extract_strided_slice %get3A_62 {offsets = [5], sizes = [1], strides = [1]} : vector<16xi32> to vector<1xi32>
      %squeeze3A_268 = vector.extract %slice3A_267[0] : i32 from vector<1xi32>
      %add3A_269 = arith.constant 5 : i32
      %add3A_270 = arith.addi %mul3A_57, %add3A_269 : i32
      %jit3A_271 = arith.constant 26 : i32
      %div3A_272 = arith.divsi %add3A_270, %jit3A_271 : i32
      %sign3A_273 = arith.constant 0 : i32
      %sign3A_274 = arith.cmpi sgt, %add3A_270, %sign3A_273 : i32
      %sign3A_275 = arith.extui %sign3A_274 : i1 to i32
      %sign3A_276 = arith.constant 0 : i32
      %sign3A_277 = arith.cmpi slt, %add3A_270, %sign3A_276 : i32
      %sign3A_278 = arith.extui %sign3A_277 : i1 to i32
      %sign3A_279 = arith.subi %sign3A_275, %sign3A_278 : i32
      %sign3A_280 = arith.constant 0 : i32
      %sign3A_281 = arith.cmpi sgt, %jit3A_271, %sign3A_280 : i32
      %sign3A_282 = arith.extui %sign3A_281 : i1 to i32
      %sign3A_283 = arith.constant 0 : i32
      %sign3A_284 = arith.cmpi slt, %jit3A_271, %sign3A_283 : i32
      %sign3A_285 = arith.extui %sign3A_284 : i1 to i32
      %sign3A_286 = arith.subi %sign3A_282, %sign3A_285 : i32
      %ne3A_287 = arith.cmpi ne, %sign3A_279, %sign3A_286 : i32
      %rem3A_288 = arith.remsi %add3A_270, %jit3A_271 : i32
      %ne3A_289 = arith.constant 0 : i32
      %ne3A_290 = arith.cmpi ne, %rem3A_288, %ne3A_289 : i32
      %and3A_291 = arith.andi %ne3A_287, %ne3A_290 : i1
      %sub3A_292 = arith.constant 1 : i32
      %sub3A_293 = arith.subi %div3A_272, %sub3A_292 : i32
      %select_n3A_294 = arith.select %and3A_291, %sub3A_293, %div3A_272 : i32
      %mul3A_295 = arith.constant 26 : i32
      %mul3A_296 = arith.muli %select_n3A_294, %mul3A_295 : i32
      %sub3A_297 = arith.subi %add3A_270, %mul3A_296 : i32
      %dma_start3A_298 = arith.constant 0 : i32
      %dma_start3A_299 = tpu.memref_slice %arg9[%select_n3A_294, %sub3A_297, %dma_start3A_298] : memref<8x26x64xf32, #tpu.memory_space<vmem>> -> memref<1x1x64xf32, #tpu.memory_space<vmem>>
      %dma_start3A_300 = tpu.memref_squeeze %dma_start3A_299 : memref<1x1x64xf32, #tpu.memory_space<vmem>> -> memref<64xf32, #tpu.memory_space<vmem>>
      %dma_start3A_301 = arith.constant 0 : i32
      %dma_start3A_302 = tpu.memref_slice %arg4[%squeeze3A_268, %dma_start3A_301] : memref<2600000x64xf32, #tpu.memory_space<hbm>> -> memref<1x64xf32, #tpu.memory_space<hbm>>
      %dma_start3A_303 = tpu.memref_squeeze %dma_start3A_302 : memref<1x64xf32, #tpu.memory_space<hbm>> -> memref<64xf32, #tpu.memory_space<hbm>>
      %dma_start3A_304 = arith.constant 0 : i32
      %dma_start3A_305 = tpu.memref_slice %arg9[%select_n3A_294, %sub3A_297, %dma_start3A_304] : memref<8x26x64xf32, #tpu.memory_space<vmem>> -> memref<1x1x64xf32, #tpu.memory_space<vmem>>
      %dma_start3A_306 = tpu.memref_squeeze %dma_start3A_305 : memref<1x1x64xf32, #tpu.memory_space<vmem>> -> memref<64xf32, #tpu.memory_space<vmem>>
      %dma_start3A_307 = arith.constant 0 : i32
      %dma_start3A_308 = tpu.memref_slice %arg4[%squeeze3A_268, %dma_start3A_307] : memref<2600000x64xf32, #tpu.memory_space<hbm>> -> memref<1x64xf32, #tpu.memory_space<hbm>>
      %dma_start3A_309 = tpu.memref_squeeze %dma_start3A_308 : memref<1x64xf32, #tpu.memory_space<hbm>> -> memref<64xf32, #tpu.memory_space<hbm>>
      tpu.enqueue_dma source(%dma_start3A_309 : memref<64xf32, #tpu.memory_space<hbm>>) target(%dma_start3A_306 : memref<64xf32, #tpu.memory_space<vmem>>) target_semaphore(%arg11 : memref<!tpu.dma_semaphore, #tpu.memory_space<semaphore_mem>>)
      %slice3A_310 = vector.extract_strided_slice %get3A_62 {offsets = [6], sizes = [1], strides = [1]} : vector<16xi32> to vector<1xi32>
      %squeeze3A_311 = vector.extract %slice3A_310[0] : i32 from vector<1xi32>
      %add3A_312 = arith.constant 6 : i32
      %add3A_313 = arith.addi %mul3A_57, %add3A_312 : i32
      %jit3A_314 = arith.constant 26 : i32
      %div3A_315 = arith.divsi %add3A_313, %jit3A_314 : i32
      %sign3A_316 = arith.constant 0 : i32
      %sign3A_317 = arith.cmpi sgt, %add3A_313, %sign3A_316 : i32
      %sign3A_318 = arith.extui %sign3A_317 : i1 to i32
      %sign3A_319 = arith.constant 0 : i32
      %sign3A_320 = arith.cmpi slt, %add3A_313, %sign3A_319 : i32
      %sign3A_321 = arith.extui %sign3A_320 : i1 to i32
      %sign3A_322 = arith.subi %sign3A_318, %sign3A_321 : i32
      %sign3A_323 = arith.constant 0 : i32
      %sign3A_324 = arith.cmpi sgt, %jit3A_314, %sign3A_323 : i32
      %sign3A_325 = arith.extui %sign3A_324 : i1 to i32
      %sign3A_326 = arith.constant 0 : i32
      %sign3A_327 = arith.cmpi slt, %jit3A_314, %sign3A_326 : i32
      %sign3A_328 = arith.extui %sign3A_327 : i1 to i32
      %sign3A_329 = arith.subi %sign3A_325, %sign3A_328 : i32
      %ne3A_330 = arith.cmpi ne, %sign3A_322, %sign3A_329 : i32
      %rem3A_331 = arith.remsi %add3A_313, %jit3A_314 : i32
      %ne3A_332 = arith.constant 0 : i32
      %ne3A_333 = arith.cmpi ne, %rem3A_331, %ne3A_332 : i32
      %and3A_334 = arith.andi %ne3A_330, %ne3A_333 : i1
      %sub3A_335 = arith.constant 1 : i32
      %sub3A_336 = arith.subi %div3A_315, %sub3A_335 : i32
      %select_n3A_337 = arith.select %and3A_334, %sub3A_336, %div3A_315 : i32
      %mul3A_338 = arith.constant 26 : i32
      %mul3A_339 = arith.muli %select_n3A_337, %mul3A_338 : i32
      %sub3A_340 = arith.subi %add3A_313, %mul3A_339 : i32
      %dma_start3A_341 = arith.constant 0 : i32
      %dma_start3A_342 = tpu.memref_slice %arg9[%select_n3A_337, %sub3A_340, %dma_start3A_341] : memref<8x26x64xf32, #tpu.memory_space<vmem>> -> memref<1x1x64xf32, #tpu.memory_space<vmem>>
      %dma_start3A_343 = tpu.memref_squeeze %dma_start3A_342 : memref<1x1x64xf32, #tpu.memory_space<vmem>> -> memref<64xf32, #tpu.memory_space<vmem>>
      %dma_start3A_344 = arith.constant 0 : i32
      %dma_start3A_345 = tpu.memref_slice %arg4[%squeeze3A_311, %dma_start3A_344] : memref<2600000x64xf32, #tpu.memory_space<hbm>> -> memref<1x64xf32, #tpu.memory_space<hbm>>
      %dma_start3A_346 = tpu.memref_squeeze %dma_start3A_345 : memref<1x64xf32, #tpu.memory_space<hbm>> -> memref<64xf32, #tpu.memory_space<hbm>>
      %dma_start3A_347 = arith.constant 0 : i32
      %dma_start3A_348 = tpu.memref_slice %arg9[%select_n3A_337, %sub3A_340, %dma_start3A_347] : memref<8x26x64xf32, #tpu.memory_space<vmem>> -> memref<1x1x64xf32, #tpu.memory_space<vmem>>
      %dma_start3A_349 = tpu.memref_squeeze %dma_start3A_348 : memref<1x1x64xf32, #tpu.memory_space<vmem>> -> memref<64xf32, #tpu.memory_space<vmem>>
      %dma_start3A_350 = arith.constant 0 : i32
      %dma_start3A_351 = tpu.memref_slice %arg4[%squeeze3A_311, %dma_start3A_350] : memref<2600000x64xf32, #tpu.memory_space<hbm>> -> memref<1x64xf32, #tpu.memory_space<hbm>>
      %dma_start3A_352 = tpu.memref_squeeze %dma_start3A_351 : memref<1x64xf32, #tpu.memory_space<hbm>> -> memref<64xf32, #tpu.memory_space<hbm>>
      tpu.enqueue_dma source(%dma_start3A_352 : memref<64xf32, #tpu.memory_space<hbm>>) target(%dma_start3A_349 : memref<64xf32, #tpu.memory_space<vmem>>) target_semaphore(%arg11 : memref<!tpu.dma_semaphore, #tpu.memory_space<semaphore_mem>>)
      %slice3A_353 = vector.extract_strided_slice %get3A_62 {offsets = [7], sizes = [1], strides = [1]} : vector<16xi32> to vector<1xi32>
      %squeeze3A_354 = vector.extract %slice3A_353[0] : i32 from vector<1xi32>
      %add3A_355 = arith.constant 7 : i32
      %add3A_356 = arith.addi %mul3A_57, %add3A_355 : i32
      %jit3A_357 = arith.constant 26 : i32
      %div3A_358 = arith.divsi %add3A_356, %jit3A_357 : i32
      %sign3A_359 = arith.constant 0 : i32
      %sign3A_360 = arith.cmpi sgt, %add3A_356, %sign3A_359 : i32
      %sign3A_361 = arith.extui %sign3A_360 : i1 to i32
      %sign3A_362 = arith.constant 0 : i32
      %sign3A_363 = arith.cmpi slt, %add3A_356, %sign3A_362 : i32
      %sign3A_364 = arith.extui %sign3A_363 : i1 to i32
      %sign3A_365 = arith.subi %sign3A_361, %sign3A_364 : i32
      %sign3A_366 = arith.constant 0 : i32
      %sign3A_367 = arith.cmpi sgt, %jit3A_357, %sign3A_366 : i32
      %sign3A_368 = arith.extui %sign3A_367 : i1 to i32
      %sign3A_369 = arith.constant 0 : i32
      %sign3A_370 = arith.cmpi slt, %jit3A_357, %sign3A_369 : i32
      %sign3A_371 = arith.extui %sign3A_370 : i1 to i32
      %sign3A_372 = arith.subi %sign3A_368, %sign3A_371 : i32
      %ne3A_373 = arith.cmpi ne, %sign3A_365, %sign3A_372 : i32
      %rem3A_374 = arith.remsi %add3A_356, %jit3A_357 : i32
      %ne3A_375 = arith.constant 0 : i32
      %ne3A_376 = arith.cmpi ne, %rem3A_374, %ne3A_375 : i32
      %and3A_377 = arith.andi %ne3A_373, %ne3A_376 : i1
      %sub3A_378 = arith.constant 1 : i32
      %sub3A_379 = arith.subi %div3A_358, %sub3A_378 : i32
      %select_n3A_380 = arith.select %and3A_377, %sub3A_379, %div3A_358 : i32
      %mul3A_381 = arith.constant 26 : i32
      %mul3A_382 = arith.muli %select_n3A_380, %mul3A_381 : i32
      %sub3A_383 = arith.subi %add3A_356, %mul3A_382 : i32
      %dma_start3A_384 = arith.constant 0 : i32
      %dma_start3A_385 = tpu.memref_slice %arg9[%select_n3A_380, %sub3A_383, %dma_start3A_384] : memref<8x26x64xf32, #tpu.memory_space<vmem>> -> memref<1x1x64xf32, #tpu.memory_space<vmem>>
      %dma_start3A_386 = tpu.memref_squeeze %dma_start3A_385 : memref<1x1x64xf32, #tpu.memory_space<vmem>> -> memref<64xf32, #tpu.memory_space<vmem>>
      %dma_start3A_387 = arith.constant 0 : i32
      %dma_start3A_388 = tpu.memref_slice %arg4[%squeeze3A_354, %dma_start3A_387] : memref<2600000x64xf32, #tpu.memory_space<hbm>> -> memref<1x64xf32, #tpu.memory_space<hbm>>
      %dma_start3A_389 = tpu.memref_squeeze %dma_start3A_388 : memref<1x64xf32, #tpu.memory_space<hbm>> -> memref<64xf32, #tpu.memory_space<hbm>>
      %dma_start3A_390 = arith.constant 0 : i32
      %dma_start3A_391 = tpu.memref_slice %arg9[%select_n3A_380, %sub3A_383, %dma_start3A_390] : memref<8x26x64xf32, #tpu.memory_space<vmem>> -> memref<1x1x64xf32, #tpu.memory_space<vmem>>
      %dma_start3A_392 = tpu.memref_squeeze %dma_start3A_391 : memref<1x1x64xf32, #tpu.memory_space<vmem>> -> memref<64xf32, #tpu.memory_space<vmem>>
      %dma_start3A_393 = arith.constant 0 : i32
      %dma_start3A_394 = tpu.memref_slice %arg4[%squeeze3A_354, %dma_start3A_393] : memref<2600000x64xf32, #tpu.memory_space<hbm>> -> memref<1x64xf32, #tpu.memory_space<hbm>>
      %dma_start3A_395 = tpu.memref_squeeze %dma_start3A_394 : memref<1x64xf32, #tpu.memory_space<hbm>> -> memref<64xf32, #tpu.memory_space<hbm>>
      tpu.enqueue_dma source(%dma_start3A_395 : memref<64xf32, #tpu.memory_space<hbm>>) target(%dma_start3A_392 : memref<64xf32, #tpu.memory_space<vmem>>) target_semaphore(%arg11 : memref<!tpu.dma_semaphore, #tpu.memory_space<semaphore_mem>>)
      %slice3A_396 = vector.extract_strided_slice %get3A_62 {offsets = [8], sizes = [1], strides = [1]} : vector<16xi32> to vector<1xi32>
      %squeeze3A_397 = vector.extract %slice3A_396[0] : i32 from vector<1xi32>
      %add3A_398 = arith.constant 8 : i32
      %add3A_399 = arith.addi %mul3A_57, %add3A_398 : i32
      %jit3A_400 = arith.constant 26 : i32
      %div3A_401 = arith.divsi %add3A_399, %jit3A_400 : i32
      %sign3A_402 = arith.constant 0 : i32
      %sign3A_403 = arith.cmpi sgt, %add3A_399, %sign3A_402 : i32
      %sign3A_404 = arith.extui %sign3A_403 : i1 to i32
      %sign3A_405 = arith.constant 0 : i32
      %sign3A_406 = arith.cmpi slt, %add3A_399, %sign3A_405 : i32
      %sign3A_407 = arith.extui %sign3A_406 : i1 to i32
      %sign3A_408 = arith.subi %sign3A_404, %sign3A_407 : i32
      %sign3A_409 = arith.constant 0 : i32
      %sign3A_410 = arith.cmpi sgt, %jit3A_400, %sign3A_409 : i32
      %sign3A_411 = arith.extui %sign3A_410 : i1 to i32
      %sign3A_412 = arith.constant 0 : i32
      %sign3A_413 = arith.cmpi slt, %jit3A_400, %sign3A_412 : i32
      %sign3A_414 = arith.extui %sign3A_413 : i1 to i32
      %sign3A_415 = arith.subi %sign3A_411, %sign3A_414 : i32
      %ne3A_416 = arith.cmpi ne, %sign3A_408, %sign3A_415 : i32
      %rem3A_417 = arith.remsi %add3A_399, %jit3A_400 : i32
      %ne3A_418 = arith.constant 0 : i32
      %ne3A_419 = arith.cmpi ne, %rem3A_417, %ne3A_418 : i32
      %and3A_420 = arith.andi %ne3A_416, %ne3A_419 : i1
      %sub3A_421 = arith.constant 1 : i32
      %sub3A_422 = arith.subi %div3A_401, %sub3A_421 : i32
      %select_n3A_423 = arith.select %and3A_420, %sub3A_422, %div3A_401 : i32
      %mul3A_424 = arith.constant 26 : i32
      %mul3A_425 = arith.muli %select_n3A_423, %mul3A_424 : i32
      %sub3A_426 = arith.subi %add3A_399, %mul3A_425 : i32
      %dma_start3A_427 = arith.constant 0 : i32
      %dma_start3A_428 = tpu.memref_slice %arg9[%select_n3A_423, %sub3A_426, %dma_start3A_427] : memref<8x26x64xf32, #tpu.memory_space<vmem>> -> memref<1x1x64xf32, #tpu.memory_space<vmem>>
      %dma_start3A_429 = tpu.memref_squeeze %dma_start3A_428 : memref<1x1x64xf32, #tpu.memory_space<vmem>> -> memref<64xf32, #tpu.memory_space<vmem>>
      %dma_start3A_430 = arith.constant 0 : i32
      %dma_start3A_431 = tpu.memref_slice %arg4[%squeeze3A_397, %dma_start3A_430] : memref<2600000x64xf32, #tpu.memory_space<hbm>> -> memref<1x64xf32, #tpu.memory_space<hbm>>
      %dma_start3A_432 = tpu.memref_squeeze %dma_start3A_431 : memref<1x64xf32, #tpu.memory_space<hbm>> -> memref<64xf32, #tpu.memory_space<hbm>>
      %dma_start3A_433 = arith.constant 0 : i32
      %dma_start3A_434 = tpu.memref_slice %arg9[%select_n3A_423, %sub3A_426, %dma_start3A_433] : memref<8x26x64xf32, #tpu.memory_space<vmem>> -> memref<1x1x64xf32, #tpu.memory_space<vmem>>
      %dma_start3A_435 = tpu.memref_squeeze %dma_start3A_434 : memref<1x1x64xf32, #tpu.memory_space<vmem>> -> memref<64xf32, #tpu.memory_space<vmem>>
      %dma_start3A_436 = arith.constant 0 : i32
      %dma_start3A_437 = tpu.memref_slice %arg4[%squeeze3A_397, %dma_start3A_436] : memref<2600000x64xf32, #tpu.memory_space<hbm>> -> memref<1x64xf32, #tpu.memory_space<hbm>>
      %dma_start3A_438 = tpu.memref_squeeze %dma_start3A_437 : memref<1x64xf32, #tpu.memory_space<hbm>> -> memref<64xf32, #tpu.memory_space<hbm>>
      tpu.enqueue_dma source(%dma_start3A_438 : memref<64xf32, #tpu.memory_space<hbm>>) target(%dma_start3A_435 : memref<64xf32, #tpu.memory_space<vmem>>) target_semaphore(%arg11 : memref<!tpu.dma_semaphore, #tpu.memory_space<semaphore_mem>>)
      %slice3A_439 = vector.extract_strided_slice %get3A_62 {offsets = [9], sizes = [1], strides = [1]} : vector<16xi32> to vector<1xi32>
      %squeeze3A_440 = vector.extract %slice3A_439[0] : i32 from vector<1xi32>
      %add3A_441 = arith.constant 9 : i32
      %add3A_442 = arith.addi %mul3A_57, %add3A_441 : i32
      %jit3A_443 = arith.constant 26 : i32
      %div3A_444 = arith.divsi %add3A_442, %jit3A_443 : i32
      %sign3A_445 = arith.constant 0 : i32
      %sign3A_446 = arith.cmpi sgt, %add3A_442, %sign3A_445 : i32
      %sign3A_447 = arith.extui %sign3A_446 : i1 to i32
      %sign3A_448 = arith.constant 0 : i32
      %sign3A_449 = arith.cmpi slt, %add3A_442, %sign3A_448 : i32
      %sign3A_450 = arith.extui %sign3A_449 : i1 to i32
      %sign3A_451 = arith.subi %sign3A_447, %sign3A_450 : i32
      %sign3A_452 = arith.constant 0 : i32
      %sign3A_453 = arith.cmpi sgt, %jit3A_443, %sign3A_452 : i32
      %sign3A_454 = arith.extui %sign3A_453 : i1 to i32
      %sign3A_455 = arith.constant 0 : i32
      %sign3A_456 = arith.cmpi slt, %jit3A_443, %sign3A_455 : i32
      %sign3A_457 = arith.extui %sign3A_456 : i1 to i32
      %sign3A_458 = arith.subi %sign3A_454, %sign3A_457 : i32
      %ne3A_459 = arith.cmpi ne, %sign3A_451, %sign3A_458 : i32
      %rem3A_460 = arith.remsi %add3A_442, %jit3A_443 : i32
      %ne3A_461 = arith.constant 0 : i32
      %ne3A_462 = arith.cmpi ne, %rem3A_460, %ne3A_461 : i32
      %and3A_463 = arith.andi %ne3A_459, %ne3A_462 : i1
      %sub3A_464 = arith.constant 1 : i32
      %sub3A_465 = arith.subi %div3A_444, %sub3A_464 : i32
      %select_n3A_466 = arith.select %and3A_463, %sub3A_465, %div3A_444 : i32
      %mul3A_467 = arith.constant 26 : i32
      %mul3A_468 = arith.muli %select_n3A_466, %mul3A_467 : i32
      %sub3A_469 = arith.subi %add3A_442, %mul3A_468 : i32
      %dma_start3A_470 = arith.constant 0 : i32
      %dma_start3A_471 = tpu.memref_slice %arg9[%select_n3A_466, %sub3A_469, %dma_start3A_470] : memref<8x26x64xf32, #tpu.memory_space<vmem>> -> memref<1x1x64xf32, #tpu.memory_space<vmem>>
      %dma_start3A_472 = tpu.memref_squeeze %dma_start3A_471 : memref<1x1x64xf32, #tpu.memory_space<vmem>> -> memref<64xf32, #tpu.memory_space<vmem>>
      %dma_start3A_473 = arith.constant 0 : i32
      %dma_start3A_474 = tpu.memref_slice %arg4[%squeeze3A_440, %dma_start3A_473] : memref<2600000x64xf32, #tpu.memory_space<hbm>> -> memref<1x64xf32, #tpu.memory_space<hbm>>
      %dma_start3A_475 = tpu.memref_squeeze %dma_start3A_474 : memref<1x64xf32, #tpu.memory_space<hbm>> -> memref<64xf32, #tpu.memory_space<hbm>>
      %dma_start3A_476 = arith.constant 0 : i32
      %dma_start3A_477 = tpu.memref_slice %arg9[%select_n3A_466, %sub3A_469, %dma_start3A_476] : memref<8x26x64xf32, #tpu.memory_space<vmem>> -> memref<1x1x64xf32, #tpu.memory_space<vmem>>
      %dma_start3A_478 = tpu.memref_squeeze %dma_start3A_477 : memref<1x1x64xf32, #tpu.memory_space<vmem>> -> memref<64xf32, #tpu.memory_space<vmem>>
      %dma_start3A_479 = arith.constant 0 : i32
      %dma_start3A_480 = tpu.memref_slice %arg4[%squeeze3A_440, %dma_start3A_479] : memref<2600000x64xf32, #tpu.memory_space<hbm>> -> memref<1x64xf32, #tpu.memory_space<hbm>>
      %dma_start3A_481 = tpu.memref_squeeze %dma_start3A_480 : memref<1x64xf32, #tpu.memory_space<hbm>> -> memref<64xf32, #tpu.memory_space<hbm>>
      tpu.enqueue_dma source(%dma_start3A_481 : memref<64xf32, #tpu.memory_space<hbm>>) target(%dma_start3A_478 : memref<64xf32, #tpu.memory_space<vmem>>) target_semaphore(%arg11 : memref<!tpu.dma_semaphore, #tpu.memory_space<semaphore_mem>>)
      %slice3A_482 = vector.extract_strided_slice %get3A_62 {offsets = [10], sizes = [1], strides = [1]} : vector<16xi32> to vector<1xi32>
      %squeeze3A_483 = vector.extract %slice3A_482[0] : i32 from vector<1xi32>
      %add3A_484 = arith.constant 10 : i32
      %add3A_485 = arith.addi %mul3A_57, %add3A_484 : i32
      %jit3A_486 = arith.constant 26 : i32
      %div3A_487 = arith.divsi %add3A_485, %jit3A_486 : i32
      %sign3A_488 = arith.constant 0 : i32
      %sign3A_489 = arith.cmpi sgt, %add3A_485, %sign3A_488 : i32
      %sign3A_490 = arith.extui %sign3A_489 : i1 to i32
      %sign3A_491 = arith.constant 0 : i32
      %sign3A_492 = arith.cmpi slt, %add3A_485, %sign3A_491 : i32
      %sign3A_493 = arith.extui %sign3A_492 : i1 to i32
      %sign3A_494 = arith.subi %sign3A_490, %sign3A_493 : i32
      %sign3A_495 = arith.constant 0 : i32
      %sign3A_496 = arith.cmpi sgt, %jit3A_486, %sign3A_495 : i32
      %sign3A_497 = arith.extui %sign3A_496 : i1 to i32
      %sign3A_498 = arith.constant 0 : i32
      %sign3A_499 = arith.cmpi slt, %jit3A_486, %sign3A_498 : i32
      %sign3A_500 = arith.extui %sign3A_499 : i1 to i32
      %sign3A_501 = arith.subi %sign3A_497, %sign3A_500 : i32
      %ne3A_502 = arith.cmpi ne, %sign3A_494, %sign3A_501 : i32
      %rem3A_503 = arith.remsi %add3A_485, %jit3A_486 : i32
      %ne3A_504 = arith.constant 0 : i32
      %ne3A_505 = arith.cmpi ne, %rem3A_503, %ne3A_504 : i32
      %and3A_506 = arith.andi %ne3A_502, %ne3A_505 : i1
      %sub3A_507 = arith.constant 1 : i32
      %sub3A_508 = arith.subi %div3A_487, %sub3A_507 : i32
      %select_n3A_509 = arith.select %and3A_506, %sub3A_508, %div3A_487 : i32
      %mul3A_510 = arith.constant 26 : i32
      %mul3A_511 = arith.muli %select_n3A_509, %mul3A_510 : i32
      %sub3A_512 = arith.subi %add3A_485, %mul3A_511 : i32
      %dma_start3A_513 = arith.constant 0 : i32
      %dma_start3A_514 = tpu.memref_slice %arg9[%select_n3A_509, %sub3A_512, %dma_start3A_513] : memref<8x26x64xf32, #tpu.memory_space<vmem>> -> memref<1x1x64xf32, #tpu.memory_space<vmem>>
      %dma_start3A_515 = tpu.memref_squeeze %dma_start3A_514 : memref<1x1x64xf32, #tpu.memory_space<vmem>> -> memref<64xf32, #tpu.memory_space<vmem>>
      %dma_start3A_516 = arith.constant 0 : i32
      %dma_start3A_517 = tpu.memref_slice %arg4[%squeeze3A_483, %dma_start3A_516] : memref<2600000x64xf32, #tpu.memory_space<hbm>> -> memref<1x64xf32, #tpu.memory_space<hbm>>
      %dma_start3A_518 = tpu.memref_squeeze %dma_start3A_517 : memref<1x64xf32, #tpu.memory_space<hbm>> -> memref<64xf32, #tpu.memory_space<hbm>>
      %dma_start3A_519 = arith.constant 0 : i32
      %dma_start3A_520 = tpu.memref_slice %arg9[%select_n3A_509, %sub3A_512, %dma_start3A_519] : memref<8x26x64xf32, #tpu.memory_space<vmem>> -> memref<1x1x64xf32, #tpu.memory_space<vmem>>
      %dma_start3A_521 = tpu.memref_squeeze %dma_start3A_520 : memref<1x1x64xf32, #tpu.memory_space<vmem>> -> memref<64xf32, #tpu.memory_space<vmem>>
      %dma_start3A_522 = arith.constant 0 : i32
      %dma_start3A_523 = tpu.memref_slice %arg4[%squeeze3A_483, %dma_start3A_522] : memref<2600000x64xf32, #tpu.memory_space<hbm>> -> memref<1x64xf32, #tpu.memory_space<hbm>>
      %dma_start3A_524 = tpu.memref_squeeze %dma_start3A_523 : memref<1x64xf32, #tpu.memory_space<hbm>> -> memref<64xf32, #tpu.memory_space<hbm>>
      tpu.enqueue_dma source(%dma_start3A_524 : memref<64xf32, #tpu.memory_space<hbm>>) target(%dma_start3A_521 : memref<64xf32, #tpu.memory_space<vmem>>) target_semaphore(%arg11 : memref<!tpu.dma_semaphore, #tpu.memory_space<semaphore_mem>>)
      %slice3A_525 = vector.extract_strided_slice %get3A_62 {offsets = [11], sizes = [1], strides = [1]} : vector<16xi32> to vector<1xi32>
      %squeeze3A_526 = vector.extract %slice3A_525[0] : i32 from vector<1xi32>
      %add3A_527 = arith.constant 11 : i32
      %add3A_528 = arith.addi %mul3A_57, %add3A_527 : i32
      %jit3A_529 = arith.constant 26 : i32
      %div3A_530 = arith.divsi %add3A_528, %jit3A_529 : i32
      %sign3A_531 = arith.constant 0 : i32
      %sign3A_532 = arith.cmpi sgt, %add3A_528, %sign3A_531 : i32
      %sign3A_533 = arith.extui %sign3A_532 : i1 to i32
      %sign3A_534 = arith.constant 0 : i32
      %sign3A_535 = arith.cmpi slt, %add3A_528, %sign3A_534 : i32
      %sign3A_536 = arith.extui %sign3A_535 : i1 to i32
      %sign3A_537 = arith.subi %sign3A_533, %sign3A_536 : i32
      %sign3A_538 = arith.constant 0 : i32
      %sign3A_539 = arith.cmpi sgt, %jit3A_529, %sign3A_538 : i32
      %sign3A_540 = arith.extui %sign3A_539 : i1 to i32
      %sign3A_541 = arith.constant 0 : i32
      %sign3A_542 = arith.cmpi slt, %jit3A_529, %sign3A_541 : i32
      %sign3A_543 = arith.extui %sign3A_542 : i1 to i32
      %sign3A_544 = arith.subi %sign3A_540, %sign3A_543 : i32
      %ne3A_545 = arith.cmpi ne, %sign3A_537, %sign3A_544 : i32
      %rem3A_546 = arith.remsi %add3A_528, %jit3A_529 : i32
      %ne3A_547 = arith.constant 0 : i32
      %ne3A_548 = arith.cmpi ne, %rem3A_546, %ne3A_547 : i32
      %and3A_549 = arith.andi %ne3A_545, %ne3A_548 : i1
      %sub3A_550 = arith.constant 1 : i32
      %sub3A_551 = arith.subi %div3A_530, %sub3A_550 : i32
      %select_n3A_552 = arith.select %and3A_549, %sub3A_551, %div3A_530 : i32
      %mul3A_553 = arith.constant 26 : i32
      %mul3A_554 = arith.muli %select_n3A_552, %mul3A_553 : i32
      %sub3A_555 = arith.subi %add3A_528, %mul3A_554 : i32
      %dma_start3A_556 = arith.constant 0 : i32
      %dma_start3A_557 = tpu.memref_slice %arg9[%select_n3A_552, %sub3A_555, %dma_start3A_556] : memref<8x26x64xf32, #tpu.memory_space<vmem>> -> memref<1x1x64xf32, #tpu.memory_space<vmem>>
      %dma_start3A_558 = tpu.memref_squeeze %dma_start3A_557 : memref<1x1x64xf32, #tpu.memory_space<vmem>> -> memref<64xf32, #tpu.memory_space<vmem>>
      %dma_start3A_559 = arith.constant 0 : i32
      %dma_start3A_560 = tpu.memref_slice %arg4[%squeeze3A_526, %dma_start3A_559] : memref<2600000x64xf32, #tpu.memory_space<hbm>> -> memref<1x64xf32, #tpu.memory_space<hbm>>
      %dma_start3A_561 = tpu.memref_squeeze %dma_start3A_560 : memref<1x64xf32, #tpu.memory_space<hbm>> -> memref<64xf32, #tpu.memory_space<hbm>>
      %dma_start3A_562 = arith.constant 0 : i32
      %dma_start3A_563 = tpu.memref_slice %arg9[%select_n3A_552, %sub3A_555, %dma_start3A_562] : memref<8x26x64xf32, #tpu.memory_space<vmem>> -> memref<1x1x64xf32, #tpu.memory_space<vmem>>
      %dma_start3A_564 = tpu.memref_squeeze %dma_start3A_563 : memref<1x1x64xf32, #tpu.memory_space<vmem>> -> memref<64xf32, #tpu.memory_space<vmem>>
      %dma_start3A_565 = arith.constant 0 : i32
      %dma_start3A_566 = tpu.memref_slice %arg4[%squeeze3A_526, %dma_start3A_565] : memref<2600000x64xf32, #tpu.memory_space<hbm>> -> memref<1x64xf32, #tpu.memory_space<hbm>>
      %dma_start3A_567 = tpu.memref_squeeze %dma_start3A_566 : memref<1x64xf32, #tpu.memory_space<hbm>> -> memref<64xf32, #tpu.memory_space<hbm>>
      tpu.enqueue_dma source(%dma_start3A_567 : memref<64xf32, #tpu.memory_space<hbm>>) target(%dma_start3A_564 : memref<64xf32, #tpu.memory_space<vmem>>) target_semaphore(%arg11 : memref<!tpu.dma_semaphore, #tpu.memory_space<semaphore_mem>>)
      %slice3A_568 = vector.extract_strided_slice %get3A_62 {offsets = [12], sizes = [1], strides = [1]} : vector<16xi32> to vector<1xi32>
      %squeeze3A_569 = vector.extract %slice3A_568[0] : i32 from vector<1xi32>
      %add3A_570 = arith.constant 12 : i32
      %add3A_571 = arith.addi %mul3A_57, %add3A_570 : i32
      %jit3A_572 = arith.constant 26 : i32
      %div3A_573 = arith.divsi %add3A_571, %jit3A_572 : i32
      %sign3A_574 = arith.constant 0 : i32
      %sign3A_575 = arith.cmpi sgt, %add3A_571, %sign3A_574 : i32
      %sign3A_576 = arith.extui %sign3A_575 : i1 to i32
      %sign3A_577 = arith.constant 0 : i32
      %sign3A_578 = arith.cmpi slt, %add3A_571, %sign3A_577 : i32
      %sign3A_579 = arith.extui %sign3A_578 : i1 to i32
      %sign3A_580 = arith.subi %sign3A_576, %sign3A_579 : i32
      %sign3A_581 = arith.constant 0 : i32
      %sign3A_582 = arith.cmpi sgt, %jit3A_572, %sign3A_581 : i32
      %sign3A_583 = arith.extui %sign3A_582 : i1 to i32
      %sign3A_584 = arith.constant 0 : i32
      %sign3A_585 = arith.cmpi slt, %jit3A_572, %sign3A_584 : i32
      %sign3A_586 = arith.extui %sign3A_585 : i1 to i32
      %sign3A_587 = arith.subi %sign3A_583, %sign3A_586 : i32
      %ne3A_588 = arith.cmpi ne, %sign3A_580, %sign3A_587 : i32
      %rem3A_589 = arith.remsi %add3A_571, %jit3A_572 : i32
      %ne3A_590 = arith.constant 0 : i32
      %ne3A_591 = arith.cmpi ne, %rem3A_589, %ne3A_590 : i32
      %and3A_592 = arith.andi %ne3A_588, %ne3A_591 : i1
      %sub3A_593 = arith.constant 1 : i32
      %sub3A_594 = arith.subi %div3A_573, %sub3A_593 : i32
      %select_n3A_595 = arith.select %and3A_592, %sub3A_594, %div3A_573 : i32
      %mul3A_596 = arith.constant 26 : i32
      %mul3A_597 = arith.muli %select_n3A_595, %mul3A_596 : i32
      %sub3A_598 = arith.subi %add3A_571, %mul3A_597 : i32
      %dma_start3A_599 = arith.constant 0 : i32
      %dma_start3A_600 = tpu.memref_slice %arg9[%select_n3A_595, %sub3A_598, %dma_start3A_599] : memref<8x26x64xf32, #tpu.memory_space<vmem>> -> memref<1x1x64xf32, #tpu.memory_space<vmem>>
      %dma_start3A_601 = tpu.memref_squeeze %dma_start3A_600 : memref<1x1x64xf32, #tpu.memory_space<vmem>> -> memref<64xf32, #tpu.memory_space<vmem>>
      %dma_start3A_602 = arith.constant 0 : i32
      %dma_start3A_603 = tpu.memref_slice %arg4[%squeeze3A_569, %dma_start3A_602] : memref<2600000x64xf32, #tpu.memory_space<hbm>> -> memref<1x64xf32, #tpu.memory_space<hbm>>
      %dma_start3A_604 = tpu.memref_squeeze %dma_start3A_603 : memref<1x64xf32, #tpu.memory_space<hbm>> -> memref<64xf32, #tpu.memory_space<hbm>>
      %dma_start3A_605 = arith.constant 0 : i32
      %dma_start3A_606 = tpu.memref_slice %arg9[%select_n3A_595, %sub3A_598, %dma_start3A_605] : memref<8x26x64xf32, #tpu.memory_space<vmem>> -> memref<1x1x64xf32, #tpu.memory_space<vmem>>
      %dma_start3A_607 = tpu.memref_squeeze %dma_start3A_606 : memref<1x1x64xf32, #tpu.memory_space<vmem>> -> memref<64xf32, #tpu.memory_space<vmem>>
      %dma_start3A_608 = arith.constant 0 : i32
      %dma_start3A_609 = tpu.memref_slice %arg4[%squeeze3A_569, %dma_start3A_608] : memref<2600000x64xf32, #tpu.memory_space<hbm>> -> memref<1x64xf32, #tpu.memory_space<hbm>>
      %dma_start3A_610 = tpu.memref_squeeze %dma_start3A_609 : memref<1x64xf32, #tpu.memory_space<hbm>> -> memref<64xf32, #tpu.memory_space<hbm>>
      tpu.enqueue_dma source(%dma_start3A_610 : memref<64xf32, #tpu.memory_space<hbm>>) target(%dma_start3A_607 : memref<64xf32, #tpu.memory_space<vmem>>) target_semaphore(%arg11 : memref<!tpu.dma_semaphore, #tpu.memory_space<semaphore_mem>>)
      %slice3A_611 = vector.extract_strided_slice %get3A_62 {offsets = [13], sizes = [1], strides = [1]} : vector<16xi32> to vector<1xi32>
      %squeeze3A_612 = vector.extract %slice3A_611[0] : i32 from vector<1xi32>
      %add3A_613 = arith.constant 13 : i32
      %add3A_614 = arith.addi %mul3A_57, %add3A_613 : i32
      %jit3A_615 = arith.constant 26 : i32
      %div3A_616 = arith.divsi %add3A_614, %jit3A_615 : i32
      %sign3A_617 = arith.constant 0 : i32
      %sign3A_618 = arith.cmpi sgt, %add3A_614, %sign3A_617 : i32
      %sign3A_619 = arith.extui %sign3A_618 : i1 to i32
      %sign3A_620 = arith.constant 0 : i32
      %sign3A_621 = arith.cmpi slt, %add3A_614, %sign3A_620 : i32
      %sign3A_622 = arith.extui %sign3A_621 : i1 to i32
      %sign3A_623 = arith.subi %sign3A_619, %sign3A_622 : i32
      %sign3A_624 = arith.constant 0 : i32
      %sign3A_625 = arith.cmpi sgt, %jit3A_615, %sign3A_624 : i32
      %sign3A_626 = arith.extui %sign3A_625 : i1 to i32
      %sign3A_627 = arith.constant 0 : i32
      %sign3A_628 = arith.cmpi slt, %jit3A_615, %sign3A_627 : i32
      %sign3A_629 = arith.extui %sign3A_628 : i1 to i32
      %sign3A_630 = arith.subi %sign3A_626, %sign3A_629 : i32
      %ne3A_631 = arith.cmpi ne, %sign3A_623, %sign3A_630 : i32
      %rem3A_632 = arith.remsi %add3A_614, %jit3A_615 : i32
      %ne3A_633 = arith.constant 0 : i32
      %ne3A_634 = arith.cmpi ne, %rem3A_632, %ne3A_633 : i32
      %and3A_635 = arith.andi %ne3A_631, %ne3A_634 : i1
      %sub3A_636 = arith.constant 1 : i32
      %sub3A_637 = arith.subi %div3A_616, %sub3A_636 : i32
      %select_n3A_638 = arith.select %and3A_635, %sub3A_637, %div3A_616 : i32
      %mul3A_639 = arith.constant 26 : i32
      %mul3A_640 = arith.muli %select_n3A_638, %mul3A_639 : i32
      %sub3A_641 = arith.subi %add3A_614, %mul3A_640 : i32
      %dma_start3A_642 = arith.constant 0 : i32
      %dma_start3A_643 = tpu.memref_slice %arg9[%select_n3A_638, %sub3A_641, %dma_start3A_642] : memref<8x26x64xf32, #tpu.memory_space<vmem>> -> memref<1x1x64xf32, #tpu.memory_space<vmem>>
      %dma_start3A_644 = tpu.memref_squeeze %dma_start3A_643 : memref<1x1x64xf32, #tpu.memory_space<vmem>> -> memref<64xf32, #tpu.memory_space<vmem>>
      %dma_start3A_645 = arith.constant 0 : i32
      %dma_start3A_646 = tpu.memref_slice %arg4[%squeeze3A_612, %dma_start3A_645] : memref<2600000x64xf32, #tpu.memory_space<hbm>> -> memref<1x64xf32, #tpu.memory_space<hbm>>
      %dma_start3A_647 = tpu.memref_squeeze %dma_start3A_646 : memref<1x64xf32, #tpu.memory_space<hbm>> -> memref<64xf32, #tpu.memory_space<hbm>>
      %dma_start3A_648 = arith.constant 0 : i32
      %dma_start3A_649 = tpu.memref_slice %arg9[%select_n3A_638, %sub3A_641, %dma_start3A_648] : memref<8x26x64xf32, #tpu.memory_space<vmem>> -> memref<1x1x64xf32, #tpu.memory_space<vmem>>
      %dma_start3A_650 = tpu.memref_squeeze %dma_start3A_649 : memref<1x1x64xf32, #tpu.memory_space<vmem>> -> memref<64xf32, #tpu.memory_space<vmem>>
      %dma_start3A_651 = arith.constant 0 : i32
      %dma_start3A_652 = tpu.memref_slice %arg4[%squeeze3A_612, %dma_start3A_651] : memref<2600000x64xf32, #tpu.memory_space<hbm>> -> memref<1x64xf32, #tpu.memory_space<hbm>>
      %dma_start3A_653 = tpu.memref_squeeze %dma_start3A_652 : memref<1x64xf32, #tpu.memory_space<hbm>> -> memref<64xf32, #tpu.memory_space<hbm>>
      tpu.enqueue_dma source(%dma_start3A_653 : memref<64xf32, #tpu.memory_space<hbm>>) target(%dma_start3A_650 : memref<64xf32, #tpu.memory_space<vmem>>) target_semaphore(%arg11 : memref<!tpu.dma_semaphore, #tpu.memory_space<semaphore_mem>>)
      %slice3A_654 = vector.extract_strided_slice %get3A_62 {offsets = [14], sizes = [1], strides = [1]} : vector<16xi32> to vector<1xi32>
      %squeeze3A_655 = vector.extract %slice3A_654[0] : i32 from vector<1xi32>
      %add3A_656 = arith.constant 14 : i32
      %add3A_657 = arith.addi %mul3A_57, %add3A_656 : i32
      %jit3A_658 = arith.constant 26 : i32
      %div3A_659 = arith.divsi %add3A_657, %jit3A_658 : i32
      %sign3A_660 = arith.constant 0 : i32
      %sign3A_661 = arith.cmpi sgt, %add3A_657, %sign3A_660 : i32
      %sign3A_662 = arith.extui %sign3A_661 : i1 to i32
      %sign3A_663 = arith.constant 0 : i32
      %sign3A_664 = arith.cmpi slt, %add3A_657, %sign3A_663 : i32
      %sign3A_665 = arith.extui %sign3A_664 : i1 to i32
      %sign3A_666 = arith.subi %sign3A_662, %sign3A_665 : i32
      %sign3A_667 = arith.constant 0 : i32
      %sign3A_668 = arith.cmpi sgt, %jit3A_658, %sign3A_667 : i32
      %sign3A_669 = arith.extui %sign3A_668 : i1 to i32
      %sign3A_670 = arith.constant 0 : i32
      %sign3A_671 = arith.cmpi slt, %jit3A_658, %sign3A_670 : i32
      %sign3A_672 = arith.extui %sign3A_671 : i1 to i32
      %sign3A_673 = arith.subi %sign3A_669, %sign3A_672 : i32
      %ne3A_674 = arith.cmpi ne, %sign3A_666, %sign3A_673 : i32
      %rem3A_675 = arith.remsi %add3A_657, %jit3A_658 : i32
      %ne3A_676 = arith.constant 0 : i32
      %ne3A_677 = arith.cmpi ne, %rem3A_675, %ne3A_676 : i32
      %and3A_678 = arith.andi %ne3A_674, %ne3A_677 : i1
      %sub3A_679 = arith.constant 1 : i32
      %sub3A_680 = arith.subi %div3A_659, %sub3A_679 : i32
      %select_n3A_681 = arith.select %and3A_678, %sub3A_680, %div3A_659 : i32
      %mul3A_682 = arith.constant 26 : i32
      %mul3A_683 = arith.muli %select_n3A_681, %mul3A_682 : i32
      %sub3A_684 = arith.subi %add3A_657, %mul3A_683 : i32
      %dma_start3A_685 = arith.constant 0 : i32
      %dma_start3A_686 = tpu.memref_slice %arg9[%select_n3A_681, %sub3A_684, %dma_start3A_685] : memref<8x26x64xf32, #tpu.memory_space<vmem>> -> memref<1x1x64xf32, #tpu.memory_space<vmem>>
      %dma_start3A_687 = tpu.memref_squeeze %dma_start3A_686 : memref<1x1x64xf32, #tpu.memory_space<vmem>> -> memref<64xf32, #tpu.memory_space<vmem>>
      %dma_start3A_688 = arith.constant 0 : i32
      %dma_start3A_689 = tpu.memref_slice %arg4[%squeeze3A_655, %dma_start3A_688] : memref<2600000x64xf32, #tpu.memory_space<hbm>> -> memref<1x64xf32, #tpu.memory_space<hbm>>
      %dma_start3A_690 = tpu.memref_squeeze %dma_start3A_689 : memref<1x64xf32, #tpu.memory_space<hbm>> -> memref<64xf32, #tpu.memory_space<hbm>>
      %dma_start3A_691 = arith.constant 0 : i32
      %dma_start3A_692 = tpu.memref_slice %arg9[%select_n3A_681, %sub3A_684, %dma_start3A_691] : memref<8x26x64xf32, #tpu.memory_space<vmem>> -> memref<1x1x64xf32, #tpu.memory_space<vmem>>
      %dma_start3A_693 = tpu.memref_squeeze %dma_start3A_692 : memref<1x1x64xf32, #tpu.memory_space<vmem>> -> memref<64xf32, #tpu.memory_space<vmem>>
      %dma_start3A_694 = arith.constant 0 : i32
      %dma_start3A_695 = tpu.memref_slice %arg4[%squeeze3A_655, %dma_start3A_694] : memref<2600000x64xf32, #tpu.memory_space<hbm>> -> memref<1x64xf32, #tpu.memory_space<hbm>>
      %dma_start3A_696 = tpu.memref_squeeze %dma_start3A_695 : memref<1x64xf32, #tpu.memory_space<hbm>> -> memref<64xf32, #tpu.memory_space<hbm>>
      tpu.enqueue_dma source(%dma_start3A_696 : memref<64xf32, #tpu.memory_space<hbm>>) target(%dma_start3A_693 : memref<64xf32, #tpu.memory_space<vmem>>) target_semaphore(%arg11 : memref<!tpu.dma_semaphore, #tpu.memory_space<semaphore_mem>>)
      %slice3A_697 = vector.extract_strided_slice %get3A_62 {offsets = [15], sizes = [1], strides = [1]} : vector<16xi32> to vector<1xi32>
      %squeeze3A_698 = vector.extract %slice3A_697[0] : i32 from vector<1xi32>
      %add3A_699 = arith.constant 15 : i32
      %add3A_700 = arith.addi %mul3A_57, %add3A_699 : i32
      %jit3A_701 = arith.constant 26 : i32
      %div3A_702 = arith.divsi %add3A_700, %jit3A_701 : i32
      %sign3A_703 = arith.constant 0 : i32
      %sign3A_704 = arith.cmpi sgt, %add3A_700, %sign3A_703 : i32
      %sign3A_705 = arith.extui %sign3A_704 : i1 to i32
      %sign3A_706 = arith.constant 0 : i32
      %sign3A_707 = arith.cmpi slt, %add3A_700, %sign3A_706 : i32
      %sign3A_708 = arith.extui %sign3A_707 : i1 to i32
      %sign3A_709 = arith.subi %sign3A_705, %sign3A_708 : i32
      %sign3A_710 = arith.constant 0 : i32
      %sign3A_711 = arith.cmpi sgt, %jit3A_701, %sign3A_710 : i32
      %sign3A_712 = arith.extui %sign3A_711 : i1 to i32
      %sign3A_713 = arith.constant 0 : i32
      %sign3A_714 = arith.cmpi slt, %jit3A_701, %sign3A_713 : i32
      %sign3A_715 = arith.extui %sign3A_714 : i1 to i32
      %sign3A_716 = arith.subi %sign3A_712, %sign3A_715 : i32
      %ne3A_717 = arith.cmpi ne, %sign3A_709, %sign3A_716 : i32
      %rem3A_718 = arith.remsi %add3A_700, %jit3A_701 : i32
      %ne3A_719 = arith.constant 0 : i32
      %ne3A_720 = arith.cmpi ne, %rem3A_718, %ne3A_719 : i32
      %and3A_721 = arith.andi %ne3A_717, %ne3A_720 : i1
      %sub3A_722 = arith.constant 1 : i32
      %sub3A_723 = arith.subi %div3A_702, %sub3A_722 : i32
      %select_n3A_724 = arith.select %and3A_721, %sub3A_723, %div3A_702 : i32
      %mul3A_725 = arith.constant 26 : i32
      %mul3A_726 = arith.muli %select_n3A_724, %mul3A_725 : i32
      %sub3A_727 = arith.subi %add3A_700, %mul3A_726 : i32
      %dma_start3A_728 = arith.constant 0 : i32
      %dma_start3A_729 = tpu.memref_slice %arg9[%select_n3A_724, %sub3A_727, %dma_start3A_728] : memref<8x26x64xf32, #tpu.memory_space<vmem>> -> memref<1x1x64xf32, #tpu.memory_space<vmem>>
      %dma_start3A_730 = tpu.memref_squeeze %dma_start3A_729 : memref<1x1x64xf32, #tpu.memory_space<vmem>> -> memref<64xf32, #tpu.memory_space<vmem>>
      %dma_start3A_731 = arith.constant 0 : i32
      %dma_start3A_732 = tpu.memref_slice %arg4[%squeeze3A_698, %dma_start3A_731] : memref<2600000x64xf32, #tpu.memory_space<hbm>> -> memref<1x64xf32, #tpu.memory_space<hbm>>
      %dma_start3A_733 = tpu.memref_squeeze %dma_start3A_732 : memref<1x64xf32, #tpu.memory_space<hbm>> -> memref<64xf32, #tpu.memory_space<hbm>>
      %dma_start3A_734 = arith.constant 0 : i32
      %dma_start3A_735 = tpu.memref_slice %arg9[%select_n3A_724, %sub3A_727, %dma_start3A_734] : memref<8x26x64xf32, #tpu.memory_space<vmem>> -> memref<1x1x64xf32, #tpu.memory_space<vmem>>
      %dma_start3A_736 = tpu.memref_squeeze %dma_start3A_735 : memref<1x1x64xf32, #tpu.memory_space<vmem>> -> memref<64xf32, #tpu.memory_space<vmem>>
      %dma_start3A_737 = arith.constant 0 : i32
      %dma_start3A_738 = tpu.memref_slice %arg4[%squeeze3A_698, %dma_start3A_737] : memref<2600000x64xf32, #tpu.memory_space<hbm>> -> memref<1x64xf32, #tpu.memory_space<hbm>>
      %dma_start3A_739 = tpu.memref_squeeze %dma_start3A_738 : memref<1x64xf32, #tpu.memory_space<hbm>> -> memref<64xf32, #tpu.memory_space<hbm>>
      tpu.enqueue_dma source(%dma_start3A_739 : memref<64xf32, #tpu.memory_space<hbm>>) target(%dma_start3A_736 : memref<64xf32, #tpu.memory_space<vmem>>) target_semaphore(%arg11 : memref<!tpu.dma_semaphore, #tpu.memory_space<semaphore_mem>>)
      %scan3A_740 = arith.constant 0 : i32
      scf.yield %scan3A_740 : i32
    }
    %scan3A_20 = arith.constant 13 : i32
    %scan3A_21 = arith.constant 0 : i32
    %scan3A_22 = arith.constant 0 : i32
    %scan3A_23 = arith.constant 13 : i32
    %scan3A_24 = arith.addi %scan3A_22, %scan3A_23 : i32
    %scan3A_25 = arith.constant 1 : i32
    %scan3A_26 = scf.for %scan3A_54 = %scan3A_22 to %scan3A_24 step %scan3A_25 iter_args(%scan3A_55 = %scan3A_21) -> (i32)  : i32 {
      %mul3A_56 = arith.constant 16 : i32
      %mul3A_57 = arith.muli %scan3A_54, %mul3A_56 : i32
      %add3A_58 = arith.constant 208 : i32
      %add3A_59 = arith.addi %add3A_58, %mul3A_57 : i32
      %get3A_60 = arith.index_cast %add3A_59 : i32 to index
      %get3A_61 = tpu.vector_load %arg8[%get3A_60] {strides = array<i32>} : memref<3328xi32, #tpu.memory_space<vmem>>, vector<16xi32>,
      %get3A_62 = vector.shape_cast %get3A_61 : vector<16xi32> to vector<16xi32>
      %slice3A = vector.extract_strided_slice %get3A_62 {offsets = [0], sizes = [1], strides = [1]} : vector<16xi32> to vector<1xi32>
      %squeeze3A = vector.extract %slice3A[0] : i32 from vector<1xi32>
      %add3A_63 = arith.constant 0 : i32
      %add3A_64 = arith.addi %mul3A_57, %add3A_63 : i32
      %jit3A = arith.constant 26 : i32
      %div3A = arith.divsi %add3A_64, %jit3A : i32
      %sign3A = arith.constant 0 : i32
      %sign3A_65 = arith.cmpi sgt, %add3A_64, %sign3A : i32
      %sign3A_66 = arith.extui %sign3A_65 : i1 to i32
      %sign3A_67 = arith.constant 0 : i32
      %sign3A_68 = arith.cmpi slt, %add3A_64, %sign3A_67 : i32
      %sign3A_69 = arith.extui %sign3A_68 : i1 to i32
      %sign3A_70 = arith.subi %sign3A_66, %sign3A_69 : i32
      %sign3A_71 = arith.constant 0 : i32
      %sign3A_72 = arith.cmpi sgt, %jit3A, %sign3A_71 : i32
      %sign3A_73 = arith.extui %sign3A_72 : i1 to i32
      %sign3A_74 = arith.constant 0 : i32
      %sign3A_75 = arith.cmpi slt, %jit3A, %sign3A_74 : i32
      %sign3A_76 = arith.extui %sign3A_75 : i1 to i32
      %sign3A_77 = arith.subi %sign3A_73, %sign3A_76 : i32
      %ne3A = arith.cmpi ne, %sign3A_70, %sign3A_77 : i32
      %rem3A = arith.remsi %add3A_64, %jit3A : i32
      %ne3A_78 = arith.constant 0 : i32
      %ne3A_79 = arith.cmpi ne, %rem3A, %ne3A_78 : i32
      %and3A = arith.andi %ne3A, %ne3A_79 : i1
      %sub3A = arith.constant 1 : i32
      %sub3A_80 = arith.subi %div3A, %sub3A : i32
      %select_n3A = arith.select %and3A, %sub3A_80, %div3A : i32
      %mul3A_81 = arith.constant 26 : i32
      %mul3A_82 = arith.muli %select_n3A, %mul3A_81 : i32
      %sub3A_83 = arith.subi %add3A_64, %mul3A_82 : i32
      %dma_start3A = arith.constant 0 : i32
      %dma_start3A_84 = tpu.memref_slice %arg10[%select_n3A, %sub3A_83, %dma_start3A] : memref<8x26x64xf32, #tpu.memory_space<vmem>> -> memref<1x1x64xf32, #tpu.memory_space<vmem>>
      %dma_start3A_85 = tpu.memref_squeeze %dma_start3A_84 : memref<1x1x64xf32, #tpu.memory_space<vmem>> -> memref<64xf32, #tpu.memory_space<vmem>>
      %dma_start3A_86 = arith.constant 0 : i32
      %dma_start3A_87 = tpu.memref_slice %arg4[%squeeze3A, %dma_start3A_86] : memref<2600000x64xf32, #tpu.memory_space<hbm>> -> memref<1x64xf32, #tpu.memory_space<hbm>>
      %dma_start3A_88 = tpu.memref_squeeze %dma_start3A_87 : memref<1x64xf32, #tpu.memory_space<hbm>> -> memref<64xf32, #tpu.memory_space<hbm>>
      %dma_start3A_89 = arith.constant 0 : i32
      %dma_start3A_90 = tpu.memref_slice %arg10[%select_n3A, %sub3A_83, %dma_start3A_89] : memref<8x26x64xf32, #tpu.memory_space<vmem>> -> memref<1x1x64xf32, #tpu.memory_space<vmem>>
      %dma_start3A_91 = tpu.memref_squeeze %dma_start3A_90 : memref<1x1x64xf32, #tpu.memory_space<vmem>> -> memref<64xf32, #tpu.memory_space<vmem>>
      %dma_start3A_92 = arith.constant 0 : i32
      %dma_start3A_93 = tpu.memref_slice %arg4[%squeeze3A, %dma_start3A_92] : memref<2600000x64xf32, #tpu.memory_space<hbm>> -> memref<1x64xf32, #tpu.memory_space<hbm>>
      %dma_start3A_94 = tpu.memref_squeeze %dma_start3A_93 : memref<1x64xf32, #tpu.memory_space<hbm>> -> memref<64xf32, #tpu.memory_space<hbm>>
      tpu.enqueue_dma source(%dma_start3A_94 : memref<64xf32, #tpu.memory_space<hbm>>) target(%dma_start3A_91 : memref<64xf32, #tpu.memory_space<vmem>>) target_semaphore(%arg12 : memref<!tpu.dma_semaphore, #tpu.memory_space<semaphore_mem>>)
      %slice3A_95 = vector.extract_strided_slice %get3A_62 {offsets = [1], sizes = [1], strides = [1]} : vector<16xi32> to vector<1xi32>
      %squeeze3A_96 = vector.extract %slice3A_95[0] : i32 from vector<1xi32>
      %add3A_97 = arith.constant 1 : i32
      %add3A_98 = arith.addi %mul3A_57, %add3A_97 : i32
      %jit3A_99 = arith.constant 26 : i32
      %div3A_100 = arith.divsi %add3A_98, %jit3A_99 : i32
      %sign3A_101 = arith.constant 0 : i32
      %sign3A_102 = arith.cmpi sgt, %add3A_98, %sign3A_101 : i32
      %sign3A_103 = arith.extui %sign3A_102 : i1 to i32
      %sign3A_104 = arith.constant 0 : i32
      %sign3A_105 = arith.cmpi slt, %add3A_98, %sign3A_104 : i32
      %sign3A_106 = arith.extui %sign3A_105 : i1 to i32
      %sign3A_107 = arith.subi %sign3A_103, %sign3A_106 : i32
      %sign3A_108 = arith.constant 0 : i32
      %sign3A_109 = arith.cmpi sgt, %jit3A_99, %sign3A_108 : i32
      %sign3A_110 = arith.extui %sign3A_109 : i1 to i32
      %sign3A_111 = arith.constant 0 : i32
      %sign3A_112 = arith.cmpi slt, %jit3A_99, %sign3A_111 : i32
      %sign3A_113 = arith.extui %sign3A_112 : i1 to i32
      %sign3A_114 = arith.subi %sign3A_110, %sign3A_113 : i32
      %ne3A_115 = arith.cmpi ne, %sign3A_107, %sign3A_114 : i32
      %rem3A_116 = arith.remsi %add3A_98, %jit3A_99 : i32
      %ne3A_117 = arith.constant 0 : i32
      %ne3A_118 = arith.cmpi ne, %rem3A_116, %ne3A_117 : i32
      %and3A_119 = arith.andi %ne3A_115, %ne3A_118 : i1
      %sub3A_120 = arith.constant 1 : i32
      %sub3A_121 = arith.subi %div3A_100, %sub3A_120 : i32
      %select_n3A_122 = arith.select %and3A_119, %sub3A_121, %div3A_100 : i32
      %mul3A_123 = arith.constant 26 : i32
      %mul3A_124 = arith.muli %select_n3A_122, %mul3A_123 : i32
      %sub3A_125 = arith.subi %add3A_98, %mul3A_124 : i32
      %dma_start3A_126 = arith.constant 0 : i32
      %dma_start3A_127 = tpu.memref_slice %arg10[%select_n3A_122, %sub3A_125, %dma_start3A_126] : memref<8x26x64xf32, #tpu.memory_space<vmem>> -> memref<1x1x64xf32, #tpu.memory_space<vmem>>
      %dma_start3A_128 = tpu.memref_squeeze %dma_start3A_127 : memref<1x1x64xf32, #tpu.memory_space<vmem>> -> memref<64xf32, #tpu.memory_space<vmem>>
      %dma_start3A_129 = arith.constant 0 : i32
      %dma_start3A_130 = tpu.memref_slice %arg4[%squeeze3A_96, %dma_start3A_129] : memref<2600000x64xf32, #tpu.memory_space<hbm>> -> memref<1x64xf32, #tpu.memory_space<hbm>>
      %dma_start3A_131 = tpu.memref_squeeze %dma_start3A_130 : memref<1x64xf32, #tpu.memory_space<hbm>> -> memref<64xf32, #tpu.memory_space<hbm>>
      %dma_start3A_132 = arith.constant 0 : i32
      %dma_start3A_133 = tpu.memref_slice %arg10[%select_n3A_122, %sub3A_125, %dma_start3A_132] : memref<8x26x64xf32, #tpu.memory_space<vmem>> -> memref<1x1x64xf32, #tpu.memory_space<vmem>>
      %dma_start3A_134 = tpu.memref_squeeze %dma_start3A_133 : memref<1x1x64xf32, #tpu.memory_space<vmem>> -> memref<64xf32, #tpu.memory_space<vmem>>
      %dma_start3A_135 = arith.constant 0 : i32
      %dma_start3A_136 = tpu.memref_slice %arg4[%squeeze3A_96, %dma_start3A_135] : memref<2600000x64xf32, #tpu.memory_space<hbm>> -> memref<1x64xf32, #tpu.memory_space<hbm>>
      %dma_start3A_137 = tpu.memref_squeeze %dma_start3A_136 : memref<1x64xf32, #tpu.memory_space<hbm>> -> memref<64xf32, #tpu.memory_space<hbm>>
      tpu.enqueue_dma source(%dma_start3A_137 : memref<64xf32, #tpu.memory_space<hbm>>) target(%dma_start3A_134 : memref<64xf32, #tpu.memory_space<vmem>>) target_semaphore(%arg12 : memref<!tpu.dma_semaphore, #tpu.memory_space<semaphore_mem>>)
      %slice3A_138 = vector.extract_strided_slice %get3A_62 {offsets = [2], sizes = [1], strides = [1]} : vector<16xi32> to vector<1xi32>
      %squeeze3A_139 = vector.extract %slice3A_138[0] : i32 from vector<1xi32>
      %add3A_140 = arith.constant 2 : i32
      %add3A_141 = arith.addi %mul3A_57, %add3A_140 : i32
      %jit3A_142 = arith.constant 26 : i32
      %div3A_143 = arith.divsi %add3A_141, %jit3A_142 : i32
      %sign3A_144 = arith.constant 0 : i32
      %sign3A_145 = arith.cmpi sgt, %add3A_141, %sign3A_144 : i32
      %sign3A_146 = arith.extui %sign3A_145 : i1 to i32
      %sign3A_147 = arith.constant 0 : i32
      %sign3A_148 = arith.cmpi slt, %add3A_141, %sign3A_147 : i32
      %sign3A_149 = arith.extui %sign3A_148 : i1 to i32
      %sign3A_150 = arith.subi %sign3A_146, %sign3A_149 : i32
      %sign3A_151 = arith.constant 0 : i32
      %sign3A_152 = arith.cmpi sgt, %jit3A_142, %sign3A_151 : i32
      %sign3A_153 = arith.extui %sign3A_152 : i1 to i32
      %sign3A_154 = arith.constant 0 : i32
      %sign3A_155 = arith.cmpi slt, %jit3A_142, %sign3A_154 : i32
      %sign3A_156 = arith.extui %sign3A_155 : i1 to i32
      %sign3A_157 = arith.subi %sign3A_153, %sign3A_156 : i32
      %ne3A_158 = arith.cmpi ne, %sign3A_150, %sign3A_157 : i32
      %rem3A_159 = arith.remsi %add3A_141, %jit3A_142 : i32
      %ne3A_160 = arith.constant 0 : i32
      %ne3A_161 = arith.cmpi ne, %rem3A_159, %ne3A_160 : i32
      %and3A_162 = arith.andi %ne3A_158, %ne3A_161 : i1
      %sub3A_163 = arith.constant 1 : i32
      %sub3A_164 = arith.subi %div3A_143, %sub3A_163 : i32
      %select_n3A_165 = arith.select %and3A_162, %sub3A_164, %div3A_143 : i32
      %mul3A_166 = arith.constant 26 : i32
      %mul3A_167 = arith.muli %select_n3A_165, %mul3A_166 : i32
      %sub3A_168 = arith.subi %add3A_141, %mul3A_167 : i32
      %dma_start3A_169 = arith.constant 0 : i32
      %dma_start3A_170 = tpu.memref_slice %arg10[%select_n3A_165, %sub3A_168, %dma_start3A_169] : memref<8x26x64xf32, #tpu.memory_space<vmem>> -> memref<1x1x64xf32, #tpu.memory_space<vmem>>
      %dma_start3A_171 = tpu.memref_squeeze %dma_start3A_170 : memref<1x1x64xf32, #tpu.memory_space<vmem>> -> memref<64xf32, #tpu.memory_space<vmem>>
      %dma_start3A_172 = arith.constant 0 : i32
      %dma_start3A_173 = tpu.memref_slice %arg4[%squeeze3A_139, %dma_start3A_172] : memref<2600000x64xf32, #tpu.memory_space<hbm>> -> memref<1x64xf32, #tpu.memory_space<hbm>>
      %dma_start3A_174 = tpu.memref_squeeze %dma_start3A_173 : memref<1x64xf32, #tpu.memory_space<hbm>> -> memref<64xf32, #tpu.memory_space<hbm>>
      %dma_start3A_175 = arith.constant 0 : i32
      %dma_start3A_176 = tpu.memref_slice %arg10[%select_n3A_165, %sub3A_168, %dma_start3A_175] : memref<8x26x64xf32, #tpu.memory_space<vmem>> -> memref<1x1x64xf32, #tpu.memory_space<vmem>>
      %dma_start3A_177 = tpu.memref_squeeze %dma_start3A_176 : memref<1x1x64xf32, #tpu.memory_space<vmem>> -> memref<64xf32, #tpu.memory_space<vmem>>
      %dma_start3A_178 = arith.constant 0 : i32
      %dma_start3A_179 = tpu.memref_slice %arg4[%squeeze3A_139, %dma_start3A_178] : memref<2600000x64xf32, #tpu.memory_space<hbm>> -> memref<1x64xf32, #tpu.memory_space<hbm>>
      %dma_start3A_180 = tpu.memref_squeeze %dma_start3A_179 : memref<1x64xf32, #tpu.memory_space<hbm>> -> memref<64xf32, #tpu.memory_space<hbm>>
      tpu.enqueue_dma source(%dma_start3A_180 : memref<64xf32, #tpu.memory_space<hbm>>) target(%dma_start3A_177 : memref<64xf32, #tpu.memory_space<vmem>>) target_semaphore(%arg12 : memref<!tpu.dma_semaphore, #tpu.memory_space<semaphore_mem>>)
      %slice3A_181 = vector.extract_strided_slice %get3A_62 {offsets = [3], sizes = [1], strides = [1]} : vector<16xi32> to vector<1xi32>
      %squeeze3A_182 = vector.extract %slice3A_181[0] : i32 from vector<1xi32>
      %add3A_183 = arith.constant 3 : i32
      %add3A_184 = arith.addi %mul3A_57, %add3A_183 : i32
      %jit3A_185 = arith.constant 26 : i32
      %div3A_186 = arith.divsi %add3A_184, %jit3A_185 : i32
      %sign3A_187 = arith.constant 0 : i32
      %sign3A_188 = arith.cmpi sgt, %add3A_184, %sign3A_187 : i32
      %sign3A_189 = arith.extui %sign3A_188 : i1 to i32
      %sign3A_190 = arith.constant 0 : i32
      %sign3A_191 = arith.cmpi slt, %add3A_184, %sign3A_190 : i32
      %sign3A_192 = arith.extui %sign3A_191 : i1 to i32
      %sign3A_193 = arith.subi %sign3A_189, %sign3A_192 : i32
      %sign3A_194 = arith.constant 0 : i32
      %sign3A_195 = arith.cmpi sgt, %jit3A_185, %sign3A_194 : i32
      %sign3A_196 = arith.extui %sign3A_195 : i1 to i32
      %sign3A_197 = arith.constant 0 : i32
      %sign3A_198 = arith.cmpi slt, %jit3A_185, %sign3A_197 : i32
      %sign3A_199 = arith.extui %sign3A_198 : i1 to i32
      %sign3A_200 = arith.subi %sign3A_196, %sign3A_199 : i32
      %ne3A_201 = arith.cmpi ne, %sign3A_193, %sign3A_200 : i32
      %rem3A_202 = arith.remsi %add3A_184, %jit3A_185 : i32
      %ne3A_203 = arith.constant 0 : i32
      %ne3A_204 = arith.cmpi ne, %rem3A_202, %ne3A_203 : i32
      %and3A_205 = arith.andi %ne3A_201, %ne3A_204 : i1
      %sub3A_206 = arith.constant 1 : i32
      %sub3A_207 = arith.subi %div3A_186, %sub3A_206 : i32
      %select_n3A_208 = arith.select %and3A_205, %sub3A_207, %div3A_186 : i32
      %mul3A_209 = arith.constant 26 : i32
      %mul3A_210 = arith.muli %select_n3A_208, %mul3A_209 : i32
      %sub3A_211 = arith.subi %add3A_184, %mul3A_210 : i32
      %dma_start3A_212 = arith.constant 0 : i32
      %dma_start3A_213 = tpu.memref_slice %arg10[%select_n3A_208, %sub3A_211, %dma_start3A_212] : memref<8x26x64xf32, #tpu.memory_space<vmem>> -> memref<1x1x64xf32, #tpu.memory_space<vmem>>
      %dma_start3A_214 = tpu.memref_squeeze %dma_start3A_213 : memref<1x1x64xf32, #tpu.memory_space<vmem>> -> memref<64xf32, #tpu.memory_space<vmem>>
      %dma_start3A_215 = arith.constant 0 : i32
      %dma_start3A_216 = tpu.memref_slice %arg4[%squeeze3A_182, %dma_start3A_215] : memref<2600000x64xf32, #tpu.memory_space<hbm>> -> memref<1x64xf32, #tpu.memory_space<hbm>>
      %dma_start3A_217 = tpu.memref_squeeze %dma_start3A_216 : memref<1x64xf32, #tpu.memory_space<hbm>> -> memref<64xf32, #tpu.memory_space<hbm>>
      %dma_start3A_218 = arith.constant 0 : i32
      %dma_start3A_219 = tpu.memref_slice %arg10[%select_n3A_208, %sub3A_211, %dma_start3A_218] : memref<8x26x64xf32, #tpu.memory_space<vmem>> -> memref<1x1x64xf32, #tpu.memory_space<vmem>>
      %dma_start3A_220 = tpu.memref_squeeze %dma_start3A_219 : memref<1x1x64xf32, #tpu.memory_space<vmem>> -> memref<64xf32, #tpu.memory_space<vmem>>
      %dma_start3A_221 = arith.constant 0 : i32
      %dma_start3A_222 = tpu.memref_slice %arg4[%squeeze3A_182, %dma_start3A_221] : memref<2600000x64xf32, #tpu.memory_space<hbm>> -> memref<1x64xf32, #tpu.memory_space<hbm>>
      %dma_start3A_223 = tpu.memref_squeeze %dma_start3A_222 : memref<1x64xf32, #tpu.memory_space<hbm>> -> memref<64xf32, #tpu.memory_space<hbm>>
      tpu.enqueue_dma source(%dma_start3A_223 : memref<64xf32, #tpu.memory_space<hbm>>) target(%dma_start3A_220 : memref<64xf32, #tpu.memory_space<vmem>>) target_semaphore(%arg12 : memref<!tpu.dma_semaphore, #tpu.memory_space<semaphore_mem>>)
      %slice3A_224 = vector.extract_strided_slice %get3A_62 {offsets = [4], sizes = [1], strides = [1]} : vector<16xi32> to vector<1xi32>
      %squeeze3A_225 = vector.extract %slice3A_224[0] : i32 from vector<1xi32>
      %add3A_226 = arith.constant 4 : i32
      %add3A_227 = arith.addi %mul3A_57, %add3A_226 : i32
      %jit3A_228 = arith.constant 26 : i32
      %div3A_229 = arith.divsi %add3A_227, %jit3A_228 : i32
      %sign3A_230 = arith.constant 0 : i32
      %sign3A_231 = arith.cmpi sgt, %add3A_227, %sign3A_230 : i32
      %sign3A_232 = arith.extui %sign3A_231 : i1 to i32
      %sign3A_233 = arith.constant 0 : i32
      %sign3A_234 = arith.cmpi slt, %add3A_227, %sign3A_233 : i32
      %sign3A_235 = arith.extui %sign3A_234 : i1 to i32
      %sign3A_236 = arith.subi %sign3A_232, %sign3A_235 : i32
      %sign3A_237 = arith.constant 0 : i32
      %sign3A_238 = arith.cmpi sgt, %jit3A_228, %sign3A_237 : i32
      %sign3A_239 = arith.extui %sign3A_238 : i1 to i32
      %sign3A_240 = arith.constant 0 : i32
      %sign3A_241 = arith.cmpi slt, %jit3A_228, %sign3A_240 : i32
      %sign3A_242 = arith.extui %sign3A_241 : i1 to i32
      %sign3A_243 = arith.subi %sign3A_239, %sign3A_242 : i32
      %ne3A_244 = arith.cmpi ne, %sign3A_236, %sign3A_243 : i32
      %rem3A_245 = arith.remsi %add3A_227, %jit3A_228 : i32
      %ne3A_246 = arith.constant 0 : i32
      %ne3A_247 = arith.cmpi ne, %rem3A_245, %ne3A_246 : i32
      %and3A_248 = arith.andi %ne3A_244, %ne3A_247 : i1
      %sub3A_249 = arith.constant 1 : i32
      %sub3A_250 = arith.subi %div3A_229, %sub3A_249 : i32
      %select_n3A_251 = arith.select %and3A_248, %sub3A_250, %div3A_229 : i32
      %mul3A_252 = arith.constant 26 : i32
      %mul3A_253 = arith.muli %select_n3A_251, %mul3A_252 : i32
      %sub3A_254 = arith.subi %add3A_227, %mul3A_253 : i32
      %dma_start3A_255 = arith.constant 0 : i32
      %dma_start3A_256 = tpu.memref_slice %arg10[%select_n3A_251, %sub3A_254, %dma_start3A_255] : memref<8x26x64xf32, #tpu.memory_space<vmem>> -> memref<1x1x64xf32, #tpu.memory_space<vmem>>
      %dma_start3A_257 = tpu.memref_squeeze %dma_start3A_256 : memref<1x1x64xf32, #tpu.memory_space<vmem>> -> memref<64xf32, #tpu.memory_space<vmem>>
      %dma_start3A_258 = arith.constant 0 : i32
      %dma_start3A_259 = tpu.memref_slice %arg4[%squeeze3A_225, %dma_start3A_258] : memref<2600000x64xf32, #tpu.memory_space<hbm>> -> memref<1x64xf32, #tpu.memory_space<hbm>>
      %dma_start3A_260 = tpu.memref_squeeze %dma_start3A_259 : memref<1x64xf32, #tpu.memory_space<hbm>> -> memref<64xf32, #tpu.memory_space<hbm>>
      %dma_start3A_261 = arith.constant 0 : i32
      %dma_start3A_262 = tpu.memref_slice %arg10[%select_n3A_251, %sub3A_254, %dma_start3A_261] : memref<8x26x64xf32, #tpu.memory_space<vmem>> -> memref<1x1x64xf32, #tpu.memory_space<vmem>>
      %dma_start3A_263 = tpu.memref_squeeze %dma_start3A_262 : memref<1x1x64xf32, #tpu.memory_space<vmem>> -> memref<64xf32, #tpu.memory_space<vmem>>
      %dma_start3A_264 = arith.constant 0 : i32
      %dma_start3A_265 = tpu.memref_slice %arg4[%squeeze3A_225, %dma_start3A_264] : memref<2600000x64xf32, #tpu.memory_space<hbm>> -> memref<1x64xf32, #tpu.memory_space<hbm>>
      %dma_start3A_266 = tpu.memref_squeeze %dma_start3A_265 : memref<1x64xf32, #tpu.memory_space<hbm>> -> memref<64xf32, #tpu.memory_space<hbm>>
      tpu.enqueue_dma source(%dma_start3A_266 : memref<64xf32, #tpu.memory_space<hbm>>) target(%dma_start3A_263 : memref<64xf32, #tpu.memory_space<vmem>>) target_semaphore(%arg12 : memref<!tpu.dma_semaphore, #tpu.memory_space<semaphore_mem>>)
      %slice3A_267 = vector.extract_strided_slice %get3A_62 {offsets = [5], sizes = [1], strides = [1]} : vector<16xi32> to vector<1xi32>
      %squeeze3A_268 = vector.extract %slice3A_267[0] : i32 from vector<1xi32>
      %add3A_269 = arith.constant 5 : i32
      %add3A_270 = arith.addi %mul3A_57, %add3A_269 : i32
      %jit3A_271 = arith.constant 26 : i32
      %div3A_272 = arith.divsi %add3A_270, %jit3A_271 : i32
      %sign3A_273 = arith.constant 0 : i32
      %sign3A_274 = arith.cmpi sgt, %add3A_270, %sign3A_273 : i32
      %sign3A_275 = arith.extui %sign3A_274 : i1 to i32
      %sign3A_276 = arith.constant 0 : i32
      %sign3A_277 = arith.cmpi slt, %add3A_270, %sign3A_276 : i32
      %sign3A_278 = arith.extui %sign3A_277 : i1 to i32
      %sign3A_279 = arith.subi %sign3A_275, %sign3A_278 : i32
      %sign3A_280 = arith.constant 0 : i32
      %sign3A_281 = arith.cmpi sgt, %jit3A_271, %sign3A_280 : i32
      %sign3A_282 = arith.extui %sign3A_281 : i1 to i32
      %sign3A_283 = arith.constant 0 : i32
      %sign3A_284 = arith.cmpi slt, %jit3A_271, %sign3A_283 : i32
      %sign3A_285 = arith.extui %sign3A_284 : i1 to i32
      %sign3A_286 = arith.subi %sign3A_282, %sign3A_285 : i32
      %ne3A_287 = arith.cmpi ne, %sign3A_279, %sign3A_286 : i32
      %rem3A_288 = arith.remsi %add3A_270, %jit3A_271 : i32
      %ne3A_289 = arith.constant 0 : i32
      %ne3A_290 = arith.cmpi ne, %rem3A_288, %ne3A_289 : i32
      %and3A_291 = arith.andi %ne3A_287, %ne3A_290 : i1
      %sub3A_292 = arith.constant 1 : i32
      %sub3A_293 = arith.subi %div3A_272, %sub3A_292 : i32
      %select_n3A_294 = arith.select %and3A_291, %sub3A_293, %div3A_272 : i32
      %mul3A_295 = arith.constant 26 : i32
      %mul3A_296 = arith.muli %select_n3A_294, %mul3A_295 : i32
      %sub3A_297 = arith.subi %add3A_270, %mul3A_296 : i32
      %dma_start3A_298 = arith.constant 0 : i32
      %dma_start3A_299 = tpu.memref_slice %arg10[%select_n3A_294, %sub3A_297, %dma_start3A_298] : memref<8x26x64xf32, #tpu.memory_space<vmem>> -> memref<1x1x64xf32, #tpu.memory_space<vmem>>
      %dma_start3A_300 = tpu.memref_squeeze %dma_start3A_299 : memref<1x1x64xf32, #tpu.memory_space<vmem>> -> memref<64xf32, #tpu.memory_space<vmem>>
      %dma_start3A_301 = arith.constant 0 : i32
      %dma_start3A_302 = tpu.memref_slice %arg4[%squeeze3A_268, %dma_start3A_301] : memref<2600000x64xf32, #tpu.memory_space<hbm>> -> memref<1x64xf32, #tpu.memory_space<hbm>>
      %dma_start3A_303 = tpu.memref_squeeze %dma_start3A_302 : memref<1x64xf32, #tpu.memory_space<hbm>> -> memref<64xf32, #tpu.memory_space<hbm>>
      %dma_start3A_304 = arith.constant 0 : i32
      %dma_start3A_305 = tpu.memref_slice %arg10[%select_n3A_294, %sub3A_297, %dma_start3A_304] : memref<8x26x64xf32, #tpu.memory_space<vmem>> -> memref<1x1x64xf32, #tpu.memory_space<vmem>>
      %dma_start3A_306 = tpu.memref_squeeze %dma_start3A_305 : memref<1x1x64xf32, #tpu.memory_space<vmem>> -> memref<64xf32, #tpu.memory_space<vmem>>
      %dma_start3A_307 = arith.constant 0 : i32
      %dma_start3A_308 = tpu.memref_slice %arg4[%squeeze3A_268, %dma_start3A_307] : memref<2600000x64xf32, #tpu.memory_space<hbm>> -> memref<1x64xf32, #tpu.memory_space<hbm>>
      %dma_start3A_309 = tpu.memref_squeeze %dma_start3A_308 : memref<1x64xf32, #tpu.memory_space<hbm>> -> memref<64xf32, #tpu.memory_space<hbm>>
      tpu.enqueue_dma source(%dma_start3A_309 : memref<64xf32, #tpu.memory_space<hbm>>) target(%dma_start3A_306 : memref<64xf32, #tpu.memory_space<vmem>>) target_semaphore(%arg12 : memref<!tpu.dma_semaphore, #tpu.memory_space<semaphore_mem>>)
      %slice3A_310 = vector.extract_strided_slice %get3A_62 {offsets = [6], sizes = [1], strides = [1]} : vector<16xi32> to vector<1xi32>
      %squeeze3A_311 = vector.extract %slice3A_310[0] : i32 from vector<1xi32>
      %add3A_312 = arith.constant 6 : i32
      %add3A_313 = arith.addi %mul3A_57, %add3A_312 : i32
      %jit3A_314 = arith.constant 26 : i32
      %div3A_315 = arith.divsi %add3A_313, %jit3A_314 : i32
      %sign3A_316 = arith.constant 0 : i32
      %sign3A_317 = arith.cmpi sgt, %add3A_313, %sign3A_316 : i32
      %sign3A_318 = arith.extui %sign3A_317 : i1 to i32
      %sign3A_319 = arith.constant 0 : i32
      %sign3A_320 = arith.cmpi slt, %add3A_313, %sign3A_319 : i32
      %sign3A_321 = arith.extui %sign3A_320 : i1 to i32
      %sign3A_322 = arith.subi %sign3A_318, %sign3A_321 : i32
      %sign3A_323 = arith.constant 0 : i32
      %sign3A_324 = arith.cmpi sgt, %jit3A_314, %sign3A_323 : i32
      %sign3A_325 = arith.extui %sign3A_324 : i1 to i32
      %sign3A_326 = arith.constant 0 : i32
      %sign3A_327 = arith.cmpi slt, %jit3A_314, %sign3A_326 : i32
      %sign3A_328 = arith.extui %sign3A_327 : i1 to i32
      %sign3A_329 = arith.subi %sign3A_325, %sign3A_328 : i32
      %ne3A_330 = arith.cmpi ne, %sign3A_322, %sign3A_329 : i32
      %rem3A_331 = arith.remsi %add3A_313, %jit3A_314 : i32
      %ne3A_332 = arith.constant 0 : i32
      %ne3A_333 = arith.cmpi ne, %rem3A_331, %ne3A_332 : i32
      %and3A_334 = arith.andi %ne3A_330, %ne3A_333 : i1
      %sub3A_335 = arith.constant 1 : i32
      %sub3A_336 = arith.subi %div3A_315, %sub3A_335 : i32
      %select_n3A_337 = arith.select %and3A_334, %sub3A_336, %div3A_315 : i32
      %mul3A_338 = arith.constant 26 : i32
      %mul3A_339 = arith.muli %select_n3A_337, %mul3A_338 : i32
      %sub3A_340 = arith.subi %add3A_313, %mul3A_339 : i32
      %dma_start3A_341 = arith.constant 0 : i32
      %dma_start3A_342 = tpu.memref_slice %arg10[%select_n3A_337, %sub3A_340, %dma_start3A_341] : memref<8x26x64xf32, #tpu.memory_space<vmem>> -> memref<1x1x64xf32, #tpu.memory_space<vmem>>
      %dma_start3A_343 = tpu.memref_squeeze %dma_start3A_342 : memref<1x1x64xf32, #tpu.memory_space<vmem>> -> memref<64xf32, #tpu.memory_space<vmem>>
      %dma_start3A_344 = arith.constant 0 : i32
      %dma_start3A_345 = tpu.memref_slice %arg4[%squeeze3A_311, %dma_start3A_344] : memref<2600000x64xf32, #tpu.memory_space<hbm>> -> memref<1x64xf32, #tpu.memory_space<hbm>>
      %dma_start3A_346 = tpu.memref_squeeze %dma_start3A_345 : memref<1x64xf32, #tpu.memory_space<hbm>> -> memref<64xf32, #tpu.memory_space<hbm>>
      %dma_start3A_347 = arith.constant 0 : i32
      %dma_start3A_348 = tpu.memref_slice %arg10[%select_n3A_337, %sub3A_340, %dma_start3A_347] : memref<8x26x64xf32, #tpu.memory_space<vmem>> -> memref<1x1x64xf32, #tpu.memory_space<vmem>>
      %dma_start3A_349 = tpu.memref_squeeze %dma_start3A_348 : memref<1x1x64xf32, #tpu.memory_space<vmem>> -> memref<64xf32, #tpu.memory_space<vmem>>
      %dma_start3A_350 = arith.constant 0 : i32
      %dma_start3A_351 = tpu.memref_slice %arg4[%squeeze3A_311, %dma_start3A_350] : memref<2600000x64xf32, #tpu.memory_space<hbm>> -> memref<1x64xf32, #tpu.memory_space<hbm>>
      %dma_start3A_352 = tpu.memref_squeeze %dma_start3A_351 : memref<1x64xf32, #tpu.memory_space<hbm>> -> memref<64xf32, #tpu.memory_space<hbm>>
      tpu.enqueue_dma source(%dma_start3A_352 : memref<64xf32, #tpu.memory_space<hbm>>) target(%dma_start3A_349 : memref<64xf32, #tpu.memory_space<vmem>>) target_semaphore(%arg12 : memref<!tpu.dma_semaphore, #tpu.memory_space<semaphore_mem>>)
      %slice3A_353 = vector.extract_strided_slice %get3A_62 {offsets = [7], sizes = [1], strides = [1]} : vector<16xi32> to vector<1xi32>
      %squeeze3A_354 = vector.extract %slice3A_353[0] : i32 from vector<1xi32>
      %add3A_355 = arith.constant 7 : i32
      %add3A_356 = arith.addi %mul3A_57, %add3A_355 : i32
      %jit3A_357 = arith.constant 26 : i32
      %div3A_358 = arith.divsi %add3A_356, %jit3A_357 : i32
      %sign3A_359 = arith.constant 0 : i32
      %sign3A_360 = arith.cmpi sgt, %add3A_356, %sign3A_359 : i32
      %sign3A_361 = arith.extui %sign3A_360 : i1 to i32
      %sign3A_362 = arith.constant 0 : i32
      %sign3A_363 = arith.cmpi slt, %add3A_356, %sign3A_362 : i32
      %sign3A_364 = arith.extui %sign3A_363 : i1 to i32
      %sign3A_365 = arith.subi %sign3A_361, %sign3A_364 : i32
      %sign3A_366 = arith.constant 0 : i32
      %sign3A_367 = arith.cmpi sgt, %jit3A_357, %sign3A_366 : i32
      %sign3A_368 = arith.extui %sign3A_367 : i1 to i32
      %sign3A_369 = arith.constant 0 : i32
      %sign3A_370 = arith.cmpi slt, %jit3A_357, %sign3A_369 : i32
      %sign3A_371 = arith.extui %sign3A_370 : i1 to i32
      %sign3A_372 = arith.subi %sign3A_368, %sign3A_371 : i32
      %ne3A_373 = arith.cmpi ne, %sign3A_365, %sign3A_372 : i32
      %rem3A_374 = arith.remsi %add3A_356, %jit3A_357 : i32
      %ne3A_375 = arith.constant 0 : i32
      %ne3A_376 = arith.cmpi ne, %rem3A_374, %ne3A_375 : i32
      %and3A_377 = arith.andi %ne3A_373, %ne3A_376 : i1
      %sub3A_378 = arith.constant 1 : i32
      %sub3A_379 = arith.subi %div3A_358, %sub3A_378 : i32
      %select_n3A_380 = arith.select %and3A_377, %sub3A_379, %div3A_358 : i32
      %mul3A_381 = arith.constant 26 : i32
      %mul3A_382 = arith.muli %select_n3A_380, %mul3A_381 : i32
      %sub3A_383 = arith.subi %add3A_356, %mul3A_382 : i32
      %dma_start3A_384 = arith.constant 0 : i32
      %dma_start3A_385 = tpu.memref_slice %arg10[%select_n3A_380, %sub3A_383, %dma_start3A_384] : memref<8x26x64xf32, #tpu.memory_space<vmem>> -> memref<1x1x64xf32, #tpu.memory_space<vmem>>
      %dma_start3A_386 = tpu.memref_squeeze %dma_start3A_385 : memref<1x1x64xf32, #tpu.memory_space<vmem>> -> memref<64xf32, #tpu.memory_space<vmem>>
      %dma_start3A_387 = arith.constant 0 : i32
      %dma_start3A_388 = tpu.memref_slice %arg4[%squeeze3A_354, %dma_start3A_387] : memref<2600000x64xf32, #tpu.memory_space<hbm>> -> memref<1x64xf32, #tpu.memory_space<hbm>>
      %dma_start3A_389 = tpu.memref_squeeze %dma_start3A_388 : memref<1x64xf32, #tpu.memory_space<hbm>> -> memref<64xf32, #tpu.memory_space<hbm>>
      %dma_start3A_390 = arith.constant 0 : i32
      %dma_start3A_391 = tpu.memref_slice %arg10[%select_n3A_380, %sub3A_383, %dma_start3A_390] : memref<8x26x64xf32, #tpu.memory_space<vmem>> -> memref<1x1x64xf32, #tpu.memory_space<vmem>>
      %dma_start3A_392 = tpu.memref_squeeze %dma_start3A_391 : memref<1x1x64xf32, #tpu.memory_space<vmem>> -> memref<64xf32, #tpu.memory_space<vmem>>
      %dma_start3A_393 = arith.constant 0 : i32
      %dma_start3A_394 = tpu.memref_slice %arg4[%squeeze3A_354, %dma_start3A_393] : memref<2600000x64xf32, #tpu.memory_space<hbm>> -> memref<1x64xf32, #tpu.memory_space<hbm>>
      %dma_start3A_395 = tpu.memref_squeeze %dma_start3A_394 : memref<1x64xf32, #tpu.memory_space<hbm>> -> memref<64xf32, #tpu.memory_space<hbm>>
      tpu.enqueue_dma source(%dma_start3A_395 : memref<64xf32, #tpu.memory_space<hbm>>) target(%dma_start3A_392 : memref<64xf32, #tpu.memory_space<vmem>>) target_semaphore(%arg12 : memref<!tpu.dma_semaphore, #tpu.memory_space<semaphore_mem>>)
      %slice3A_396 = vector.extract_strided_slice %get3A_62 {offsets = [8], sizes = [1], strides = [1]} : vector<16xi32> to vector<1xi32>
      %squeeze3A_397 = vector.extract %slice3A_396[0] : i32 from vector<1xi32>
      %add3A_398 = arith.constant 8 : i32
      %add3A_399 = arith.addi %mul3A_57, %add3A_398 : i32
      %jit3A_400 = arith.constant 26 : i32
      %div3A_401 = arith.divsi %add3A_399, %jit3A_400 : i32
      %sign3A_402 = arith.constant 0 : i32
      %sign3A_403 = arith.cmpi sgt, %add3A_399, %sign3A_402 : i32
      %sign3A_404 = arith.extui %sign3A_403 : i1 to i32
      %sign3A_405 = arith.constant 0 : i32
      %sign3A_406 = arith.cmpi slt, %add3A_399, %sign3A_405 : i32
      %sign3A_407 = arith.extui %sign3A_406 : i1 to i32
      %sign3A_408 = arith.subi %sign3A_404, %sign3A_407 : i32
      %sign3A_409 = arith.constant 0 : i32
      %sign3A_410 = arith.cmpi sgt, %jit3A_400, %sign3A_409 : i32
      %sign3A_411 = arith.extui %sign3A_410 : i1 to i32
      %sign3A_412 = arith.constant 0 : i32
      %sign3A_413 = arith.cmpi slt, %jit3A_400, %sign3A_412 : i32
      %sign3A_414 = arith.extui %sign3A_413 : i1 to i32
      %sign3A_415 = arith.subi %sign3A_411, %sign3A_414 : i32
      %ne3A_416 = arith.cmpi ne, %sign3A_408, %sign3A_415 : i32
      %rem3A_417 = arith.remsi %add3A_399, %jit3A_400 : i32
      %ne3A_418 = arith.constant 0 : i32
      %ne3A_419 = arith.cmpi ne, %rem3A_417, %ne3A_418 : i32
      %and3A_420 = arith.andi %ne3A_416, %ne3A_419 : i1
      %sub3A_421 = arith.constant 1 : i32
      %sub3A_422 = arith.subi %div3A_401, %sub3A_421 : i32
      %select_n3A_423 = arith.select %and3A_420, %sub3A_422, %div3A_401 : i32
      %mul3A_424 = arith.constant 26 : i32
      %mul3A_425 = arith.muli %select_n3A_423, %mul3A_424 : i32
      %sub3A_426 = arith.subi %add3A_399, %mul3A_425 : i32
      %dma_start3A_427 = arith.constant 0 : i32
      %dma_start3A_428 = tpu.memref_slice %arg10[%select_n3A_423, %sub3A_426, %dma_start3A_427] : memref<8x26x64xf32, #tpu.memory_space<vmem>> -> memref<1x1x64xf32, #tpu.memory_space<vmem>>
      %dma_start3A_429 = tpu.memref_squeeze %dma_start3A_428 : memref<1x1x64xf32, #tpu.memory_space<vmem>> -> memref<64xf32, #tpu.memory_space<vmem>>
      %dma_start3A_430 = arith.constant 0 : i32
      %dma_start3A_431 = tpu.memref_slice %arg4[%squeeze3A_397, %dma_start3A_430] : memref<2600000x64xf32, #tpu.memory_space<hbm>> -> memref<1x64xf32, #tpu.memory_space<hbm>>
      %dma_start3A_432 = tpu.memref_squeeze %dma_start3A_431 : memref<1x64xf32, #tpu.memory_space<hbm>> -> memref<64xf32, #tpu.memory_space<hbm>>
      %dma_start3A_433 = arith.constant 0 : i32
      %dma_start3A_434 = tpu.memref_slice %arg10[%select_n3A_423, %sub3A_426, %dma_start3A_433] : memref<8x26x64xf32, #tpu.memory_space<vmem>> -> memref<1x1x64xf32, #tpu.memory_space<vmem>>
      %dma_start3A_435 = tpu.memref_squeeze %dma_start3A_434 : memref<1x1x64xf32, #tpu.memory_space<vmem>> -> memref<64xf32, #tpu.memory_space<vmem>>
      %dma_start3A_436 = arith.constant 0 : i32
      %dma_start3A_437 = tpu.memref_slice %arg4[%squeeze3A_397, %dma_start3A_436] : memref<2600000x64xf32, #tpu.memory_space<hbm>> -> memref<1x64xf32, #tpu.memory_space<hbm>>
      %dma_start3A_438 = tpu.memref_squeeze %dma_start3A_437 : memref<1x64xf32, #tpu.memory_space<hbm>> -> memref<64xf32, #tpu.memory_space<hbm>>
      tpu.enqueue_dma source(%dma_start3A_438 : memref<64xf32, #tpu.memory_space<hbm>>) target(%dma_start3A_435 : memref<64xf32, #tpu.memory_space<vmem>>) target_semaphore(%arg12 : memref<!tpu.dma_semaphore, #tpu.memory_space<semaphore_mem>>)
      %slice3A_439 = vector.extract_strided_slice %get3A_62 {offsets = [9], sizes = [1], strides = [1]} : vector<16xi32> to vector<1xi32>
      %squeeze3A_440 = vector.extract %slice3A_439[0] : i32 from vector<1xi32>
      %add3A_441 = arith.constant 9 : i32
      %add3A_442 = arith.addi %mul3A_57, %add3A_441 : i32
      %jit3A_443 = arith.constant 26 : i32
      %div3A_444 = arith.divsi %add3A_442, %jit3A_443 : i32
      %sign3A_445 = arith.constant 0 : i32
      %sign3A_446 = arith.cmpi sgt, %add3A_442, %sign3A_445 : i32
      %sign3A_447 = arith.extui %sign3A_446 : i1 to i32
      %sign3A_448 = arith.constant 0 : i32
      %sign3A_449 = arith.cmpi slt, %add3A_442, %sign3A_448 : i32
      %sign3A_450 = arith.extui %sign3A_449 : i1 to i32
      %sign3A_451 = arith.subi %sign3A_447, %sign3A_450 : i32
      %sign3A_452 = arith.constant 0 : i32
      %sign3A_453 = arith.cmpi sgt, %jit3A_443, %sign3A_452 : i32
      %sign3A_454 = arith.extui %sign3A_453 : i1 to i32
      %sign3A_455 = arith.constant 0 : i32
      %sign3A_456 = arith.cmpi slt, %jit3A_443, %sign3A_455 : i32
      %sign3A_457 = arith.extui %sign3A_456 : i1 to i32
      %sign3A_458 = arith.subi %sign3A_454, %sign3A_457 : i32
      %ne3A_459 = arith.cmpi ne, %sign3A_451, %sign3A_458 : i32
      %rem3A_460 = arith.remsi %add3A_442, %jit3A_443 : i32
      %ne3A_461 = arith.constant 0 : i32
      %ne3A_462 = arith.cmpi ne, %rem3A_460, %ne3A_461 : i32
      %and3A_463 = arith.andi %ne3A_459, %ne3A_462 : i1
      %sub3A_464 = arith.constant 1 : i32
      %sub3A_465 = arith.subi %div3A_444, %sub3A_464 : i32
      %select_n3A_466 = arith.select %and3A_463, %sub3A_465, %div3A_444 : i32
      %mul3A_467 = arith.constant 26 : i32
      %mul3A_468 = arith.muli %select_n3A_466, %mul3A_467 : i32
      %sub3A_469 = arith.subi %add3A_442, %mul3A_468 : i32
      %dma_start3A_470 = arith.constant 0 : i32
      %dma_start3A_471 = tpu.memref_slice %arg10[%select_n3A_466, %sub3A_469, %dma_start3A_470] : memref<8x26x64xf32, #tpu.memory_space<vmem>> -> memref<1x1x64xf32, #tpu.memory_space<vmem>>
      %dma_start3A_472 = tpu.memref_squeeze %dma_start3A_471 : memref<1x1x64xf32, #tpu.memory_space<vmem>> -> memref<64xf32, #tpu.memory_space<vmem>>
      %dma_start3A_473 = arith.constant 0 : i32
      %dma_start3A_474 = tpu.memref_slice %arg4[%squeeze3A_440, %dma_start3A_473] : memref<2600000x64xf32, #tpu.memory_space<hbm>> -> memref<1x64xf32, #tpu.memory_space<hbm>>
      %dma_start3A_475 = tpu.memref_squeeze %dma_start3A_474 : memref<1x64xf32, #tpu.memory_space<hbm>> -> memref<64xf32, #tpu.memory_space<hbm>>
      %dma_start3A_476 = arith.constant 0 : i32
      %dma_start3A_477 = tpu.memref_slice %arg10[%select_n3A_466, %sub3A_469, %dma_start3A_476] : memref<8x26x64xf32, #tpu.memory_space<vmem>> -> memref<1x1x64xf32, #tpu.memory_space<vmem>>
      %dma_start3A_478 = tpu.memref_squeeze %dma_start3A_477 : memref<1x1x64xf32, #tpu.memory_space<vmem>> -> memref<64xf32, #tpu.memory_space<vmem>>
      %dma_start3A_479 = arith.constant 0 : i32
      %dma_start3A_480 = tpu.memref_slice %arg4[%squeeze3A_440, %dma_start3A_479] : memref<2600000x64xf32, #tpu.memory_space<hbm>> -> memref<1x64xf32, #tpu.memory_space<hbm>>
      %dma_start3A_481 = tpu.memref_squeeze %dma_start3A_480 : memref<1x64xf32, #tpu.memory_space<hbm>> -> memref<64xf32, #tpu.memory_space<hbm>>
      tpu.enqueue_dma source(%dma_start3A_481 : memref<64xf32, #tpu.memory_space<hbm>>) target(%dma_start3A_478 : memref<64xf32, #tpu.memory_space<vmem>>) target_semaphore(%arg12 : memref<!tpu.dma_semaphore, #tpu.memory_space<semaphore_mem>>)
      %slice3A_482 = vector.extract_strided_slice %get3A_62 {offsets = [10], sizes = [1], strides = [1]} : vector<16xi32> to vector<1xi32>
      %squeeze3A_483 = vector.extract %slice3A_482[0] : i32 from vector<1xi32>
      %add3A_484 = arith.constant 10 : i32
      %add3A_485 = arith.addi %mul3A_57, %add3A_484 : i32
      %jit3A_486 = arith.constant 26 : i32
      %div3A_487 = arith.divsi %add3A_485, %jit3A_486 : i32
      %sign3A_488 = arith.constant 0 : i32
      %sign3A_489 = arith.cmpi sgt, %add3A_485, %sign3A_488 : i32
      %sign3A_490 = arith.extui %sign3A_489 : i1 to i32
      %sign3A_491 = arith.constant 0 : i32
      %sign3A_492 = arith.cmpi slt, %add3A_485, %sign3A_491 : i32
      %sign3A_493 = arith.extui %sign3A_492 : i1 to i32
      %sign3A_494 = arith.subi %sign3A_490, %sign3A_493 : i32
      %sign3A_495 = arith.constant 0 : i32
      %sign3A_496 = arith.cmpi sgt, %jit3A_486, %sign3A_495 : i32
      %sign3A_497 = arith.extui %sign3A_496 : i1 to i32
      %sign3A_498 = arith.constant 0 : i32
      %sign3A_499 = arith.cmpi slt, %jit3A_486, %sign3A_498 : i32
      %sign3A_500 = arith.extui %sign3A_499 : i1 to i32
      %sign3A_501 = arith.subi %sign3A_497, %sign3A_500 : i32
      %ne3A_502 = arith.cmpi ne, %sign3A_494, %sign3A_501 : i32
      %rem3A_503 = arith.remsi %add3A_485, %jit3A_486 : i32
      %ne3A_504 = arith.constant 0 : i32
      %ne3A_505 = arith.cmpi ne, %rem3A_503, %ne3A_504 : i32
      %and3A_506 = arith.andi %ne3A_502, %ne3A_505 : i1
      %sub3A_507 = arith.constant 1 : i32
      %sub3A_508 = arith.subi %div3A_487, %sub3A_507 : i32
      %select_n3A_509 = arith.select %and3A_506, %sub3A_508, %div3A_487 : i32
      %mul3A_510 = arith.constant 26 : i32
      %mul3A_511 = arith.muli %select_n3A_509, %mul3A_510 : i32
      %sub3A_512 = arith.subi %add3A_485, %mul3A_511 : i32
      %dma_start3A_513 = arith.constant 0 : i32
      %dma_start3A_514 = tpu.memref_slice %arg10[%select_n3A_509, %sub3A_512, %dma_start3A_513] : memref<8x26x64xf32, #tpu.memory_space<vmem>> -> memref<1x1x64xf32, #tpu.memory_space<vmem>>
      %dma_start3A_515 = tpu.memref_squeeze %dma_start3A_514 : memref<1x1x64xf32, #tpu.memory_space<vmem>> -> memref<64xf32, #tpu.memory_space<vmem>>
      %dma_start3A_516 = arith.constant 0 : i32
      %dma_start3A_517 = tpu.memref_slice %arg4[%squeeze3A_483, %dma_start3A_516] : memref<2600000x64xf32, #tpu.memory_space<hbm>> -> memref<1x64xf32, #tpu.memory_space<hbm>>
      %dma_start3A_518 = tpu.memref_squeeze %dma_start3A_517 : memref<1x64xf32, #tpu.memory_space<hbm>> -> memref<64xf32, #tpu.memory_space<hbm>>
      %dma_start3A_519 = arith.constant 0 : i32
      %dma_start3A_520 = tpu.memref_slice %arg10[%select_n3A_509, %sub3A_512, %dma_start3A_519] : memref<8x26x64xf32, #tpu.memory_space<vmem>> -> memref<1x1x64xf32, #tpu.memory_space<vmem>>
      %dma_start3A_521 = tpu.memref_squeeze %dma_start3A_520 : memref<1x1x64xf32, #tpu.memory_space<vmem>> -> memref<64xf32, #tpu.memory_space<vmem>>
      %dma_start3A_522 = arith.constant 0 : i32
      %dma_start3A_523 = tpu.memref_slice %arg4[%squeeze3A_483, %dma_start3A_522] : memref<2600000x64xf32, #tpu.memory_space<hbm>> -> memref<1x64xf32, #tpu.memory_space<hbm>>
      %dma_start3A_524 = tpu.memref_squeeze %dma_start3A_523 : memref<1x64xf32, #tpu.memory_space<hbm>> -> memref<64xf32, #tpu.memory_space<hbm>>
      tpu.enqueue_dma source(%dma_start3A_524 : memref<64xf32, #tpu.memory_space<hbm>>) target(%dma_start3A_521 : memref<64xf32, #tpu.memory_space<vmem>>) target_semaphore(%arg12 : memref<!tpu.dma_semaphore, #tpu.memory_space<semaphore_mem>>)
      %slice3A_525 = vector.extract_strided_slice %get3A_62 {offsets = [11], sizes = [1], strides = [1]} : vector<16xi32> to vector<1xi32>
      %squeeze3A_526 = vector.extract %slice3A_525[0] : i32 from vector<1xi32>
      %add3A_527 = arith.constant 11 : i32
      %add3A_528 = arith.addi %mul3A_57, %add3A_527 : i32
      %jit3A_529 = arith.constant 26 : i32
      %div3A_530 = arith.divsi %add3A_528, %jit3A_529 : i32
      %sign3A_531 = arith.constant 0 : i32
      %sign3A_532 = arith.cmpi sgt, %add3A_528, %sign3A_531 : i32
      %sign3A_533 = arith.extui %sign3A_532 : i1 to i32
      %sign3A_534 = arith.constant 0 : i32
      %sign3A_535 = arith.cmpi slt, %add3A_528, %sign3A_534 : i32
      %sign3A_536 = arith.extui %sign3A_535 : i1 to i32
      %sign3A_537 = arith.subi %sign3A_533, %sign3A_536 : i32
      %sign3A_538 = arith.constant 0 : i32
      %sign3A_539 = arith.cmpi sgt, %jit3A_529, %sign3A_538 : i32
      %sign3A_540 = arith.extui %sign3A_539 : i1 to i32
      %sign3A_541 = arith.constant 0 : i32
      %sign3A_542 = arith.cmpi slt, %jit3A_529, %sign3A_541 : i32
      %sign3A_543 = arith.extui %sign3A_542 : i1 to i32
      %sign3A_544 = arith.subi %sign3A_540, %sign3A_543 : i32
      %ne3A_545 = arith.cmpi ne, %sign3A_537, %sign3A_544 : i32
      %rem3A_546 = arith.remsi %add3A_528, %jit3A_529 : i32
      %ne3A_547 = arith.constant 0 : i32
      %ne3A_548 = arith.cmpi ne, %rem3A_546, %ne3A_547 : i32
      %and3A_549 = arith.andi %ne3A_545, %ne3A_548 : i1
      %sub3A_550 = arith.constant 1 : i32
      %sub3A_551 = arith.subi %div3A_530, %sub3A_550 : i32
      %select_n3A_552 = arith.select %and3A_549, %sub3A_551, %div3A_530 : i32
      %mul3A_553 = arith.constant 26 : i32
      %mul3A_554 = arith.muli %select_n3A_552, %mul3A_553 : i32
      %sub3A_555 = arith.subi %add3A_528, %mul3A_554 : i32
      %dma_start3A_556 = arith.constant 0 : i32
      %dma_start3A_557 = tpu.memref_slice %arg10[%select_n3A_552, %sub3A_555, %dma_start3A_556] : memref<8x26x64xf32, #tpu.memory_space<vmem>> -> memref<1x1x64xf32, #tpu.memory_space<vmem>>
      %dma_start3A_558 = tpu.memref_squeeze %dma_start3A_557 : memref<1x1x64xf32, #tpu.memory_space<vmem>> -> memref<64xf32, #tpu.memory_space<vmem>>
      %dma_start3A_559 = arith.constant 0 : i32
      %dma_start3A_560 = tpu.memref_slice %arg4[%squeeze3A_526, %dma_start3A_559] : memref<2600000x64xf32, #tpu.memory_space<hbm>> -> memref<1x64xf32, #tpu.memory_space<hbm>>
      %dma_start3A_561 = tpu.memref_squeeze %dma_start3A_560 : memref<1x64xf32, #tpu.memory_space<hbm>> -> memref<64xf32, #tpu.memory_space<hbm>>
      %dma_start3A_562 = arith.constant 0 : i32
      %dma_start3A_563 = tpu.memref_slice %arg10[%select_n3A_552, %sub3A_555, %dma_start3A_562] : memref<8x26x64xf32, #tpu.memory_space<vmem>> -> memref<1x1x64xf32, #tpu.memory_space<vmem>>
      %dma_start3A_564 = tpu.memref_squeeze %dma_start3A_563 : memref<1x1x64xf32, #tpu.memory_space<vmem>> -> memref<64xf32, #tpu.memory_space<vmem>>
      %dma_start3A_565 = arith.constant 0 : i32
      %dma_start3A_566 = tpu.memref_slice %arg4[%squeeze3A_526, %dma_start3A_565] : memref<2600000x64xf32, #tpu.memory_space<hbm>> -> memref<1x64xf32, #tpu.memory_space<hbm>>
      %dma_start3A_567 = tpu.memref_squeeze %dma_start3A_566 : memref<1x64xf32, #tpu.memory_space<hbm>> -> memref<64xf32, #tpu.memory_space<hbm>>
      tpu.enqueue_dma source(%dma_start3A_567 : memref<64xf32, #tpu.memory_space<hbm>>) target(%dma_start3A_564 : memref<64xf32, #tpu.memory_space<vmem>>) target_semaphore(%arg12 : memref<!tpu.dma_semaphore, #tpu.memory_space<semaphore_mem>>)
      %slice3A_568 = vector.extract_strided_slice %get3A_62 {offsets = [12], sizes = [1], strides = [1]} : vector<16xi32> to vector<1xi32>
      %squeeze3A_569 = vector.extract %slice3A_568[0] : i32 from vector<1xi32>
      %add3A_570 = arith.constant 12 : i32
      %add3A_571 = arith.addi %mul3A_57, %add3A_570 : i32
      %jit3A_572 = arith.constant 26 : i32
      %div3A_573 = arith.divsi %add3A_571, %jit3A_572 : i32
      %sign3A_574 = arith.constant 0 : i32
      %sign3A_575 = arith.cmpi sgt, %add3A_571, %sign3A_574 : i32
      %sign3A_576 = arith.extui %sign3A_575 : i1 to i32
      %sign3A_577 = arith.constant 0 : i32
      %sign3A_578 = arith.cmpi slt, %add3A_571, %sign3A_577 : i32
      %sign3A_579 = arith.extui %sign3A_578 : i1 to i32
      %sign3A_580 = arith.subi %sign3A_576, %sign3A_579 : i32
      %sign3A_581 = arith.constant 0 : i32
      %sign3A_582 = arith.cmpi sgt, %jit3A_572, %sign3A_581 : i32
      %sign3A_583 = arith.extui %sign3A_582 : i1 to i32
      %sign3A_584 = arith.constant 0 : i32
      %sign3A_585 = arith.cmpi slt, %jit3A_572, %sign3A_584 : i32
      %sign3A_586 = arith.extui %sign3A_585 : i1 to i32
      %sign3A_587 = arith.subi %sign3A_583, %sign3A_586 : i32
      %ne3A_588 = arith.cmpi ne, %sign3A_580, %sign3A_587 : i32
      %rem3A_589 = arith.remsi %add3A_571, %jit3A_572 : i32
      %ne3A_590 = arith.constant 0 : i32
      %ne3A_591 = arith.cmpi ne, %rem3A_589, %ne3A_590 : i32
      %and3A_592 = arith.andi %ne3A_588, %ne3A_591 : i1
      %sub3A_593 = arith.constant 1 : i32
      %sub3A_594 = arith.subi %div3A_573, %sub3A_593 : i32
      %select_n3A_595 = arith.select %and3A_592, %sub3A_594, %div3A_573 : i32
      %mul3A_596 = arith.constant 26 : i32
      %mul3A_597 = arith.muli %select_n3A_595, %mul3A_596 : i32
      %sub3A_598 = arith.subi %add3A_571, %mul3A_597 : i32
      %dma_start3A_599 = arith.constant 0 : i32
      %dma_start3A_600 = tpu.memref_slice %arg10[%select_n3A_595, %sub3A_598, %dma_start3A_599] : memref<8x26x64xf32, #tpu.memory_space<vmem>> -> memref<1x1x64xf32, #tpu.memory_space<vmem>>
      %dma_start3A_601 = tpu.memref_squeeze %dma_start3A_600 : memref<1x1x64xf32, #tpu.memory_space<vmem>> -> memref<64xf32, #tpu.memory_space<vmem>>
      %dma_start3A_602 = arith.constant 0 : i32
      %dma_start3A_603 = tpu.memref_slice %arg4[%squeeze3A_569, %dma_start3A_602] : memref<2600000x64xf32, #tpu.memory_space<hbm>> -> memref<1x64xf32, #tpu.memory_space<hbm>>
      %dma_start3A_604 = tpu.memref_squeeze %dma_start3A_603 : memref<1x64xf32, #tpu.memory_space<hbm>> -> memref<64xf32, #tpu.memory_space<hbm>>
      %dma_start3A_605 = arith.constant 0 : i32
      %dma_start3A_606 = tpu.memref_slice %arg10[%select_n3A_595, %sub3A_598, %dma_start3A_605] : memref<8x26x64xf32, #tpu.memory_space<vmem>> -> memref<1x1x64xf32, #tpu.memory_space<vmem>>
      %dma_start3A_607 = tpu.memref_squeeze %dma_start3A_606 : memref<1x1x64xf32, #tpu.memory_space<vmem>> -> memref<64xf32, #tpu.memory_space<vmem>>
      %dma_start3A_608 = arith.constant 0 : i32
      %dma_start3A_609 = tpu.memref_slice %arg4[%squeeze3A_569, %dma_start3A_608] : memref<2600000x64xf32, #tpu.memory_space<hbm>> -> memref<1x64xf32, #tpu.memory_space<hbm>>
      %dma_start3A_610 = tpu.memref_squeeze %dma_start3A_609 : memref<1x64xf32, #tpu.memory_space<hbm>> -> memref<64xf32, #tpu.memory_space<hbm>>
      tpu.enqueue_dma source(%dma_start3A_610 : memref<64xf32, #tpu.memory_space<hbm>>) target(%dma_start3A_607 : memref<64xf32, #tpu.memory_space<vmem>>) target_semaphore(%arg12 : memref<!tpu.dma_semaphore, #tpu.memory_space<semaphore_mem>>)
      %slice3A_611 = vector.extract_strided_slice %get3A_62 {offsets = [13], sizes = [1], strides = [1]} : vector<16xi32> to vector<1xi32>
      %squeeze3A_612 = vector.extract %slice3A_611[0] : i32 from vector<1xi32>
      %add3A_613 = arith.constant 13 : i32
      %add3A_614 = arith.addi %mul3A_57, %add3A_613 : i32
      %jit3A_615 = arith.constant 26 : i32
      %div3A_616 = arith.divsi %add3A_614, %jit3A_615 : i32
      %sign3A_617 = arith.constant 0 : i32
      %sign3A_618 = arith.cmpi sgt, %add3A_614, %sign3A_617 : i32
      %sign3A_619 = arith.extui %sign3A_618 : i1 to i32
      %sign3A_620 = arith.constant 0 : i32
      %sign3A_621 = arith.cmpi slt, %add3A_614, %sign3A_620 : i32
      %sign3A_622 = arith.extui %sign3A_621 : i1 to i32
      %sign3A_623 = arith.subi %sign3A_619, %sign3A_622 : i32
      %sign3A_624 = arith.constant 0 : i32
      %sign3A_625 = arith.cmpi sgt, %jit3A_615, %sign3A_624 : i32
      %sign3A_626 = arith.extui %sign3A_625 : i1 to i32
      %sign3A_627 = arith.constant 0 : i32
      %sign3A_628 = arith.cmpi slt, %jit3A_615, %sign3A_627 : i32
      %sign3A_629 = arith.extui %sign3A_628 : i1 to i32
      %sign3A_630 = arith.subi %sign3A_626, %sign3A_629 : i32
      %ne3A_631 = arith.cmpi ne, %sign3A_623, %sign3A_630 : i32
      %rem3A_632 = arith.remsi %add3A_614, %jit3A_615 : i32
      %ne3A_633 = arith.constant 0 : i32
      %ne3A_634 = arith.cmpi ne, %rem3A_632, %ne3A_633 : i32
      %and3A_635 = arith.andi %ne3A_631, %ne3A_634 : i1
      %sub3A_636 = arith.constant 1 : i32
      %sub3A_637 = arith.subi %div3A_616, %sub3A_636 : i32
      %select_n3A_638 = arith.select %and3A_635, %sub3A_637, %div3A_616 : i32
      %mul3A_639 = arith.constant 26 : i32
      %mul3A_640 = arith.muli %select_n3A_638, %mul3A_639 : i32
      %sub3A_641 = arith.subi %add3A_614, %mul3A_640 : i32
      %dma_start3A_642 = arith.constant 0 : i32
      %dma_start3A_643 = tpu.memref_slice %arg10[%select_n3A_638, %sub3A_641, %dma_start3A_642] : memref<8x26x64xf32, #tpu.memory_space<vmem>> -> memref<1x1x64xf32, #tpu.memory_space<vmem>>
      %dma_start3A_644 = tpu.memref_squeeze %dma_start3A_643 : memref<1x1x64xf32, #tpu.memory_space<vmem>> -> memref<64xf32, #tpu.memory_space<vmem>>
      %dma_start3A_645 = arith.constant 0 : i32
      %dma_start3A_646 = tpu.memref_slice %arg4[%squeeze3A_612, %dma_start3A_645] : memref<2600000x64xf32, #tpu.memory_space<hbm>> -> memref<1x64xf32, #tpu.memory_space<hbm>>
      %dma_start3A_647 = tpu.memref_squeeze %dma_start3A_646 : memref<1x64xf32, #tpu.memory_space<hbm>> -> memref<64xf32, #tpu.memory_space<hbm>>
      %dma_start3A_648 = arith.constant 0 : i32
      %dma_start3A_649 = tpu.memref_slice %arg10[%select_n3A_638, %sub3A_641, %dma_start3A_648] : memref<8x26x64xf32, #tpu.memory_space<vmem>> -> memref<1x1x64xf32, #tpu.memory_space<vmem>>
      %dma_start3A_650 = tpu.memref_squeeze %dma_start3A_649 : memref<1x1x64xf32, #tpu.memory_space<vmem>> -> memref<64xf32, #tpu.memory_space<vmem>>
      %dma_start3A_651 = arith.constant 0 : i32
      %dma_start3A_652 = tpu.memref_slice %arg4[%squeeze3A_612, %dma_start3A_651] : memref<2600000x64xf32, #tpu.memory_space<hbm>> -> memref<1x64xf32, #tpu.memory_space<hbm>>
      %dma_start3A_653 = tpu.memref_squeeze %dma_start3A_652 : memref<1x64xf32, #tpu.memory_space<hbm>> -> memref<64xf32, #tpu.memory_space<hbm>>
      tpu.enqueue_dma source(%dma_start3A_653 : memref<64xf32, #tpu.memory_space<hbm>>) target(%dma_start3A_650 : memref<64xf32, #tpu.memory_space<vmem>>) target_semaphore(%arg12 : memref<!tpu.dma_semaphore, #tpu.memory_space<semaphore_mem>>)
      %slice3A_654 = vector.extract_strided_slice %get3A_62 {offsets = [14], sizes = [1], strides = [1]} : vector<16xi32> to vector<1xi32>
      %squeeze3A_655 = vector.extract %slice3A_654[0] : i32 from vector<1xi32>
      %add3A_656 = arith.constant 14 : i32
      %add3A_657 = arith.addi %mul3A_57, %add3A_656 : i32
      %jit3A_658 = arith.constant 26 : i32
      %div3A_659 = arith.divsi %add3A_657, %jit3A_658 : i32
      %sign3A_660 = arith.constant 0 : i32
      %sign3A_661 = arith.cmpi sgt, %add3A_657, %sign3A_660 : i32
      %sign3A_662 = arith.extui %sign3A_661 : i1 to i32
      %sign3A_663 = arith.constant 0 : i32
      %sign3A_664 = arith.cmpi slt, %add3A_657, %sign3A_663 : i32
      %sign3A_665 = arith.extui %sign3A_664 : i1 to i32
      %sign3A_666 = arith.subi %sign3A_662, %sign3A_665 : i32
      %sign3A_667 = arith.constant 0 : i32
      %sign3A_668 = arith.cmpi sgt, %jit3A_658, %sign3A_667 : i32
      %sign3A_669 = arith.extui %sign3A_668 : i1 to i32
      %sign3A_670 = arith.constant 0 : i32
      %sign3A_671 = arith.cmpi slt, %jit3A_658, %sign3A_670 : i32
      %sign3A_672 = arith.extui %sign3A_671 : i1 to i32
      %sign3A_673 = arith.subi %sign3A_669, %sign3A_672 : i32
      %ne3A_674 = arith.cmpi ne, %sign3A_666, %sign3A_673 : i32
      %rem3A_675 = arith.remsi %add3A_657, %jit3A_658 : i32
      %ne3A_676 = arith.constant 0 : i32
      %ne3A_677 = arith.cmpi ne, %rem3A_675, %ne3A_676 : i32
      %and3A_678 = arith.andi %ne3A_674, %ne3A_677 : i1
      %sub3A_679 = arith.constant 1 : i32
      %sub3A_680 = arith.subi %div3A_659, %sub3A_679 : i32
      %select_n3A_681 = arith.select %and3A_678, %sub3A_680, %div3A_659 : i32
      %mul3A_682 = arith.constant 26 : i32
      %mul3A_683 = arith.muli %select_n3A_681, %mul3A_682 : i32
      %sub3A_684 = arith.subi %add3A_657, %mul3A_683 : i32
      %dma_start3A_685 = arith.constant 0 : i32
      %dma_start3A_686 = tpu.memref_slice %arg10[%select_n3A_681, %sub3A_684, %dma_start3A_685] : memref<8x26x64xf32, #tpu.memory_space<vmem>> -> memref<1x1x64xf32, #tpu.memory_space<vmem>>
      %dma_start3A_687 = tpu.memref_squeeze %dma_start3A_686 : memref<1x1x64xf32, #tpu.memory_space<vmem>> -> memref<64xf32, #tpu.memory_space<vmem>>
      %dma_start3A_688 = arith.constant 0 : i32
      %dma_start3A_689 = tpu.memref_slice %arg4[%squeeze3A_655, %dma_start3A_688] : memref<2600000x64xf32, #tpu.memory_space<hbm>> -> memref<1x64xf32, #tpu.memory_space<hbm>>
      %dma_start3A_690 = tpu.memref_squeeze %dma_start3A_689 : memref<1x64xf32, #tpu.memory_space<hbm>> -> memref<64xf32, #tpu.memory_space<hbm>>
      %dma_start3A_691 = arith.constant 0 : i32
      %dma_start3A_692 = tpu.memref_slice %arg10[%select_n3A_681, %sub3A_684, %dma_start3A_691] : memref<8x26x64xf32, #tpu.memory_space<vmem>> -> memref<1x1x64xf32, #tpu.memory_space<vmem>>
      %dma_start3A_693 = tpu.memref_squeeze %dma_start3A_692 : memref<1x1x64xf32, #tpu.memory_space<vmem>> -> memref<64xf32, #tpu.memory_space<vmem>>
      %dma_start3A_694 = arith.constant 0 : i32
      %dma_start3A_695 = tpu.memref_slice %arg4[%squeeze3A_655, %dma_start3A_694] : memref<2600000x64xf32, #tpu.memory_space<hbm>> -> memref<1x64xf32, #tpu.memory_space<hbm>>
      %dma_start3A_696 = tpu.memref_squeeze %dma_start3A_695 : memref<1x64xf32, #tpu.memory_space<hbm>> -> memref<64xf32, #tpu.memory_space<hbm>>
      tpu.enqueue_dma source(%dma_start3A_696 : memref<64xf32, #tpu.memory_space<hbm>>) target(%dma_start3A_693 : memref<64xf32, #tpu.memory_space<vmem>>) target_semaphore(%arg12 : memref<!tpu.dma_semaphore, #tpu.memory_space<semaphore_mem>>)
      %slice3A_697 = vector.extract_strided_slice %get3A_62 {offsets = [15], sizes = [1], strides = [1]} : vector<16xi32> to vector<1xi32>
      %squeeze3A_698 = vector.extract %slice3A_697[0] : i32 from vector<1xi32>
      %add3A_699 = arith.constant 15 : i32
      %add3A_700 = arith.addi %mul3A_57, %add3A_699 : i32
      %jit3A_701 = arith.constant 26 : i32
      %div3A_702 = arith.divsi %add3A_700, %jit3A_701 : i32
      %sign3A_703 = arith.constant 0 : i32
      %sign3A_704 = arith.cmpi sgt, %add3A_700, %sign3A_703 : i32
      %sign3A_705 = arith.extui %sign3A_704 : i1 to i32
      %sign3A_706 = arith.constant 0 : i32
      %sign3A_707 = arith.cmpi slt, %add3A_700, %sign3A_706 : i32
      %sign3A_708 = arith.extui %sign3A_707 : i1 to i32
      %sign3A_709 = arith.subi %sign3A_705, %sign3A_708 : i32
      %sign3A_710 = arith.constant 0 : i32
      %sign3A_711 = arith.cmpi sgt, %jit3A_701, %sign3A_710 : i32
      %sign3A_712 = arith.extui %sign3A_711 : i1 to i32
      %sign3A_713 = arith.constant 0 : i32
      %sign3A_714 = arith.cmpi slt, %jit3A_701, %sign3A_713 : i32
      %sign3A_715 = arith.extui %sign3A_714 : i1 to i32
      %sign3A_716 = arith.subi %sign3A_712, %sign3A_715 : i32
      %ne3A_717 = arith.cmpi ne, %sign3A_709, %sign3A_716 : i32
      %rem3A_718 = arith.remsi %add3A_700, %jit3A_701 : i32
      %ne3A_719 = arith.constant 0 : i32
      %ne3A_720 = arith.cmpi ne, %rem3A_718, %ne3A_719 : i32
      %and3A_721 = arith.andi %ne3A_717, %ne3A_720 : i1
      %sub3A_722 = arith.constant 1 : i32
      %sub3A_723 = arith.subi %div3A_702, %sub3A_722 : i32
      %select_n3A_724 = arith.select %and3A_721, %sub3A_723, %div3A_702 : i32
      %mul3A_725 = arith.constant 26 : i32
      %mul3A_726 = arith.muli %select_n3A_724, %mul3A_725 : i32
      %sub3A_727 = arith.subi %add3A_700, %mul3A_726 : i32
      %dma_start3A_728 = arith.constant 0 : i32
      %dma_start3A_729 = tpu.memref_slice %arg10[%select_n3A_724, %sub3A_727, %dma_start3A_728] : memref<8x26x64xf32, #tpu.memory_space<vmem>> -> memref<1x1x64xf32, #tpu.memory_space<vmem>>
      %dma_start3A_730 = tpu.memref_squeeze %dma_start3A_729 : memref<1x1x64xf32, #tpu.memory_space<vmem>> -> memref<64xf32, #tpu.memory_space<vmem>>
      %dma_start3A_731 = arith.constant 0 : i32
      %dma_start3A_732 = tpu.memref_slice %arg4[%squeeze3A_698, %dma_start3A_731] : memref<2600000x64xf32, #tpu.memory_space<hbm>> -> memref<1x64xf32, #tpu.memory_space<hbm>>
      %dma_start3A_733 = tpu.memref_squeeze %dma_start3A_732 : memref<1x64xf32, #tpu.memory_space<hbm>> -> memref<64xf32, #tpu.memory_space<hbm>>
      %dma_start3A_734 = arith.constant 0 : i32
      %dma_start3A_735 = tpu.memref_slice %arg10[%select_n3A_724, %sub3A_727, %dma_start3A_734] : memref<8x26x64xf32, #tpu.memory_space<vmem>> -> memref<1x1x64xf32, #tpu.memory_space<vmem>>
      %dma_start3A_736 = tpu.memref_squeeze %dma_start3A_735 : memref<1x1x64xf32, #tpu.memory_space<vmem>> -> memref<64xf32, #tpu.memory_space<vmem>>
      %dma_start3A_737 = arith.constant 0 : i32
      %dma_start3A_738 = tpu.memref_slice %arg4[%squeeze3A_698, %dma_start3A_737] : memref<2600000x64xf32, #tpu.memory_space<hbm>> -> memref<1x64xf32, #tpu.memory_space<hbm>>
      %dma_start3A_739 = tpu.memref_squeeze %dma_start3A_738 : memref<1x64xf32, #tpu.memory_space<hbm>> -> memref<64xf32, #tpu.memory_space<hbm>>
      tpu.enqueue_dma source(%dma_start3A_739 : memref<64xf32, #tpu.memory_space<hbm>>) target(%dma_start3A_736 : memref<64xf32, #tpu.memory_space<vmem>>) target_semaphore(%arg12 : memref<!tpu.dma_semaphore, #tpu.memory_space<semaphore_mem>>)
      %scan3A_740 = arith.constant 0 : i32
      scf.yield %scan3A_740 : i32
    }
    %scan3A_27 = arith.constant 13 : i32
    %scan3A_28 = arith.constant 0 : i32
    %scan3A_29 = arith.constant 0 : i32
    %scan3A_30 = arith.constant 7 : i32
    %scan3A_31 = arith.addi %scan3A_29, %scan3A_30 : i32
    %scan3A_32 = arith.constant 1 : i32
    %scan3A_33 = scf.for %scan3A_54 = %scan3A_29 to %scan3A_31 step %scan3A_32 iter_args(%scan3A_55 = %scan3A_28) -> (i32)  : i32 {
      %mul3A_56 = arith.constant 2 : i32
      %mul3A_57 = arith.muli %mul3A_56, %scan3A_54 : i32
      %add3A_58 = arith.constant 0 : i32
      %add3A_59 = arith.addi %mul3A_57, %add3A_58 : i32
      %dma_wait3A_60 = arith.constant 0 : i32
      %dma_wait3A_61 = arith.constant 0 : i32
      %dma_wait3A_62 = arith.constant 0 : i32
      %dma_wait3A_63 = tpu.memref_slice %arg5[%dma_wait3A_60, %dma_wait3A_61, %dma_wait3A_62] : memref<4096x26x64xf32, #tpu.memory_space<hbm>> -> memref<8x26x64xf32, #tpu.memory_space<hbm>>
      %dma_wait3A_64 = arith.constant 0 : i32
      %dma_wait3A_65 = arith.constant 0 : i32
      %dma_wait3A_66 = arith.constant 0 : i32
      %dma_wait3A_67 = tpu.memref_slice %arg5[%dma_wait3A_64, %dma_wait3A_65, %dma_wait3A_66] : memref<4096x26x64xf32, #tpu.memory_space<hbm>> -> memref<8x26x64xf32, #tpu.memory_space<hbm>>
      tpu.wait_dma2 semaphore(%arg11 : memref<!tpu.dma_semaphore, #tpu.memory_space<semaphore_mem>>) src(%dma_wait3A_67 : memref<8x26x64xf32, #tpu.memory_space<hbm>>) dst(%arg9 : memref<8x26x64xf32, #tpu.memory_space<vmem>>)
      %mul3A_68 = arith.constant 8 : i32
      %mul3A_69 = arith.muli %add3A_59, %mul3A_68 : i32
      %add3A_70 = arith.addi %mul3A_2, %mul3A_69 : i32
      "tpu.region"() ({
        %run_scoped3A = tpu.sem_alloc : memref<!tpu.dma_semaphore, #tpu.memory_space<semaphore_mem>>
        %dma_start3A = arith.constant 0 : i32
        %dma_start3A_105 = arith.constant 0 : i32
        %dma_start3A_106 = tpu.memref_slice %arg5[%add3A_70, %dma_start3A, %dma_start3A_105] : memref<4096x26x64xf32, #tpu.memory_space<hbm>> -> memref<8x26x64xf32, #tpu.memory_space<hbm>>
        %dma_start3A_107 = arith.constant 0 : i32
        %dma_start3A_108 = arith.constant 0 : i32
        %dma_start3A_109 = tpu.memref_slice %arg5[%add3A_70, %dma_start3A_107, %dma_start3A_108] : memref<4096x26x64xf32, #tpu.memory_space<hbm>> -> memref<8x26x64xf32, #tpu.memory_space<hbm>>
        tpu.enqueue_dma source(%arg9 : memref<8x26x64xf32, #tpu.memory_space<vmem>>) target(%dma_start3A_109 : memref<8x26x64xf32, #tpu.memory_space<hbm>>) target_semaphore(%run_scoped3A : memref<!tpu.dma_semaphore, #tpu.memory_space<semaphore_mem>>)
        %dma_wait3A_110 = arith.constant 0 : i32
        %dma_wait3A_111 = arith.constant 0 : i32
        %dma_wait3A_112 = tpu.memref_slice %arg5[%add3A_70, %dma_wait3A_110, %dma_wait3A_111] : memref<4096x26x64xf32, #tpu.memory_space<hbm>> -> memref<8x26x64xf32, #tpu.memory_space<hbm>>
        %dma_wait3A_113 = arith.constant 0 : i32
        %dma_wait3A_114 = arith.constant 0 : i32
        %dma_wait3A_115 = tpu.memref_slice %arg5[%add3A_70, %dma_wait3A_113, %dma_wait3A_114] : memref<4096x26x64xf32, #tpu.memory_space<hbm>> -> memref<8x26x64xf32, #tpu.memory_space<hbm>>
        tpu.wait_dma2 semaphore(%run_scoped3A : memref<!tpu.dma_semaphore, #tpu.memory_space<semaphore_mem>>) src(%arg9 : memref<8x26x64xf32, #tpu.memory_space<vmem>>) dst(%dma_wait3A_115 : memref<8x26x64xf32, #tpu.memory_space<hbm>>)
        tpu.yield
      }) : () -> ()
      %add3A_71 = arith.constant 2 : i32
      %add3A_72 = arith.addi %add3A_59, %add3A_71 : i32
      %scan3A_73 = arith.constant 0 : i32
      %scan3A_74 = arith.constant 0 : i32
      %scan3A_75 = arith.constant 13 : i32
      %scan3A_76 = arith.addi %scan3A_74, %scan3A_75 : i32
      %scan3A_77 = arith.constant 1 : i32
      %scan3A_78 = scf.for %scan3A_105 = %scan3A_74 to %scan3A_76 step %scan3A_77 iter_args(%scan3A_106 = %scan3A_73) -> (i32)  : i32 {
        %mul3A_107 = arith.constant 16 : i32
        %mul3A_108 = arith.muli %scan3A_105, %mul3A_107 : i32
        %mul3A_109 = arith.constant 208 : i32
        %mul3A_110 = arith.muli %add3A_72, %mul3A_109 : i32
        %add3A_111 = arith.addi %mul3A_110, %mul3A_108 : i32
        %get3A_112 = arith.index_cast %add3A_111 : i32 to index
        %get3A_113 = tpu.vector_load %arg8[%get3A_112] {strides = array<i32>} : memref<3328xi32, #tpu.memory_space<vmem>>, vector<16xi32>,
        %get3A_114 = vector.shape_cast %get3A_113 : vector<16xi32> to vector<16xi32>
        %slice3A = vector.extract_strided_slice %get3A_114 {offsets = [0], sizes = [1], strides = [1]} : vector<16xi32> to vector<1xi32>
        %squeeze3A = vector.extract %slice3A[0] : i32 from vector<1xi32>
        %add3A_115 = arith.constant 0 : i32
        %add3A_116 = arith.addi %mul3A_108, %add3A_115 : i32
        %jit3A = arith.constant 26 : i32
        %div3A = arith.divsi %add3A_116, %jit3A : i32
        %sign3A = arith.constant 0 : i32
        %sign3A_117 = arith.cmpi sgt, %add3A_116, %sign3A : i32
        %sign3A_118 = arith.extui %sign3A_117 : i1 to i32
        %sign3A_119 = arith.constant 0 : i32
        %sign3A_120 = arith.cmpi slt, %add3A_116, %sign3A_119 : i32
        %sign3A_121 = arith.extui %sign3A_120 : i1 to i32
        %sign3A_122 = arith.subi %sign3A_118, %sign3A_121 : i32
        %sign3A_123 = arith.constant 0 : i32
        %sign3A_124 = arith.cmpi sgt, %jit3A, %sign3A_123 : i32
        %sign3A_125 = arith.extui %sign3A_124 : i1 to i32
        %sign3A_126 = arith.constant 0 : i32
        %sign3A_127 = arith.cmpi slt, %jit3A, %sign3A_126 : i32
        %sign3A_128 = arith.extui %sign3A_127 : i1 to i32
        %sign3A_129 = arith.subi %sign3A_125, %sign3A_128 : i32
        %ne3A = arith.cmpi ne, %sign3A_122, %sign3A_129 : i32
        %rem3A = arith.remsi %add3A_116, %jit3A : i32
        %ne3A_130 = arith.constant 0 : i32
        %ne3A_131 = arith.cmpi ne, %rem3A, %ne3A_130 : i32
        %and3A = arith.andi %ne3A, %ne3A_131 : i1
        %sub3A = arith.constant 1 : i32
        %sub3A_132 = arith.subi %div3A, %sub3A : i32
        %select_n3A = arith.select %and3A, %sub3A_132, %div3A : i32
        %mul3A_133 = arith.constant 26 : i32
        %mul3A_134 = arith.muli %select_n3A, %mul3A_133 : i32
        %sub3A_135 = arith.subi %add3A_116, %mul3A_134 : i32
        %dma_start3A = arith.constant 0 : i32
        %dma_start3A_136 = tpu.memref_slice %arg9[%select_n3A, %sub3A_135, %dma_start3A] : memref<8x26x64xf32, #tpu.memory_space<vmem>> -> memref<1x1x64xf32, #tpu.memory_space<vmem>>
        %dma_start3A_137 = tpu.memref_squeeze %dma_start3A_136 : memref<1x1x64xf32, #tpu.memory_space<vmem>> -> memref<64xf32, #tpu.memory_space<vmem>>
        %dma_start3A_138 = arith.constant 0 : i32
        %dma_start3A_139 = tpu.memref_slice %arg4[%squeeze3A, %dma_start3A_138] : memref<2600000x64xf32, #tpu.memory_space<hbm>> -> memref<1x64xf32, #tpu.memory_space<hbm>>
        %dma_start3A_140 = tpu.memref_squeeze %dma_start3A_139 : memref<1x64xf32, #tpu.memory_space<hbm>> -> memref<64xf32, #tpu.memory_space<hbm>>
        %dma_start3A_141 = arith.constant 0 : i32
        %dma_start3A_142 = tpu.memref_slice %arg9[%select_n3A, %sub3A_135, %dma_start3A_141] : memref<8x26x64xf32, #tpu.memory_space<vmem>> -> memref<1x1x64xf32, #tpu.memory_space<vmem>>
        %dma_start3A_143 = tpu.memref_squeeze %dma_start3A_142 : memref<1x1x64xf32, #tpu.memory_space<vmem>> -> memref<64xf32, #tpu.memory_space<vmem>>
        %dma_start3A_144 = arith.constant 0 : i32
        %dma_start3A_145 = tpu.memref_slice %arg4[%squeeze3A, %dma_start3A_144] : memref<2600000x64xf32, #tpu.memory_space<hbm>> -> memref<1x64xf32, #tpu.memory_space<hbm>>
        %dma_start3A_146 = tpu.memref_squeeze %dma_start3A_145 : memref<1x64xf32, #tpu.memory_space<hbm>> -> memref<64xf32, #tpu.memory_space<hbm>>
        tpu.enqueue_dma source(%dma_start3A_146 : memref<64xf32, #tpu.memory_space<hbm>>) target(%dma_start3A_143 : memref<64xf32, #tpu.memory_space<vmem>>) target_semaphore(%arg11 : memref<!tpu.dma_semaphore, #tpu.memory_space<semaphore_mem>>)
        %slice3A_147 = vector.extract_strided_slice %get3A_114 {offsets = [1], sizes = [1], strides = [1]} : vector<16xi32> to vector<1xi32>
        %squeeze3A_148 = vector.extract %slice3A_147[0] : i32 from vector<1xi32>
        %add3A_149 = arith.constant 1 : i32
        %add3A_150 = arith.addi %mul3A_108, %add3A_149 : i32
        %jit3A_151 = arith.constant 26 : i32
        %div3A_152 = arith.divsi %add3A_150, %jit3A_151 : i32
        %sign3A_153 = arith.constant 0 : i32
        %sign3A_154 = arith.cmpi sgt, %add3A_150, %sign3A_153 : i32
        %sign3A_155 = arith.extui %sign3A_154 : i1 to i32
        %sign3A_156 = arith.constant 0 : i32
        %sign3A_157 = arith.cmpi slt, %add3A_150, %sign3A_156 : i32
        %sign3A_158 = arith.extui %sign3A_157 : i1 to i32
        %sign3A_159 = arith.subi %sign3A_155, %sign3A_158 : i32
        %sign3A_160 = arith.constant 0 : i32
        %sign3A_161 = arith.cmpi sgt, %jit3A_151, %sign3A_160 : i32
        %sign3A_162 = arith.extui %sign3A_161 : i1 to i32
        %sign3A_163 = arith.constant 0 : i32
        %sign3A_164 = arith.cmpi slt, %jit3A_151, %sign3A_163 : i32
        %sign3A_165 = arith.extui %sign3A_164 : i1 to i32
        %sign3A_166 = arith.subi %sign3A_162, %sign3A_165 : i32
        %ne3A_167 = arith.cmpi ne, %sign3A_159, %sign3A_166 : i32
        %rem3A_168 = arith.remsi %add3A_150, %jit3A_151 : i32
        %ne3A_169 = arith.constant 0 : i32
        %ne3A_170 = arith.cmpi ne, %rem3A_168, %ne3A_169 : i32
        %and3A_171 = arith.andi %ne3A_167, %ne3A_170 : i1
        %sub3A_172 = arith.constant 1 : i32
        %sub3A_173 = arith.subi %div3A_152, %sub3A_172 : i32
        %select_n3A_174 = arith.select %and3A_171, %sub3A_173, %div3A_152 : i32
        %mul3A_175 = arith.constant 26 : i32
        %mul3A_176 = arith.muli %select_n3A_174, %mul3A_175 : i32
        %sub3A_177 = arith.subi %add3A_150, %mul3A_176 : i32
        %dma_start3A_178 = arith.constant 0 : i32
        %dma_start3A_179 = tpu.memref_slice %arg9[%select_n3A_174, %sub3A_177, %dma_start3A_178] : memref<8x26x64xf32, #tpu.memory_space<vmem>> -> memref<1x1x64xf32, #tpu.memory_space<vmem>>
        %dma_start3A_180 = tpu.memref_squeeze %dma_start3A_179 : memref<1x1x64xf32, #tpu.memory_space<vmem>> -> memref<64xf32, #tpu.memory_space<vmem>>
        %dma_start3A_181 = arith.constant 0 : i32
        %dma_start3A_182 = tpu.memref_slice %arg4[%squeeze3A_148, %dma_start3A_181] : memref<2600000x64xf32, #tpu.memory_space<hbm>> -> memref<1x64xf32, #tpu.memory_space<hbm>>
        %dma_start3A_183 = tpu.memref_squeeze %dma_start3A_182 : memref<1x64xf32, #tpu.memory_space<hbm>> -> memref<64xf32, #tpu.memory_space<hbm>>
        %dma_start3A_184 = arith.constant 0 : i32
        %dma_start3A_185 = tpu.memref_slice %arg9[%select_n3A_174, %sub3A_177, %dma_start3A_184] : memref<8x26x64xf32, #tpu.memory_space<vmem>> -> memref<1x1x64xf32, #tpu.memory_space<vmem>>
        %dma_start3A_186 = tpu.memref_squeeze %dma_start3A_185 : memref<1x1x64xf32, #tpu.memory_space<vmem>> -> memref<64xf32, #tpu.memory_space<vmem>>
        %dma_start3A_187 = arith.constant 0 : i32
        %dma_start3A_188 = tpu.memref_slice %arg4[%squeeze3A_148, %dma_start3A_187] : memref<2600000x64xf32, #tpu.memory_space<hbm>> -> memref<1x64xf32, #tpu.memory_space<hbm>>
        %dma_start3A_189 = tpu.memref_squeeze %dma_start3A_188 : memref<1x64xf32, #tpu.memory_space<hbm>> -> memref<64xf32, #tpu.memory_space<hbm>>
        tpu.enqueue_dma source(%dma_start3A_189 : memref<64xf32, #tpu.memory_space<hbm>>) target(%dma_start3A_186 : memref<64xf32, #tpu.memory_space<vmem>>) target_semaphore(%arg11 : memref<!tpu.dma_semaphore, #tpu.memory_space<semaphore_mem>>)
        %slice3A_190 = vector.extract_strided_slice %get3A_114 {offsets = [2], sizes = [1], strides = [1]} : vector<16xi32> to vector<1xi32>
        %squeeze3A_191 = vector.extract %slice3A_190[0] : i32 from vector<1xi32>
        %add3A_192 = arith.constant 2 : i32
        %add3A_193 = arith.addi %mul3A_108, %add3A_192 : i32
        %jit3A_194 = arith.constant 26 : i32
        %div3A_195 = arith.divsi %add3A_193, %jit3A_194 : i32
        %sign3A_196 = arith.constant 0 : i32
        %sign3A_197 = arith.cmpi sgt, %add3A_193, %sign3A_196 : i32
        %sign3A_198 = arith.extui %sign3A_197 : i1 to i32
        %sign3A_199 = arith.constant 0 : i32
        %sign3A_200 = arith.cmpi slt, %add3A_193, %sign3A_199 : i32
        %sign3A_201 = arith.extui %sign3A_200 : i1 to i32
        %sign3A_202 = arith.subi %sign3A_198, %sign3A_201 : i32
        %sign3A_203 = arith.constant 0 : i32
        %sign3A_204 = arith.cmpi sgt, %jit3A_194, %sign3A_203 : i32
        %sign3A_205 = arith.extui %sign3A_204 : i1 to i32
        %sign3A_206 = arith.constant 0 : i32
        %sign3A_207 = arith.cmpi slt, %jit3A_194, %sign3A_206 : i32
        %sign3A_208 = arith.extui %sign3A_207 : i1 to i32
        %sign3A_209 = arith.subi %sign3A_205, %sign3A_208 : i32
        %ne3A_210 = arith.cmpi ne, %sign3A_202, %sign3A_209 : i32
        %rem3A_211 = arith.remsi %add3A_193, %jit3A_194 : i32
        %ne3A_212 = arith.constant 0 : i32
        %ne3A_213 = arith.cmpi ne, %rem3A_211, %ne3A_212 : i32
        %and3A_214 = arith.andi %ne3A_210, %ne3A_213 : i1
        %sub3A_215 = arith.constant 1 : i32
        %sub3A_216 = arith.subi %div3A_195, %sub3A_215 : i32
        %select_n3A_217 = arith.select %and3A_214, %sub3A_216, %div3A_195 : i32
        %mul3A_218 = arith.constant 26 : i32
        %mul3A_219 = arith.muli %select_n3A_217, %mul3A_218 : i32
        %sub3A_220 = arith.subi %add3A_193, %mul3A_219 : i32
        %dma_start3A_221 = arith.constant 0 : i32
        %dma_start3A_222 = tpu.memref_slice %arg9[%select_n3A_217, %sub3A_220, %dma_start3A_221] : memref<8x26x64xf32, #tpu.memory_space<vmem>> -> memref<1x1x64xf32, #tpu.memory_space<vmem>>
        %dma_start3A_223 = tpu.memref_squeeze %dma_start3A_222 : memref<1x1x64xf32, #tpu.memory_space<vmem>> -> memref<64xf32, #tpu.memory_space<vmem>>
        %dma_start3A_224 = arith.constant 0 : i32
        %dma_start3A_225 = tpu.memref_slice %arg4[%squeeze3A_191, %dma_start3A_224] : memref<2600000x64xf32, #tpu.memory_space<hbm>> -> memref<1x64xf32, #tpu.memory_space<hbm>>
        %dma_start3A_226 = tpu.memref_squeeze %dma_start3A_225 : memref<1x64xf32, #tpu.memory_space<hbm>> -> memref<64xf32, #tpu.memory_space<hbm>>
        %dma_start3A_227 = arith.constant 0 : i32
        %dma_start3A_228 = tpu.memref_slice %arg9[%select_n3A_217, %sub3A_220, %dma_start3A_227] : memref<8x26x64xf32, #tpu.memory_space<vmem>> -> memref<1x1x64xf32, #tpu.memory_space<vmem>>
        %dma_start3A_229 = tpu.memref_squeeze %dma_start3A_228 : memref<1x1x64xf32, #tpu.memory_space<vmem>> -> memref<64xf32, #tpu.memory_space<vmem>>
        %dma_start3A_230 = arith.constant 0 : i32
        %dma_start3A_231 = tpu.memref_slice %arg4[%squeeze3A_191, %dma_start3A_230] : memref<2600000x64xf32, #tpu.memory_space<hbm>> -> memref<1x64xf32, #tpu.memory_space<hbm>>
        %dma_start3A_232 = tpu.memref_squeeze %dma_start3A_231 : memref<1x64xf32, #tpu.memory_space<hbm>> -> memref<64xf32, #tpu.memory_space<hbm>>
        tpu.enqueue_dma source(%dma_start3A_232 : memref<64xf32, #tpu.memory_space<hbm>>) target(%dma_start3A_229 : memref<64xf32, #tpu.memory_space<vmem>>) target_semaphore(%arg11 : memref<!tpu.dma_semaphore, #tpu.memory_space<semaphore_mem>>)
        %slice3A_233 = vector.extract_strided_slice %get3A_114 {offsets = [3], sizes = [1], strides = [1]} : vector<16xi32> to vector<1xi32>
        %squeeze3A_234 = vector.extract %slice3A_233[0] : i32 from vector<1xi32>
        %add3A_235 = arith.constant 3 : i32
        %add3A_236 = arith.addi %mul3A_108, %add3A_235 : i32
        %jit3A_237 = arith.constant 26 : i32
        %div3A_238 = arith.divsi %add3A_236, %jit3A_237 : i32
        %sign3A_239 = arith.constant 0 : i32
        %sign3A_240 = arith.cmpi sgt, %add3A_236, %sign3A_239 : i32
        %sign3A_241 = arith.extui %sign3A_240 : i1 to i32
        %sign3A_242 = arith.constant 0 : i32
        %sign3A_243 = arith.cmpi slt, %add3A_236, %sign3A_242 : i32
        %sign3A_244 = arith.extui %sign3A_243 : i1 to i32
        %sign3A_245 = arith.subi %sign3A_241, %sign3A_244 : i32
        %sign3A_246 = arith.constant 0 : i32
        %sign3A_247 = arith.cmpi sgt, %jit3A_237, %sign3A_246 : i32
        %sign3A_248 = arith.extui %sign3A_247 : i1 to i32
        %sign3A_249 = arith.constant 0 : i32
        %sign3A_250 = arith.cmpi slt, %jit3A_237, %sign3A_249 : i32
        %sign3A_251 = arith.extui %sign3A_250 : i1 to i32
        %sign3A_252 = arith.subi %sign3A_248, %sign3A_251 : i32
        %ne3A_253 = arith.cmpi ne, %sign3A_245, %sign3A_252 : i32
        %rem3A_254 = arith.remsi %add3A_236, %jit3A_237 : i32
        %ne3A_255 = arith.constant 0 : i32
        %ne3A_256 = arith.cmpi ne, %rem3A_254, %ne3A_255 : i32
        %and3A_257 = arith.andi %ne3A_253, %ne3A_256 : i1
        %sub3A_258 = arith.constant 1 : i32
        %sub3A_259 = arith.subi %div3A_238, %sub3A_258 : i32
        %select_n3A_260 = arith.select %and3A_257, %sub3A_259, %div3A_238 : i32
        %mul3A_261 = arith.constant 26 : i32
        %mul3A_262 = arith.muli %select_n3A_260, %mul3A_261 : i32
        %sub3A_263 = arith.subi %add3A_236, %mul3A_262 : i32
        %dma_start3A_264 = arith.constant 0 : i32
        %dma_start3A_265 = tpu.memref_slice %arg9[%select_n3A_260, %sub3A_263, %dma_start3A_264] : memref<8x26x64xf32, #tpu.memory_space<vmem>> -> memref<1x1x64xf32, #tpu.memory_space<vmem>>
        %dma_start3A_266 = tpu.memref_squeeze %dma_start3A_265 : memref<1x1x64xf32, #tpu.memory_space<vmem>> -> memref<64xf32, #tpu.memory_space<vmem>>
        %dma_start3A_267 = arith.constant 0 : i32
        %dma_start3A_268 = tpu.memref_slice %arg4[%squeeze3A_234, %dma_start3A_267] : memref<2600000x64xf32, #tpu.memory_space<hbm>> -> memref<1x64xf32, #tpu.memory_space<hbm>>
        %dma_start3A_269 = tpu.memref_squeeze %dma_start3A_268 : memref<1x64xf32, #tpu.memory_space<hbm>> -> memref<64xf32, #tpu.memory_space<hbm>>
        %dma_start3A_270 = arith.constant 0 : i32
        %dma_start3A_271 = tpu.memref_slice %arg9[%select_n3A_260, %sub3A_263, %dma_start3A_270] : memref<8x26x64xf32, #tpu.memory_space<vmem>> -> memref<1x1x64xf32, #tpu.memory_space<vmem>>
        %dma_start3A_272 = tpu.memref_squeeze %dma_start3A_271 : memref<1x1x64xf32, #tpu.memory_space<vmem>> -> memref<64xf32, #tpu.memory_space<vmem>>
        %dma_start3A_273 = arith.constant 0 : i32
        %dma_start3A_274 = tpu.memref_slice %arg4[%squeeze3A_234, %dma_start3A_273] : memref<2600000x64xf32, #tpu.memory_space<hbm>> -> memref<1x64xf32, #tpu.memory_space<hbm>>
        %dma_start3A_275 = tpu.memref_squeeze %dma_start3A_274 : memref<1x64xf32, #tpu.memory_space<hbm>> -> memref<64xf32, #tpu.memory_space<hbm>>
        tpu.enqueue_dma source(%dma_start3A_275 : memref<64xf32, #tpu.memory_space<hbm>>) target(%dma_start3A_272 : memref<64xf32, #tpu.memory_space<vmem>>) target_semaphore(%arg11 : memref<!tpu.dma_semaphore, #tpu.memory_space<semaphore_mem>>)
        %slice3A_276 = vector.extract_strided_slice %get3A_114 {offsets = [4], sizes = [1], strides = [1]} : vector<16xi32> to vector<1xi32>
        %squeeze3A_277 = vector.extract %slice3A_276[0] : i32 from vector<1xi32>
        %add3A_278 = arith.constant 4 : i32
        %add3A_279 = arith.addi %mul3A_108, %add3A_278 : i32
        %jit3A_280 = arith.constant 26 : i32
        %div3A_281 = arith.divsi %add3A_279, %jit3A_280 : i32
        %sign3A_282 = arith.constant 0 : i32
        %sign3A_283 = arith.cmpi sgt, %add3A_279, %sign3A_282 : i32
        %sign3A_284 = arith.extui %sign3A_283 : i1 to i32
        %sign3A_285 = arith.constant 0 : i32
        %sign3A_286 = arith.cmpi slt, %add3A_279, %sign3A_285 : i32
        %sign3A_287 = arith.extui %sign3A_286 : i1 to i32
        %sign3A_288 = arith.subi %sign3A_284, %sign3A_287 : i32
        %sign3A_289 = arith.constant 0 : i32
        %sign3A_290 = arith.cmpi sgt, %jit3A_280, %sign3A_289 : i32
        %sign3A_291 = arith.extui %sign3A_290 : i1 to i32
        %sign3A_292 = arith.constant 0 : i32
        %sign3A_293 = arith.cmpi slt, %jit3A_280, %sign3A_292 : i32
        %sign3A_294 = arith.extui %sign3A_293 : i1 to i32
        %sign3A_295 = arith.subi %sign3A_291, %sign3A_294 : i32
        %ne3A_296 = arith.cmpi ne, %sign3A_288, %sign3A_295 : i32
        %rem3A_297 = arith.remsi %add3A_279, %jit3A_280 : i32
        %ne3A_298 = arith.constant 0 : i32
        %ne3A_299 = arith.cmpi ne, %rem3A_297, %ne3A_298 : i32
        %and3A_300 = arith.andi %ne3A_296, %ne3A_299 : i1
        %sub3A_301 = arith.constant 1 : i32
        %sub3A_302 = arith.subi %div3A_281, %sub3A_301 : i32
        %select_n3A_303 = arith.select %and3A_300, %sub3A_302, %div3A_281 : i32
        %mul3A_304 = arith.constant 26 : i32
        %mul3A_305 = arith.muli %select_n3A_303, %mul3A_304 : i32
        %sub3A_306 = arith.subi %add3A_279, %mul3A_305 : i32
        %dma_start3A_307 = arith.constant 0 : i32
        %dma_start3A_308 = tpu.memref_slice %arg9[%select_n3A_303, %sub3A_306, %dma_start3A_307] : memref<8x26x64xf32, #tpu.memory_space<vmem>> -> memref<1x1x64xf32, #tpu.memory_space<vmem>>
        %dma_start3A_309 = tpu.memref_squeeze %dma_start3A_308 : memref<1x1x64xf32, #tpu.memory_space<vmem>> -> memref<64xf32, #tpu.memory_space<vmem>>
        %dma_start3A_310 = arith.constant 0 : i32
        %dma_start3A_311 = tpu.memref_slice %arg4[%squeeze3A_277, %dma_start3A_310] : memref<2600000x64xf32, #tpu.memory_space<hbm>> -> memref<1x64xf32, #tpu.memory_space<hbm>>
        %dma_start3A_312 = tpu.memref_squeeze %dma_start3A_311 : memref<1x64xf32, #tpu.memory_space<hbm>> -> memref<64xf32, #tpu.memory_space<hbm>>
        %dma_start3A_313 = arith.constant 0 : i32
        %dma_start3A_314 = tpu.memref_slice %arg9[%select_n3A_303, %sub3A_306, %dma_start3A_313] : memref<8x26x64xf32, #tpu.memory_space<vmem>> -> memref<1x1x64xf32, #tpu.memory_space<vmem>>
        %dma_start3A_315 = tpu.memref_squeeze %dma_start3A_314 : memref<1x1x64xf32, #tpu.memory_space<vmem>> -> memref<64xf32, #tpu.memory_space<vmem>>
        %dma_start3A_316 = arith.constant 0 : i32
        %dma_start3A_317 = tpu.memref_slice %arg4[%squeeze3A_277, %dma_start3A_316] : memref<2600000x64xf32, #tpu.memory_space<hbm>> -> memref<1x64xf32, #tpu.memory_space<hbm>>
        %dma_start3A_318 = tpu.memref_squeeze %dma_start3A_317 : memref<1x64xf32, #tpu.memory_space<hbm>> -> memref<64xf32, #tpu.memory_space<hbm>>
        tpu.enqueue_dma source(%dma_start3A_318 : memref<64xf32, #tpu.memory_space<hbm>>) target(%dma_start3A_315 : memref<64xf32, #tpu.memory_space<vmem>>) target_semaphore(%arg11 : memref<!tpu.dma_semaphore, #tpu.memory_space<semaphore_mem>>)
        %slice3A_319 = vector.extract_strided_slice %get3A_114 {offsets = [5], sizes = [1], strides = [1]} : vector<16xi32> to vector<1xi32>
        %squeeze3A_320 = vector.extract %slice3A_319[0] : i32 from vector<1xi32>
        %add3A_321 = arith.constant 5 : i32
        %add3A_322 = arith.addi %mul3A_108, %add3A_321 : i32
        %jit3A_323 = arith.constant 26 : i32
        %div3A_324 = arith.divsi %add3A_322, %jit3A_323 : i32
        %sign3A_325 = arith.constant 0 : i32
        %sign3A_326 = arith.cmpi sgt, %add3A_322, %sign3A_325 : i32
        %sign3A_327 = arith.extui %sign3A_326 : i1 to i32
        %sign3A_328 = arith.constant 0 : i32
        %sign3A_329 = arith.cmpi slt, %add3A_322, %sign3A_328 : i32
        %sign3A_330 = arith.extui %sign3A_329 : i1 to i32
        %sign3A_331 = arith.subi %sign3A_327, %sign3A_330 : i32
        %sign3A_332 = arith.constant 0 : i32
        %sign3A_333 = arith.cmpi sgt, %jit3A_323, %sign3A_332 : i32
        %sign3A_334 = arith.extui %sign3A_333 : i1 to i32
        %sign3A_335 = arith.constant 0 : i32
        %sign3A_336 = arith.cmpi slt, %jit3A_323, %sign3A_335 : i32
        %sign3A_337 = arith.extui %sign3A_336 : i1 to i32
        %sign3A_338 = arith.subi %sign3A_334, %sign3A_337 : i32
        %ne3A_339 = arith.cmpi ne, %sign3A_331, %sign3A_338 : i32
        %rem3A_340 = arith.remsi %add3A_322, %jit3A_323 : i32
        %ne3A_341 = arith.constant 0 : i32
        %ne3A_342 = arith.cmpi ne, %rem3A_340, %ne3A_341 : i32
        %and3A_343 = arith.andi %ne3A_339, %ne3A_342 : i1
        %sub3A_344 = arith.constant 1 : i32
        %sub3A_345 = arith.subi %div3A_324, %sub3A_344 : i32
        %select_n3A_346 = arith.select %and3A_343, %sub3A_345, %div3A_324 : i32
        %mul3A_347 = arith.constant 26 : i32
        %mul3A_348 = arith.muli %select_n3A_346, %mul3A_347 : i32
        %sub3A_349 = arith.subi %add3A_322, %mul3A_348 : i32
        %dma_start3A_350 = arith.constant 0 : i32
        %dma_start3A_351 = tpu.memref_slice %arg9[%select_n3A_346, %sub3A_349, %dma_start3A_350] : memref<8x26x64xf32, #tpu.memory_space<vmem>> -> memref<1x1x64xf32, #tpu.memory_space<vmem>>
        %dma_start3A_352 = tpu.memref_squeeze %dma_start3A_351 : memref<1x1x64xf32, #tpu.memory_space<vmem>> -> memref<64xf32, #tpu.memory_space<vmem>>
        %dma_start3A_353 = arith.constant 0 : i32
        %dma_start3A_354 = tpu.memref_slice %arg4[%squeeze3A_320, %dma_start3A_353] : memref<2600000x64xf32, #tpu.memory_space<hbm>> -> memref<1x64xf32, #tpu.memory_space<hbm>>
        %dma_start3A_355 = tpu.memref_squeeze %dma_start3A_354 : memref<1x64xf32, #tpu.memory_space<hbm>> -> memref<64xf32, #tpu.memory_space<hbm>>
        %dma_start3A_356 = arith.constant 0 : i32
        %dma_start3A_357 = tpu.memref_slice %arg9[%select_n3A_346, %sub3A_349, %dma_start3A_356] : memref<8x26x64xf32, #tpu.memory_space<vmem>> -> memref<1x1x64xf32, #tpu.memory_space<vmem>>
        %dma_start3A_358 = tpu.memref_squeeze %dma_start3A_357 : memref<1x1x64xf32, #tpu.memory_space<vmem>> -> memref<64xf32, #tpu.memory_space<vmem>>
        %dma_start3A_359 = arith.constant 0 : i32
        %dma_start3A_360 = tpu.memref_slice %arg4[%squeeze3A_320, %dma_start3A_359] : memref<2600000x64xf32, #tpu.memory_space<hbm>> -> memref<1x64xf32, #tpu.memory_space<hbm>>
        %dma_start3A_361 = tpu.memref_squeeze %dma_start3A_360 : memref<1x64xf32, #tpu.memory_space<hbm>> -> memref<64xf32, #tpu.memory_space<hbm>>
        tpu.enqueue_dma source(%dma_start3A_361 : memref<64xf32, #tpu.memory_space<hbm>>) target(%dma_start3A_358 : memref<64xf32, #tpu.memory_space<vmem>>) target_semaphore(%arg11 : memref<!tpu.dma_semaphore, #tpu.memory_space<semaphore_mem>>)
        %slice3A_362 = vector.extract_strided_slice %get3A_114 {offsets = [6], sizes = [1], strides = [1]} : vector<16xi32> to vector<1xi32>
        %squeeze3A_363 = vector.extract %slice3A_362[0] : i32 from vector<1xi32>
        %add3A_364 = arith.constant 6 : i32
        %add3A_365 = arith.addi %mul3A_108, %add3A_364 : i32
        %jit3A_366 = arith.constant 26 : i32
        %div3A_367 = arith.divsi %add3A_365, %jit3A_366 : i32
        %sign3A_368 = arith.constant 0 : i32
        %sign3A_369 = arith.cmpi sgt, %add3A_365, %sign3A_368 : i32
        %sign3A_370 = arith.extui %sign3A_369 : i1 to i32
        %sign3A_371 = arith.constant 0 : i32
        %sign3A_372 = arith.cmpi slt, %add3A_365, %sign3A_371 : i32
        %sign3A_373 = arith.extui %sign3A_372 : i1 to i32
        %sign3A_374 = arith.subi %sign3A_370, %sign3A_373 : i32
        %sign3A_375 = arith.constant 0 : i32
        %sign3A_376 = arith.cmpi sgt, %jit3A_366, %sign3A_375 : i32
        %sign3A_377 = arith.extui %sign3A_376 : i1 to i32
        %sign3A_378 = arith.constant 0 : i32
        %sign3A_379 = arith.cmpi slt, %jit3A_366, %sign3A_378 : i32
        %sign3A_380 = arith.extui %sign3A_379 : i1 to i32
        %sign3A_381 = arith.subi %sign3A_377, %sign3A_380 : i32
        %ne3A_382 = arith.cmpi ne, %sign3A_374, %sign3A_381 : i32
        %rem3A_383 = arith.remsi %add3A_365, %jit3A_366 : i32
        %ne3A_384 = arith.constant 0 : i32
        %ne3A_385 = arith.cmpi ne, %rem3A_383, %ne3A_384 : i32
        %and3A_386 = arith.andi %ne3A_382, %ne3A_385 : i1
        %sub3A_387 = arith.constant 1 : i32
        %sub3A_388 = arith.subi %div3A_367, %sub3A_387 : i32
        %select_n3A_389 = arith.select %and3A_386, %sub3A_388, %div3A_367 : i32
        %mul3A_390 = arith.constant 26 : i32
        %mul3A_391 = arith.muli %select_n3A_389, %mul3A_390 : i32
        %sub3A_392 = arith.subi %add3A_365, %mul3A_391 : i32
        %dma_start3A_393 = arith.constant 0 : i32
        %dma_start3A_394 = tpu.memref_slice %arg9[%select_n3A_389, %sub3A_392, %dma_start3A_393] : memref<8x26x64xf32, #tpu.memory_space<vmem>> -> memref<1x1x64xf32, #tpu.memory_space<vmem>>
        %dma_start3A_395 = tpu.memref_squeeze %dma_start3A_394 : memref<1x1x64xf32, #tpu.memory_space<vmem>> -> memref<64xf32, #tpu.memory_space<vmem>>
        %dma_start3A_396 = arith.constant 0 : i32
        %dma_start3A_397 = tpu.memref_slice %arg4[%squeeze3A_363, %dma_start3A_396] : memref<2600000x64xf32, #tpu.memory_space<hbm>> -> memref<1x64xf32, #tpu.memory_space<hbm>>
        %dma_start3A_398 = tpu.memref_squeeze %dma_start3A_397 : memref<1x64xf32, #tpu.memory_space<hbm>> -> memref<64xf32, #tpu.memory_space<hbm>>
        %dma_start3A_399 = arith.constant 0 : i32
        %dma_start3A_400 = tpu.memref_slice %arg9[%select_n3A_389, %sub3A_392, %dma_start3A_399] : memref<8x26x64xf32, #tpu.memory_space<vmem>> -> memref<1x1x64xf32, #tpu.memory_space<vmem>>
        %dma_start3A_401 = tpu.memref_squeeze %dma_start3A_400 : memref<1x1x64xf32, #tpu.memory_space<vmem>> -> memref<64xf32, #tpu.memory_space<vmem>>
        %dma_start3A_402 = arith.constant 0 : i32
        %dma_start3A_403 = tpu.memref_slice %arg4[%squeeze3A_363, %dma_start3A_402] : memref<2600000x64xf32, #tpu.memory_space<hbm>> -> memref<1x64xf32, #tpu.memory_space<hbm>>
        %dma_start3A_404 = tpu.memref_squeeze %dma_start3A_403 : memref<1x64xf32, #tpu.memory_space<hbm>> -> memref<64xf32, #tpu.memory_space<hbm>>
        tpu.enqueue_dma source(%dma_start3A_404 : memref<64xf32, #tpu.memory_space<hbm>>) target(%dma_start3A_401 : memref<64xf32, #tpu.memory_space<vmem>>) target_semaphore(%arg11 : memref<!tpu.dma_semaphore, #tpu.memory_space<semaphore_mem>>)
        %slice3A_405 = vector.extract_strided_slice %get3A_114 {offsets = [7], sizes = [1], strides = [1]} : vector<16xi32> to vector<1xi32>
        %squeeze3A_406 = vector.extract %slice3A_405[0] : i32 from vector<1xi32>
        %add3A_407 = arith.constant 7 : i32
        %add3A_408 = arith.addi %mul3A_108, %add3A_407 : i32
        %jit3A_409 = arith.constant 26 : i32
        %div3A_410 = arith.divsi %add3A_408, %jit3A_409 : i32
        %sign3A_411 = arith.constant 0 : i32
        %sign3A_412 = arith.cmpi sgt, %add3A_408, %sign3A_411 : i32
        %sign3A_413 = arith.extui %sign3A_412 : i1 to i32
        %sign3A_414 = arith.constant 0 : i32
        %sign3A_415 = arith.cmpi slt, %add3A_408, %sign3A_414 : i32
        %sign3A_416 = arith.extui %sign3A_415 : i1 to i32
        %sign3A_417 = arith.subi %sign3A_413, %sign3A_416 : i32
        %sign3A_418 = arith.constant 0 : i32
        %sign3A_419 = arith.cmpi sgt, %jit3A_409, %sign3A_418 : i32
        %sign3A_420 = arith.extui %sign3A_419 : i1 to i32
        %sign3A_421 = arith.constant 0 : i32
        %sign3A_422 = arith.cmpi slt, %jit3A_409, %sign3A_421 : i32
        %sign3A_423 = arith.extui %sign3A_422 : i1 to i32
        %sign3A_424 = arith.subi %sign3A_420, %sign3A_423 : i32
        %ne3A_425 = arith.cmpi ne, %sign3A_417, %sign3A_424 : i32
        %rem3A_426 = arith.remsi %add3A_408, %jit3A_409 : i32
        %ne3A_427 = arith.constant 0 : i32
        %ne3A_428 = arith.cmpi ne, %rem3A_426, %ne3A_427 : i32
        %and3A_429 = arith.andi %ne3A_425, %ne3A_428 : i1
        %sub3A_430 = arith.constant 1 : i32
        %sub3A_431 = arith.subi %div3A_410, %sub3A_430 : i32
        %select_n3A_432 = arith.select %and3A_429, %sub3A_431, %div3A_410 : i32
        %mul3A_433 = arith.constant 26 : i32
        %mul3A_434 = arith.muli %select_n3A_432, %mul3A_433 : i32
        %sub3A_435 = arith.subi %add3A_408, %mul3A_434 : i32
        %dma_start3A_436 = arith.constant 0 : i32
        %dma_start3A_437 = tpu.memref_slice %arg9[%select_n3A_432, %sub3A_435, %dma_start3A_436] : memref<8x26x64xf32, #tpu.memory_space<vmem>> -> memref<1x1x64xf32, #tpu.memory_space<vmem>>
        %dma_start3A_438 = tpu.memref_squeeze %dma_start3A_437 : memref<1x1x64xf32, #tpu.memory_space<vmem>> -> memref<64xf32, #tpu.memory_space<vmem>>
        %dma_start3A_439 = arith.constant 0 : i32
        %dma_start3A_440 = tpu.memref_slice %arg4[%squeeze3A_406, %dma_start3A_439] : memref<2600000x64xf32, #tpu.memory_space<hbm>> -> memref<1x64xf32, #tpu.memory_space<hbm>>
        %dma_start3A_441 = tpu.memref_squeeze %dma_start3A_440 : memref<1x64xf32, #tpu.memory_space<hbm>> -> memref<64xf32, #tpu.memory_space<hbm>>
        %dma_start3A_442 = arith.constant 0 : i32
        %dma_start3A_443 = tpu.memref_slice %arg9[%select_n3A_432, %sub3A_435, %dma_start3A_442] : memref<8x26x64xf32, #tpu.memory_space<vmem>> -> memref<1x1x64xf32, #tpu.memory_space<vmem>>
        %dma_start3A_444 = tpu.memref_squeeze %dma_start3A_443 : memref<1x1x64xf32, #tpu.memory_space<vmem>> -> memref<64xf32, #tpu.memory_space<vmem>>
        %dma_start3A_445 = arith.constant 0 : i32
        %dma_start3A_446 = tpu.memref_slice %arg4[%squeeze3A_406, %dma_start3A_445] : memref<2600000x64xf32, #tpu.memory_space<hbm>> -> memref<1x64xf32, #tpu.memory_space<hbm>>
        %dma_start3A_447 = tpu.memref_squeeze %dma_start3A_446 : memref<1x64xf32, #tpu.memory_space<hbm>> -> memref<64xf32, #tpu.memory_space<hbm>>
        tpu.enqueue_dma source(%dma_start3A_447 : memref<64xf32, #tpu.memory_space<hbm>>) target(%dma_start3A_444 : memref<64xf32, #tpu.memory_space<vmem>>) target_semaphore(%arg11 : memref<!tpu.dma_semaphore, #tpu.memory_space<semaphore_mem>>)
        %slice3A_448 = vector.extract_strided_slice %get3A_114 {offsets = [8], sizes = [1], strides = [1]} : vector<16xi32> to vector<1xi32>
        %squeeze3A_449 = vector.extract %slice3A_448[0] : i32 from vector<1xi32>
        %add3A_450 = arith.constant 8 : i32
        %add3A_451 = arith.addi %mul3A_108, %add3A_450 : i32
        %jit3A_452 = arith.constant 26 : i32
        %div3A_453 = arith.divsi %add3A_451, %jit3A_452 : i32
        %sign3A_454 = arith.constant 0 : i32
        %sign3A_455 = arith.cmpi sgt, %add3A_451, %sign3A_454 : i32
        %sign3A_456 = arith.extui %sign3A_455 : i1 to i32
        %sign3A_457 = arith.constant 0 : i32
        %sign3A_458 = arith.cmpi slt, %add3A_451, %sign3A_457 : i32
        %sign3A_459 = arith.extui %sign3A_458 : i1 to i32
        %sign3A_460 = arith.subi %sign3A_456, %sign3A_459 : i32
        %sign3A_461 = arith.constant 0 : i32
        %sign3A_462 = arith.cmpi sgt, %jit3A_452, %sign3A_461 : i32
        %sign3A_463 = arith.extui %sign3A_462 : i1 to i32
        %sign3A_464 = arith.constant 0 : i32
        %sign3A_465 = arith.cmpi slt, %jit3A_452, %sign3A_464 : i32
        %sign3A_466 = arith.extui %sign3A_465 : i1 to i32
        %sign3A_467 = arith.subi %sign3A_463, %sign3A_466 : i32
        %ne3A_468 = arith.cmpi ne, %sign3A_460, %sign3A_467 : i32
        %rem3A_469 = arith.remsi %add3A_451, %jit3A_452 : i32
        %ne3A_470 = arith.constant 0 : i32
        %ne3A_471 = arith.cmpi ne, %rem3A_469, %ne3A_470 : i32
        %and3A_472 = arith.andi %ne3A_468, %ne3A_471 : i1
        %sub3A_473 = arith.constant 1 : i32
        %sub3A_474 = arith.subi %div3A_453, %sub3A_473 : i32
        %select_n3A_475 = arith.select %and3A_472, %sub3A_474, %div3A_453 : i32
        %mul3A_476 = arith.constant 26 : i32
        %mul3A_477 = arith.muli %select_n3A_475, %mul3A_476 : i32
        %sub3A_478 = arith.subi %add3A_451, %mul3A_477 : i32
        %dma_start3A_479 = arith.constant 0 : i32
        %dma_start3A_480 = tpu.memref_slice %arg9[%select_n3A_475, %sub3A_478, %dma_start3A_479] : memref<8x26x64xf32, #tpu.memory_space<vmem>> -> memref<1x1x64xf32, #tpu.memory_space<vmem>>
        %dma_start3A_481 = tpu.memref_squeeze %dma_start3A_480 : memref<1x1x64xf32, #tpu.memory_space<vmem>> -> memref<64xf32, #tpu.memory_space<vmem>>
        %dma_start3A_482 = arith.constant 0 : i32
        %dma_start3A_483 = tpu.memref_slice %arg4[%squeeze3A_449, %dma_start3A_482] : memref<2600000x64xf32, #tpu.memory_space<hbm>> -> memref<1x64xf32, #tpu.memory_space<hbm>>
        %dma_start3A_484 = tpu.memref_squeeze %dma_start3A_483 : memref<1x64xf32, #tpu.memory_space<hbm>> -> memref<64xf32, #tpu.memory_space<hbm>>
        %dma_start3A_485 = arith.constant 0 : i32
        %dma_start3A_486 = tpu.memref_slice %arg9[%select_n3A_475, %sub3A_478, %dma_start3A_485] : memref<8x26x64xf32, #tpu.memory_space<vmem>> -> memref<1x1x64xf32, #tpu.memory_space<vmem>>
        %dma_start3A_487 = tpu.memref_squeeze %dma_start3A_486 : memref<1x1x64xf32, #tpu.memory_space<vmem>> -> memref<64xf32, #tpu.memory_space<vmem>>
        %dma_start3A_488 = arith.constant 0 : i32
        %dma_start3A_489 = tpu.memref_slice %arg4[%squeeze3A_449, %dma_start3A_488] : memref<2600000x64xf32, #tpu.memory_space<hbm>> -> memref<1x64xf32, #tpu.memory_space<hbm>>
        %dma_start3A_490 = tpu.memref_squeeze %dma_start3A_489 : memref<1x64xf32, #tpu.memory_space<hbm>> -> memref<64xf32, #tpu.memory_space<hbm>>
        tpu.enqueue_dma source(%dma_start3A_490 : memref<64xf32, #tpu.memory_space<hbm>>) target(%dma_start3A_487 : memref<64xf32, #tpu.memory_space<vmem>>) target_semaphore(%arg11 : memref<!tpu.dma_semaphore, #tpu.memory_space<semaphore_mem>>)
        %slice3A_491 = vector.extract_strided_slice %get3A_114 {offsets = [9], sizes = [1], strides = [1]} : vector<16xi32> to vector<1xi32>
        %squeeze3A_492 = vector.extract %slice3A_491[0] : i32 from vector<1xi32>
        %add3A_493 = arith.constant 9 : i32
        %add3A_494 = arith.addi %mul3A_108, %add3A_493 : i32
        %jit3A_495 = arith.constant 26 : i32
        %div3A_496 = arith.divsi %add3A_494, %jit3A_495 : i32
        %sign3A_497 = arith.constant 0 : i32
        %sign3A_498 = arith.cmpi sgt, %add3A_494, %sign3A_497 : i32
        %sign3A_499 = arith.extui %sign3A_498 : i1 to i32
        %sign3A_500 = arith.constant 0 : i32
        %sign3A_501 = arith.cmpi slt, %add3A_494, %sign3A_500 : i32
        %sign3A_502 = arith.extui %sign3A_501 : i1 to i32
        %sign3A_503 = arith.subi %sign3A_499, %sign3A_502 : i32
        %sign3A_504 = arith.constant 0 : i32
        %sign3A_505 = arith.cmpi sgt, %jit3A_495, %sign3A_504 : i32
        %sign3A_506 = arith.extui %sign3A_505 : i1 to i32
        %sign3A_507 = arith.constant 0 : i32
        %sign3A_508 = arith.cmpi slt, %jit3A_495, %sign3A_507 : i32
        %sign3A_509 = arith.extui %sign3A_508 : i1 to i32
        %sign3A_510 = arith.subi %sign3A_506, %sign3A_509 : i32
        %ne3A_511 = arith.cmpi ne, %sign3A_503, %sign3A_510 : i32
        %rem3A_512 = arith.remsi %add3A_494, %jit3A_495 : i32
        %ne3A_513 = arith.constant 0 : i32
        %ne3A_514 = arith.cmpi ne, %rem3A_512, %ne3A_513 : i32
        %and3A_515 = arith.andi %ne3A_511, %ne3A_514 : i1
        %sub3A_516 = arith.constant 1 : i32
        %sub3A_517 = arith.subi %div3A_496, %sub3A_516 : i32
        %select_n3A_518 = arith.select %and3A_515, %sub3A_517, %div3A_496 : i32
        %mul3A_519 = arith.constant 26 : i32
        %mul3A_520 = arith.muli %select_n3A_518, %mul3A_519 : i32
        %sub3A_521 = arith.subi %add3A_494, %mul3A_520 : i32
        %dma_start3A_522 = arith.constant 0 : i32
        %dma_start3A_523 = tpu.memref_slice %arg9[%select_n3A_518, %sub3A_521, %dma_start3A_522] : memref<8x26x64xf32, #tpu.memory_space<vmem>> -> memref<1x1x64xf32, #tpu.memory_space<vmem>>
        %dma_start3A_524 = tpu.memref_squeeze %dma_start3A_523 : memref<1x1x64xf32, #tpu.memory_space<vmem>> -> memref<64xf32, #tpu.memory_space<vmem>>
        %dma_start3A_525 = arith.constant 0 : i32
        %dma_start3A_526 = tpu.memref_slice %arg4[%squeeze3A_492, %dma_start3A_525] : memref<2600000x64xf32, #tpu.memory_space<hbm>> -> memref<1x64xf32, #tpu.memory_space<hbm>>
        %dma_start3A_527 = tpu.memref_squeeze %dma_start3A_526 : memref<1x64xf32, #tpu.memory_space<hbm>> -> memref<64xf32, #tpu.memory_space<hbm>>
        %dma_start3A_528 = arith.constant 0 : i32
        %dma_start3A_529 = tpu.memref_slice %arg9[%select_n3A_518, %sub3A_521, %dma_start3A_528] : memref<8x26x64xf32, #tpu.memory_space<vmem>> -> memref<1x1x64xf32, #tpu.memory_space<vmem>>
        %dma_start3A_530 = tpu.memref_squeeze %dma_start3A_529 : memref<1x1x64xf32, #tpu.memory_space<vmem>> -> memref<64xf32, #tpu.memory_space<vmem>>
        %dma_start3A_531 = arith.constant 0 : i32
        %dma_start3A_532 = tpu.memref_slice %arg4[%squeeze3A_492, %dma_start3A_531] : memref<2600000x64xf32, #tpu.memory_space<hbm>> -> memref<1x64xf32, #tpu.memory_space<hbm>>
        %dma_start3A_533 = tpu.memref_squeeze %dma_start3A_532 : memref<1x64xf32, #tpu.memory_space<hbm>> -> memref<64xf32, #tpu.memory_space<hbm>>
        tpu.enqueue_dma source(%dma_start3A_533 : memref<64xf32, #tpu.memory_space<hbm>>) target(%dma_start3A_530 : memref<64xf32, #tpu.memory_space<vmem>>) target_semaphore(%arg11 : memref<!tpu.dma_semaphore, #tpu.memory_space<semaphore_mem>>)
        %slice3A_534 = vector.extract_strided_slice %get3A_114 {offsets = [10], sizes = [1], strides = [1]} : vector<16xi32> to vector<1xi32>
        %squeeze3A_535 = vector.extract %slice3A_534[0] : i32 from vector<1xi32>
        %add3A_536 = arith.constant 10 : i32
        %add3A_537 = arith.addi %mul3A_108, %add3A_536 : i32
        %jit3A_538 = arith.constant 26 : i32
        %div3A_539 = arith.divsi %add3A_537, %jit3A_538 : i32
        %sign3A_540 = arith.constant 0 : i32
        %sign3A_541 = arith.cmpi sgt, %add3A_537, %sign3A_540 : i32
        %sign3A_542 = arith.extui %sign3A_541 : i1 to i32
        %sign3A_543 = arith.constant 0 : i32
        %sign3A_544 = arith.cmpi slt, %add3A_537, %sign3A_543 : i32
        %sign3A_545 = arith.extui %sign3A_544 : i1 to i32
        %sign3A_546 = arith.subi %sign3A_542, %sign3A_545 : i32
        %sign3A_547 = arith.constant 0 : i32
        %sign3A_548 = arith.cmpi sgt, %jit3A_538, %sign3A_547 : i32
        %sign3A_549 = arith.extui %sign3A_548 : i1 to i32
        %sign3A_550 = arith.constant 0 : i32
        %sign3A_551 = arith.cmpi slt, %jit3A_538, %sign3A_550 : i32
        %sign3A_552 = arith.extui %sign3A_551 : i1 to i32
        %sign3A_553 = arith.subi %sign3A_549, %sign3A_552 : i32
        %ne3A_554 = arith.cmpi ne, %sign3A_546, %sign3A_553 : i32
        %rem3A_555 = arith.remsi %add3A_537, %jit3A_538 : i32
        %ne3A_556 = arith.constant 0 : i32
        %ne3A_557 = arith.cmpi ne, %rem3A_555, %ne3A_556 : i32
        %and3A_558 = arith.andi %ne3A_554, %ne3A_557 : i1
        %sub3A_559 = arith.constant 1 : i32
        %sub3A_560 = arith.subi %div3A_539, %sub3A_559 : i32
        %select_n3A_561 = arith.select %and3A_558, %sub3A_560, %div3A_539 : i32
        %mul3A_562 = arith.constant 26 : i32
        %mul3A_563 = arith.muli %select_n3A_561, %mul3A_562 : i32
        %sub3A_564 = arith.subi %add3A_537, %mul3A_563 : i32
        %dma_start3A_565 = arith.constant 0 : i32
        %dma_start3A_566 = tpu.memref_slice %arg9[%select_n3A_561, %sub3A_564, %dma_start3A_565] : memref<8x26x64xf32, #tpu.memory_space<vmem>> -> memref<1x1x64xf32, #tpu.memory_space<vmem>>
        %dma_start3A_567 = tpu.memref_squeeze %dma_start3A_566 : memref<1x1x64xf32, #tpu.memory_space<vmem>> -> memref<64xf32, #tpu.memory_space<vmem>>
        %dma_start3A_568 = arith.constant 0 : i32
        %dma_start3A_569 = tpu.memref_slice %arg4[%squeeze3A_535, %dma_start3A_568] : memref<2600000x64xf32, #tpu.memory_space<hbm>> -> memref<1x64xf32, #tpu.memory_space<hbm>>
        %dma_start3A_570 = tpu.memref_squeeze %dma_start3A_569 : memref<1x64xf32, #tpu.memory_space<hbm>> -> memref<64xf32, #tpu.memory_space<hbm>>
        %dma_start3A_571 = arith.constant 0 : i32
        %dma_start3A_572 = tpu.memref_slice %arg9[%select_n3A_561, %sub3A_564, %dma_start3A_571] : memref<8x26x64xf32, #tpu.memory_space<vmem>> -> memref<1x1x64xf32, #tpu.memory_space<vmem>>
        %dma_start3A_573 = tpu.memref_squeeze %dma_start3A_572 : memref<1x1x64xf32, #tpu.memory_space<vmem>> -> memref<64xf32, #tpu.memory_space<vmem>>
        %dma_start3A_574 = arith.constant 0 : i32
        %dma_start3A_575 = tpu.memref_slice %arg4[%squeeze3A_535, %dma_start3A_574] : memref<2600000x64xf32, #tpu.memory_space<hbm>> -> memref<1x64xf32, #tpu.memory_space<hbm>>
        %dma_start3A_576 = tpu.memref_squeeze %dma_start3A_575 : memref<1x64xf32, #tpu.memory_space<hbm>> -> memref<64xf32, #tpu.memory_space<hbm>>
        tpu.enqueue_dma source(%dma_start3A_576 : memref<64xf32, #tpu.memory_space<hbm>>) target(%dma_start3A_573 : memref<64xf32, #tpu.memory_space<vmem>>) target_semaphore(%arg11 : memref<!tpu.dma_semaphore, #tpu.memory_space<semaphore_mem>>)
        %slice3A_577 = vector.extract_strided_slice %get3A_114 {offsets = [11], sizes = [1], strides = [1]} : vector<16xi32> to vector<1xi32>
        %squeeze3A_578 = vector.extract %slice3A_577[0] : i32 from vector<1xi32>
        %add3A_579 = arith.constant 11 : i32
        %add3A_580 = arith.addi %mul3A_108, %add3A_579 : i32
        %jit3A_581 = arith.constant 26 : i32
        %div3A_582 = arith.divsi %add3A_580, %jit3A_581 : i32
        %sign3A_583 = arith.constant 0 : i32
        %sign3A_584 = arith.cmpi sgt, %add3A_580, %sign3A_583 : i32
        %sign3A_585 = arith.extui %sign3A_584 : i1 to i32
        %sign3A_586 = arith.constant 0 : i32
        %sign3A_587 = arith.cmpi slt, %add3A_580, %sign3A_586 : i32
        %sign3A_588 = arith.extui %sign3A_587 : i1 to i32
        %sign3A_589 = arith.subi %sign3A_585, %sign3A_588 : i32
        %sign3A_590 = arith.constant 0 : i32
        %sign3A_591 = arith.cmpi sgt, %jit3A_581, %sign3A_590 : i32
        %sign3A_592 = arith.extui %sign3A_591 : i1 to i32
        %sign3A_593 = arith.constant 0 : i32
        %sign3A_594 = arith.cmpi slt, %jit3A_581, %sign3A_593 : i32
        %sign3A_595 = arith.extui %sign3A_594 : i1 to i32
        %sign3A_596 = arith.subi %sign3A_592, %sign3A_595 : i32
        %ne3A_597 = arith.cmpi ne, %sign3A_589, %sign3A_596 : i32
        %rem3A_598 = arith.remsi %add3A_580, %jit3A_581 : i32
        %ne3A_599 = arith.constant 0 : i32
        %ne3A_600 = arith.cmpi ne, %rem3A_598, %ne3A_599 : i32
        %and3A_601 = arith.andi %ne3A_597, %ne3A_600 : i1
        %sub3A_602 = arith.constant 1 : i32
        %sub3A_603 = arith.subi %div3A_582, %sub3A_602 : i32
        %select_n3A_604 = arith.select %and3A_601, %sub3A_603, %div3A_582 : i32
        %mul3A_605 = arith.constant 26 : i32
        %mul3A_606 = arith.muli %select_n3A_604, %mul3A_605 : i32
        %sub3A_607 = arith.subi %add3A_580, %mul3A_606 : i32
        %dma_start3A_608 = arith.constant 0 : i32
        %dma_start3A_609 = tpu.memref_slice %arg9[%select_n3A_604, %sub3A_607, %dma_start3A_608] : memref<8x26x64xf32, #tpu.memory_space<vmem>> -> memref<1x1x64xf32, #tpu.memory_space<vmem>>
        %dma_start3A_610 = tpu.memref_squeeze %dma_start3A_609 : memref<1x1x64xf32, #tpu.memory_space<vmem>> -> memref<64xf32, #tpu.memory_space<vmem>>
        %dma_start3A_611 = arith.constant 0 : i32
        %dma_start3A_612 = tpu.memref_slice %arg4[%squeeze3A_578, %dma_start3A_611] : memref<2600000x64xf32, #tpu.memory_space<hbm>> -> memref<1x64xf32, #tpu.memory_space<hbm>>
        %dma_start3A_613 = tpu.memref_squeeze %dma_start3A_612 : memref<1x64xf32, #tpu.memory_space<hbm>> -> memref<64xf32, #tpu.memory_space<hbm>>
        %dma_start3A_614 = arith.constant 0 : i32
        %dma_start3A_615 = tpu.memref_slice %arg9[%select_n3A_604, %sub3A_607, %dma_start3A_614] : memref<8x26x64xf32, #tpu.memory_space<vmem>> -> memref<1x1x64xf32, #tpu.memory_space<vmem>>
        %dma_start3A_616 = tpu.memref_squeeze %dma_start3A_615 : memref<1x1x64xf32, #tpu.memory_space<vmem>> -> memref<64xf32, #tpu.memory_space<vmem>>
        %dma_start3A_617 = arith.constant 0 : i32
        %dma_start3A_618 = tpu.memref_slice %arg4[%squeeze3A_578, %dma_start3A_617] : memref<2600000x64xf32, #tpu.memory_space<hbm>> -> memref<1x64xf32, #tpu.memory_space<hbm>>
        %dma_start3A_619 = tpu.memref_squeeze %dma_start3A_618 : memref<1x64xf32, #tpu.memory_space<hbm>> -> memref<64xf32, #tpu.memory_space<hbm>>
        tpu.enqueue_dma source(%dma_start3A_619 : memref<64xf32, #tpu.memory_space<hbm>>) target(%dma_start3A_616 : memref<64xf32, #tpu.memory_space<vmem>>) target_semaphore(%arg11 : memref<!tpu.dma_semaphore, #tpu.memory_space<semaphore_mem>>)
        %slice3A_620 = vector.extract_strided_slice %get3A_114 {offsets = [12], sizes = [1], strides = [1]} : vector<16xi32> to vector<1xi32>
        %squeeze3A_621 = vector.extract %slice3A_620[0] : i32 from vector<1xi32>
        %add3A_622 = arith.constant 12 : i32
        %add3A_623 = arith.addi %mul3A_108, %add3A_622 : i32
        %jit3A_624 = arith.constant 26 : i32
        %div3A_625 = arith.divsi %add3A_623, %jit3A_624 : i32
        %sign3A_626 = arith.constant 0 : i32
        %sign3A_627 = arith.cmpi sgt, %add3A_623, %sign3A_626 : i32
        %sign3A_628 = arith.extui %sign3A_627 : i1 to i32
        %sign3A_629 = arith.constant 0 : i32
        %sign3A_630 = arith.cmpi slt, %add3A_623, %sign3A_629 : i32
        %sign3A_631 = arith.extui %sign3A_630 : i1 to i32
        %sign3A_632 = arith.subi %sign3A_628, %sign3A_631 : i32
        %sign3A_633 = arith.constant 0 : i32
        %sign3A_634 = arith.cmpi sgt, %jit3A_624, %sign3A_633 : i32
        %sign3A_635 = arith.extui %sign3A_634 : i1 to i32
        %sign3A_636 = arith.constant 0 : i32
        %sign3A_637 = arith.cmpi slt, %jit3A_624, %sign3A_636 : i32
        %sign3A_638 = arith.extui %sign3A_637 : i1 to i32
        %sign3A_639 = arith.subi %sign3A_635, %sign3A_638 : i32
        %ne3A_640 = arith.cmpi ne, %sign3A_632, %sign3A_639 : i32
        %rem3A_641 = arith.remsi %add3A_623, %jit3A_624 : i32
        %ne3A_642 = arith.constant 0 : i32
        %ne3A_643 = arith.cmpi ne, %rem3A_641, %ne3A_642 : i32
        %and3A_644 = arith.andi %ne3A_640, %ne3A_643 : i1
        %sub3A_645 = arith.constant 1 : i32
        %sub3A_646 = arith.subi %div3A_625, %sub3A_645 : i32
        %select_n3A_647 = arith.select %and3A_644, %sub3A_646, %div3A_625 : i32
        %mul3A_648 = arith.constant 26 : i32
        %mul3A_649 = arith.muli %select_n3A_647, %mul3A_648 : i32
        %sub3A_650 = arith.subi %add3A_623, %mul3A_649 : i32
        %dma_start3A_651 = arith.constant 0 : i32
        %dma_start3A_652 = tpu.memref_slice %arg9[%select_n3A_647, %sub3A_650, %dma_start3A_651] : memref<8x26x64xf32, #tpu.memory_space<vmem>> -> memref<1x1x64xf32, #tpu.memory_space<vmem>>
        %dma_start3A_653 = tpu.memref_squeeze %dma_start3A_652 : memref<1x1x64xf32, #tpu.memory_space<vmem>> -> memref<64xf32, #tpu.memory_space<vmem>>
        %dma_start3A_654 = arith.constant 0 : i32
        %dma_start3A_655 = tpu.memref_slice %arg4[%squeeze3A_621, %dma_start3A_654] : memref<2600000x64xf32, #tpu.memory_space<hbm>> -> memref<1x64xf32, #tpu.memory_space<hbm>>
        %dma_start3A_656 = tpu.memref_squeeze %dma_start3A_655 : memref<1x64xf32, #tpu.memory_space<hbm>> -> memref<64xf32, #tpu.memory_space<hbm>>
        %dma_start3A_657 = arith.constant 0 : i32
        %dma_start3A_658 = tpu.memref_slice %arg9[%select_n3A_647, %sub3A_650, %dma_start3A_657] : memref<8x26x64xf32, #tpu.memory_space<vmem>> -> memref<1x1x64xf32, #tpu.memory_space<vmem>>
        %dma_start3A_659 = tpu.memref_squeeze %dma_start3A_658 : memref<1x1x64xf32, #tpu.memory_space<vmem>> -> memref<64xf32, #tpu.memory_space<vmem>>
        %dma_start3A_660 = arith.constant 0 : i32
        %dma_start3A_661 = tpu.memref_slice %arg4[%squeeze3A_621, %dma_start3A_660] : memref<2600000x64xf32, #tpu.memory_space<hbm>> -> memref<1x64xf32, #tpu.memory_space<hbm>>
        %dma_start3A_662 = tpu.memref_squeeze %dma_start3A_661 : memref<1x64xf32, #tpu.memory_space<hbm>> -> memref<64xf32, #tpu.memory_space<hbm>>
        tpu.enqueue_dma source(%dma_start3A_662 : memref<64xf32, #tpu.memory_space<hbm>>) target(%dma_start3A_659 : memref<64xf32, #tpu.memory_space<vmem>>) target_semaphore(%arg11 : memref<!tpu.dma_semaphore, #tpu.memory_space<semaphore_mem>>)
        %slice3A_663 = vector.extract_strided_slice %get3A_114 {offsets = [13], sizes = [1], strides = [1]} : vector<16xi32> to vector<1xi32>
        %squeeze3A_664 = vector.extract %slice3A_663[0] : i32 from vector<1xi32>
        %add3A_665 = arith.constant 13 : i32
        %add3A_666 = arith.addi %mul3A_108, %add3A_665 : i32
        %jit3A_667 = arith.constant 26 : i32
        %div3A_668 = arith.divsi %add3A_666, %jit3A_667 : i32
        %sign3A_669 = arith.constant 0 : i32
        %sign3A_670 = arith.cmpi sgt, %add3A_666, %sign3A_669 : i32
        %sign3A_671 = arith.extui %sign3A_670 : i1 to i32
        %sign3A_672 = arith.constant 0 : i32
        %sign3A_673 = arith.cmpi slt, %add3A_666, %sign3A_672 : i32
        %sign3A_674 = arith.extui %sign3A_673 : i1 to i32
        %sign3A_675 = arith.subi %sign3A_671, %sign3A_674 : i32
        %sign3A_676 = arith.constant 0 : i32
        %sign3A_677 = arith.cmpi sgt, %jit3A_667, %sign3A_676 : i32
        %sign3A_678 = arith.extui %sign3A_677 : i1 to i32
        %sign3A_679 = arith.constant 0 : i32
        %sign3A_680 = arith.cmpi slt, %jit3A_667, %sign3A_679 : i32
        %sign3A_681 = arith.extui %sign3A_680 : i1 to i32
        %sign3A_682 = arith.subi %sign3A_678, %sign3A_681 : i32
        %ne3A_683 = arith.cmpi ne, %sign3A_675, %sign3A_682 : i32
        %rem3A_684 = arith.remsi %add3A_666, %jit3A_667 : i32
        %ne3A_685 = arith.constant 0 : i32
        %ne3A_686 = arith.cmpi ne, %rem3A_684, %ne3A_685 : i32
        %and3A_687 = arith.andi %ne3A_683, %ne3A_686 : i1
        %sub3A_688 = arith.constant 1 : i32
        %sub3A_689 = arith.subi %div3A_668, %sub3A_688 : i32
        %select_n3A_690 = arith.select %and3A_687, %sub3A_689, %div3A_668 : i32
        %mul3A_691 = arith.constant 26 : i32
        %mul3A_692 = arith.muli %select_n3A_690, %mul3A_691 : i32
        %sub3A_693 = arith.subi %add3A_666, %mul3A_692 : i32
        %dma_start3A_694 = arith.constant 0 : i32
        %dma_start3A_695 = tpu.memref_slice %arg9[%select_n3A_690, %sub3A_693, %dma_start3A_694] : memref<8x26x64xf32, #tpu.memory_space<vmem>> -> memref<1x1x64xf32, #tpu.memory_space<vmem>>
        %dma_start3A_696 = tpu.memref_squeeze %dma_start3A_695 : memref<1x1x64xf32, #tpu.memory_space<vmem>> -> memref<64xf32, #tpu.memory_space<vmem>>
        %dma_start3A_697 = arith.constant 0 : i32
        %dma_start3A_698 = tpu.memref_slice %arg4[%squeeze3A_664, %dma_start3A_697] : memref<2600000x64xf32, #tpu.memory_space<hbm>> -> memref<1x64xf32, #tpu.memory_space<hbm>>
        %dma_start3A_699 = tpu.memref_squeeze %dma_start3A_698 : memref<1x64xf32, #tpu.memory_space<hbm>> -> memref<64xf32, #tpu.memory_space<hbm>>
        %dma_start3A_700 = arith.constant 0 : i32
        %dma_start3A_701 = tpu.memref_slice %arg9[%select_n3A_690, %sub3A_693, %dma_start3A_700] : memref<8x26x64xf32, #tpu.memory_space<vmem>> -> memref<1x1x64xf32, #tpu.memory_space<vmem>>
        %dma_start3A_702 = tpu.memref_squeeze %dma_start3A_701 : memref<1x1x64xf32, #tpu.memory_space<vmem>> -> memref<64xf32, #tpu.memory_space<vmem>>
        %dma_start3A_703 = arith.constant 0 : i32
        %dma_start3A_704 = tpu.memref_slice %arg4[%squeeze3A_664, %dma_start3A_703] : memref<2600000x64xf32, #tpu.memory_space<hbm>> -> memref<1x64xf32, #tpu.memory_space<hbm>>
        %dma_start3A_705 = tpu.memref_squeeze %dma_start3A_704 : memref<1x64xf32, #tpu.memory_space<hbm>> -> memref<64xf32, #tpu.memory_space<hbm>>
        tpu.enqueue_dma source(%dma_start3A_705 : memref<64xf32, #tpu.memory_space<hbm>>) target(%dma_start3A_702 : memref<64xf32, #tpu.memory_space<vmem>>) target_semaphore(%arg11 : memref<!tpu.dma_semaphore, #tpu.memory_space<semaphore_mem>>)
        %slice3A_706 = vector.extract_strided_slice %get3A_114 {offsets = [14], sizes = [1], strides = [1]} : vector<16xi32> to vector<1xi32>
        %squeeze3A_707 = vector.extract %slice3A_706[0] : i32 from vector<1xi32>
        %add3A_708 = arith.constant 14 : i32
        %add3A_709 = arith.addi %mul3A_108, %add3A_708 : i32
        %jit3A_710 = arith.constant 26 : i32
        %div3A_711 = arith.divsi %add3A_709, %jit3A_710 : i32
        %sign3A_712 = arith.constant 0 : i32
        %sign3A_713 = arith.cmpi sgt, %add3A_709, %sign3A_712 : i32
        %sign3A_714 = arith.extui %sign3A_713 : i1 to i32
        %sign3A_715 = arith.constant 0 : i32
        %sign3A_716 = arith.cmpi slt, %add3A_709, %sign3A_715 : i32
        %sign3A_717 = arith.extui %sign3A_716 : i1 to i32
        %sign3A_718 = arith.subi %sign3A_714, %sign3A_717 : i32
        %sign3A_719 = arith.constant 0 : i32
        %sign3A_720 = arith.cmpi sgt, %jit3A_710, %sign3A_719 : i32
        %sign3A_721 = arith.extui %sign3A_720 : i1 to i32
        %sign3A_722 = arith.constant 0 : i32
        %sign3A_723 = arith.cmpi slt, %jit3A_710, %sign3A_722 : i32
        %sign3A_724 = arith.extui %sign3A_723 : i1 to i32
        %sign3A_725 = arith.subi %sign3A_721, %sign3A_724 : i32
        %ne3A_726 = arith.cmpi ne, %sign3A_718, %sign3A_725 : i32
        %rem3A_727 = arith.remsi %add3A_709, %jit3A_710 : i32
        %ne3A_728 = arith.constant 0 : i32
        %ne3A_729 = arith.cmpi ne, %rem3A_727, %ne3A_728 : i32
        %and3A_730 = arith.andi %ne3A_726, %ne3A_729 : i1
        %sub3A_731 = arith.constant 1 : i32
        %sub3A_732 = arith.subi %div3A_711, %sub3A_731 : i32
        %select_n3A_733 = arith.select %and3A_730, %sub3A_732, %div3A_711 : i32
        %mul3A_734 = arith.constant 26 : i32
        %mul3A_735 = arith.muli %select_n3A_733, %mul3A_734 : i32
        %sub3A_736 = arith.subi %add3A_709, %mul3A_735 : i32
        %dma_start3A_737 = arith.constant 0 : i32
        %dma_start3A_738 = tpu.memref_slice %arg9[%select_n3A_733, %sub3A_736, %dma_start3A_737] : memref<8x26x64xf32, #tpu.memory_space<vmem>> -> memref<1x1x64xf32, #tpu.memory_space<vmem>>
        %dma_start3A_739 = tpu.memref_squeeze %dma_start3A_738 : memref<1x1x64xf32, #tpu.memory_space<vmem>> -> memref<64xf32, #tpu.memory_space<vmem>>
        %dma_start3A_740 = arith.constant 0 : i32
        %dma_start3A_741 = tpu.memref_slice %arg4[%squeeze3A_707, %dma_start3A_740] : memref<2600000x64xf32, #tpu.memory_space<hbm>> -> memref<1x64xf32, #tpu.memory_space<hbm>>
        %dma_start3A_742 = tpu.memref_squeeze %dma_start3A_741 : memref<1x64xf32, #tpu.memory_space<hbm>> -> memref<64xf32, #tpu.memory_space<hbm>>
        %dma_start3A_743 = arith.constant 0 : i32
        %dma_start3A_744 = tpu.memref_slice %arg9[%select_n3A_733, %sub3A_736, %dma_start3A_743] : memref<8x26x64xf32, #tpu.memory_space<vmem>> -> memref<1x1x64xf32, #tpu.memory_space<vmem>>
        %dma_start3A_745 = tpu.memref_squeeze %dma_start3A_744 : memref<1x1x64xf32, #tpu.memory_space<vmem>> -> memref<64xf32, #tpu.memory_space<vmem>>
        %dma_start3A_746 = arith.constant 0 : i32
        %dma_start3A_747 = tpu.memref_slice %arg4[%squeeze3A_707, %dma_start3A_746] : memref<2600000x64xf32, #tpu.memory_space<hbm>> -> memref<1x64xf32, #tpu.memory_space<hbm>>
        %dma_start3A_748 = tpu.memref_squeeze %dma_start3A_747 : memref<1x64xf32, #tpu.memory_space<hbm>> -> memref<64xf32, #tpu.memory_space<hbm>>
        tpu.enqueue_dma source(%dma_start3A_748 : memref<64xf32, #tpu.memory_space<hbm>>) target(%dma_start3A_745 : memref<64xf32, #tpu.memory_space<vmem>>) target_semaphore(%arg11 : memref<!tpu.dma_semaphore, #tpu.memory_space<semaphore_mem>>)
        %slice3A_749 = vector.extract_strided_slice %get3A_114 {offsets = [15], sizes = [1], strides = [1]} : vector<16xi32> to vector<1xi32>
        %squeeze3A_750 = vector.extract %slice3A_749[0] : i32 from vector<1xi32>
        %add3A_751 = arith.constant 15 : i32
        %add3A_752 = arith.addi %mul3A_108, %add3A_751 : i32
        %jit3A_753 = arith.constant 26 : i32
        %div3A_754 = arith.divsi %add3A_752, %jit3A_753 : i32
        %sign3A_755 = arith.constant 0 : i32
        %sign3A_756 = arith.cmpi sgt, %add3A_752, %sign3A_755 : i32
        %sign3A_757 = arith.extui %sign3A_756 : i1 to i32
        %sign3A_758 = arith.constant 0 : i32
        %sign3A_759 = arith.cmpi slt, %add3A_752, %sign3A_758 : i32
        %sign3A_760 = arith.extui %sign3A_759 : i1 to i32
        %sign3A_761 = arith.subi %sign3A_757, %sign3A_760 : i32
        %sign3A_762 = arith.constant 0 : i32
        %sign3A_763 = arith.cmpi sgt, %jit3A_753, %sign3A_762 : i32
        %sign3A_764 = arith.extui %sign3A_763 : i1 to i32
        %sign3A_765 = arith.constant 0 : i32
        %sign3A_766 = arith.cmpi slt, %jit3A_753, %sign3A_765 : i32
        %sign3A_767 = arith.extui %sign3A_766 : i1 to i32
        %sign3A_768 = arith.subi %sign3A_764, %sign3A_767 : i32
        %ne3A_769 = arith.cmpi ne, %sign3A_761, %sign3A_768 : i32
        %rem3A_770 = arith.remsi %add3A_752, %jit3A_753 : i32
        %ne3A_771 = arith.constant 0 : i32
        %ne3A_772 = arith.cmpi ne, %rem3A_770, %ne3A_771 : i32
        %and3A_773 = arith.andi %ne3A_769, %ne3A_772 : i1
        %sub3A_774 = arith.constant 1 : i32
        %sub3A_775 = arith.subi %div3A_754, %sub3A_774 : i32
        %select_n3A_776 = arith.select %and3A_773, %sub3A_775, %div3A_754 : i32
        %mul3A_777 = arith.constant 26 : i32
        %mul3A_778 = arith.muli %select_n3A_776, %mul3A_777 : i32
        %sub3A_779 = arith.subi %add3A_752, %mul3A_778 : i32
        %dma_start3A_780 = arith.constant 0 : i32
        %dma_start3A_781 = tpu.memref_slice %arg9[%select_n3A_776, %sub3A_779, %dma_start3A_780] : memref<8x26x64xf32, #tpu.memory_space<vmem>> -> memref<1x1x64xf32, #tpu.memory_space<vmem>>
        %dma_start3A_782 = tpu.memref_squeeze %dma_start3A_781 : memref<1x1x64xf32, #tpu.memory_space<vmem>> -> memref<64xf32, #tpu.memory_space<vmem>>
        %dma_start3A_783 = arith.constant 0 : i32
        %dma_start3A_784 = tpu.memref_slice %arg4[%squeeze3A_750, %dma_start3A_783] : memref<2600000x64xf32, #tpu.memory_space<hbm>> -> memref<1x64xf32, #tpu.memory_space<hbm>>
        %dma_start3A_785 = tpu.memref_squeeze %dma_start3A_784 : memref<1x64xf32, #tpu.memory_space<hbm>> -> memref<64xf32, #tpu.memory_space<hbm>>
        %dma_start3A_786 = arith.constant 0 : i32
        %dma_start3A_787 = tpu.memref_slice %arg9[%select_n3A_776, %sub3A_779, %dma_start3A_786] : memref<8x26x64xf32, #tpu.memory_space<vmem>> -> memref<1x1x64xf32, #tpu.memory_space<vmem>>
        %dma_start3A_788 = tpu.memref_squeeze %dma_start3A_787 : memref<1x1x64xf32, #tpu.memory_space<vmem>> -> memref<64xf32, #tpu.memory_space<vmem>>
        %dma_start3A_789 = arith.constant 0 : i32
        %dma_start3A_790 = tpu.memref_slice %arg4[%squeeze3A_750, %dma_start3A_789] : memref<2600000x64xf32, #tpu.memory_space<hbm>> -> memref<1x64xf32, #tpu.memory_space<hbm>>
        %dma_start3A_791 = tpu.memref_squeeze %dma_start3A_790 : memref<1x64xf32, #tpu.memory_space<hbm>> -> memref<64xf32, #tpu.memory_space<hbm>>
        tpu.enqueue_dma source(%dma_start3A_791 : memref<64xf32, #tpu.memory_space<hbm>>) target(%dma_start3A_788 : memref<64xf32, #tpu.memory_space<vmem>>) target_semaphore(%arg11 : memref<!tpu.dma_semaphore, #tpu.memory_space<semaphore_mem>>)
        %scan3A_792 = arith.constant 0 : i32
        scf.yield %scan3A_792 : i32
      }
      %scan3A_79 = arith.constant 13 : i32
      %mul3A_80 = arith.constant 2 : i32
      %mul3A_81 = arith.muli %mul3A_80, %scan3A_54 : i32
      %add3A_82 = arith.constant 1 : i32
      %add3A_83 = arith.addi %mul3A_81, %add3A_82 : i32
      %dma_wait3A_84 = arith.constant 0 : i32
      %dma_wait3A_85 = arith.constant 0 : i32
      %dma_wait3A_86 = arith.constant 0 : i32
      %dma_wait3A_87 = tpu.memref_slice %arg5[%dma_wait3A_84, %dma_wait3A_85, %dma_wait3A_86] : memref<4096x26x64xf32, #tpu.memory_space<hbm>> -> memref<8x26x64xf32, #tpu.memory_space<hbm>>
      %dma_wait3A_88 = arith.constant 0 : i32
      %dma_wait3A_89 = arith.constant 0 : i32
      %dma_wait3A_90 = arith.constant 0 : i32
      %dma_wait3A_91 = tpu.memref_slice %arg5[%dma_wait3A_88, %dma_wait3A_89, %dma_wait3A_90] : memref<4096x26x64xf32, #tpu.memory_space<hbm>> -> memref<8x26x64xf32, #tpu.memory_space<hbm>>
      tpu.wait_dma2 semaphore(%arg12 : memref<!tpu.dma_semaphore, #tpu.memory_space<semaphore_mem>>) src(%dma_wait3A_91 : memref<8x26x64xf32, #tpu.memory_space<hbm>>) dst(%arg10 : memref<8x26x64xf32, #tpu.memory_space<vmem>>)
      %mul3A_92 = arith.constant 8 : i32
      %mul3A_93 = arith.muli %add3A_83, %mul3A_92 : i32
      %add3A_94 = arith.addi %mul3A_2, %mul3A_93 : i32
      "tpu.region"() ({
        %run_scoped3A = tpu.sem_alloc : memref<!tpu.dma_semaphore, #tpu.memory_space<semaphore_mem>>
        %dma_start3A = arith.constant 0 : i32
        %dma_start3A_105 = arith.constant 0 : i32
        %dma_start3A_106 = tpu.memref_slice %arg5[%add3A_94, %dma_start3A, %dma_start3A_105] : memref<4096x26x64xf32, #tpu.memory_space<hbm>> -> memref<8x26x64xf32, #tpu.memory_space<hbm>>
        %dma_start3A_107 = arith.constant 0 : i32
        %dma_start3A_108 = arith.constant 0 : i32
        %dma_start3A_109 = tpu.memref_slice %arg5[%add3A_94, %dma_start3A_107, %dma_start3A_108] : memref<4096x26x64xf32, #tpu.memory_space<hbm>> -> memref<8x26x64xf32, #tpu.memory_space<hbm>>
        tpu.enqueue_dma source(%arg10 : memref<8x26x64xf32, #tpu.memory_space<vmem>>) target(%dma_start3A_109 : memref<8x26x64xf32, #tpu.memory_space<hbm>>) target_semaphore(%run_scoped3A : memref<!tpu.dma_semaphore, #tpu.memory_space<semaphore_mem>>)
        %dma_wait3A_110 = arith.constant 0 : i32
        %dma_wait3A_111 = arith.constant 0 : i32
        %dma_wait3A_112 = tpu.memref_slice %arg5[%add3A_94, %dma_wait3A_110, %dma_wait3A_111] : memref<4096x26x64xf32, #tpu.memory_space<hbm>> -> memref<8x26x64xf32, #tpu.memory_space<hbm>>
        %dma_wait3A_113 = arith.constant 0 : i32
        %dma_wait3A_114 = arith.constant 0 : i32
        %dma_wait3A_115 = tpu.memref_slice %arg5[%add3A_94, %dma_wait3A_113, %dma_wait3A_114] : memref<4096x26x64xf32, #tpu.memory_space<hbm>> -> memref<8x26x64xf32, #tpu.memory_space<hbm>>
        tpu.wait_dma2 semaphore(%run_scoped3A : memref<!tpu.dma_semaphore, #tpu.memory_space<semaphore_mem>>) src(%arg10 : memref<8x26x64xf32, #tpu.memory_space<vmem>>) dst(%dma_wait3A_115 : memref<8x26x64xf32, #tpu.memory_space<hbm>>)
        tpu.yield
      }) : () -> ()
      %add3A_95 = arith.constant 2 : i32
      %add3A_96 = arith.addi %add3A_83, %add3A_95 : i32
      %scan3A_97 = arith.constant 0 : i32
      %scan3A_98 = arith.constant 0 : i32
      %scan3A_99 = arith.constant 13 : i32
      %scan3A_100 = arith.addi %scan3A_98, %scan3A_99 : i32
      %scan3A_101 = arith.constant 1 : i32
      %scan3A_102 = scf.for %scan3A_105 = %scan3A_98 to %scan3A_100 step %scan3A_101 iter_args(%scan3A_106 = %scan3A_97) -> (i32)  : i32 {
        %mul3A_107 = arith.constant 16 : i32
        %mul3A_108 = arith.muli %scan3A_105, %mul3A_107 : i32
        %mul3A_109 = arith.constant 208 : i32
        %mul3A_110 = arith.muli %add3A_96, %mul3A_109 : i32
        %add3A_111 = arith.addi %mul3A_110, %mul3A_108 : i32
        %get3A_112 = arith.index_cast %add3A_111 : i32 to index
        %get3A_113 = tpu.vector_load %arg8[%get3A_112] {strides = array<i32>} : memref<3328xi32, #tpu.memory_space<vmem>>, vector<16xi32>,
        %get3A_114 = vector.shape_cast %get3A_113 : vector<16xi32> to vector<16xi32>
        %slice3A = vector.extract_strided_slice %get3A_114 {offsets = [0], sizes = [1], strides = [1]} : vector<16xi32> to vector<1xi32>
        %squeeze3A = vector.extract %slice3A[0] : i32 from vector<1xi32>
        %add3A_115 = arith.constant 0 : i32
        %add3A_116 = arith.addi %mul3A_108, %add3A_115 : i32
        %jit3A = arith.constant 26 : i32
        %div3A = arith.divsi %add3A_116, %jit3A : i32
        %sign3A = arith.constant 0 : i32
        %sign3A_117 = arith.cmpi sgt, %add3A_116, %sign3A : i32
        %sign3A_118 = arith.extui %sign3A_117 : i1 to i32
        %sign3A_119 = arith.constant 0 : i32
        %sign3A_120 = arith.cmpi slt, %add3A_116, %sign3A_119 : i32
        %sign3A_121 = arith.extui %sign3A_120 : i1 to i32
        %sign3A_122 = arith.subi %sign3A_118, %sign3A_121 : i32
        %sign3A_123 = arith.constant 0 : i32
        %sign3A_124 = arith.cmpi sgt, %jit3A, %sign3A_123 : i32
        %sign3A_125 = arith.extui %sign3A_124 : i1 to i32
        %sign3A_126 = arith.constant 0 : i32
        %sign3A_127 = arith.cmpi slt, %jit3A, %sign3A_126 : i32
        %sign3A_128 = arith.extui %sign3A_127 : i1 to i32
        %sign3A_129 = arith.subi %sign3A_125, %sign3A_128 : i32
        %ne3A = arith.cmpi ne, %sign3A_122, %sign3A_129 : i32
        %rem3A = arith.remsi %add3A_116, %jit3A : i32
        %ne3A_130 = arith.constant 0 : i32
        %ne3A_131 = arith.cmpi ne, %rem3A, %ne3A_130 : i32
        %and3A = arith.andi %ne3A, %ne3A_131 : i1
        %sub3A = arith.constant 1 : i32
        %sub3A_132 = arith.subi %div3A, %sub3A : i32
        %select_n3A = arith.select %and3A, %sub3A_132, %div3A : i32
        %mul3A_133 = arith.constant 26 : i32
        %mul3A_134 = arith.muli %select_n3A, %mul3A_133 : i32
        %sub3A_135 = arith.subi %add3A_116, %mul3A_134 : i32
        %dma_start3A = arith.constant 0 : i32
        %dma_start3A_136 = tpu.memref_slice %arg10[%select_n3A, %sub3A_135, %dma_start3A] : memref<8x26x64xf32, #tpu.memory_space<vmem>> -> memref<1x1x64xf32, #tpu.memory_space<vmem>>
        %dma_start3A_137 = tpu.memref_squeeze %dma_start3A_136 : memref<1x1x64xf32, #tpu.memory_space<vmem>> -> memref<64xf32, #tpu.memory_space<vmem>>
        %dma_start3A_138 = arith.constant 0 : i32
        %dma_start3A_139 = tpu.memref_slice %arg4[%squeeze3A, %dma_start3A_138] : memref<2600000x64xf32, #tpu.memory_space<hbm>> -> memref<1x64xf32, #tpu.memory_space<hbm>>
        %dma_start3A_140 = tpu.memref_squeeze %dma_start3A_139 : memref<1x64xf32, #tpu.memory_space<hbm>> -> memref<64xf32, #tpu.memory_space<hbm>>
        %dma_start3A_141 = arith.constant 0 : i32
        %dma_start3A_142 = tpu.memref_slice %arg10[%select_n3A, %sub3A_135, %dma_start3A_141] : memref<8x26x64xf32, #tpu.memory_space<vmem>> -> memref<1x1x64xf32, #tpu.memory_space<vmem>>
        %dma_start3A_143 = tpu.memref_squeeze %dma_start3A_142 : memref<1x1x64xf32, #tpu.memory_space<vmem>> -> memref<64xf32, #tpu.memory_space<vmem>>
        %dma_start3A_144 = arith.constant 0 : i32
        %dma_start3A_145 = tpu.memref_slice %arg4[%squeeze3A, %dma_start3A_144] : memref<2600000x64xf32, #tpu.memory_space<hbm>> -> memref<1x64xf32, #tpu.memory_space<hbm>>
        %dma_start3A_146 = tpu.memref_squeeze %dma_start3A_145 : memref<1x64xf32, #tpu.memory_space<hbm>> -> memref<64xf32, #tpu.memory_space<hbm>>
        tpu.enqueue_dma source(%dma_start3A_146 : memref<64xf32, #tpu.memory_space<hbm>>) target(%dma_start3A_143 : memref<64xf32, #tpu.memory_space<vmem>>) target_semaphore(%arg12 : memref<!tpu.dma_semaphore, #tpu.memory_space<semaphore_mem>>)
        %slice3A_147 = vector.extract_strided_slice %get3A_114 {offsets = [1], sizes = [1], strides = [1]} : vector<16xi32> to vector<1xi32>
        %squeeze3A_148 = vector.extract %slice3A_147[0] : i32 from vector<1xi32>
        %add3A_149 = arith.constant 1 : i32
        %add3A_150 = arith.addi %mul3A_108, %add3A_149 : i32
        %jit3A_151 = arith.constant 26 : i32
        %div3A_152 = arith.divsi %add3A_150, %jit3A_151 : i32
        %sign3A_153 = arith.constant 0 : i32
        %sign3A_154 = arith.cmpi sgt, %add3A_150, %sign3A_153 : i32
        %sign3A_155 = arith.extui %sign3A_154 : i1 to i32
        %sign3A_156 = arith.constant 0 : i32
        %sign3A_157 = arith.cmpi slt, %add3A_150, %sign3A_156 : i32
        %sign3A_158 = arith.extui %sign3A_157 : i1 to i32
        %sign3A_159 = arith.subi %sign3A_155, %sign3A_158 : i32
        %sign3A_160 = arith.constant 0 : i32
        %sign3A_161 = arith.cmpi sgt, %jit3A_151, %sign3A_160 : i32
        %sign3A_162 = arith.extui %sign3A_161 : i1 to i32
        %sign3A_163 = arith.constant 0 : i32
        %sign3A_164 = arith.cmpi slt, %jit3A_151, %sign3A_163 : i32
        %sign3A_165 = arith.extui %sign3A_164 : i1 to i32
        %sign3A_166 = arith.subi %sign3A_162, %sign3A_165 : i32
        %ne3A_167 = arith.cmpi ne, %sign3A_159, %sign3A_166 : i32
        %rem3A_168 = arith.remsi %add3A_150, %jit3A_151 : i32
        %ne3A_169 = arith.constant 0 : i32
        %ne3A_170 = arith.cmpi ne, %rem3A_168, %ne3A_169 : i32
        %and3A_171 = arith.andi %ne3A_167, %ne3A_170 : i1
        %sub3A_172 = arith.constant 1 : i32
        %sub3A_173 = arith.subi %div3A_152, %sub3A_172 : i32
        %select_n3A_174 = arith.select %and3A_171, %sub3A_173, %div3A_152 : i32
        %mul3A_175 = arith.constant 26 : i32
        %mul3A_176 = arith.muli %select_n3A_174, %mul3A_175 : i32
        %sub3A_177 = arith.subi %add3A_150, %mul3A_176 : i32
        %dma_start3A_178 = arith.constant 0 : i32
        %dma_start3A_179 = tpu.memref_slice %arg10[%select_n3A_174, %sub3A_177, %dma_start3A_178] : memref<8x26x64xf32, #tpu.memory_space<vmem>> -> memref<1x1x64xf32, #tpu.memory_space<vmem>>
        %dma_start3A_180 = tpu.memref_squeeze %dma_start3A_179 : memref<1x1x64xf32, #tpu.memory_space<vmem>> -> memref<64xf32, #tpu.memory_space<vmem>>
        %dma_start3A_181 = arith.constant 0 : i32
        %dma_start3A_182 = tpu.memref_slice %arg4[%squeeze3A_148, %dma_start3A_181] : memref<2600000x64xf32, #tpu.memory_space<hbm>> -> memref<1x64xf32, #tpu.memory_space<hbm>>
        %dma_start3A_183 = tpu.memref_squeeze %dma_start3A_182 : memref<1x64xf32, #tpu.memory_space<hbm>> -> memref<64xf32, #tpu.memory_space<hbm>>
        %dma_start3A_184 = arith.constant 0 : i32
        %dma_start3A_185 = tpu.memref_slice %arg10[%select_n3A_174, %sub3A_177, %dma_start3A_184] : memref<8x26x64xf32, #tpu.memory_space<vmem>> -> memref<1x1x64xf32, #tpu.memory_space<vmem>>
        %dma_start3A_186 = tpu.memref_squeeze %dma_start3A_185 : memref<1x1x64xf32, #tpu.memory_space<vmem>> -> memref<64xf32, #tpu.memory_space<vmem>>
        %dma_start3A_187 = arith.constant 0 : i32
        %dma_start3A_188 = tpu.memref_slice %arg4[%squeeze3A_148, %dma_start3A_187] : memref<2600000x64xf32, #tpu.memory_space<hbm>> -> memref<1x64xf32, #tpu.memory_space<hbm>>
        %dma_start3A_189 = tpu.memref_squeeze %dma_start3A_188 : memref<1x64xf32, #tpu.memory_space<hbm>> -> memref<64xf32, #tpu.memory_space<hbm>>
        tpu.enqueue_dma source(%dma_start3A_189 : memref<64xf32, #tpu.memory_space<hbm>>) target(%dma_start3A_186 : memref<64xf32, #tpu.memory_space<vmem>>) target_semaphore(%arg12 : memref<!tpu.dma_semaphore, #tpu.memory_space<semaphore_mem>>)
        %slice3A_190 = vector.extract_strided_slice %get3A_114 {offsets = [2], sizes = [1], strides = [1]} : vector<16xi32> to vector<1xi32>
        %squeeze3A_191 = vector.extract %slice3A_190[0] : i32 from vector<1xi32>
        %add3A_192 = arith.constant 2 : i32
        %add3A_193 = arith.addi %mul3A_108, %add3A_192 : i32
        %jit3A_194 = arith.constant 26 : i32
        %div3A_195 = arith.divsi %add3A_193, %jit3A_194 : i32
        %sign3A_196 = arith.constant 0 : i32
        %sign3A_197 = arith.cmpi sgt, %add3A_193, %sign3A_196 : i32
        %sign3A_198 = arith.extui %sign3A_197 : i1 to i32
        %sign3A_199 = arith.constant 0 : i32
        %sign3A_200 = arith.cmpi slt, %add3A_193, %sign3A_199 : i32
        %sign3A_201 = arith.extui %sign3A_200 : i1 to i32
        %sign3A_202 = arith.subi %sign3A_198, %sign3A_201 : i32
        %sign3A_203 = arith.constant 0 : i32
        %sign3A_204 = arith.cmpi sgt, %jit3A_194, %sign3A_203 : i32
        %sign3A_205 = arith.extui %sign3A_204 : i1 to i32
        %sign3A_206 = arith.constant 0 : i32
        %sign3A_207 = arith.cmpi slt, %jit3A_194, %sign3A_206 : i32
        %sign3A_208 = arith.extui %sign3A_207 : i1 to i32
        %sign3A_209 = arith.subi %sign3A_205, %sign3A_208 : i32
        %ne3A_210 = arith.cmpi ne, %sign3A_202, %sign3A_209 : i32
        %rem3A_211 = arith.remsi %add3A_193, %jit3A_194 : i32
        %ne3A_212 = arith.constant 0 : i32
        %ne3A_213 = arith.cmpi ne, %rem3A_211, %ne3A_212 : i32
        %and3A_214 = arith.andi %ne3A_210, %ne3A_213 : i1
        %sub3A_215 = arith.constant 1 : i32
        %sub3A_216 = arith.subi %div3A_195, %sub3A_215 : i32
        %select_n3A_217 = arith.select %and3A_214, %sub3A_216, %div3A_195 : i32
        %mul3A_218 = arith.constant 26 : i32
        %mul3A_219 = arith.muli %select_n3A_217, %mul3A_218 : i32
        %sub3A_220 = arith.subi %add3A_193, %mul3A_219 : i32
        %dma_start3A_221 = arith.constant 0 : i32
        %dma_start3A_222 = tpu.memref_slice %arg10[%select_n3A_217, %sub3A_220, %dma_start3A_221] : memref<8x26x64xf32, #tpu.memory_space<vmem>> -> memref<1x1x64xf32, #tpu.memory_space<vmem>>
        %dma_start3A_223 = tpu.memref_squeeze %dma_start3A_222 : memref<1x1x64xf32, #tpu.memory_space<vmem>> -> memref<64xf32, #tpu.memory_space<vmem>>
        %dma_start3A_224 = arith.constant 0 : i32
        %dma_start3A_225 = tpu.memref_slice %arg4[%squeeze3A_191, %dma_start3A_224] : memref<2600000x64xf32, #tpu.memory_space<hbm>> -> memref<1x64xf32, #tpu.memory_space<hbm>>
        %dma_start3A_226 = tpu.memref_squeeze %dma_start3A_225 : memref<1x64xf32, #tpu.memory_space<hbm>> -> memref<64xf32, #tpu.memory_space<hbm>>
        %dma_start3A_227 = arith.constant 0 : i32
        %dma_start3A_228 = tpu.memref_slice %arg10[%select_n3A_217, %sub3A_220, %dma_start3A_227] : memref<8x26x64xf32, #tpu.memory_space<vmem>> -> memref<1x1x64xf32, #tpu.memory_space<vmem>>
        %dma_start3A_229 = tpu.memref_squeeze %dma_start3A_228 : memref<1x1x64xf32, #tpu.memory_space<vmem>> -> memref<64xf32, #tpu.memory_space<vmem>>
        %dma_start3A_230 = arith.constant 0 : i32
        %dma_start3A_231 = tpu.memref_slice %arg4[%squeeze3A_191, %dma_start3A_230] : memref<2600000x64xf32, #tpu.memory_space<hbm>> -> memref<1x64xf32, #tpu.memory_space<hbm>>
        %dma_start3A_232 = tpu.memref_squeeze %dma_start3A_231 : memref<1x64xf32, #tpu.memory_space<hbm>> -> memref<64xf32, #tpu.memory_space<hbm>>
        tpu.enqueue_dma source(%dma_start3A_232 : memref<64xf32, #tpu.memory_space<hbm>>) target(%dma_start3A_229 : memref<64xf32, #tpu.memory_space<vmem>>) target_semaphore(%arg12 : memref<!tpu.dma_semaphore, #tpu.memory_space<semaphore_mem>>)
        %slice3A_233 = vector.extract_strided_slice %get3A_114 {offsets = [3], sizes = [1], strides = [1]} : vector<16xi32> to vector<1xi32>
        %squeeze3A_234 = vector.extract %slice3A_233[0] : i32 from vector<1xi32>
        %add3A_235 = arith.constant 3 : i32
        %add3A_236 = arith.addi %mul3A_108, %add3A_235 : i32
        %jit3A_237 = arith.constant 26 : i32
        %div3A_238 = arith.divsi %add3A_236, %jit3A_237 : i32
        %sign3A_239 = arith.constant 0 : i32
        %sign3A_240 = arith.cmpi sgt, %add3A_236, %sign3A_239 : i32
        %sign3A_241 = arith.extui %sign3A_240 : i1 to i32
        %sign3A_242 = arith.constant 0 : i32
        %sign3A_243 = arith.cmpi slt, %add3A_236, %sign3A_242 : i32
        %sign3A_244 = arith.extui %sign3A_243 : i1 to i32
        %sign3A_245 = arith.subi %sign3A_241, %sign3A_244 : i32
        %sign3A_246 = arith.constant 0 : i32
        %sign3A_247 = arith.cmpi sgt, %jit3A_237, %sign3A_246 : i32
        %sign3A_248 = arith.extui %sign3A_247 : i1 to i32
        %sign3A_249 = arith.constant 0 : i32
        %sign3A_250 = arith.cmpi slt, %jit3A_237, %sign3A_249 : i32
        %sign3A_251 = arith.extui %sign3A_250 : i1 to i32
        %sign3A_252 = arith.subi %sign3A_248, %sign3A_251 : i32
        %ne3A_253 = arith.cmpi ne, %sign3A_245, %sign3A_252 : i32
        %rem3A_254 = arith.remsi %add3A_236, %jit3A_237 : i32
        %ne3A_255 = arith.constant 0 : i32
        %ne3A_256 = arith.cmpi ne, %rem3A_254, %ne3A_255 : i32
        %and3A_257 = arith.andi %ne3A_253, %ne3A_256 : i1
        %sub3A_258 = arith.constant 1 : i32
        %sub3A_259 = arith.subi %div3A_238, %sub3A_258 : i32
        %select_n3A_260 = arith.select %and3A_257, %sub3A_259, %div3A_238 : i32
        %mul3A_261 = arith.constant 26 : i32
        %mul3A_262 = arith.muli %select_n3A_260, %mul3A_261 : i32
        %sub3A_263 = arith.subi %add3A_236, %mul3A_262 : i32
        %dma_start3A_264 = arith.constant 0 : i32
        %dma_start3A_265 = tpu.memref_slice %arg10[%select_n3A_260, %sub3A_263, %dma_start3A_264] : memref<8x26x64xf32, #tpu.memory_space<vmem>> -> memref<1x1x64xf32, #tpu.memory_space<vmem>>
        %dma_start3A_266 = tpu.memref_squeeze %dma_start3A_265 : memref<1x1x64xf32, #tpu.memory_space<vmem>> -> memref<64xf32, #tpu.memory_space<vmem>>
        %dma_start3A_267 = arith.constant 0 : i32
        %dma_start3A_268 = tpu.memref_slice %arg4[%squeeze3A_234, %dma_start3A_267] : memref<2600000x64xf32, #tpu.memory_space<hbm>> -> memref<1x64xf32, #tpu.memory_space<hbm>>
        %dma_start3A_269 = tpu.memref_squeeze %dma_start3A_268 : memref<1x64xf32, #tpu.memory_space<hbm>> -> memref<64xf32, #tpu.memory_space<hbm>>
        %dma_start3A_270 = arith.constant 0 : i32
        %dma_start3A_271 = tpu.memref_slice %arg10[%select_n3A_260, %sub3A_263, %dma_start3A_270] : memref<8x26x64xf32, #tpu.memory_space<vmem>> -> memref<1x1x64xf32, #tpu.memory_space<vmem>>
        %dma_start3A_272 = tpu.memref_squeeze %dma_start3A_271 : memref<1x1x64xf32, #tpu.memory_space<vmem>> -> memref<64xf32, #tpu.memory_space<vmem>>
        %dma_start3A_273 = arith.constant 0 : i32
        %dma_start3A_274 = tpu.memref_slice %arg4[%squeeze3A_234, %dma_start3A_273] : memref<2600000x64xf32, #tpu.memory_space<hbm>> -> memref<1x64xf32, #tpu.memory_space<hbm>>
        %dma_start3A_275 = tpu.memref_squeeze %dma_start3A_274 : memref<1x64xf32, #tpu.memory_space<hbm>> -> memref<64xf32, #tpu.memory_space<hbm>>
        tpu.enqueue_dma source(%dma_start3A_275 : memref<64xf32, #tpu.memory_space<hbm>>) target(%dma_start3A_272 : memref<64xf32, #tpu.memory_space<vmem>>) target_semaphore(%arg12 : memref<!tpu.dma_semaphore, #tpu.memory_space<semaphore_mem>>)
        %slice3A_276 = vector.extract_strided_slice %get3A_114 {offsets = [4], sizes = [1], strides = [1]} : vector<16xi32> to vector<1xi32>
        %squeeze3A_277 = vector.extract %slice3A_276[0] : i32 from vector<1xi32>
        %add3A_278 = arith.constant 4 : i32
        %add3A_279 = arith.addi %mul3A_108, %add3A_278 : i32
        %jit3A_280 = arith.constant 26 : i32
        %div3A_281 = arith.divsi %add3A_279, %jit3A_280 : i32
        %sign3A_282 = arith.constant 0 : i32
        %sign3A_283 = arith.cmpi sgt, %add3A_279, %sign3A_282 : i32
        %sign3A_284 = arith.extui %sign3A_283 : i1 to i32
        %sign3A_285 = arith.constant 0 : i32
        %sign3A_286 = arith.cmpi slt, %add3A_279, %sign3A_285 : i32
        %sign3A_287 = arith.extui %sign3A_286 : i1 to i32
        %sign3A_288 = arith.subi %sign3A_284, %sign3A_287 : i32
        %sign3A_289 = arith.constant 0 : i32
        %sign3A_290 = arith.cmpi sgt, %jit3A_280, %sign3A_289 : i32
        %sign3A_291 = arith.extui %sign3A_290 : i1 to i32
        %sign3A_292 = arith.constant 0 : i32
        %sign3A_293 = arith.cmpi slt, %jit3A_280, %sign3A_292 : i32
        %sign3A_294 = arith.extui %sign3A_293 : i1 to i32
        %sign3A_295 = arith.subi %sign3A_291, %sign3A_294 : i32
        %ne3A_296 = arith.cmpi ne, %sign3A_288, %sign3A_295 : i32
        %rem3A_297 = arith.remsi %add3A_279, %jit3A_280 : i32
        %ne3A_298 = arith.constant 0 : i32
        %ne3A_299 = arith.cmpi ne, %rem3A_297, %ne3A_298 : i32
        %and3A_300 = arith.andi %ne3A_296, %ne3A_299 : i1
        %sub3A_301 = arith.constant 1 : i32
        %sub3A_302 = arith.subi %div3A_281, %sub3A_301 : i32
        %select_n3A_303 = arith.select %and3A_300, %sub3A_302, %div3A_281 : i32
        %mul3A_304 = arith.constant 26 : i32
        %mul3A_305 = arith.muli %select_n3A_303, %mul3A_304 : i32
        %sub3A_306 = arith.subi %add3A_279, %mul3A_305 : i32
        %dma_start3A_307 = arith.constant 0 : i32
        %dma_start3A_308 = tpu.memref_slice %arg10[%select_n3A_303, %sub3A_306, %dma_start3A_307] : memref<8x26x64xf32, #tpu.memory_space<vmem>> -> memref<1x1x64xf32, #tpu.memory_space<vmem>>
        %dma_start3A_309 = tpu.memref_squeeze %dma_start3A_308 : memref<1x1x64xf32, #tpu.memory_space<vmem>> -> memref<64xf32, #tpu.memory_space<vmem>>
        %dma_start3A_310 = arith.constant 0 : i32
        %dma_start3A_311 = tpu.memref_slice %arg4[%squeeze3A_277, %dma_start3A_310] : memref<2600000x64xf32, #tpu.memory_space<hbm>> -> memref<1x64xf32, #tpu.memory_space<hbm>>
        %dma_start3A_312 = tpu.memref_squeeze %dma_start3A_311 : memref<1x64xf32, #tpu.memory_space<hbm>> -> memref<64xf32, #tpu.memory_space<hbm>>
        %dma_start3A_313 = arith.constant 0 : i32
        %dma_start3A_314 = tpu.memref_slice %arg10[%select_n3A_303, %sub3A_306, %dma_start3A_313] : memref<8x26x64xf32, #tpu.memory_space<vmem>> -> memref<1x1x64xf32, #tpu.memory_space<vmem>>
        %dma_start3A_315 = tpu.memref_squeeze %dma_start3A_314 : memref<1x1x64xf32, #tpu.memory_space<vmem>> -> memref<64xf32, #tpu.memory_space<vmem>>
        %dma_start3A_316 = arith.constant 0 : i32
        %dma_start3A_317 = tpu.memref_slice %arg4[%squeeze3A_277, %dma_start3A_316] : memref<2600000x64xf32, #tpu.memory_space<hbm>> -> memref<1x64xf32, #tpu.memory_space<hbm>>
        %dma_start3A_318 = tpu.memref_squeeze %dma_start3A_317 : memref<1x64xf32, #tpu.memory_space<hbm>> -> memref<64xf32, #tpu.memory_space<hbm>>
        tpu.enqueue_dma source(%dma_start3A_318 : memref<64xf32, #tpu.memory_space<hbm>>) target(%dma_start3A_315 : memref<64xf32, #tpu.memory_space<vmem>>) target_semaphore(%arg12 : memref<!tpu.dma_semaphore, #tpu.memory_space<semaphore_mem>>)
        %slice3A_319 = vector.extract_strided_slice %get3A_114 {offsets = [5], sizes = [1], strides = [1]} : vector<16xi32> to vector<1xi32>
        %squeeze3A_320 = vector.extract %slice3A_319[0] : i32 from vector<1xi32>
        %add3A_321 = arith.constant 5 : i32
        %add3A_322 = arith.addi %mul3A_108, %add3A_321 : i32
        %jit3A_323 = arith.constant 26 : i32
        %div3A_324 = arith.divsi %add3A_322, %jit3A_323 : i32
        %sign3A_325 = arith.constant 0 : i32
        %sign3A_326 = arith.cmpi sgt, %add3A_322, %sign3A_325 : i32
        %sign3A_327 = arith.extui %sign3A_326 : i1 to i32
        %sign3A_328 = arith.constant 0 : i32
        %sign3A_329 = arith.cmpi slt, %add3A_322, %sign3A_328 : i32
        %sign3A_330 = arith.extui %sign3A_329 : i1 to i32
        %sign3A_331 = arith.subi %sign3A_327, %sign3A_330 : i32
        %sign3A_332 = arith.constant 0 : i32
        %sign3A_333 = arith.cmpi sgt, %jit3A_323, %sign3A_332 : i32
        %sign3A_334 = arith.extui %sign3A_333 : i1 to i32
        %sign3A_335 = arith.constant 0 : i32
        %sign3A_336 = arith.cmpi slt, %jit3A_323, %sign3A_335 : i32
        %sign3A_337 = arith.extui %sign3A_336 : i1 to i32
        %sign3A_338 = arith.subi %sign3A_334, %sign3A_337 : i32
        %ne3A_339 = arith.cmpi ne, %sign3A_331, %sign3A_338 : i32
        %rem3A_340 = arith.remsi %add3A_322, %jit3A_323 : i32
        %ne3A_341 = arith.constant 0 : i32
        %ne3A_342 = arith.cmpi ne, %rem3A_340, %ne3A_341 : i32
        %and3A_343 = arith.andi %ne3A_339, %ne3A_342 : i1
        %sub3A_344 = arith.constant 1 : i32
        %sub3A_345 = arith.subi %div3A_324, %sub3A_344 : i32
        %select_n3A_346 = arith.select %and3A_343, %sub3A_345, %div3A_324 : i32
        %mul3A_347 = arith.constant 26 : i32
        %mul3A_348 = arith.muli %select_n3A_346, %mul3A_347 : i32
        %sub3A_349 = arith.subi %add3A_322, %mul3A_348 : i32
        %dma_start3A_350 = arith.constant 0 : i32
        %dma_start3A_351 = tpu.memref_slice %arg10[%select_n3A_346, %sub3A_349, %dma_start3A_350] : memref<8x26x64xf32, #tpu.memory_space<vmem>> -> memref<1x1x64xf32, #tpu.memory_space<vmem>>
        %dma_start3A_352 = tpu.memref_squeeze %dma_start3A_351 : memref<1x1x64xf32, #tpu.memory_space<vmem>> -> memref<64xf32, #tpu.memory_space<vmem>>
        %dma_start3A_353 = arith.constant 0 : i32
        %dma_start3A_354 = tpu.memref_slice %arg4[%squeeze3A_320, %dma_start3A_353] : memref<2600000x64xf32, #tpu.memory_space<hbm>> -> memref<1x64xf32, #tpu.memory_space<hbm>>
        %dma_start3A_355 = tpu.memref_squeeze %dma_start3A_354 : memref<1x64xf32, #tpu.memory_space<hbm>> -> memref<64xf32, #tpu.memory_space<hbm>>
        %dma_start3A_356 = arith.constant 0 : i32
        %dma_start3A_357 = tpu.memref_slice %arg10[%select_n3A_346, %sub3A_349, %dma_start3A_356] : memref<8x26x64xf32, #tpu.memory_space<vmem>> -> memref<1x1x64xf32, #tpu.memory_space<vmem>>
        %dma_start3A_358 = tpu.memref_squeeze %dma_start3A_357 : memref<1x1x64xf32, #tpu.memory_space<vmem>> -> memref<64xf32, #tpu.memory_space<vmem>>
        %dma_start3A_359 = arith.constant 0 : i32
        %dma_start3A_360 = tpu.memref_slice %arg4[%squeeze3A_320, %dma_start3A_359] : memref<2600000x64xf32, #tpu.memory_space<hbm>> -> memref<1x64xf32, #tpu.memory_space<hbm>>
        %dma_start3A_361 = tpu.memref_squeeze %dma_start3A_360 : memref<1x64xf32, #tpu.memory_space<hbm>> -> memref<64xf32, #tpu.memory_space<hbm>>
        tpu.enqueue_dma source(%dma_start3A_361 : memref<64xf32, #tpu.memory_space<hbm>>) target(%dma_start3A_358 : memref<64xf32, #tpu.memory_space<vmem>>) target_semaphore(%arg12 : memref<!tpu.dma_semaphore, #tpu.memory_space<semaphore_mem>>)
        %slice3A_362 = vector.extract_strided_slice %get3A_114 {offsets = [6], sizes = [1], strides = [1]} : vector<16xi32> to vector<1xi32>
        %squeeze3A_363 = vector.extract %slice3A_362[0] : i32 from vector<1xi32>
        %add3A_364 = arith.constant 6 : i32
        %add3A_365 = arith.addi %mul3A_108, %add3A_364 : i32
        %jit3A_366 = arith.constant 26 : i32
        %div3A_367 = arith.divsi %add3A_365, %jit3A_366 : i32
        %sign3A_368 = arith.constant 0 : i32
        %sign3A_369 = arith.cmpi sgt, %add3A_365, %sign3A_368 : i32
        %sign3A_370 = arith.extui %sign3A_369 : i1 to i32
        %sign3A_371 = arith.constant 0 : i32
        %sign3A_372 = arith.cmpi slt, %add3A_365, %sign3A_371 : i32
        %sign3A_373 = arith.extui %sign3A_372 : i1 to i32
        %sign3A_374 = arith.subi %sign3A_370, %sign3A_373 : i32
        %sign3A_375 = arith.constant 0 : i32
        %sign3A_376 = arith.cmpi sgt, %jit3A_366, %sign3A_375 : i32
        %sign3A_377 = arith.extui %sign3A_376 : i1 to i32
        %sign3A_378 = arith.constant 0 : i32
        %sign3A_379 = arith.cmpi slt, %jit3A_366, %sign3A_378 : i32
        %sign3A_380 = arith.extui %sign3A_379 : i1 to i32
        %sign3A_381 = arith.subi %sign3A_377, %sign3A_380 : i32
        %ne3A_382 = arith.cmpi ne, %sign3A_374, %sign3A_381 : i32
        %rem3A_383 = arith.remsi %add3A_365, %jit3A_366 : i32
        %ne3A_384 = arith.constant 0 : i32
        %ne3A_385 = arith.cmpi ne, %rem3A_383, %ne3A_384 : i32
        %and3A_386 = arith.andi %ne3A_382, %ne3A_385 : i1
        %sub3A_387 = arith.constant 1 : i32
        %sub3A_388 = arith.subi %div3A_367, %sub3A_387 : i32
        %select_n3A_389 = arith.select %and3A_386, %sub3A_388, %div3A_367 : i32
        %mul3A_390 = arith.constant 26 : i32
        %mul3A_391 = arith.muli %select_n3A_389, %mul3A_390 : i32
        %sub3A_392 = arith.subi %add3A_365, %mul3A_391 : i32
        %dma_start3A_393 = arith.constant 0 : i32
        %dma_start3A_394 = tpu.memref_slice %arg10[%select_n3A_389, %sub3A_392, %dma_start3A_393] : memref<8x26x64xf32, #tpu.memory_space<vmem>> -> memref<1x1x64xf32, #tpu.memory_space<vmem>>
        %dma_start3A_395 = tpu.memref_squeeze %dma_start3A_394 : memref<1x1x64xf32, #tpu.memory_space<vmem>> -> memref<64xf32, #tpu.memory_space<vmem>>
        %dma_start3A_396 = arith.constant 0 : i32
        %dma_start3A_397 = tpu.memref_slice %arg4[%squeeze3A_363, %dma_start3A_396] : memref<2600000x64xf32, #tpu.memory_space<hbm>> -> memref<1x64xf32, #tpu.memory_space<hbm>>
        %dma_start3A_398 = tpu.memref_squeeze %dma_start3A_397 : memref<1x64xf32, #tpu.memory_space<hbm>> -> memref<64xf32, #tpu.memory_space<hbm>>
        %dma_start3A_399 = arith.constant 0 : i32
        %dma_start3A_400 = tpu.memref_slice %arg10[%select_n3A_389, %sub3A_392, %dma_start3A_399] : memref<8x26x64xf32, #tpu.memory_space<vmem>> -> memref<1x1x64xf32, #tpu.memory_space<vmem>>
        %dma_start3A_401 = tpu.memref_squeeze %dma_start3A_400 : memref<1x1x64xf32, #tpu.memory_space<vmem>> -> memref<64xf32, #tpu.memory_space<vmem>>
        %dma_start3A_402 = arith.constant 0 : i32
        %dma_start3A_403 = tpu.memref_slice %arg4[%squeeze3A_363, %dma_start3A_402] : memref<2600000x64xf32, #tpu.memory_space<hbm>> -> memref<1x64xf32, #tpu.memory_space<hbm>>
        %dma_start3A_404 = tpu.memref_squeeze %dma_start3A_403 : memref<1x64xf32, #tpu.memory_space<hbm>> -> memref<64xf32, #tpu.memory_space<hbm>>
        tpu.enqueue_dma source(%dma_start3A_404 : memref<64xf32, #tpu.memory_space<hbm>>) target(%dma_start3A_401 : memref<64xf32, #tpu.memory_space<vmem>>) target_semaphore(%arg12 : memref<!tpu.dma_semaphore, #tpu.memory_space<semaphore_mem>>)
        %slice3A_405 = vector.extract_strided_slice %get3A_114 {offsets = [7], sizes = [1], strides = [1]} : vector<16xi32> to vector<1xi32>
        %squeeze3A_406 = vector.extract %slice3A_405[0] : i32 from vector<1xi32>
        %add3A_407 = arith.constant 7 : i32
        %add3A_408 = arith.addi %mul3A_108, %add3A_407 : i32
        %jit3A_409 = arith.constant 26 : i32
        %div3A_410 = arith.divsi %add3A_408, %jit3A_409 : i32
        %sign3A_411 = arith.constant 0 : i32
        %sign3A_412 = arith.cmpi sgt, %add3A_408, %sign3A_411 : i32
        %sign3A_413 = arith.extui %sign3A_412 : i1 to i32
        %sign3A_414 = arith.constant 0 : i32
        %sign3A_415 = arith.cmpi slt, %add3A_408, %sign3A_414 : i32
        %sign3A_416 = arith.extui %sign3A_415 : i1 to i32
        %sign3A_417 = arith.subi %sign3A_413, %sign3A_416 : i32
        %sign3A_418 = arith.constant 0 : i32
        %sign3A_419 = arith.cmpi sgt, %jit3A_409, %sign3A_418 : i32
        %sign3A_420 = arith.extui %sign3A_419 : i1 to i32
        %sign3A_421 = arith.constant 0 : i32
        %sign3A_422 = arith.cmpi slt, %jit3A_409, %sign3A_421 : i32
        %sign3A_423 = arith.extui %sign3A_422 : i1 to i32
        %sign3A_424 = arith.subi %sign3A_420, %sign3A_423 : i32
        %ne3A_425 = arith.cmpi ne, %sign3A_417, %sign3A_424 : i32
        %rem3A_426 = arith.remsi %add3A_408, %jit3A_409 : i32
        %ne3A_427 = arith.constant 0 : i32
        %ne3A_428 = arith.cmpi ne, %rem3A_426, %ne3A_427 : i32
        %and3A_429 = arith.andi %ne3A_425, %ne3A_428 : i1
        %sub3A_430 = arith.constant 1 : i32
        %sub3A_431 = arith.subi %div3A_410, %sub3A_430 : i32
        %select_n3A_432 = arith.select %and3A_429, %sub3A_431, %div3A_410 : i32
        %mul3A_433 = arith.constant 26 : i32
        %mul3A_434 = arith.muli %select_n3A_432, %mul3A_433 : i32
        %sub3A_435 = arith.subi %add3A_408, %mul3A_434 : i32
        %dma_start3A_436 = arith.constant 0 : i32
        %dma_start3A_437 = tpu.memref_slice %arg10[%select_n3A_432, %sub3A_435, %dma_start3A_436] : memref<8x26x64xf32, #tpu.memory_space<vmem>> -> memref<1x1x64xf32, #tpu.memory_space<vmem>>
        %dma_start3A_438 = tpu.memref_squeeze %dma_start3A_437 : memref<1x1x64xf32, #tpu.memory_space<vmem>> -> memref<64xf32, #tpu.memory_space<vmem>>
        %dma_start3A_439 = arith.constant 0 : i32
        %dma_start3A_440 = tpu.memref_slice %arg4[%squeeze3A_406, %dma_start3A_439] : memref<2600000x64xf32, #tpu.memory_space<hbm>> -> memref<1x64xf32, #tpu.memory_space<hbm>>
        %dma_start3A_441 = tpu.memref_squeeze %dma_start3A_440 : memref<1x64xf32, #tpu.memory_space<hbm>> -> memref<64xf32, #tpu.memory_space<hbm>>
        %dma_start3A_442 = arith.constant 0 : i32
        %dma_start3A_443 = tpu.memref_slice %arg10[%select_n3A_432, %sub3A_435, %dma_start3A_442] : memref<8x26x64xf32, #tpu.memory_space<vmem>> -> memref<1x1x64xf32, #tpu.memory_space<vmem>>
        %dma_start3A_444 = tpu.memref_squeeze %dma_start3A_443 : memref<1x1x64xf32, #tpu.memory_space<vmem>> -> memref<64xf32, #tpu.memory_space<vmem>>
        %dma_start3A_445 = arith.constant 0 : i32
        %dma_start3A_446 = tpu.memref_slice %arg4[%squeeze3A_406, %dma_start3A_445] : memref<2600000x64xf32, #tpu.memory_space<hbm>> -> memref<1x64xf32, #tpu.memory_space<hbm>>
        %dma_start3A_447 = tpu.memref_squeeze %dma_start3A_446 : memref<1x64xf32, #tpu.memory_space<hbm>> -> memref<64xf32, #tpu.memory_space<hbm>>
        tpu.enqueue_dma source(%dma_start3A_447 : memref<64xf32, #tpu.memory_space<hbm>>) target(%dma_start3A_444 : memref<64xf32, #tpu.memory_space<vmem>>) target_semaphore(%arg12 : memref<!tpu.dma_semaphore, #tpu.memory_space<semaphore_mem>>)
        %slice3A_448 = vector.extract_strided_slice %get3A_114 {offsets = [8], sizes = [1], strides = [1]} : vector<16xi32> to vector<1xi32>
        %squeeze3A_449 = vector.extract %slice3A_448[0] : i32 from vector<1xi32>
        %add3A_450 = arith.constant 8 : i32
        %add3A_451 = arith.addi %mul3A_108, %add3A_450 : i32
        %jit3A_452 = arith.constant 26 : i32
        %div3A_453 = arith.divsi %add3A_451, %jit3A_452 : i32
        %sign3A_454 = arith.constant 0 : i32
        %sign3A_455 = arith.cmpi sgt, %add3A_451, %sign3A_454 : i32
        %sign3A_456 = arith.extui %sign3A_455 : i1 to i32
        %sign3A_457 = arith.constant 0 : i32
        %sign3A_458 = arith.cmpi slt, %add3A_451, %sign3A_457 : i32
        %sign3A_459 = arith.extui %sign3A_458 : i1 to i32
        %sign3A_460 = arith.subi %sign3A_456, %sign3A_459 : i32
        %sign3A_461 = arith.constant 0 : i32
        %sign3A_462 = arith.cmpi sgt, %jit3A_452, %sign3A_461 : i32
        %sign3A_463 = arith.extui %sign3A_462 : i1 to i32
        %sign3A_464 = arith.constant 0 : i32
        %sign3A_465 = arith.cmpi slt, %jit3A_452, %sign3A_464 : i32
        %sign3A_466 = arith.extui %sign3A_465 : i1 to i32
        %sign3A_467 = arith.subi %sign3A_463, %sign3A_466 : i32
        %ne3A_468 = arith.cmpi ne, %sign3A_460, %sign3A_467 : i32
        %rem3A_469 = arith.remsi %add3A_451, %jit3A_452 : i32
        %ne3A_470 = arith.constant 0 : i32
        %ne3A_471 = arith.cmpi ne, %rem3A_469, %ne3A_470 : i32
        %and3A_472 = arith.andi %ne3A_468, %ne3A_471 : i1
        %sub3A_473 = arith.constant 1 : i32
        %sub3A_474 = arith.subi %div3A_453, %sub3A_473 : i32
        %select_n3A_475 = arith.select %and3A_472, %sub3A_474, %div3A_453 : i32
        %mul3A_476 = arith.constant 26 : i32
        %mul3A_477 = arith.muli %select_n3A_475, %mul3A_476 : i32
        %sub3A_478 = arith.subi %add3A_451, %mul3A_477 : i32
        %dma_start3A_479 = arith.constant 0 : i32
        %dma_start3A_480 = tpu.memref_slice %arg10[%select_n3A_475, %sub3A_478, %dma_start3A_479] : memref<8x26x64xf32, #tpu.memory_space<vmem>> -> memref<1x1x64xf32, #tpu.memory_space<vmem>>
        %dma_start3A_481 = tpu.memref_squeeze %dma_start3A_480 : memref<1x1x64xf32, #tpu.memory_space<vmem>> -> memref<64xf32, #tpu.memory_space<vmem>>
        %dma_start3A_482 = arith.constant 0 : i32
        %dma_start3A_483 = tpu.memref_slice %arg4[%squeeze3A_449, %dma_start3A_482] : memref<2600000x64xf32, #tpu.memory_space<hbm>> -> memref<1x64xf32, #tpu.memory_space<hbm>>
        %dma_start3A_484 = tpu.memref_squeeze %dma_start3A_483 : memref<1x64xf32, #tpu.memory_space<hbm>> -> memref<64xf32, #tpu.memory_space<hbm>>
        %dma_start3A_485 = arith.constant 0 : i32
        %dma_start3A_486 = tpu.memref_slice %arg10[%select_n3A_475, %sub3A_478, %dma_start3A_485] : memref<8x26x64xf32, #tpu.memory_space<vmem>> -> memref<1x1x64xf32, #tpu.memory_space<vmem>>
        %dma_start3A_487 = tpu.memref_squeeze %dma_start3A_486 : memref<1x1x64xf32, #tpu.memory_space<vmem>> -> memref<64xf32, #tpu.memory_space<vmem>>
        %dma_start3A_488 = arith.constant 0 : i32
        %dma_start3A_489 = tpu.memref_slice %arg4[%squeeze3A_449, %dma_start3A_488] : memref<2600000x64xf32, #tpu.memory_space<hbm>> -> memref<1x64xf32, #tpu.memory_space<hbm>>
        %dma_start3A_490 = tpu.memref_squeeze %dma_start3A_489 : memref<1x64xf32, #tpu.memory_space<hbm>> -> memref<64xf32, #tpu.memory_space<hbm>>
        tpu.enqueue_dma source(%dma_start3A_490 : memref<64xf32, #tpu.memory_space<hbm>>) target(%dma_start3A_487 : memref<64xf32, #tpu.memory_space<vmem>>) target_semaphore(%arg12 : memref<!tpu.dma_semaphore, #tpu.memory_space<semaphore_mem>>)
        %slice3A_491 = vector.extract_strided_slice %get3A_114 {offsets = [9], sizes = [1], strides = [1]} : vector<16xi32> to vector<1xi32>
        %squeeze3A_492 = vector.extract %slice3A_491[0] : i32 from vector<1xi32>
        %add3A_493 = arith.constant 9 : i32
        %add3A_494 = arith.addi %mul3A_108, %add3A_493 : i32
        %jit3A_495 = arith.constant 26 : i32
        %div3A_496 = arith.divsi %add3A_494, %jit3A_495 : i32
        %sign3A_497 = arith.constant 0 : i32
        %sign3A_498 = arith.cmpi sgt, %add3A_494, %sign3A_497 : i32
        %sign3A_499 = arith.extui %sign3A_498 : i1 to i32
        %sign3A_500 = arith.constant 0 : i32
        %sign3A_501 = arith.cmpi slt, %add3A_494, %sign3A_500 : i32
        %sign3A_502 = arith.extui %sign3A_501 : i1 to i32
        %sign3A_503 = arith.subi %sign3A_499, %sign3A_502 : i32
        %sign3A_504 = arith.constant 0 : i32
        %sign3A_505 = arith.cmpi sgt, %jit3A_495, %sign3A_504 : i32
        %sign3A_506 = arith.extui %sign3A_505 : i1 to i32
        %sign3A_507 = arith.constant 0 : i32
        %sign3A_508 = arith.cmpi slt, %jit3A_495, %sign3A_507 : i32
        %sign3A_509 = arith.extui %sign3A_508 : i1 to i32
        %sign3A_510 = arith.subi %sign3A_506, %sign3A_509 : i32
        %ne3A_511 = arith.cmpi ne, %sign3A_503, %sign3A_510 : i32
        %rem3A_512 = arith.remsi %add3A_494, %jit3A_495 : i32
        %ne3A_513 = arith.constant 0 : i32
        %ne3A_514 = arith.cmpi ne, %rem3A_512, %ne3A_513 : i32
        %and3A_515 = arith.andi %ne3A_511, %ne3A_514 : i1
        %sub3A_516 = arith.constant 1 : i32
        %sub3A_517 = arith.subi %div3A_496, %sub3A_516 : i32
        %select_n3A_518 = arith.select %and3A_515, %sub3A_517, %div3A_496 : i32
        %mul3A_519 = arith.constant 26 : i32
        %mul3A_520 = arith.muli %select_n3A_518, %mul3A_519 : i32
        %sub3A_521 = arith.subi %add3A_494, %mul3A_520 : i32
        %dma_start3A_522 = arith.constant 0 : i32
        %dma_start3A_523 = tpu.memref_slice %arg10[%select_n3A_518, %sub3A_521, %dma_start3A_522] : memref<8x26x64xf32, #tpu.memory_space<vmem>> -> memref<1x1x64xf32, #tpu.memory_space<vmem>>
        %dma_start3A_524 = tpu.memref_squeeze %dma_start3A_523 : memref<1x1x64xf32, #tpu.memory_space<vmem>> -> memref<64xf32, #tpu.memory_space<vmem>>
        %dma_start3A_525 = arith.constant 0 : i32
        %dma_start3A_526 = tpu.memref_slice %arg4[%squeeze3A_492, %dma_start3A_525] : memref<2600000x64xf32, #tpu.memory_space<hbm>> -> memref<1x64xf32, #tpu.memory_space<hbm>>
        %dma_start3A_527 = tpu.memref_squeeze %dma_start3A_526 : memref<1x64xf32, #tpu.memory_space<hbm>> -> memref<64xf32, #tpu.memory_space<hbm>>
        %dma_start3A_528 = arith.constant 0 : i32
        %dma_start3A_529 = tpu.memref_slice %arg10[%select_n3A_518, %sub3A_521, %dma_start3A_528] : memref<8x26x64xf32, #tpu.memory_space<vmem>> -> memref<1x1x64xf32, #tpu.memory_space<vmem>>
        %dma_start3A_530 = tpu.memref_squeeze %dma_start3A_529 : memref<1x1x64xf32, #tpu.memory_space<vmem>> -> memref<64xf32, #tpu.memory_space<vmem>>
        %dma_start3A_531 = arith.constant 0 : i32
        %dma_start3A_532 = tpu.memref_slice %arg4[%squeeze3A_492, %dma_start3A_531] : memref<2600000x64xf32, #tpu.memory_space<hbm>> -> memref<1x64xf32, #tpu.memory_space<hbm>>
        %dma_start3A_533 = tpu.memref_squeeze %dma_start3A_532 : memref<1x64xf32, #tpu.memory_space<hbm>> -> memref<64xf32, #tpu.memory_space<hbm>>
        tpu.enqueue_dma source(%dma_start3A_533 : memref<64xf32, #tpu.memory_space<hbm>>) target(%dma_start3A_530 : memref<64xf32, #tpu.memory_space<vmem>>) target_semaphore(%arg12 : memref<!tpu.dma_semaphore, #tpu.memory_space<semaphore_mem>>)
        %slice3A_534 = vector.extract_strided_slice %get3A_114 {offsets = [10], sizes = [1], strides = [1]} : vector<16xi32> to vector<1xi32>
        %squeeze3A_535 = vector.extract %slice3A_534[0] : i32 from vector<1xi32>
        %add3A_536 = arith.constant 10 : i32
        %add3A_537 = arith.addi %mul3A_108, %add3A_536 : i32
        %jit3A_538 = arith.constant 26 : i32
        %div3A_539 = arith.divsi %add3A_537, %jit3A_538 : i32
        %sign3A_540 = arith.constant 0 : i32
        %sign3A_541 = arith.cmpi sgt, %add3A_537, %sign3A_540 : i32
        %sign3A_542 = arith.extui %sign3A_541 : i1 to i32
        %sign3A_543 = arith.constant 0 : i32
        %sign3A_544 = arith.cmpi slt, %add3A_537, %sign3A_543 : i32
        %sign3A_545 = arith.extui %sign3A_544 : i1 to i32
        %sign3A_546 = arith.subi %sign3A_542, %sign3A_545 : i32
        %sign3A_547 = arith.constant 0 : i32
        %sign3A_548 = arith.cmpi sgt, %jit3A_538, %sign3A_547 : i32
        %sign3A_549 = arith.extui %sign3A_548 : i1 to i32
        %sign3A_550 = arith.constant 0 : i32
        %sign3A_551 = arith.cmpi slt, %jit3A_538, %sign3A_550 : i32
        %sign3A_552 = arith.extui %sign3A_551 : i1 to i32
        %sign3A_553 = arith.subi %sign3A_549, %sign3A_552 : i32
        %ne3A_554 = arith.cmpi ne, %sign3A_546, %sign3A_553 : i32
        %rem3A_555 = arith.remsi %add3A_537, %jit3A_538 : i32
        %ne3A_556 = arith.constant 0 : i32
        %ne3A_557 = arith.cmpi ne, %rem3A_555, %ne3A_556 : i32
        %and3A_558 = arith.andi %ne3A_554, %ne3A_557 : i1
        %sub3A_559 = arith.constant 1 : i32
        %sub3A_560 = arith.subi %div3A_539, %sub3A_559 : i32
        %select_n3A_561 = arith.select %and3A_558, %sub3A_560, %div3A_539 : i32
        %mul3A_562 = arith.constant 26 : i32
        %mul3A_563 = arith.muli %select_n3A_561, %mul3A_562 : i32
        %sub3A_564 = arith.subi %add3A_537, %mul3A_563 : i32
        %dma_start3A_565 = arith.constant 0 : i32
        %dma_start3A_566 = tpu.memref_slice %arg10[%select_n3A_561, %sub3A_564, %dma_start3A_565] : memref<8x26x64xf32, #tpu.memory_space<vmem>> -> memref<1x1x64xf32, #tpu.memory_space<vmem>>
        %dma_start3A_567 = tpu.memref_squeeze %dma_start3A_566 : memref<1x1x64xf32, #tpu.memory_space<vmem>> -> memref<64xf32, #tpu.memory_space<vmem>>
        %dma_start3A_568 = arith.constant 0 : i32
        %dma_start3A_569 = tpu.memref_slice %arg4[%squeeze3A_535, %dma_start3A_568] : memref<2600000x64xf32, #tpu.memory_space<hbm>> -> memref<1x64xf32, #tpu.memory_space<hbm>>
        %dma_start3A_570 = tpu.memref_squeeze %dma_start3A_569 : memref<1x64xf32, #tpu.memory_space<hbm>> -> memref<64xf32, #tpu.memory_space<hbm>>
        %dma_start3A_571 = arith.constant 0 : i32
        %dma_start3A_572 = tpu.memref_slice %arg10[%select_n3A_561, %sub3A_564, %dma_start3A_571] : memref<8x26x64xf32, #tpu.memory_space<vmem>> -> memref<1x1x64xf32, #tpu.memory_space<vmem>>
        %dma_start3A_573 = tpu.memref_squeeze %dma_start3A_572 : memref<1x1x64xf32, #tpu.memory_space<vmem>> -> memref<64xf32, #tpu.memory_space<vmem>>
        %dma_start3A_574 = arith.constant 0 : i32
        %dma_start3A_575 = tpu.memref_slice %arg4[%squeeze3A_535, %dma_start3A_574] : memref<2600000x64xf32, #tpu.memory_space<hbm>> -> memref<1x64xf32, #tpu.memory_space<hbm>>
        %dma_start3A_576 = tpu.memref_squeeze %dma_start3A_575 : memref<1x64xf32, #tpu.memory_space<hbm>> -> memref<64xf32, #tpu.memory_space<hbm>>
        tpu.enqueue_dma source(%dma_start3A_576 : memref<64xf32, #tpu.memory_space<hbm>>) target(%dma_start3A_573 : memref<64xf32, #tpu.memory_space<vmem>>) target_semaphore(%arg12 : memref<!tpu.dma_semaphore, #tpu.memory_space<semaphore_mem>>)
        %slice3A_577 = vector.extract_strided_slice %get3A_114 {offsets = [11], sizes = [1], strides = [1]} : vector<16xi32> to vector<1xi32>
        %squeeze3A_578 = vector.extract %slice3A_577[0] : i32 from vector<1xi32>
        %add3A_579 = arith.constant 11 : i32
        %add3A_580 = arith.addi %mul3A_108, %add3A_579 : i32
        %jit3A_581 = arith.constant 26 : i32
        %div3A_582 = arith.divsi %add3A_580, %jit3A_581 : i32
        %sign3A_583 = arith.constant 0 : i32
        %sign3A_584 = arith.cmpi sgt, %add3A_580, %sign3A_583 : i32
        %sign3A_585 = arith.extui %sign3A_584 : i1 to i32
        %sign3A_586 = arith.constant 0 : i32
        %sign3A_587 = arith.cmpi slt, %add3A_580, %sign3A_586 : i32
        %sign3A_588 = arith.extui %sign3A_587 : i1 to i32
        %sign3A_589 = arith.subi %sign3A_585, %sign3A_588 : i32
        %sign3A_590 = arith.constant 0 : i32
        %sign3A_591 = arith.cmpi sgt, %jit3A_581, %sign3A_590 : i32
        %sign3A_592 = arith.extui %sign3A_591 : i1 to i32
        %sign3A_593 = arith.constant 0 : i32
        %sign3A_594 = arith.cmpi slt, %jit3A_581, %sign3A_593 : i32
        %sign3A_595 = arith.extui %sign3A_594 : i1 to i32
        %sign3A_596 = arith.subi %sign3A_592, %sign3A_595 : i32
        %ne3A_597 = arith.cmpi ne, %sign3A_589, %sign3A_596 : i32
        %rem3A_598 = arith.remsi %add3A_580, %jit3A_581 : i32
        %ne3A_599 = arith.constant 0 : i32
        %ne3A_600 = arith.cmpi ne, %rem3A_598, %ne3A_599 : i32
        %and3A_601 = arith.andi %ne3A_597, %ne3A_600 : i1
        %sub3A_602 = arith.constant 1 : i32
        %sub3A_603 = arith.subi %div3A_582, %sub3A_602 : i32
        %select_n3A_604 = arith.select %and3A_601, %sub3A_603, %div3A_582 : i32
        %mul3A_605 = arith.constant 26 : i32
        %mul3A_606 = arith.muli %select_n3A_604, %mul3A_605 : i32
        %sub3A_607 = arith.subi %add3A_580, %mul3A_606 : i32
        %dma_start3A_608 = arith.constant 0 : i32
        %dma_start3A_609 = tpu.memref_slice %arg10[%select_n3A_604, %sub3A_607, %dma_start3A_608] : memref<8x26x64xf32, #tpu.memory_space<vmem>> -> memref<1x1x64xf32, #tpu.memory_space<vmem>>
        %dma_start3A_610 = tpu.memref_squeeze %dma_start3A_609 : memref<1x1x64xf32, #tpu.memory_space<vmem>> -> memref<64xf32, #tpu.memory_space<vmem>>
        %dma_start3A_611 = arith.constant 0 : i32
        %dma_start3A_612 = tpu.memref_slice %arg4[%squeeze3A_578, %dma_start3A_611] : memref<2600000x64xf32, #tpu.memory_space<hbm>> -> memref<1x64xf32, #tpu.memory_space<hbm>>
        %dma_start3A_613 = tpu.memref_squeeze %dma_start3A_612 : memref<1x64xf32, #tpu.memory_space<hbm>> -> memref<64xf32, #tpu.memory_space<hbm>>
        %dma_start3A_614 = arith.constant 0 : i32
        %dma_start3A_615 = tpu.memref_slice %arg10[%select_n3A_604, %sub3A_607, %dma_start3A_614] : memref<8x26x64xf32, #tpu.memory_space<vmem>> -> memref<1x1x64xf32, #tpu.memory_space<vmem>>
        %dma_start3A_616 = tpu.memref_squeeze %dma_start3A_615 : memref<1x1x64xf32, #tpu.memory_space<vmem>> -> memref<64xf32, #tpu.memory_space<vmem>>
        %dma_start3A_617 = arith.constant 0 : i32
        %dma_start3A_618 = tpu.memref_slice %arg4[%squeeze3A_578, %dma_start3A_617] : memref<2600000x64xf32, #tpu.memory_space<hbm>> -> memref<1x64xf32, #tpu.memory_space<hbm>>
        %dma_start3A_619 = tpu.memref_squeeze %dma_start3A_618 : memref<1x64xf32, #tpu.memory_space<hbm>> -> memref<64xf32, #tpu.memory_space<hbm>>
        tpu.enqueue_dma source(%dma_start3A_619 : memref<64xf32, #tpu.memory_space<hbm>>) target(%dma_start3A_616 : memref<64xf32, #tpu.memory_space<vmem>>) target_semaphore(%arg12 : memref<!tpu.dma_semaphore, #tpu.memory_space<semaphore_mem>>)
        %slice3A_620 = vector.extract_strided_slice %get3A_114 {offsets = [12], sizes = [1], strides = [1]} : vector<16xi32> to vector<1xi32>
        %squeeze3A_621 = vector.extract %slice3A_620[0] : i32 from vector<1xi32>
        %add3A_622 = arith.constant 12 : i32
        %add3A_623 = arith.addi %mul3A_108, %add3A_622 : i32
        %jit3A_624 = arith.constant 26 : i32
        %div3A_625 = arith.divsi %add3A_623, %jit3A_624 : i32
        %sign3A_626 = arith.constant 0 : i32
        %sign3A_627 = arith.cmpi sgt, %add3A_623, %sign3A_626 : i32
        %sign3A_628 = arith.extui %sign3A_627 : i1 to i32
        %sign3A_629 = arith.constant 0 : i32
        %sign3A_630 = arith.cmpi slt, %add3A_623, %sign3A_629 : i32
        %sign3A_631 = arith.extui %sign3A_630 : i1 to i32
        %sign3A_632 = arith.subi %sign3A_628, %sign3A_631 : i32
        %sign3A_633 = arith.constant 0 : i32
        %sign3A_634 = arith.cmpi sgt, %jit3A_624, %sign3A_633 : i32
        %sign3A_635 = arith.extui %sign3A_634 : i1 to i32
        %sign3A_636 = arith.constant 0 : i32
        %sign3A_637 = arith.cmpi slt, %jit3A_624, %sign3A_636 : i32
        %sign3A_638 = arith.extui %sign3A_637 : i1 to i32
        %sign3A_639 = arith.subi %sign3A_635, %sign3A_638 : i32
        %ne3A_640 = arith.cmpi ne, %sign3A_632, %sign3A_639 : i32
        %rem3A_641 = arith.remsi %add3A_623, %jit3A_624 : i32
        %ne3A_642 = arith.constant 0 : i32
        %ne3A_643 = arith.cmpi ne, %rem3A_641, %ne3A_642 : i32
        %and3A_644 = arith.andi %ne3A_640, %ne3A_643 : i1
        %sub3A_645 = arith.constant 1 : i32
        %sub3A_646 = arith.subi %div3A_625, %sub3A_645 : i32
        %select_n3A_647 = arith.select %and3A_644, %sub3A_646, %div3A_625 : i32
        %mul3A_648 = arith.constant 26 : i32
        %mul3A_649 = arith.muli %select_n3A_647, %mul3A_648 : i32
        %sub3A_650 = arith.subi %add3A_623, %mul3A_649 : i32
        %dma_start3A_651 = arith.constant 0 : i32
        %dma_start3A_652 = tpu.memref_slice %arg10[%select_n3A_647, %sub3A_650, %dma_start3A_651] : memref<8x26x64xf32, #tpu.memory_space<vmem>> -> memref<1x1x64xf32, #tpu.memory_space<vmem>>
        %dma_start3A_653 = tpu.memref_squeeze %dma_start3A_652 : memref<1x1x64xf32, #tpu.memory_space<vmem>> -> memref<64xf32, #tpu.memory_space<vmem>>
        %dma_start3A_654 = arith.constant 0 : i32
        %dma_start3A_655 = tpu.memref_slice %arg4[%squeeze3A_621, %dma_start3A_654] : memref<2600000x64xf32, #tpu.memory_space<hbm>> -> memref<1x64xf32, #tpu.memory_space<hbm>>
        %dma_start3A_656 = tpu.memref_squeeze %dma_start3A_655 : memref<1x64xf32, #tpu.memory_space<hbm>> -> memref<64xf32, #tpu.memory_space<hbm>>
        %dma_start3A_657 = arith.constant 0 : i32
        %dma_start3A_658 = tpu.memref_slice %arg10[%select_n3A_647, %sub3A_650, %dma_start3A_657] : memref<8x26x64xf32, #tpu.memory_space<vmem>> -> memref<1x1x64xf32, #tpu.memory_space<vmem>>
        %dma_start3A_659 = tpu.memref_squeeze %dma_start3A_658 : memref<1x1x64xf32, #tpu.memory_space<vmem>> -> memref<64xf32, #tpu.memory_space<vmem>>
        %dma_start3A_660 = arith.constant 0 : i32
        %dma_start3A_661 = tpu.memref_slice %arg4[%squeeze3A_621, %dma_start3A_660] : memref<2600000x64xf32, #tpu.memory_space<hbm>> -> memref<1x64xf32, #tpu.memory_space<hbm>>
        %dma_start3A_662 = tpu.memref_squeeze %dma_start3A_661 : memref<1x64xf32, #tpu.memory_space<hbm>> -> memref<64xf32, #tpu.memory_space<hbm>>
        tpu.enqueue_dma source(%dma_start3A_662 : memref<64xf32, #tpu.memory_space<hbm>>) target(%dma_start3A_659 : memref<64xf32, #tpu.memory_space<vmem>>) target_semaphore(%arg12 : memref<!tpu.dma_semaphore, #tpu.memory_space<semaphore_mem>>)
        %slice3A_663 = vector.extract_strided_slice %get3A_114 {offsets = [13], sizes = [1], strides = [1]} : vector<16xi32> to vector<1xi32>
        %squeeze3A_664 = vector.extract %slice3A_663[0] : i32 from vector<1xi32>
        %add3A_665 = arith.constant 13 : i32
        %add3A_666 = arith.addi %mul3A_108, %add3A_665 : i32
        %jit3A_667 = arith.constant 26 : i32
        %div3A_668 = arith.divsi %add3A_666, %jit3A_667 : i32
        %sign3A_669 = arith.constant 0 : i32
        %sign3A_670 = arith.cmpi sgt, %add3A_666, %sign3A_669 : i32
        %sign3A_671 = arith.extui %sign3A_670 : i1 to i32
        %sign3A_672 = arith.constant 0 : i32
        %sign3A_673 = arith.cmpi slt, %add3A_666, %sign3A_672 : i32
        %sign3A_674 = arith.extui %sign3A_673 : i1 to i32
        %sign3A_675 = arith.subi %sign3A_671, %sign3A_674 : i32
        %sign3A_676 = arith.constant 0 : i32
        %sign3A_677 = arith.cmpi sgt, %jit3A_667, %sign3A_676 : i32
        %sign3A_678 = arith.extui %sign3A_677 : i1 to i32
        %sign3A_679 = arith.constant 0 : i32
        %sign3A_680 = arith.cmpi slt, %jit3A_667, %sign3A_679 : i32
        %sign3A_681 = arith.extui %sign3A_680 : i1 to i32
        %sign3A_682 = arith.subi %sign3A_678, %sign3A_681 : i32
        %ne3A_683 = arith.cmpi ne, %sign3A_675, %sign3A_682 : i32
        %rem3A_684 = arith.remsi %add3A_666, %jit3A_667 : i32
        %ne3A_685 = arith.constant 0 : i32
        %ne3A_686 = arith.cmpi ne, %rem3A_684, %ne3A_685 : i32
        %and3A_687 = arith.andi %ne3A_683, %ne3A_686 : i1
        %sub3A_688 = arith.constant 1 : i32
        %sub3A_689 = arith.subi %div3A_668, %sub3A_688 : i32
        %select_n3A_690 = arith.select %and3A_687, %sub3A_689, %div3A_668 : i32
        %mul3A_691 = arith.constant 26 : i32
        %mul3A_692 = arith.muli %select_n3A_690, %mul3A_691 : i32
        %sub3A_693 = arith.subi %add3A_666, %mul3A_692 : i32
        %dma_start3A_694 = arith.constant 0 : i32
        %dma_start3A_695 = tpu.memref_slice %arg10[%select_n3A_690, %sub3A_693, %dma_start3A_694] : memref<8x26x64xf32, #tpu.memory_space<vmem>> -> memref<1x1x64xf32, #tpu.memory_space<vmem>>
        %dma_start3A_696 = tpu.memref_squeeze %dma_start3A_695 : memref<1x1x64xf32, #tpu.memory_space<vmem>> -> memref<64xf32, #tpu.memory_space<vmem>>
        %dma_start3A_697 = arith.constant 0 : i32
        %dma_start3A_698 = tpu.memref_slice %arg4[%squeeze3A_664, %dma_start3A_697] : memref<2600000x64xf32, #tpu.memory_space<hbm>> -> memref<1x64xf32, #tpu.memory_space<hbm>>
        %dma_start3A_699 = tpu.memref_squeeze %dma_start3A_698 : memref<1x64xf32, #tpu.memory_space<hbm>> -> memref<64xf32, #tpu.memory_space<hbm>>
        %dma_start3A_700 = arith.constant 0 : i32
        %dma_start3A_701 = tpu.memref_slice %arg10[%select_n3A_690, %sub3A_693, %dma_start3A_700] : memref<8x26x64xf32, #tpu.memory_space<vmem>> -> memref<1x1x64xf32, #tpu.memory_space<vmem>>
        %dma_start3A_702 = tpu.memref_squeeze %dma_start3A_701 : memref<1x1x64xf32, #tpu.memory_space<vmem>> -> memref<64xf32, #tpu.memory_space<vmem>>
        %dma_start3A_703 = arith.constant 0 : i32
        %dma_start3A_704 = tpu.memref_slice %arg4[%squeeze3A_664, %dma_start3A_703] : memref<2600000x64xf32, #tpu.memory_space<hbm>> -> memref<1x64xf32, #tpu.memory_space<hbm>>
        %dma_start3A_705 = tpu.memref_squeeze %dma_start3A_704 : memref<1x64xf32, #tpu.memory_space<hbm>> -> memref<64xf32, #tpu.memory_space<hbm>>
        tpu.enqueue_dma source(%dma_start3A_705 : memref<64xf32, #tpu.memory_space<hbm>>) target(%dma_start3A_702 : memref<64xf32, #tpu.memory_space<vmem>>) target_semaphore(%arg12 : memref<!tpu.dma_semaphore, #tpu.memory_space<semaphore_mem>>)
        %slice3A_706 = vector.extract_strided_slice %get3A_114 {offsets = [14], sizes = [1], strides = [1]} : vector<16xi32> to vector<1xi32>
        %squeeze3A_707 = vector.extract %slice3A_706[0] : i32 from vector<1xi32>
        %add3A_708 = arith.constant 14 : i32
        %add3A_709 = arith.addi %mul3A_108, %add3A_708 : i32
        %jit3A_710 = arith.constant 26 : i32
        %div3A_711 = arith.divsi %add3A_709, %jit3A_710 : i32
        %sign3A_712 = arith.constant 0 : i32
        %sign3A_713 = arith.cmpi sgt, %add3A_709, %sign3A_712 : i32
        %sign3A_714 = arith.extui %sign3A_713 : i1 to i32
        %sign3A_715 = arith.constant 0 : i32
        %sign3A_716 = arith.cmpi slt, %add3A_709, %sign3A_715 : i32
        %sign3A_717 = arith.extui %sign3A_716 : i1 to i32
        %sign3A_718 = arith.subi %sign3A_714, %sign3A_717 : i32
        %sign3A_719 = arith.constant 0 : i32
        %sign3A_720 = arith.cmpi sgt, %jit3A_710, %sign3A_719 : i32
        %sign3A_721 = arith.extui %sign3A_720 : i1 to i32
        %sign3A_722 = arith.constant 0 : i32
        %sign3A_723 = arith.cmpi slt, %jit3A_710, %sign3A_722 : i32
        %sign3A_724 = arith.extui %sign3A_723 : i1 to i32
        %sign3A_725 = arith.subi %sign3A_721, %sign3A_724 : i32
        %ne3A_726 = arith.cmpi ne, %sign3A_718, %sign3A_725 : i32
        %rem3A_727 = arith.remsi %add3A_709, %jit3A_710 : i32
        %ne3A_728 = arith.constant 0 : i32
        %ne3A_729 = arith.cmpi ne, %rem3A_727, %ne3A_728 : i32
        %and3A_730 = arith.andi %ne3A_726, %ne3A_729 : i1
        %sub3A_731 = arith.constant 1 : i32
        %sub3A_732 = arith.subi %div3A_711, %sub3A_731 : i32
        %select_n3A_733 = arith.select %and3A_730, %sub3A_732, %div3A_711 : i32
        %mul3A_734 = arith.constant 26 : i32
        %mul3A_735 = arith.muli %select_n3A_733, %mul3A_734 : i32
        %sub3A_736 = arith.subi %add3A_709, %mul3A_735 : i32
        %dma_start3A_737 = arith.constant 0 : i32
        %dma_start3A_738 = tpu.memref_slice %arg10[%select_n3A_733, %sub3A_736, %dma_start3A_737] : memref<8x26x64xf32, #tpu.memory_space<vmem>> -> memref<1x1x64xf32, #tpu.memory_space<vmem>>
        %dma_start3A_739 = tpu.memref_squeeze %dma_start3A_738 : memref<1x1x64xf32, #tpu.memory_space<vmem>> -> memref<64xf32, #tpu.memory_space<vmem>>
        %dma_start3A_740 = arith.constant 0 : i32
        %dma_start3A_741 = tpu.memref_slice %arg4[%squeeze3A_707, %dma_start3A_740] : memref<2600000x64xf32, #tpu.memory_space<hbm>> -> memref<1x64xf32, #tpu.memory_space<hbm>>
        %dma_start3A_742 = tpu.memref_squeeze %dma_start3A_741 : memref<1x64xf32, #tpu.memory_space<hbm>> -> memref<64xf32, #tpu.memory_space<hbm>>
        %dma_start3A_743 = arith.constant 0 : i32
        %dma_start3A_744 = tpu.memref_slice %arg10[%select_n3A_733, %sub3A_736, %dma_start3A_743] : memref<8x26x64xf32, #tpu.memory_space<vmem>> -> memref<1x1x64xf32, #tpu.memory_space<vmem>>
        %dma_start3A_745 = tpu.memref_squeeze %dma_start3A_744 : memref<1x1x64xf32, #tpu.memory_space<vmem>> -> memref<64xf32, #tpu.memory_space<vmem>>
        %dma_start3A_746 = arith.constant 0 : i32
        %dma_start3A_747 = tpu.memref_slice %arg4[%squeeze3A_707, %dma_start3A_746] : memref<2600000x64xf32, #tpu.memory_space<hbm>> -> memref<1x64xf32, #tpu.memory_space<hbm>>
        %dma_start3A_748 = tpu.memref_squeeze %dma_start3A_747 : memref<1x64xf32, #tpu.memory_space<hbm>> -> memref<64xf32, #tpu.memory_space<hbm>>
        tpu.enqueue_dma source(%dma_start3A_748 : memref<64xf32, #tpu.memory_space<hbm>>) target(%dma_start3A_745 : memref<64xf32, #tpu.memory_space<vmem>>) target_semaphore(%arg12 : memref<!tpu.dma_semaphore, #tpu.memory_space<semaphore_mem>>)
        %slice3A_749 = vector.extract_strided_slice %get3A_114 {offsets = [15], sizes = [1], strides = [1]} : vector<16xi32> to vector<1xi32>
        %squeeze3A_750 = vector.extract %slice3A_749[0] : i32 from vector<1xi32>
        %add3A_751 = arith.constant 15 : i32
        %add3A_752 = arith.addi %mul3A_108, %add3A_751 : i32
        %jit3A_753 = arith.constant 26 : i32
        %div3A_754 = arith.divsi %add3A_752, %jit3A_753 : i32
        %sign3A_755 = arith.constant 0 : i32
        %sign3A_756 = arith.cmpi sgt, %add3A_752, %sign3A_755 : i32
        %sign3A_757 = arith.extui %sign3A_756 : i1 to i32
        %sign3A_758 = arith.constant 0 : i32
        %sign3A_759 = arith.cmpi slt, %add3A_752, %sign3A_758 : i32
        %sign3A_760 = arith.extui %sign3A_759 : i1 to i32
        %sign3A_761 = arith.subi %sign3A_757, %sign3A_760 : i32
        %sign3A_762 = arith.constant 0 : i32
        %sign3A_763 = arith.cmpi sgt, %jit3A_753, %sign3A_762 : i32
        %sign3A_764 = arith.extui %sign3A_763 : i1 to i32
        %sign3A_765 = arith.constant 0 : i32
        %sign3A_766 = arith.cmpi slt, %jit3A_753, %sign3A_765 : i32
        %sign3A_767 = arith.extui %sign3A_766 : i1 to i32
        %sign3A_768 = arith.subi %sign3A_764, %sign3A_767 : i32
        %ne3A_769 = arith.cmpi ne, %sign3A_761, %sign3A_768 : i32
        %rem3A_770 = arith.remsi %add3A_752, %jit3A_753 : i32
        %ne3A_771 = arith.constant 0 : i32
        %ne3A_772 = arith.cmpi ne, %rem3A_770, %ne3A_771 : i32
        %and3A_773 = arith.andi %ne3A_769, %ne3A_772 : i1
        %sub3A_774 = arith.constant 1 : i32
        %sub3A_775 = arith.subi %div3A_754, %sub3A_774 : i32
        %select_n3A_776 = arith.select %and3A_773, %sub3A_775, %div3A_754 : i32
        %mul3A_777 = arith.constant 26 : i32
        %mul3A_778 = arith.muli %select_n3A_776, %mul3A_777 : i32
        %sub3A_779 = arith.subi %add3A_752, %mul3A_778 : i32
        %dma_start3A_780 = arith.constant 0 : i32
        %dma_start3A_781 = tpu.memref_slice %arg10[%select_n3A_776, %sub3A_779, %dma_start3A_780] : memref<8x26x64xf32, #tpu.memory_space<vmem>> -> memref<1x1x64xf32, #tpu.memory_space<vmem>>
        %dma_start3A_782 = tpu.memref_squeeze %dma_start3A_781 : memref<1x1x64xf32, #tpu.memory_space<vmem>> -> memref<64xf32, #tpu.memory_space<vmem>>
        %dma_start3A_783 = arith.constant 0 : i32
        %dma_start3A_784 = tpu.memref_slice %arg4[%squeeze3A_750, %dma_start3A_783] : memref<2600000x64xf32, #tpu.memory_space<hbm>> -> memref<1x64xf32, #tpu.memory_space<hbm>>
        %dma_start3A_785 = tpu.memref_squeeze %dma_start3A_784 : memref<1x64xf32, #tpu.memory_space<hbm>> -> memref<64xf32, #tpu.memory_space<hbm>>
        %dma_start3A_786 = arith.constant 0 : i32
        %dma_start3A_787 = tpu.memref_slice %arg10[%select_n3A_776, %sub3A_779, %dma_start3A_786] : memref<8x26x64xf32, #tpu.memory_space<vmem>> -> memref<1x1x64xf32, #tpu.memory_space<vmem>>
        %dma_start3A_788 = tpu.memref_squeeze %dma_start3A_787 : memref<1x1x64xf32, #tpu.memory_space<vmem>> -> memref<64xf32, #tpu.memory_space<vmem>>
        %dma_start3A_789 = arith.constant 0 : i32
        %dma_start3A_790 = tpu.memref_slice %arg4[%squeeze3A_750, %dma_start3A_789] : memref<2600000x64xf32, #tpu.memory_space<hbm>> -> memref<1x64xf32, #tpu.memory_space<hbm>>
        %dma_start3A_791 = tpu.memref_squeeze %dma_start3A_790 : memref<1x64xf32, #tpu.memory_space<hbm>> -> memref<64xf32, #tpu.memory_space<hbm>>
        tpu.enqueue_dma source(%dma_start3A_791 : memref<64xf32, #tpu.memory_space<hbm>>) target(%dma_start3A_788 : memref<64xf32, #tpu.memory_space<vmem>>) target_semaphore(%arg12 : memref<!tpu.dma_semaphore, #tpu.memory_space<semaphore_mem>>)
        %scan3A_792 = arith.constant 0 : i32
        scf.yield %scan3A_792 : i32
      }
      %scan3A_103 = arith.constant 13 : i32
      %scan3A_104 = arith.constant 0 : i32
      scf.yield %scan3A_104 : i32
    }
    %scan3A_34 = arith.constant 7 : i32
    %dma_wait3A = arith.constant 0 : i32
    %dma_wait3A_35 = arith.constant 0 : i32
    %dma_wait3A_36 = arith.constant 0 : i32
    %dma_wait3A_37 = tpu.memref_slice %arg5[%dma_wait3A, %dma_wait3A_35, %dma_wait3A_36] : memref<4096x26x64xf32, #tpu.memory_space<hbm>> -> memref<8x26x64xf32, #tpu.memory_space<hbm>>
    %dma_wait3A_38 = arith.constant 0 : i32
    %dma_wait3A_39 = arith.constant 0 : i32
    %dma_wait3A_40 = arith.constant 0 : i32
    %dma_wait3A_41 = tpu.memref_slice %arg5[%dma_wait3A_38, %dma_wait3A_39, %dma_wait3A_40] : memref<4096x26x64xf32, #tpu.memory_space<hbm>> -> memref<8x26x64xf32, #tpu.memory_space<hbm>>
    tpu.wait_dma2 semaphore(%arg11 : memref<!tpu.dma_semaphore, #tpu.memory_space<semaphore_mem>>) src(%dma_wait3A_41 : memref<8x26x64xf32, #tpu.memory_space<hbm>>) dst(%arg9 : memref<8x26x64xf32, #tpu.memory_space<vmem>>)
    %add3A_42 = arith.constant 112 : i32
    %add3A_43 = arith.addi %mul3A_2, %add3A_42 : i32
    "tpu.region"() ({
      %run_scoped3A = tpu.sem_alloc : memref<!tpu.dma_semaphore, #tpu.memory_space<semaphore_mem>>
      %dma_start3A = arith.constant 0 : i32
      %dma_start3A_54 = arith.constant 0 : i32
      %dma_start3A_55 = tpu.memref_slice %arg5[%add3A_43, %dma_start3A, %dma_start3A_54] : memref<4096x26x64xf32, #tpu.memory_space<hbm>> -> memref<8x26x64xf32, #tpu.memory_space<hbm>>
      %dma_start3A_56 = arith.constant 0 : i32
      %dma_start3A_57 = arith.constant 0 : i32
      %dma_start3A_58 = tpu.memref_slice %arg5[%add3A_43, %dma_start3A_56, %dma_start3A_57] : memref<4096x26x64xf32, #tpu.memory_space<hbm>> -> memref<8x26x64xf32, #tpu.memory_space<hbm>>
      tpu.enqueue_dma source(%arg9 : memref<8x26x64xf32, #tpu.memory_space<vmem>>) target(%dma_start3A_58 : memref<8x26x64xf32, #tpu.memory_space<hbm>>) target_semaphore(%run_scoped3A : memref<!tpu.dma_semaphore, #tpu.memory_space<semaphore_mem>>)
      %dma_wait3A_59 = arith.constant 0 : i32
      %dma_wait3A_60 = arith.constant 0 : i32
      %dma_wait3A_61 = tpu.memref_slice %arg5[%add3A_43, %dma_wait3A_59, %dma_wait3A_60] : memref<4096x26x64xf32, #tpu.memory_space<hbm>> -> memref<8x26x64xf32, #tpu.memory_space<hbm>>
      %dma_wait3A_62 = arith.constant 0 : i32
      %dma_wait3A_63 = arith.constant 0 : i32
      %dma_wait3A_64 = tpu.memref_slice %arg5[%add3A_43, %dma_wait3A_62, %dma_wait3A_63] : memref<4096x26x64xf32, #tpu.memory_space<hbm>> -> memref<8x26x64xf32, #tpu.memory_space<hbm>>
      tpu.wait_dma2 semaphore(%run_scoped3A : memref<!tpu.dma_semaphore, #tpu.memory_space<semaphore_mem>>) src(%arg9 : memref<8x26x64xf32, #tpu.memory_space<vmem>>) dst(%dma_wait3A_64 : memref<8x26x64xf32, #tpu.memory_space<hbm>>)
      tpu.yield
    }) : () -> ()
    %dma_wait3A_44 = arith.constant 0 : i32
    %dma_wait3A_45 = arith.constant 0 : i32
    %dma_wait3A_46 = arith.constant 0 : i32
    %dma_wait3A_47 = tpu.memref_slice %arg5[%dma_wait3A_44, %dma_wait3A_45, %dma_wait3A_46] : memref<4096x26x64xf32, #tpu.memory_space<hbm>> -> memref<8x26x64xf32, #tpu.memory_space<hbm>>
    %dma_wait3A_48 = arith.constant 0 : i32
    %dma_wait3A_49 = arith.constant 0 : i32
    %dma_wait3A_50 = arith.constant 0 : i32
    %dma_wait3A_51 = tpu.memref_slice %arg5[%dma_wait3A_48, %dma_wait3A_49, %dma_wait3A_50] : memref<4096x26x64xf32, #tpu.memory_space<hbm>> -> memref<8x26x64xf32, #tpu.memory_space<hbm>>
    tpu.wait_dma2 semaphore(%arg12 : memref<!tpu.dma_semaphore, #tpu.memory_space<semaphore_mem>>) src(%dma_wait3A_51 : memref<8x26x64xf32, #tpu.memory_space<hbm>>) dst(%arg10 : memref<8x26x64xf32, #tpu.memory_space<vmem>>)
    %add3A_52 = arith.constant 120 : i32
    %add3A_53 = arith.addi %mul3A_2, %add3A_52 : i32
    "tpu.region"() ({
      %run_scoped3A = tpu.sem_alloc : memref<!tpu.dma_semaphore, #tpu.memory_space<semaphore_mem>>
      %dma_start3A = arith.constant 0 : i32
      %dma_start3A_54 = arith.constant 0 : i32
      %dma_start3A_55 = tpu.memref_slice %arg5[%add3A_53, %dma_start3A, %dma_start3A_54] : memref<4096x26x64xf32, #tpu.memory_space<hbm>> -> memref<8x26x64xf32, #tpu.memory_space<hbm>>
      %dma_start3A_56 = arith.constant 0 : i32
      %dma_start3A_57 = arith.constant 0 : i32
      %dma_start3A_58 = tpu.memref_slice %arg5[%add3A_53, %dma_start3A_56, %dma_start3A_57] : memref<4096x26x64xf32, #tpu.memory_space<hbm>> -> memref<8x26x64xf32, #tpu.memory_space<hbm>>
      tpu.enqueue_dma source(%arg10 : memref<8x26x64xf32, #tpu.memory_space<vmem>>) target(%dma_start3A_58 : memref<8x26x64xf32, #tpu.memory_space<hbm>>) target_semaphore(%run_scoped3A : memref<!tpu.dma_semaphore, #tpu.memory_space<semaphore_mem>>)
      %dma_wait3A_59 = arith.constant 0 : i32
      %dma_wait3A_60 = arith.constant 0 : i32
      %dma_wait3A_61 = tpu.memref_slice %arg5[%add3A_53, %dma_wait3A_59, %dma_wait3A_60] : memref<4096x26x64xf32, #tpu.memory_space<hbm>> -> memref<8x26x64xf32, #tpu.memory_space<hbm>>
      %dma_wait3A_62 = arith.constant 0 : i32
      %dma_wait3A_63 = arith.constant 0 : i32
      %dma_wait3A_64 = tpu.memref_slice %arg5[%add3A_53, %dma_wait3A_62, %dma_wait3A_63] : memref<4096x26x64xf32, #tpu.memory_space<hbm>> -> memref<8x26x64xf32, #tpu.memory_space<hbm>>
      tpu.wait_dma2 semaphore(%run_scoped3A : memref<!tpu.dma_semaphore, #tpu.memory_space<semaphore_mem>>) src(%arg10 : memref<8x26x64xf32, #tpu.memory_space<vmem>>) dst(%dma_wait3A_64 : memref<8x26x64xf32, #tpu.memory_space<hbm>>)
      tpu.yield
    }) : () -> ()
    return
  }
}

</mosaic_0001>

<sc_bundles>
// kernel: kernel.3.cloned.1.call-start
scs
__scs_entry_jumppad:
0x0: {  	(pc) =	sbr.rel $0x88, $3  }
0x1: {  	(tag) =	ssettag $0x0;
	lr =	simm.s32 $0x1  }
0x2: {  	[smem:$0x3F9F] =	sst lr;
	_ =	strace $0xD0000000  }
0x3: {  	_ = 	snop  }
0x4: {  	_ = 	snop  }
0x5: {  	_ = 	snop  }
0x6: {  	_ = 	snop  }
0x7: {  	_ = 	snop  }
__scs_overlays_trampoline_lowered:
0x8: {  	[smem:$0x3FAE] =	sst s0  }
0x9: {  	[smem:$0x3FAF] =	sst s1  }
0xa: {  	[smem:$0x3FB0] =	sst s2  }
0xb: {  	[smem:$0x3FB1] =	sst s3  }
0xc: {  	[smem:$0x3FB2] =	sst s4  }
0xd: {  	[smem:$0x3FB3] =	sst s5  }
0xe: {  	[smem:$0x3FB4] =	sst s6  }
0xf: {  	[smem:$0x3FB5] =	sst s7  }
0x10: {  	[smem:$0x3FB6] =	sst s8  }
0x11: {  	[smem:$0x3FB7] =	sst s9;
	s0 =	simm.s32 @!p0 $0x0  }
0x12: {  	s1 =	sld [smem:$0x3F9D];
	s0 =	simm.s32 @p0 $0x1  }
0x13: {  	[smem:$0x3FB8] =	sst s0;
	s0 =	simm.s32 @!p1 $0x0  }
0x14: {  	s2 =	sld [smem:$0x3F9C];
	s0 =	simm.s32 @p1 $0x1  }
0x15: {  	[smem:$0x3FB9] =	sst s0;
	s0 =	simm.s32 @!p2 $0x0  }
0x16: {  	s3 =	sld [smem:$0x3FDB];
	s0 =	simm.s32 @p2 $0x1  }
0x17: {  	s4 =	simm.s32 $0x1BF5;
	[smem:$0x3FBB] =	sst s0  }
0x18: {  	s0 =	sld [smem:$0x3F9E];
	_ =	swait.ge [sflag:s4], $0x0  }
0x19: {  	s7 =	sld [smem:$0x3F9F]  }
0x1a: {  	s8 =	sadd.s32 $0xFFFFE003, lr  }
0x1b: {  	s9 =	sadd.s32 $0xFFFFFEF7, lr;
	s5 =	simm.s32 $0xFFFFFFFF;
	p2 =	slt.u32 s8, $0xFFFFF086  }
0x1c: {  	p1 =	slt.u32 s9, $0xF7A;
	s5 =	simm.s32 @!p2 $0x0  }
0x1d: {  	s5 =	simm.s32 @p1 $0x1;
	p0 =	seq.s32 s7, s2  }
0x1e: {  	s7 =	smul.u32 @!p0 $0xF7A, s2;
	p2 =	seq.s32 @!p0 s5, $0x0  }
0x1f: {  	s9 =	smul.u32 $0xF7A, s1;
	s8 =	simm.s32 @!p0 $0x1BF5;
	p2 =	por !p2, p0  }
0x20: {  	[sflag:s8] =	ssyncset.s32 @!p0 $0xFFFFF086;
	s6 =	sadd.s32 @!p0 s3, s7;
	s7 =	simm.s32 @!p0 $0x108  }
0x21: {  	s3 =	sadd.s32 s3, s9;
	s6 =	sadd.s32 @!p0 $0x88, s6;
	s7 =	simm.s32 @p2 $0x1082  }
0x22: {  	[simem:s7], [sflag:s8] =	dma.local @!p0 [hbm:s6], $0xF7A  }
0x23: {  	s9 =	sor.u32 $0xD0000000, s2;
	s6 =	simm.s32 $0x108;
	_ =	swait.ge @!p0 [sflag:s8], $0x0  }
0x24: {  	s3 =	sadd.s32 $0x88, s3;
	s6 =	simm.s32 @!p1 $0x1082;
	[sflag:s4] =	ssyncset.s32 $0xFFFFF086  }
0x25: {  	[simem:s6], [sflag:s4] =	dma.local [hbm:s3], $0xF7A  }
0x26: {  	[smem:$0x3F9F] =	sst s1;
	(tag) =	ssettag s2;
	_ =	strace s9  }
0x27: {  	s1 =	sld [smem:$0x3FAF]  }
0x28: {  	s2 =	sld [smem:$0x3FB0]  }
0x29: {  	s4 =	sld [smem:$0x3FB2]  }
0x2a: {  	p0 =	seq.s32 s5, $0x0;
	s5 =	sld [smem:$0x3FB3]  }
0x2b: {  	s6 =	sld [smem:$0x3FB4]  }
0x2c: {  	s7 =	sld [smem:$0x3FB5]  }
0x2d: {  	s3 =	simm.s32 $0x108;
	s8 =	sld [smem:$0x3FB6]  }
0x2e: {  	s3 =	simm.s32 @!p0 $0x1082;
	s9 =	sld [smem:$0x3FB7]  }
0x2f: {  	lr =	sadd.s32 s0, s3;
	s0 =	sld [smem:$0x3FAE]  }
0x30: {  	s3 =	sld [smem:$0x3FB1]  }
0x31: {  	[smem:$0x3FBA] =	sst s10  }
0x32: {  	s10 =	sld [smem:$0x3FB8];
	_ =	sdelay $0x3  }
0x33: {  	p0 =	seq.s32 s10, $0x1;
	s10 =	sld [smem:$0x3FBA];
	_ =	sdelay $0x3  }
0x34: {  	[smem:$0x3FBA] =	sst s10  }
0x35: {  	s10 =	sld [smem:$0x3FB9];
	_ =	sdelay $0x3  }
0x36: {  	p1 =	seq.s32 s10, $0x1;
	s10 =	sld [smem:$0x3FBA];
	_ =	sdelay $0x3  }
0x37: {  	[smem:$0x3FBA] =	sst s10  }
0x38: {  	s10 =	sld [smem:$0x3FBB]  }
0x39: {  	_ = 	snop;
	(pc) =	sbr.ind lr, $3  }
0x3a: {  	_ = 	snop  }
0x3b: {  	_ = 	snop  }
0x3c: {  	p2 =	seq.s32 s10, $0x1;
	s10 =	sld [smem:$0x3FBA]  }
0x3d: {  	_ =	shalt  }
0x3e: {  	_ =	shalt  }
0x3f: {  	_ =	shalt  }
0x40: {  	_ =	shalt  }
0x41: {  	_ =	shalt  }
0x42: {  	_ =	shalt  }
0x43: {  	_ =	shalt  }
0x44: {  	_ =	shalt  }
0x45: {  	_ =	shalt  }
0x46: {  	_ =	shalt  }
0x47: {  	_ =	shalt  }
0x48: {  	_ =	shalt  }
0x49: {  	_ =	shalt  }
0x4a: {  	_ =	shalt  }
0x4b: {  	_ =	shalt  }
0x4c: {  	_ =	shalt  }
0x4d: {  	_ =	shalt  }
0x4e: {  	_ =	shalt  }
0x4f: {  	_ =	shalt  }
0x50: {  	_ =	shalt  }
0x51: {  	_ =	shalt  }
0x52: {  	_ =	shalt  }
0x53: {  	_ =	shalt  }
0x54: {  	_ =	shalt  }
0x55: {  	_ =	shalt  }
0x56: {  	_ =	shalt  }
0x57: {  	_ =	shalt  }
0x58: {  	_ =	shalt  }
0x59: {  	_ =	shalt  }
0x5a: {  	_ =	shalt  }
0x5b: {  	_ =	shalt  }
0x5c: {  	_ =	shalt  }
0x5d: {  	_ =	shalt  }
0x5e: {  	_ =	shalt  }
0x5f: {  	_ =	shalt  }
0x60: {  	_ =	shalt  }
0x61: {  	_ =	shalt  }
0x62: {  	_ =	shalt  }
0x63: {  	_ =	shalt  }
0x64: {  	_ =	shalt  }
0x65: {  	_ =	shalt  }
0x66: {  	_ =	shalt  }
0x67: {  	_ =	shalt  }
0x68: {  	_ =	shalt  }
0x69: {  	_ =	shalt  }
0x6a: {  	_ =	shalt  }
0x6b: {  	_ =	shalt  }
0x6c: {  	_ =	shalt  }
0x6d: {  	_ =	shalt  }
0x6e: {  	_ =	shalt  }
0x6f: {  	_ =	shalt  }
0x70: {  	_ =	shalt  }
0x71: {  	_ =	shalt  }
0x72: {  	_ =	shalt  }
0x73: {  	_ =	shalt  }
0x74: {  	_ =	shalt  }
0x75: {  	_ =	shalt  }
0x76: {  	_ =	shalt  }
0x77: {  	_ =	shalt  }
0x78: {  	_ =	shalt  }
0x79: {  	_ =	shalt  }
0x7a: {  	_ =	shalt  }
0x7b: {  	_ =	shalt  }
0x7c: {  	_ =	shalt  }
0x7d: {  	_ =	shalt  }
0x7e: {  	_ =	shalt  }
0x7f: {  	_ =	shalt  }
0x80: {  	_ =	shalt  }
0x81: {  	_ =	shalt  }
0x82: {  	_ =	shalt  }
0x83: {  	_ =	shalt  }
0x84: {  	_ =	shalt  }
0x85: {  	_ =	shalt  }
0x86: {  	_ =	shalt  }
0x87: {  	_ =	shalt  }
.Lfunc_end0:
.L_simem_size_0:
called_computation_lowered:
.L_overlay_start_0:
0x88: {  	s2 =	sld [smem:$0x3FD9]  }
0x89: {  	s3 =	sld [smem:$0x3FFE];
	_ =	sdelay $0x1  }
0x8a: {  	s1 =	srdreg.scid  }
0x8b: {  	s0 =	sand.u32 $0x1, s1  }
0x8c: {  	s17 =	sshll.u32 s0, $0xA;
	s2 =	sadd.s32 s3, s2  }
0x8d: {  	s2 =	sadd.s32 s2, s17  }
0x8e: {  	[smem:$0x3FC6] =	sst s2  }
0x8f: {  	_ = 	snop  }
0x90: {  	s2 =	sld [smem:$0x3FD0];
	(tm) =	ssettm $0x1  }
0x91: {  	s18 =	sld [smem:$0x3FFB];
	_ =	sdelay $0x3  }
0x92: {  	_ =	strace s18  }
0x93: {  	s3 =	sld [smem:$0x3FFC];
	_ =	sdelay $0x3  }
0x94: {  	_ =	strace s3  }
0x95: {  	s3 =	sld [smem:$0x3FFD];
	_ =	sdelay $0x3  }
0x96: {  	_ =	strace s3  }
0x97: {  	_ =	strace $0x8FFFFFFF  }
0x98: {  	s19 =	sld [smem:$0x3FDB];
	_ =	sdelay $0x1  }
0x99: {  	s4 =	simm.s32 $_scs_section_size  }
0x9a: {  	s5 =	simm.s32 $_size__tile_overlayer_lowered;
	s6 =	simm.s32 $_tile_overlayer_lowered  }
0x9b: {  	s22 =	simm.s32 $0x1BFF;
	s21 =	sshll.u32 s6, $0x1;
	s3 =	sadd.s32 s4, s19  }
0x9c: {  	s7 =	simm.s32 $0x0;
	s20 =	sshll.u32 s5, $0x1;
	s5 =	sadd.s32 s21, s3  }
0x9d: {  	[timem:s7], [sflag:s22] =	dma.local [hbm:s5], s20  }
0x9e: {  	_ =	swait.ge [sflag:s22], s20  }
0x9f: {  	s4 =	ssub.s32 $0x0, s20;
	[sflag:s22] =	ssyncset.done $0x0  }
0xa0: {  	[sflag:s22] =	ssyncadd.s32 s4;
	_ =	sdelay $0x1  }
0xa1: {  	s23 =	simm.s32 $0x1B8B  }
0xa2: {  	_ =	swait.ge [sflag:s23], $0x1  }
0xa3: {  	[sflag:s23] =	ssyncset.done $0x0  }
0xa4: {  	s25 =	simm.s32 $0x1B8E;
	s24 =	sld [smem:$0x3FFE];
	[sflag:s23] =	ssyncadd.s32 $0xFFFFFFFF  }
0xa5: {  	s26 =	simm.s32 $execute0_lowered;
	[smem:$0x3FD2] =	sst s25  }
0xa6: {  	s5 =	sshll.u32 s26, $0x1;
	_ =	strace $0x80000046;
	[dreg:$0x1] =	wrdreg $0xFFFFFFFF  }
0xa7: {  	s28 =	simm.s32 $_size_execute0_lowered;
	s3 =	sadd.s32 s3, s5;
	[dreg:$0x0] =	wrdreg $0x0  }
0xa8: {  	s5 =	sshll.u32 s28, $0x1;
	[dreg:$0x2] =	wrdreg s3  }
0xa9: {  	[dreg:$0x3] =	wrdreg s5  }
0xaa: {  	[dreg:$0x4] =	wrdreg $0xC0  }
0xab: {  	_ =	task [dreg:s7], $0x5FFFF  }
0xac: {  	[dreg:$0x1] =	wrdreg $0xFFFFFFFF  }
0xad: {  	[dreg:$0x0] =	wrdreg $0x60  }
0xae: {  	[dreg:$0x2] =	wrdreg s2  }
0xaf: {  	[dreg:$0x3] =	wrdreg s24  }
0xb0: {  	[dreg:$0x4] =	wrdreg $0x9  }
0xb1: {  	_ =	task.clear_ibuf [dreg:s7], $0x5FFFF;
	_ =	strace $0x90000046  }
0xb2: {  	s29 =	simm.s32 $0x9;
	_ =	strace $0x80000048  }
0xb3: {  	_ =	swait.ge [sflag:s29], $0x1  }
0xb4: {  	[sflag:s29] =	ssyncadd.s32 $0xFFFFFFFF  }
0xb5: {  	_ =	strace $0x90000048  }
0xb6: {  	_ =	sfence  }
0xb7: {  	s30 =	sld [smem:$0x0];
	_ =	sdelay $0x2  }
0xb8: {  	s31 =	sshll.u32 s1, $0xD;
	s1 =	sshrl.u32 s1, $0x2  }
0xb9: {  	s3 =	sand.u32 $0x4000, s31;
	s1 =	sadd.s32 s1, s30  }
0xba: {  	s0 =	sor.u32 s3, s0;
	s1 =	sshll.u32 s1, $0x11  }
0xbb: {  	s0 =	sor.u32 s1, s0  }
0xbc: {  	s0 =	sadd.s32 $0x8F2B, s0  }
0xbd: {  	[sflag:s0] =	ssyncadd.remote.s32 $0x1  }
0xbe: {  	_ =	sfence.sel $0xFFFF  }
0xbf: {  	[dreg:$0x0] =	wrdreg $0xFFFFFFFF;
	(pc) =	sbr.abs _section_cstart, $3  }
0xc0: {  	[dreg:$0x1] =	wrdreg $0xFFFFFFFF  }
0xc1: {  	_ =	task.clear_ibuf [dreg:s7], $0x2FFFF;
	_ =	strace $0x9FFFFFFF  }
0xc2: {  	(tm) =	ssettm $0x7FFFFFFF  }
0xc3: {  	_ =	shalt  }
tec
execute0_lowered:
.L_overlay_start_1:
0x0: {  	(tag) =	ssettag $0x1  }
0x1: {  	s0 =	rddreg [dreg:$0x0]  }
0x2: {  	s1 =	rddreg [dreg:$0x1];
	s19 =	simm.s32 $0x0;
	s2 =	srdreg.scid  }
0x3: {  	s3 =	stileid.u32;
	[smem:$0x7FF] =	sst s19  }
0x4: {  	s2 =	sand.u32 $0x1, s2;
	s3 =	sshll.u32 s3, $0x8;
	s5 =	sadd.s32 $0x27ACC00, s1  }
0x5: {  	s21 =	sadd.s32 $0x800, s1;
	_ =	strace $0x80000047;
	s4 =	sshll.u32 s2, $0x7  }
0x6: {  	[smem:$0x7F7] =	sst s5;
	s2 =	ssub.s32 $0x2, s2;
	s3 =	sor.u32 s4, s3  }
0x7: {  	s25 =	sshrl.u32 s2, $0x1;
	s4 =	sshll.u32 s3, $0x9;
	s3 =	sshll.u32 s3, $0x4  }
0x8: {  	[dreg:$0x3] =	wrdreg s21;
	s2 =	ssub.s32 s2, s25;
	s0 =	sadd.s32 s0, s3  }
0x9: {  	s1 =	sadd.s32 s4, s1;
	s30 =	smax.u32 s2, $0x1;
	[smem:$0x7F8] =	sst s0  }
0xa: {  	s26 =	sadd.s32 $0x27ACE00, s1;
	[smem:$0x7FC] =	sst s30  }
0xb: {  	s28 =	sadd.s32 $0x27BAE00, s1;
	[smem:$0x7F9] =	sst s26  }
0xc: {  	s29 =	sadd.s32 $0x27BBE00, s1;
	[smem:$0x7FA] =	sst s28  }
0xd: {  	s31 =	sadd.s32 $0x27ADE00, s1;
	[smem:$0x7FB] =	sst s29  }
0xe: {  	s2 =	simm.s32 $0x3;
	s1 =	simm.s32 $0x0;
	[smem:$0x7FD] =	sst s31  }
.LBB2_1:
0xf: {  	s0 =	sld [smem:$0x7F8];
	_ =	sdelay $0x1  }
0x10: {  	[smem:$0x7F6] =	sst s1  }
0x11: {  	[tilespmem:s19], [sflag:$0x3] =	stream.linear.gather [hbm4b:s0+s19], $0x4000, $0x38;
	[tilespmem:$0x14D80] =	vst v63  }
0x12: {  	_ =	swait.ge [sflag:s2], $0x4000  }
0x13: {  	s30 =	sld [smem:$0x7F7]  }
0x14: {  	[sflag:s2] =	ssyncset.done $0x0  }
0x15: {  	s31 =	simm.s32 $0x4000;
	[sflag:s2] =	ssyncadd.s32 $0xFFFFC000  }
0x16: {  	[tilespmem:s31], [sflag:$0x3] =	stream.linear.gather [hbm4b:s30+s19], $0x80, $0x38;
	[tilespmem:$0x14D80] =	vst v63  }
0x17: {  	_ =	swait.ge [sflag:s2], $0x80  }
0x18: {  	[sflag:s2] =	ssyncset.done $0x0  }
0x19: {  	[sflag:s2] =	ssyncadd.s32 $0xFFFFFF80  }
0x1a: {  	v0 =	vld [tilespmem:$0x4000]  }
0x1b: {  	v2 =	vld [tilespmem:s19+$0x0];
	_ =	sdelay $0x4  }
0x1c: {  	s2 =	simm.s32 $0x0;
	v2 =	vadd.s32 v0, v2  }
0x1d: {  	v1 =	vld [tilespmem:$0x4010];
	[tilespmem:s2+$0x4080] =	vst v2  }
0x1e: {  	v2 =	vld [tilespmem:s19+$0xA];
	_ =	sdelay $0x4  }
0x1f: {  	s1 =	simm.s32 $0x0;
	s0 =	simm.s32 $0x68;
	v2 =	vadd.s32 v1, v2  }
.LBB2_2:
0x20: {  	p0 =	sne.s32 s0, $0x3398  }
0x21: {  	[tilespmem:s2+$0x408A] =	vst v2;
	s1 =	sadd.s32 $0x80, s1;
	s2 =	smov.u32 s0;
	s0 =	sadd.s32 $0x68, s0  }
0x22: {  	v2 =	vld [tilespmem:s1+$0x0];
	_ =	sdelay $0x4  }
0x23: {  	s2 =	sshra.s32 s2, $0x2;
	v2 =	vadd.s32 v0, v2  }
0x24: {  	[tilespmem:s2+$0x4080] =	vst v2  }
0x25: {  	v2 =	vld [tilespmem:s1+$0xA]  }
.Ltmp0:
0x26: {  	(pc) =	sbr.rel @p0 .LBB2_2-.Ltmp0, $2  }
0x27: {  	_ =	sdelay $0x2  }
0x28: {  	v2 =	vadd.s32 v1, v2  }
0x29: {  	[tilespmem:s2+$0x408A] =	vst v2;
	s0 =	simm.s32 $0x4080  }
0x2a: {  	v0 =	vld [tilespmem:s0+$0x0];
	_ =	sdelay $0x4  }
0x2b: {  	v0 =	vshll.u32 v0, $0x4  }
0x2c: {  	(v2sf) =	vpush v0, $0xD  }
0x2d: {  	(v2sf) =	vpush v0, $0xC  }
0x2e: {  	(v2sf) =	vpush v0, $0xB  }
0x2f: {  	(v2sf) =	vpush v0, $0xA  }
0x30: {  	(v2sf) =	vpush v0, $0x9  }
0x31: {  	(v2sf) =	vpush v0, $0x8  }
0x32: {  	(v2sf) =	vpush v0, $0x7  }
0x33: {  	(v2sf) =	vpush v0, $0x5  }
0x34: {  	(v2sf) =	vpush v0, $0x2  }
0x35: {  	s25 =	simm.s32 $0x0;
	s8 =	simm.s32 $0xF;
	s12 =	simm.s32 $0xE;
	(v2sf) =	vpush v0, $0x4  }
0x36: {  	s5 =	simm.s32 $0xD;
	s6 =	simm.s32 $0xC;
	s7 =	smulhi.u32 $0x4EC4EC4F, s25;
	(v2sf) =	vpush v0, $0x3  }
0x37: {  	s10 =	simm.s32 $0xB;
	s19 =	simm.s32 $0x2;
	s12 =	smulhi.u32 $0x4EC4EC4F, s12;
	(v2sf) =	vpush v0, $0x1  }
0x38: {  	s22 =	simm.s32 $0xA;
	s13 =	simm.s32 $0x7;
	s19 =	smulhi.u32 $0x4EC4EC4F, s19;
	(v2sf) =	vpush v0, $0x0  }
0x39: {  	s23 =	simm.s32 $0x4;
	s6 =	smulhi.u32 $0x4EC4EC4F, s6;
	s7 =	sshrl.u32 s7, $0x3  }
0x3a: {  	s24 =	simm.s32 $0x3;
	s28 =	simm.s32 $0x1F;
	s17 =	smul.u32 $0xC00, s7  }
0x3b: {  	s19 =	sshrl.u32 s19, $0x3;
	s7 =	smulhi.u32 $0x4EC4EC4F, s5;
	s9 =	spop (v2sf)  }
0x3c: {  	s12 =	sshrl.u32 s12, $0x3;
	s30 =	smul.u32 $0xC00, s19;
	s16 =	spop (v2sf)  }
0x3d: {  	s5 =	smulhi.u32 $0x4EC4EC4F, s13;
	s26 =	sshra.s32 s17, $0x2;
	s3 =	spop (v2sf)  }
0x3e: {  	[smem:$0x7EB] =	sst s30;
	s13 =	sadd.s32 $0x0, s26;
	s0 =	spop (v2sf)  }
0x3f: {  	s5 =	sshrl.u32 s5, $0x3;
	s26 =	sadd.s32 $0x4D80, s13;
	s1 =	spop (v2sf)  }
0x40: {  	s13 =	sadd.s32 $0x4E00, s13;
	s0 =	sand.u32 $0x1FFFFFF0, s0;
	s11 =	spop (v2sf)  }
0x41: {  	s1 =	sand.u32 $0x1FFFFFF0, s1;
	s0 =	sadd.s32 s21, s0;
	s2 =	spop (v2sf)  }
0x42: {  	s11 =	sand.u32 $0x1FFFFFF0, s11;
	s1 =	sadd.s32 s21, s1;
	s4 =	spop (v2sf)  }
0x43: {  	s2 =	sand.u32 $0x1FFFFFF0, s2;
	s11 =	sadd.s32 s21, s11;
	s14 =	spop (v2sf)  }
0x44: {  	s4 =	sand.u32 $0x1FFFFFF0, s4;
	s2 =	sadd.s32 s21, s2;
	s15 =	spop (v2sf)  }
0x45: {  	s14 =	sand.u32 $0x1FFFFFF0, s14;
	s4 =	sadd.s32 s21, s4;
	s18 =	spop (v2sf)  }
0x46: {  	s14 =	sadd.s32 s21, s14;
	s15 =	sand.u32 $0x1FFFFFF0, s15;
	s20 =	spop (v2sf)  }
0x47: {  	s18 =	sand.u32 $0x1FFFFFF0, s18;
	s15 =	sadd.s32 s21, s15;
	s29 =	spop (v2sf)  }
0x48: {  	s20 =	sand.u32 $0x1FFFFFF0, s20;
	s17 =	sand.u32 $0x1FFFFFF0, s29;
	s29 =	sshra.s32 s30, $0x2  }
0x49: {  	s17 =	sadd.s32 s21, s17;
	s19 =	sadd.s32 $0x0, s29;
	s29 =	smul.u32 $0xC00, s12  }
0x4a: {  	[tilespmem:s26], [sflag:$0x1] =	stream.linear.gather [hbm4b:s17+s25], $0x80, $0x38;
	[tilespmem:$0x14D80] =	vst v63  }
0x4b: {  	(v2sf) =	vpush v0, $0xE;
	s18 =	sadd.s32 s21, s18;
	s31 =	sadd.s32 s21, s20;
	s17 =	smulhi.u32 $0x4EC4EC4F, s24  }
0x4c: {  	[tilespmem:s13], [sflag:$0x1] =	stream.linear.gather [hbm4b:s31+s25], $0x80, $0x38;
	[tilespmem:$0x14D80] =	vst v63  }
0x4d: {  	s26 =	smulhi.u32 $0x4EC4EC4F, s23;
	s19 =	sadd.s32 $0x4E80, s19;
	s17 =	sshrl.u32 s17, $0x3  }
0x4e: {  	(v2sf) =	vpush v0, $0x6;
	s23 =	simm.s32 $0x8;
	s13 =	simm.s32 $0x5;
	s17 =	smul.u32 $0xC00, s17  }
0x4f: {  	[smem:$0x7F4] =	sst s29;
	s31 =	simm.s32 $0x6;
	s30 =	smulhi.u32 $0x4EC4EC4F, s13  }
0x50: {  	[tilespmem:s19], [sflag:$0x1] =	stream.linear.gather [hbm4b:s14+s25], $0x80, $0x38;
	[tilespmem:$0x14D80] =	vst v63  }
0x51: {  	s13 =	sshrl.u32 s26, $0x3;
	s24 =	smulhi.u32 $0x4EC4EC4F, s31;
	s17 =	sshra.s32 s17, $0x2  }
0x52: {  	s31 =	smulhi.u32 $0x4EC4EC4F, s23;
	s14 =	simm.s32 $0x9;
	s17 =	sadd.s32 $0x0, s17  }
0x53: {  	s13 =	smul.u32 $0xC00, s13;
	s19 =	sshrl.u32 s30, $0x3;
	s17 =	sadd.s32 $0x4F00, s17  }
0x54: {  	[tilespmem:s17], [sflag:$0x1] =	stream.linear.gather [hbm4b:s18+s25], $0x80, $0x38;
	[tilespmem:$0x14D80] =	vst v63  }
0x55: {  	s30 =	sshrl.u32 s24, $0x3;
	s13 =	sshra.s32 s13, $0x2;
	s18 =	smulhi.u32 $0x4EC4EC4F, s8  }
0x56: {  	s24 =	simm.s32 $0x2000;
	s13 =	sadd.s32 $0x0, s13;
	s17 =	smul.u32 $0xC00, s19  }
0x57: {  	[dreg:$0xe] =	wrdreg s24;
	s13 =	sadd.s32 $0x4F80, s13;
	s19 =	smul.u32 $0xC00, s5  }
0x58: {  	[tilespmem:s13], [sflag:$0x1] =	stream.linear.gather [hbm4b:s15+s25], $0x80, $0x38;
	[tilespmem:$0x14D80] =	vst v63  }
0x59: {  	s24 =	sshrl.u32 s7, $0x3;
	s26 =	sshra.s32 s17, $0x2;
	s17 =	smul.u32 $0xC00, s30  }
0x5a: {  	s8 =	spop (v2sf);
	[smem:$0x7EC] =	sst s19;
	s12 =	sadd.s32 $0x0, s26  }
0x5b: {  	s30 =	sshra.s32 s19, $0x2;
	s12 =	sadd.s32 $0x5000, s12;
	s15 =	sshra.s32 s17, $0x2  }
0x5c: {  	[tilespmem:s12], [sflag:$0x1] =	stream.linear.gather [hbm4b:s4+s25], $0x80, $0x38;
	[tilespmem:$0x14D80] =	vst v63  }
0x5d: {  	s26 =	smulhi.u32 $0x4EC4EC4F, s14;
	s17 =	spop (v2sf);
	s12 =	sadd.s32 $0x0, s15  }
0x5e: {  	s13 =	sand.u32 $0x1FFFFFF0, s17;
	s4 =	sshrl.u32 s31, $0x3;
	s15 =	sshrl.u32 s18, $0x3  }
0x5f: {  	s17 =	smulhi.u32 $0x4EC4EC4F, s22;
	s20 =	sadd.s32 $0x5080, s12;
	s23 =	sadd.s32 s21, s13  }
0x60: {  	s13 =	sadd.s32 $0x0, s30;
	s31 =	smul.u32 $0xC00, s4;
	s12 =	sshrl.u32 s26, $0x3  }
0x61: {  	[tilespmem:s20], [sflag:$0x1] =	stream.linear.gather [hbm4b:s23+s25], $0x80, $0x38;
	[tilespmem:$0x14D80] =	vst v63  }
0x62: {  	s14 =	sadd.s32 $0x5100, s13;
	s19 =	smul.u32 $0xC00, s12;
	s12 =	simm.s32 $0x13  }
0x63: {  	s4 =	sshrl.u32 s17, $0x3;
	s23 =	smulhi.u32 $0x4EC4EC4F, s10;
	s17 =	simm.s32 $0x14  }
0x64: {  	(v2sf) =	vpush v0, $0xF;
	s10 =	sshrl.u32 s6, $0x3;
	s18 =	sshra.s32 s31, $0x2;
	s4 =	smul.u32 $0xC00, s4  }
0x65: {  	[tilespmem:s14], [sflag:$0x1] =	stream.linear.gather [hbm4b:s2+s25], $0x80, $0x38;
	[tilespmem:$0x14D80] =	vst v63  }
0x66: {  	[smem:$0x7ED] =	sst s31;
	s31 =	smul.u32 $0xC00, s24;
	s13 =	sadd.s32 $0x0, s18  }
0x67: {  	[smem:$0x7EE] =	sst s19;
	s22 =	sshra.s32 s19, $0x2;
	s14 =	simm.s32 $0x12  }
0x68: {  	s18 =	smul.u32 $0xC00, s10;
	s20 =	sadd.s32 $0x5180, s13;
	s2 =	sadd.s32 $0x0, s22  }
0x69: {  	s4 =	sshra.s32 s4, $0x2;
	s13 =	sand.u32 $0x1FFFFFF0, s3;
	[smem:$0x7F0] =	sst s31  }
0x6a: {  	[tilespmem:s20], [sflag:$0x1] =	stream.linear.gather [hbm4b:s11+s25], $0x80, $0x38;
	[tilespmem:$0x14D80] =	vst v63  }
0x6b: {  	s11 =	smul.u32 $0xC00, s15;
	s2 =	sadd.s32 $0x5200, s2;
	s15 =	simm.s32 $0x15  }
0x6c: {  	s4 =	sadd.s32 $0x0, s4;
	s19 =	sadd.s32 s21, s13;
	s20 =	sshra.s32 s31, $0x2  }
0x6d: {  	[smem:$0x7F1] =	sst s18;
	s22 =	sshra.s32 s18, $0x2;
	s18 =	simm.s32 $0x18  }
0x6e: {  	s31 =	simm.s32 $0x4090;
	s30 =	sadd.s32 $0x5280, s4;
	s24 =	sadd.s32 $0x0, s22  }
0x6f: {  	[tilespmem:s2], [sflag:$0x1] =	stream.linear.gather [hbm4b:s1+s25], $0x80, $0x38;
	[tilespmem:$0x14D80] =	vst v63  }
0x70: {  	s22 =	simm.s32 $0x1B;
	[smem:$0x7F3] =	sst s31;
	s1 =	sshrl.u32 s23, $0x3  }
0x71: {  	s4 =	sadd.s32 $0x5380, s24;
	s24 =	simm.s32 $0x1C;
	s26 =	smul.u32 $0xC00, s1  }
0x72: {  	[tilespmem:s30], [sflag:$0x1] =	stream.linear.gather [hbm4b:s0+s25], $0x80, $0x38;
	[tilespmem:$0x14D80] =	vst v63  }
0x73: {  	[smem:$0x7F5] =	sst s11;
	s6 =	sshra.s32 s11, $0x2;
	s23 =	spop (v2sf)  }
0x74: {  	s30 =	simm.s32 $0x10;
	[smem:$0x7EF] =	sst s26;
	s7 =	sshra.s32 s26, $0x2  }
0x75: {  	s26 =	sand.u32 $0x1FFFFFF0, s9;
	[smem:$0x7F2] =	sst s30;
	s9 =	simm.s32 $0x0  }
0x76: {  	s0 =	sadd.s32 $0x0, s7;
	s7 =	sand.u32 $0x1FFFFFF0, s23;
	s2 =	sadd.s32 s21, s26  }
0x77: {  	s23 =	simm.s32 $0x1A;
	s26 =	simm.s32 $0x1D;
	s0 =	sadd.s32 $0x5300, s0  }
0x78: {  	[tilespmem:s0], [sflag:$0x1] =	stream.linear.gather [hbm4b:s19+s25], $0x80, $0x38;
	[tilespmem:$0x14D80] =	vst v63  }
0x79: {  	s0 =	sadd.s32 $0x0, s20;
	s25 =	sand.u32 $0x1FFFFFF0, s16;
	s16 =	simm.s32 $0x16  }
0x7a: {  	s20 =	simm.s32 $0x17;
	s19 =	simm.s32 $0x19;
	s1 =	sadd.s32 $0x5400, s0  }
0x7b: {  	s10 =	sadd.s32 s21, s25;
	s25 =	simm.s32 $0x1E;
	s0 =	sshra.s32 s29, $0x2  }
.LBB2_4:
0x7c: {  	s11 =	sand.u32 $0x1FFFFFF0, s8  }
0x7d: {  	s30 =	rddreg [dreg:$0xe];
	s8 =	smov.u32 s12;
	s29 =	smov.u32 s14  }
0x7e: {  	s5 =	simm.s32 $0x0;
	s7 =	sadd.s32 s21, s7;
	s3 =	smulhi.u32 $0x4EC4EC4F, s20  }
0x7f: {  	[tilespmem:s4], [sflag:$0x1] =	stream.linear.gather [hbm4b:s10+s5], $0x80, $0x38;
	[tilespmem:$0x14D80] =	vst v63  }
0x80: {  	s14 =	sadd.s32 $0x10, s14;
	s31 =	smov.u32 s30;
	s10 =	smulhi.u32 $0x4EC4EC4F, s26  }
0x81: {  	s11 =	sadd.s32 s21, s11;
	p0 =	sne.s32 s30, $0x18000;
	s4 =	smov.u32 s18  }
0x82: {  	s21 =	smulhi.u32 $0x4EC4EC4F, s17;
	s13 =	sadd.s32 s9, s6;
	s9 =	sadd.s32 s9, s0  }
0x83: {  	[tilespmem:s1], [sflag:$0x1] =	stream.linear.gather [hbm4b:s2+s5], $0x80, $0x38;
	[tilespmem:$0x14D80] =	vst v63  }
0x84: {  	s0 =	sadd.s32 $0x2000, s30;
	s4 =	smulhi.u32 $0x4EC4EC4F, s4;
	s6 =	sadd.s32 $0x5480, s9  }
0x85: {  	[tilespmem:s6], [sflag:$0x1] =	stream.linear.gather [hbm4b:s11+s5], $0x80, $0x38;
	[tilespmem:$0x14D80] =	vst v63  }
0x86: {  	s13 =	sadd.s32 $0x5500, s13;
	[dreg:$0xe] =	wrdreg s0;
	s0 =	smulhi.u32 $0x4EC4EC4F, s25  }
0x87: {  	[tilespmem:s13], [sflag:$0x1] =	stream.linear.gather [hbm4b:s7+s5], $0x80, $0x38;
	[tilespmem:$0x14D80] =	vst v63  }
0x88: {  	s3 =	sshrl.u32 s3, $0x3;
	s1 =	smulhi.u32 $0x4EC4EC4F, s28;
	s13 =	sld [smem:$0x7F3]  }
0x89: {  	s30 =	smov.u32 s16;
	s10 =	sshrl.u32 s10, $0x3;
	s3 =	smul.u32 $0xC00, s3  }
0x8a: {  	[smem:$0x7DC] =	sst s30;
	s30 =	smov.u32 s23;
	s10 =	smul.u32 $0xC00, s10  }
0x8b: {  	s20 =	sadd.s32 $0x10, s20;
	s17 =	sadd.s32 $0x10, s17;
	s30 =	smulhi.u32 $0x4EC4EC4F, s30;
	v0 =	vld [tilespmem:s13+$0x0]  }
0x8c: {  	s6 =	sshrl.u32 s0, $0x3;
	s0 =	sadd.s32 $0x10, s12;
	s12 =	smulhi.u32 $0x4EC4EC4F, s15  }
0x8d: {  	s4 =	sshrl.u32 s4, $0x3;
	s9 =	sshrl.u32 s1, $0x3;
	s1 =	smulhi.u32 $0x4EC4EC4F, s24  }
0x8e: {  	s18 =	sadd.s32 $0x10, s18;
	s26 =	sadd.s32 $0x10, s26;
	s4 =	smul.u32 $0xC00, s4  }
0x8f: {  	s16 =	sadd.s32 $0x10, s16;
	s11 =	sld [smem:$0x7F2];
	s6 =	smul.u32 $0xC00, s6  }
0x90: {  	s23 =	sadd.s32 $0x10, s23;
	s9 =	smul.u32 $0xC00, s9;
	[dreg:$0x19] =	wrdreg s0;
	v0 =	vshll.u32 v0, $0x4  }
0x91: {  	s30 =	sshrl.u32 s30, $0x3;
	s0 =	sshrl.u32 s1, $0x3;
	s1 =	smulhi.u32 $0x4EC4EC4F, s22;
	(v2sf) =	vpush v0, $0xD  }
0x92: {  	s25 =	sadd.s32 $0x10, s25;
	s28 =	sadd.s32 $0x10, s28;
	s30 =	smul.u32 $0xC00, s30;
	(v2sf) =	vpush v0, $0xC  }
0x93: {  	s15 =	sadd.s32 $0x10, s15;
	s7 =	smov.u32 s19;
	s0 =	smul.u32 $0xC00, s0;
	(v2sf) =	vpush v0, $0xB  }
0x94: {  	s2 =	smov.u32 s11;
	s7 =	smulhi.u32 $0x4EC4EC4F, s7;
	s11 =	sadd.s32 $0x10, s11;
	(v2sf) =	vpush v0, $0xA  }
0x95: {  	s24 =	sadd.s32 $0x10, s24;
	[smem:$0x7F2] =	sst s11;
	s11 =	smulhi.u32 $0x4EC4EC4F, s8  }
0x96: {  	s6 =	sshra.s32 s6, $0x2;
	s1 =	sshrl.u32 s1, $0x3;
	s2 =	smulhi.u32 $0x4EC4EC4F, s2;
	(v2sf) =	vpush v0, $0x9  }
0x97: {  	s19 =	sadd.s32 $0x10, s19;
	[smem:$0x7EA] =	sst s6;
	s1 =	smul.u32 $0xC00, s1;
	(v2sf) =	vpush v0, $0x8  }
0x98: {  	s13 =	sadd.s32 $0x10, s13;
	s7 =	sshrl.u32 s7, $0x3;
	s0 =	sshra.s32 s0, $0x2;
	(v2sf) =	vpush v0, $0x7  }
0x99: {  	[smem:$0x7F3] =	sst s13;
	s13 =	sshra.s32 s9, $0x2;
	s9 =	sshra.s32 s10, $0x2;
	(v2sf) =	vpush v0, $0x5  }
0x9a: {  	s7 =	smul.u32 $0xC00, s7;
	[smem:$0x7DE] =	sst s0;
	s2 =	sshrl.u32 s2, $0x3;
	(v2sf) =	vpush v0, $0x2  }
0x9b: {  	[smem:$0x7E9] =	sst s13;
	s13 =	sshra.s32 s30, $0x2;
	s30 =	smulhi.u32 $0x4EC4EC4F, s29;
	(v2sf) =	vpush v0, $0x4  }
0x9c: {  	s0 =	sshrl.u32 s11, $0x3;
	[smem:$0x7E4] =	sst s9;
	s10 =	sshra.s32 s1, $0x2  }
0x9d: {  	s9 =	sshra.s32 s31, $0x2;
	s2 =	smul.u32 $0xC00, s2;
	s8 =	sshrl.u32 s30, $0x3  }
0x9e: {  	[smem:$0x7DB] =	sst s10;
	s1 =	sadd.s32 s9, s13;
	s31 =	smul.u32 $0xC00, s8;
	(v2sf) =	vpush v0, $0x3  }
0x9f: {  	s13 =	smul.u32 $0xC00, s0;
	[smem:$0x7E5] =	sst s1;
	s1 =	sshra.s32 s3, $0x2;
	(v2sf) =	vpush v0, $0x1  }
0xa0: {  	s3 =	sshra.s32 s31, $0x2;
	s31 =	sadd.s32 s9, s1;
	s8 =	spop (v2sf)  }
0xa1: {  	s22 =	sadd.s32 $0x10, s22;
	[smem:$0x7DF] =	sst s31;
	s10 =	spop (v2sf)  }
0xa2: {  	s4 =	sshra.s32 s4, $0x2;
	(v2sf) =	vpush v0, $0x0;
	[smem:$0x7E8] =	sst s8;
	s11 =	spop (v2sf)  }
0xa3: {  	s7 =	sshra.s32 s7, $0x2;
	[smem:$0x7E3] =	sst s10;
	s29 =	spop (v2sf)  }
0xa4: {  	s2 =	sshra.s32 s2, $0x2;
	[smem:$0x7E1] =	sst s11;
	s0 =	sand.u32 $0x1FFFFFF0, s29  }
0xa5: {  	s31 =	sshra.s32 s13, $0x2;
	s30 =	spop (v2sf);
	[smem:$0x7E6] =	sst s0  }
0xa6: {  	[smem:$0x7DD] =	sst s30;
	s1 =	spop (v2sf);
	s30 =	sadd.s32 s9, s2  }
0xa7: {  	s0 =	sshrl.u32 s21, $0x3;
	s6 =	sand.u32 $0x1FFFFFF0, s1;
	s10 =	spop (v2sf)  }
0xa8: {  	s1 =	sshrl.u32 s12, $0x3;
	s11 =	spop (v2sf);
	s29 =	sand.u32 $0x1FFFFFF0, s10  }
0xa9: {  	[smem:$0x7E0] =	sst s29;
	s2 =	spop (v2sf);
	s13 =	sand.u32 $0x1FFFFFF0, s11  }
0xaa: {  	s29 =	sadd.s32 s9, s4;
	s8 =	spop (v2sf);
	s11 =	sand.u32 $0x1FFFFFF0, s2  }
0xab: {  	s2 =	smov.u32 s28;
	s28 =	smov.u32 s26;
	s26 =	smov.u32 s25  }
0xac: {  	s25 =	smov.u32 s24;
	s24 =	smov.u32 s23;
	s23 =	smov.u32 s22  }
0xad: {  	s10 =	spop (v2sf);
	s12 =	sand.u32 $0x1FFFFFF0, s8;
	s8 =	sld [smem:$0x7DB]  }
0xae: {  	s22 =	smov.u32 s19;
	s19 =	smov.u32 s20;
	s21 =	spop (v2sf)  }
0xaf: {  	(v2sf) =	vpush v0, $0xE;
	s20 =	smov.u32 s16;
	s16 =	smov.u32 s14;
	s14 =	sand.u32 $0x1FFFFFF0, s21  }
0xb0: {  	s21 =	smov.u32 s18;
	s18 =	smov.u32 s17;
	s4 =	sadd.s32 s9, s8  }
0xb1: {  	s17 =	smov.u32 s15;
	s15 =	spop (v2sf);
	[smem:$0x7E7] =	sst s4  }
0xb2: {  	s4 =	sadd.s32 s9, s7;
	s7 =	sand.u32 $0x1FFFFFF0, s15;
	s15 =	sld [smem:$0x7DC]  }
0xb3: {  	s3 =	sadd.s32 s9, s3  }
0xb4: {  	s3 =	sadd.s32 $0x4E80, s3;
	s31 =	sadd.s32 s9, s31;
	s0 =	smul.u32 $0xC00, s0  }
0xb5: {  	s31 =	sadd.s32 $0x4F00, s31;
	[smem:$0x7E2] =	sst s6;
	s8 =	smulhi.u32 $0x4EC4EC4F, s15  }
0xb6: {  	(v2sf) =	vpush v0, $0x6;
	s6 =	sadd.s32 $0x4D80, s30;
	s1 =	smul.u32 $0xC00, s1;
	s30 =	sadd.s32 $0x4E00, s30  }
0xb7: {  	s0 =	sshra.s32 s0, $0x2;
	s15 =	sshrl.u32 s8, $0x3;
	s8 =	rddreg [dreg:$0x3]  }
0xb8: {  	(v2sf) =	vpush v0, $0xF;
	s1 =	sshra.s32 s1, $0x2;
	s0 =	sadd.s32 s9, s0;
	s7 =	sadd.s32 s8, s7  }
0xb9: {  	[tilespmem:s6], [sflag:$0x1] =	stream.linear.gather [hbm4b:s7+s5], $0x80, $0x38;
	[tilespmem:$0x14D80] =	vst v63  }
0xba: {  	s1 =	sadd.s32 s9, s1;
	s6 =	smul.u32 $0xC00, s15;
	s15 =	smov.u32 s17  }
0xbb: {  	s17 =	smov.u32 s18;
	s18 =	smov.u32 s21;
	s21 =	rddreg [dreg:$0x3]  }
0xbc: {  	s0 =	sadd.s32 $0x4F80, s0;
	s10 =	sand.u32 $0x1FFFFFF0, s10;
	s14 =	sadd.s32 s21, s14  }
0xbd: {  	[tilespmem:s30], [sflag:$0x1] =	stream.linear.gather [hbm4b:s14+s5], $0x80, $0x38;
	[tilespmem:$0x14D80] =	vst v63  }
0xbe: {  	s8 =	spop (v2sf);
	s14 =	smov.u32 s16;
	s16 =	smov.u32 s20  }
0xbf: {  	s20 =	smov.u32 s19;
	s19 =	smov.u32 s22;
	s22 =	smov.u32 s23  }
0xc0: {  	s23 =	smov.u32 s24;
	s24 =	smov.u32 s25;
	s25 =	smov.u32 s26  }
0xc1: {  	s26 =	smov.u32 s28;
	s28 =	smov.u32 s2;
	s2 =	sadd.s32 s21, s11  }
0xc2: {  	[tilespmem:s3], [sflag:$0x1] =	stream.linear.gather [hbm4b:s2+s5], $0x80, $0x38;
	[tilespmem:$0x14D80] =	vst v63  }
0xc3: {  	s7 =	sadd.s32 s21, s10;
	s13 =	sadd.s32 s21, s13;
	s6 =	sshra.s32 s6, $0x2  }
0xc4: {  	[tilespmem:s31], [sflag:$0x1] =	stream.linear.gather [hbm4b:s7+s5], $0x80, $0x38;
	[tilespmem:$0x14D80] =	vst v63  }
0xc5: {  	s11 =	spop (v2sf);
	s30 =	sadd.s32 s21, s12;
	s31 =	sld [smem:$0x7DD]  }
0xc6: {  	[tilespmem:s0], [sflag:$0x1] =	stream.linear.gather [hbm4b:s30+s5], $0x80, $0x38;
	[tilespmem:$0x14D80] =	vst v63  }
0xc7: {  	s10 =	spop (v2sf);
	s30 =	sand.u32 $0x1FFFFFF0, s11;
	s11 =	sld [smem:$0x7E0]  }
0xc8: {  	s7 =	sand.u32 $0x1FFFFFF0, s10;
	s12 =	sand.u32 $0x1FFFFFF0, s31;
	s31 =	sld [smem:$0x7DE]  }
0xc9: {  	s10 =	sadd.s32 $0x5000, s1;
	s2 =	sadd.s32 s21, s30;
	s30 =	sld [smem:$0x7E2]  }
0xca: {  	[tilespmem:s10], [sflag:$0x1] =	stream.linear.gather [hbm4b:s13+s5], $0x80, $0x38;
	[tilespmem:$0x14D80] =	vst v63  }
0xcb: {  	s29 =	sadd.s32 $0x5180, s29;
	s3 =	sadd.s32 s9, s6;
	s10 =	sld [smem:$0x7DF]  }
0xcc: {  	s4 =	sadd.s32 $0x5200, s4;
	s3 =	sadd.s32 $0x5080, s3;
	s13 =	sld [smem:$0x7E1]  }
0xcd: {  	[tilespmem:s3], [sflag:$0x1] =	stream.linear.gather [hbm4b:s2+s5], $0x80, $0x38;
	[tilespmem:$0x14D80] =	vst v63  }
0xce: {  	s12 =	sadd.s32 s21, s12;
	s6 =	sadd.s32 s9, s31;
	s31 =	sld [smem:$0x7E3]  }
0xcf: {  	s1 =	sadd.s32 s21, s11;
	s3 =	sadd.s32 s21, s30;
	s2 =	sld [smem:$0x7E5]  }
0xd0: {  	s30 =	sld [smem:$0x7E8];
	s0 =	sadd.s32 $0x5100, s10;
	s11 =	sand.u32 $0x1FFFFFF0, s13  }
0xd1: {  	[tilespmem:s0], [sflag:$0x1] =	stream.linear.gather [hbm4b:s1+s5], $0x80, $0x38;
	[tilespmem:$0x14D80] =	vst v63  }
0xd2: {  	s1 =	sld [smem:$0x7E4];
	s11 =	sadd.s32 s21, s11;
	s13 =	sand.u32 $0x1FFFFFF0, s31  }
0xd3: {  	[tilespmem:s29], [sflag:$0x1] =	stream.linear.gather [hbm4b:s3+s5], $0x80, $0x38;
	[tilespmem:$0x14D80] =	vst v63  }
0xd4: {  	s2 =	sadd.s32 $0x5280, s2;
	s31 =	sand.u32 $0x1FFFFFF0, s30;
	s3 =	sld [smem:$0x7E6]  }
0xd5: {  	[tilespmem:s4], [sflag:$0x1] =	stream.linear.gather [hbm4b:s12+s5], $0x80, $0x38;
	[tilespmem:$0x14D80] =	vst v63  }
0xd6: {  	s29 =	sld [smem:$0x7E7];
	s0 =	sadd.s32 s9, s1;
	s4 =	sadd.s32 $0x5380, s6  }
.Ltmp1:
0xd7: {  	s6 =	sld [smem:$0x7E9];
	s10 =	sadd.s32 s21, s3;
	(pc) =	sbr.rel @p0 .LBB2_4-.Ltmp1, $4  }
0xd8: {  	[tilespmem:s2], [sflag:$0x1] =	stream.linear.gather [hbm4b:s10+s5], $0x80, $0x38;
	[tilespmem:$0x14D80] =	vst v63  }
0xd9: {  	s1 =	sadd.s32 $0x5400, s0;
	s12 =	rddreg [dreg:$0x19];
	s0 =	sadd.s32 $0x5300, s29  }
0xda: {  	[tilespmem:s0], [sflag:$0x1] =	stream.linear.gather [hbm4b:s11+s5], $0x80, $0x38;
	[tilespmem:$0x14D80] =	vst v63  }
0xdb: {  	s10 =	sadd.s32 s21, s13;
	s2 =	sadd.s32 s21, s31;
	s0 =	sld [smem:$0x7EA]  }
0xdc: {  	s5 =	simm.s32 $0x0  }
0xdd: {  	[tilespmem:s4], [sflag:$0x1] =	stream.linear.gather [hbm4b:s10+s5], $0x80, $0x38;
	[tilespmem:$0x14D80] =	vst v63  }
0xde: {  	s3 =	sand.u32 $0x1FFFFFF0, s8;
	s0 =	sadd.s32 s9, s0  }
0xdf: {  	[tilespmem:s1], [sflag:$0x1] =	stream.linear.gather [hbm4b:s2+s5], $0x80, $0x38;
	[tilespmem:$0x14D80] =	vst v63  }
0xe0: {  	s10 =	sadd.s32 s9, s6;
	s11 =	sadd.s32 s21, s3;
	s0 =	sadd.s32 $0x5480, s0  }
0xe1: {  	[tilespmem:s0], [sflag:$0x1] =	stream.linear.gather [hbm4b:s11+s5], $0x80, $0x38;
	[tilespmem:$0x14D80] =	vst v63  }
0xe2: {  	s13 =	sadd.s32 s21, s7;
	s14 =	simm.s32 $0x4150;
	s12 =	sadd.s32 $0x5500, s10  }
0xe3: {  	[tilespmem:s12], [sflag:$0x1] =	stream.linear.gather [hbm4b:s13+s5], $0x80, $0x38;
	[tilespmem:$0x14D80] =	vst v63  }
0xe4: {  	v0 =	vld [tilespmem:s14+$0x0];
	_ =	sdelay $0x4  }
0xe5: {  	v0 =	vshll.u32 v0, $0x4  }
0xe6: {  	(v2sf) =	vpush v0, $0xF  }
0xe7: {  	(v2sf) =	vpush v0, $0xE  }
0xe8: {  	(v2sf) =	vpush v0, $0xB  }
0xe9: {  	(v2sf) =	vpush v0, $0xD  }
0xea: {  	(v2sf) =	vpush v0, $0xC  }
0xeb: {  	(v2sf) =	vpush v0, $0x6  }
0xec: {  	(v2sf) =	vpush v0, $0xA  }
0xed: {  	(v2sf) =	vpush v0, $0x4  }
0xee: {  	(v2sf) =	vpush v0, $0x9  }
0xef: {  	(v2sf) =	vpush v0, $0x7  }
0xf0: {  	(v2sf) =	vpush v0, $0x3  }
0xf1: {  	(v2sf) =	vpush v0, $0x5  }
0xf2: {  	(v2sf) =	vpush v0, $0x2  }
0xf3: {  	(v2sf) =	vpush v0, $0x1  }
0xf4: {  	(v2sf) =	vpush v0, $0x8  }
0xf5: {  	(v2sf) =	vpush v0, $0x0;
	s16 =	spop (v2sf)  }
0xf6: {  	s22 =	spop (v2sf)  }
0xf7: {  	s1 =	spop (v2sf)  }
0xf8: {  	s23 =	spop (v2sf)  }
0xf9: {  	s6 =	spop (v2sf)  }
0xfa: {  	s5 =	smulhi.u32 $0x4EC4EC4F, s5;
	s15 =	spop (v2sf)  }
0xfb: {  	s0 =	spop (v2sf)  }
0xfc: {  	s31 =	simm.s32 $0x0;
	s5 =	sshrl.u32 s5, $0x3;
	s17 =	spop (v2sf)  }
0xfd: {  	s24 =	simm.s32 $0x3;
	s5 =	smul.u32 $0xC00, s5;
	s2 =	spop (v2sf)  }
0xfe: {  	s25 =	sld [smem:$0x7EB];
	s26 =	simm.s32 $0x4;
	s18 =	spop (v2sf)  }
0xff: {  	s28 =	simm.s32 $0x5;
	s5 =	sshra.s32 s5, $0x2;
	s19 =	spop (v2sf)  }
0x100: {  	s30 =	simm.s32 $0x6;
	s5 =	sadd.s32 $0x0, s5;
	s20 =	spop (v2sf)  }
0x101: {  	s14 =	sadd.s32 $0xCD80, s5;
	s5 =	sadd.s32 $0xCE00, s5;
	s11 =	spop (v2sf)  }
0x102: {  	s1 =	sand.u32 $0x1FFFFFF0, s1;
	s3 =	sand.u32 $0x1FFFFFF0, s15;
	s12 =	spop (v2sf)  }
0x103: {  	s1 =	sadd.s32 s21, s1;
	s3 =	sadd.s32 s21, s3;
	s8 =	spop (v2sf)  }
0x104: {  	s0 =	sand.u32 $0x1FFFFFF0, s0;
	s4 =	sand.u32 $0x1FFFFFF0, s17;
	s13 =	spop (v2sf)  }
0x105: {  	s17 =	sld [smem:$0x7ED];
	s0 =	sadd.s32 s21, s0;
	s13 =	sand.u32 $0x1FFFFFF0, s13  }
0x106: {  	s2 =	sand.u32 $0x1FFFFFF0, s2;
	s12 =	sand.u32 $0x1FFFFFF0, s12;
	s13 =	sadd.s32 s21, s13  }
0x107: {  	[tilespmem:s14], [sflag:$0x2] =	stream.linear.gather [hbm4b:s13+s31], $0x80, $0x38;
	[tilespmem:$0x14D80] =	vst v63  }
0x108: {  	s4 =	sadd.s32 s21, s4;
	s2 =	sadd.s32 s21, s2;
	s12 =	sadd.s32 s21, s12  }
0x109: {  	[tilespmem:s5], [sflag:$0x2] =	stream.linear.gather [hbm4b:s12+s31], $0x80, $0x38;
	[tilespmem:$0x14D80] =	vst v63  }
0x10a: {  	s9 =	sand.u32 $0x1FFFFFF0, s19;
	s5 =	smulhi.u32 $0x4EC4EC4F, s24;
	s12 =	sadd.s32 $0x0, s25  }
0x10b: {  	s9 =	sadd.s32 s21, s9;
	s10 =	sand.u32 $0x1FFFFFF0, s20;
	s12 =	sadd.s32 $0x400, s12  }
0x10c: {  	s11 =	sand.u32 $0x1FFFFFF0, s11;
	s5 =	sshrl.u32 s5, $0x3;
	s12 =	sshra.s32 s12, $0x2  }
0x10d: {  	s11 =	sadd.s32 s21, s11;
	s5 =	smul.u32 $0xC00, s5;
	s12 =	sadd.s32 $0xCD80, s12  }
0x10e: {  	[tilespmem:s12], [sflag:$0x2] =	stream.linear.gather [hbm4b:s11+s31], $0x80, $0x38;
	[tilespmem:$0x14D80] =	vst v63  }
0x10f: {  	s20 =	sld [smem:$0x7F4];
	s11 =	smulhi.u32 $0x4EC4EC4F, s26;
	s5 =	sadd.s32 $0x0, s5  }
0x110: {  	s10 =	sadd.s32 s21, s10;
	s8 =	sand.u32 $0x1FFFFFF0, s8;
	s5 =	sadd.s32 $0x600, s5  }
0x111: {  	s8 =	sadd.s32 s21, s8;
	s11 =	sshrl.u32 s11, $0x3;
	s5 =	sshra.s32 s5, $0x2  }
0x112: {  	s14 =	sand.u32 $0x1FFFFFF0, s18;
	s11 =	smul.u32 $0xC00, s11;
	s5 =	sadd.s32 $0xCD80, s5  }
0x113: {  	[tilespmem:s5], [sflag:$0x2] =	stream.linear.gather [hbm4b:s9+s31], $0x80, $0x38;
	[tilespmem:$0x14D80] =	vst v63  }
0x114: {  	s18 =	sadd.s32 $0x0, s17;
	s5 =	smulhi.u32 $0x4EC4EC4F, s28;
	s29 =	sadd.s32 $0x0, s11  }
0x115: {  	s17 =	simm.s32 $0x19;
	s19 =	sadd.s32 $0x1000, s18;
	s9 =	sadd.s32 $0x800, s29  }
0x116: {  	s11 =	smulhi.u32 $0x4EC4EC4F, s30;
	s5 =	sshrl.u32 s5, $0x3;
	s9 =	sshra.s32 s9, $0x2  }
0x117: {  	s18 =	simm.s32 $0x1A;
	s5 =	smul.u32 $0xC00, s5;
	s9 =	sadd.s32 $0xCD80, s9  }
0x118: {  	[tilespmem:s9], [sflag:$0x2] =	stream.linear.gather [hbm4b:s4+s31], $0x80, $0x38;
	[tilespmem:$0x14D80] =	vst v63  }
0x119: {  	s24 =	sadd.s32 $0x0, s20;
	s25 =	simm.s32 $0xA;
	s9 =	sshrl.u32 s11, $0x3  }
0x11a: {  	s20 =	simm.s32 $0x1C;
	s5 =	sadd.s32 $0x0, s5;
	s4 =	smul.u32 $0xC00, s9  }
0x11b: {  	s12 =	simm.s32 $0x12;
	s26 =	smulhi.u32 $0x4EC4EC4F, s25;
	s5 =	sadd.s32 $0xA00, s5  }
0x11c: {  	s25 =	sld [smem:$0x7EF];
	s5 =	sshra.s32 s5, $0x2;
	s4 =	sadd.s32 $0x0, s4  }
0x11d: {  	s30 =	sld [smem:$0x7EE];
	s5 =	sadd.s32 $0xCD80, s5;
	s4 =	sadd.s32 $0xC00, s4  }
0x11e: {  	[tilespmem:s5], [sflag:$0x2] =	stream.linear.gather [hbm4b:s10+s31], $0x80, $0x38;
	[tilespmem:$0x14D80] =	vst v63  }
0x11f: {  	s28 =	sadd.s32 $0x1C00, s24;
	s10 =	sld [smem:$0x7EC];
	s4 =	sshra.s32 s4, $0x2  }
0x120: {  	s29 =	sshrl.u32 s26, $0x3;
	s26 =	sadd.s32 $0x0, s25;
	s4 =	sadd.s32 $0xCD80, s4  }
0x121: {  	[tilespmem:s4], [sflag:$0x2] =	stream.linear.gather [hbm4b:s3+s31], $0x80, $0x38;
	[tilespmem:$0x14D80] =	vst v63  }
0x122: {  	s11 =	simm.s32 $0x14;
	s9 =	simm.s32 $0x2000;
	s13 =	sadd.s32 $0x0, s10  }
0x123: {  	s5 =	simm.s32 $0x15;
	s4 =	sadd.s32 s21, s14;
	s10 =	sadd.s32 $0xE00, s13  }
0x124: {  	s14 =	simm.s32 $0x18;
	s3 =	sadd.s32 $0x0, s30;
	s15 =	sshra.s32 s10, $0x2  }
0x125: {  	s10 =	sadd.s32 $0x1200, s3;
	s3 =	simm.s32 $0x1D;
	s7 =	sadd.s32 $0xCD80, s15  }
0x126: {  	[tilespmem:s7], [sflag:$0x2] =	stream.linear.gather [hbm4b:s4+s31], $0x80, $0x38;
	[tilespmem:$0x14D80] =	vst v63  }
0x127: {  	s15 =	simm.s32 $0x17;
	s10 =	sshra.s32 s10, $0x2;
	s4 =	sshra.s32 s19, $0x2  }
0x128: {  	s7 =	simm.s32 $0x16;
	s19 =	simm.s32 $0x1B;
	s4 =	sadd.s32 $0xCD80, s4  }
0x129: {  	[tilespmem:s4], [sflag:$0x2] =	stream.linear.gather [hbm4b:s8+s31], $0x80, $0x38;
	[tilespmem:$0x14D80] =	vst v63  }
0x12a: {  	s4 =	sshra.s32 s28, $0x2;
	s8 =	smul.u32 $0xC00, s29;
	s29 =	sld [smem:$0x7F1]  }
0x12b: {  	s24 =	sadd.s32 $0xCD80, s4;
	s4 =	sadd.s32 $0xCD80, s10;
	s10 =	sand.u32 $0x1FFFFFF0, s6  }
0x12c: {  	[tilespmem:s4], [sflag:$0x2] =	stream.linear.gather [hbm4b:s2+s31], $0x80, $0x38;
	[tilespmem:$0x14D80] =	vst v63  }
0x12d: {  	s8 =	sadd.s32 $0x0, s8;
	s4 =	sadd.s32 $0x1600, s26;
	s26 =	sand.u32 $0x1FFFFFF0, s23  }
0x12e: {  	s13 =	sadd.s32 $0x1400, s8;
	s28 =	sshra.s32 s4, $0x2;
	s4 =	simm.s32 $0x4160  }
0x12f: {  	s30 =	sadd.s32 $0x0, s29;
	s2 =	sshra.s32 s13, $0x2;
	[smem:$0x7D9] =	sst s4  }
0x130: {  	s8 =	simm.s32 $0x1E;
	s13 =	sld [smem:$0x7F0];
	s2 =	sadd.s32 $0xCD80, s2  }
0x131: {  	[tilespmem:s2], [sflag:$0x2] =	stream.linear.gather [hbm4b:s0+s31], $0x80, $0x38;
	[tilespmem:$0x14D80] =	vst v63  }
0x132: {  	s4 =	sand.u32 $0x1FFFFFF0, s22;
	s2 =	sadd.s32 $0xCD80, s28;
	s28 =	simm.s32 $0x13  }
0x133: {  	[tilespmem:s2], [sflag:$0x2] =	stream.linear.gather [hbm4b:s1+s31], $0x80, $0x38;
	[tilespmem:$0x14D80] =	vst v63  }
0x134: {  	s25 =	sadd.s32 $0x0, s13;
	s1 =	simm.s32 $0x1F;
	s2 =	sadd.s32 $0x1800, s30  }
0x135: {  	s29 =	sadd.s32 $0x1A00, s25;
	[dreg:$0x1f] =	wrdreg s1;
	s1 =	sshra.s32 s2, $0x2  }
0x136: {  	s30 =	sld [smem:$0x7F5];
	s2 =	sadd.s32 s21, s10;
	s1 =	sadd.s32 $0xCD80, s1  }
0x137: {  	[tilespmem:s1], [sflag:$0x2] =	stream.linear.gather [hbm4b:s2+s31], $0x80, $0x38;
	[tilespmem:$0x14D80] =	vst v63  }
0x138: {  	s22 =	simm.s32 $0x10;
	[smem:$0x7DA] =	sst s28;
	s1 =	sshra.s32 s29, $0x2  }
0x139: {  	s13 =	sadd.s32 $0x0, s30;
	s2 =	sadd.s32 s21, s26;
	s1 =	sadd.s32 $0xCD80, s1  }
.LBB2_6:
0x13a: {  	[tilespmem:s1], [sflag:$0x2] =	stream.linear.gather [hbm4b:s2+s31], $0x80, $0x38;
	[tilespmem:$0x14D80] =	vst v63  }
0x13b: {  	s30 =	smulhi.u32 $0x4EC4EC4F, s7;
	s23 =	smov.u32 s14  }
0x13c: {  	s6 =	smov.u32 s11;
	s2 =	smov.u32 s12;
	s23 =	smulhi.u32 $0x4EC4EC4F, s23  }
0x13d: {  	s4 =	sadd.s32 s21, s4;
	s10 =	sadd.s32 $0x1E00, s13;
	s2 =	smulhi.u32 $0x4EC4EC4F, s2  }
0x13e: {  	s25 =	sadd.s32 $0x2000, s9;
	s0 =	rddreg [dreg:$0x1f];
	s6 =	smulhi.u32 $0x4EC4EC4F, s6  }
0x13f: {  	[tilespmem:s24], [sflag:$0x2] =	stream.linear.gather [hbm4b:s4+s31], $0x80, $0x38;
	[tilespmem:$0x14D80] =	vst v63  }
0x140: {  	[dreg:$0x1c] =	wrdreg s25;
	s28 =	sand.u32 $0x1FFFFFF0, s16;
	s16 =	smulhi.u32 $0x4EC4EC4F, s0  }
0x141: {  	s26 =	sshra.s32 s10, $0x2;
	s25 =	smov.u32 s17;
	s24 =	smulhi.u32 $0x4EC4EC4F, s3  }
0x142: {  	s4 =	sadd.s32 $0xCD80, s26;
	s26 =	sadd.s32 $0x10, s11;
	s11 =	smulhi.u32 $0x4EC4EC4F, s19  }
0x143: {  	s1 =	smov.u32 s9;
	s10 =	smov.u32 s5;
	s25 =	smulhi.u32 $0x4EC4EC4F, s25  }
0x144: {  	p0 =	sne.s32 s9, $0x18000;
	s9 =	sld [smem:$0x7D9];
	s10 =	smulhi.u32 $0x4EC4EC4F, s10  }
0x145: {  	s14 =	sadd.s32 $0x10, s14;
	s29 =	sadd.s32 s21, s28;
	s28 =	smulhi.u32 $0x4EC4EC4F, s15  }
0x146: {  	s17 =	sadd.s32 $0x10, s17;
	s19 =	sadd.s32 $0x10, s19;
	s21 =	smulhi.u32 $0x4EC4EC4F, s8  }
0x147: {  	s0 =	sadd.s32 $0x10, s0;
	[dreg:$0x8] =	wrdreg s26;
	s26 =	smulhi.u32 $0x4EC4EC4F, s22  }
0x148: {  	s15 =	sadd.s32 $0x10, s15;
	s2 =	sshrl.u32 s2, $0x3;
	[dreg:$0x1f] =	wrdreg s0  }
0x149: {  	[tilespmem:s4], [sflag:$0x2] =	stream.linear.gather [hbm4b:s29+s31], $0x80, $0x38;
	[tilespmem:$0x14D80] =	vst v63  }
0x14a: {  	s13 =	sshrl.u32 s16, $0x3;
	s4 =	sshrl.u32 s30, $0x3;
	s29 =	sadd.s32 $0x10, s12  }
0x14b: {  	s30 =	sadd.s32 $0x10, s5;
	s5 =	sadd.s32 $0x10, s7;
	v0 =	vld [tilespmem:s9+$0x0];
	[smem:$0x7CD] =	sst s4  }
0x14c: {  	s12 =	sshrl.u32 s11, $0x3;
	s11 =	sadd.s32 $0x10, s3;
	[dreg:$0x9] =	wrdreg s29  }
0x14d: {  	s2 =	smul.u32 $0xC00, s2;
	s10 =	sshrl.u32 s10, $0x3;
	[dreg:$0xd] =	wrdreg s30  }
0x14e: {  	s16 =	sshrl.u32 s21, $0x3;
	[dreg:$0xf] =	wrdreg s5;
	s30 =	smulhi.u32 $0x4EC4EC4F, s18  }
0x14f: {  	s21 =	sadd.s32 $0x10, s18;
	[smem:$0x7D1] =	sst s12;
	s5 =	sshrl.u32 s26, $0x3  }
0x150: {  	[dreg:$0x1d] =	wrdreg s11;
	s12 =	sadd.s32 $0x10, s8;
	s10 =	smul.u32 $0xC00, s10;
	v0 =	vshll.u32 v0, $0x4  }
0x151: {  	s8 =	sld [smem:$0x7DA];
	s9 =	sadd.s32 $0x10, s9;
	s29 =	smul.u32 $0xC00, s16;
	(v2sf) =	vpush v0, $0xF  }
0x152: {  	s16 =	sshrl.u32 s24, $0x3;
	s24 =	smulhi.u32 $0x4EC4EC4F, s20;
	[dreg:$0x1e] =	wrdreg s12;
	(v2sf) =	vpush v0, $0xE  }
0x153: {  	s20 =	sadd.s32 $0x10, s20;
	[smem:$0x7D9] =	sst s9;
	s18 =	sshrl.u32 s30, $0x3;
	(v2sf) =	vpush v0, $0xB  }
0x154: {  	s30 =	sshrl.u32 s25, $0x3;
	s25 =	smul.u32 $0xC00, s5;
	s5 =	sadd.s32 s1, s2;
	(v2sf) =	vpush v0, $0xD  }
0x155: {  	s10 =	sadd.s32 s1, s10;
	s7 =	sadd.s32 s1, s29;
	s29 =	smul.u32 $0xC00, s18;
	(v2sf) =	vpush v0, $0xC  }
0x156: {  	s18 =	smulhi.u32 $0x4EC4EC4F, s8;
	s26 =	sadd.s32 $0x400, s5;
	s5 =	sshrl.u32 s28, $0x3;
	(v2sf) =	vpush v0, $0x6  }
0x157: {  	s8 =	sadd.s32 $0x10, s8;
	s4 =	sadd.s32 $0x1C00, s7;
	s7 =	sshra.s32 s1, $0x2;
	(v2sf) =	vpush v0, $0xA  }
0x158: {  	s25 =	sshra.s32 s25, $0x2;
	s2 =	sshra.s32 s26, $0x2;
	[smem:$0x7DA] =	sst s8;
	(v2sf) =	vpush v0, $0x4  }
0x159: {  	s26 =	smul.u32 $0xC00, s5;
	s8 =	sld [smem:$0x7CD];
	s4 =	sshra.s32 s4, $0x2;
	(v2sf) =	vpush v0, $0x9  }
0x15a: {  	[smem:$0x7D0] =	sst s29;
	s25 =	sadd.s32 s7, s25;
	s3 =	sshrl.u32 s18, $0x3;
	(v2sf) =	vpush v0, $0x7  }
0x15b: {  	s4 =	sadd.s32 $0xCD80, s4;
	s7 =	smul.u32 $0xC00, s3;
	s11 =	sadd.s32 $0xCD80, s25;
	(v2sf) =	vpush v0, $0x3  }
0x15c: {  	[smem:$0x7D4] =	sst s4;
	s4 =	sshrl.u32 s23, $0x3;
	s23 =	smul.u32 $0xC00, s30;
	(v2sf) =	vpush v0, $0x5  }
0x15d: {  	s18 =	sadd.s32 $0xCE00, s25;
	s30 =	smul.u32 $0xC00, s16;
	[smem:$0x7CE] =	sst s11;
	(v2sf) =	vpush v0, $0x2  }
0x15e: {  	s24 =	sshrl.u32 s24, $0x3;
	[smem:$0x7CF] =	sst s18;
	s8 =	smul.u32 $0xC00, s8;
	(v2sf) =	vpush v0, $0x1  }
0x15f: {  	s16 =	sadd.s32 s1, s7;
	s4 =	smul.u32 $0xC00, s4;
	s23 =	sadd.s32 s1, s23  }
0x160: {  	[smem:$0x7D6] =	sst s30;
	s29 =	sadd.s32 $0x600, s16;
	s12 =	spop (v2sf)  }
0x161: {  	s30 =	sshrl.u32 s6, $0x3;
	s9 =	sshra.s32 s29, $0x2;
	(v2sf) =	vpush v0, $0x8;
	s25 =	spop (v2sf)  }
0x162: {  	s16 =	smul.u32 $0xC00, s30;
	s30 =	sadd.s32 $0x1200, s23;
	(v2sf) =	vpush v0, $0x0;
	s3 =	spop (v2sf)  }
0x163: {  	s23 =	sadd.s32 $0xCD80, s2;
	s2 =	smul.u32 $0xC00, s13;
	s6 =	spop (v2sf)  }
0x164: {  	s5 =	sadd.s32 $0xCD80, s9;
	s9 =	rddreg [dreg:$0x3];
	s29 =	spop (v2sf)  }
0x165: {  	s28 =	smov.u32 s15;
	[smem:$0x7D5] =	sst s3;
	s3 =	spop (v2sf)  }
0x166: {  	s10 =	sadd.s32 $0xA00, s10;
	[smem:$0x7D7] =	sst s2;
	s7 =	spop (v2sf)  }
0x167: {  	s4 =	sadd.s32 s1, s4;
	[smem:$0x7D2] =	sst s12;
	s18 =	spop (v2sf)  }
0x168: {  	s15 =	sadd.s32 $0x1000, s4;
	[smem:$0x7D3] =	sst s25;
	s25 =	spop (v2sf)  }
0x169: {  	s12 =	sadd.s32 s1, s16;
	s16 =	smov.u32 s14;
	s14 =	spop (v2sf)  }
0x16a: {  	s2 =	smov.u32 s22;
	s22 =	smov.u32 s20;
	s31 =	spop (v2sf)  }
0x16b: {  	s20 =	smov.u32 s17;
	s6 =	sand.u32 $0x1FFFFFF0, s6;
	s17 =	spop (v2sf)  }
0x16c: {  	[smem:$0x7D8] =	sst s6;
	s11 =	sand.u32 $0x1FFFFFF0, s18;
	s18 =	spop (v2sf)  }
0x16d: {  	s6 =	rddreg [dreg:$0x3];
	s3 =	sand.u32 $0x1FFFFFF0, s3;
	s0 =	spop (v2sf)  }
0x16e: {  	s4 =	sadd.s32 s9, s11;
	s31 =	sand.u32 $0x1FFFFFF0, s31;
	s9 =	sand.u32 $0x1FFFFFF0, s0  }
0x16f: {  	s11 =	sand.u32 $0x1FFFFFF0, s18;
	s9 =	sadd.s32 s6, s9;
	s6 =	rddreg [dreg:$0x3]  }
0x170: {  	s18 =	spop (v2sf);
	s3 =	sadd.s32 s6, s3;
	s6 =	rddreg [dreg:$0x3]  }
0x171: {  	s0 =	spop (v2sf);
	s11 =	sadd.s32 s6, s11;
	s6 =	rddreg [dreg:$0x3]  }
0x172: {  	s0 =	sand.u32 $0x1FFFFFF0, s0;
	s31 =	sadd.s32 s6, s31;
	s6 =	rddreg [dreg:$0x3]  }
0x173: {  	s10 =	sshra.s32 s10, $0x2;
	s0 =	sadd.s32 s6, s0;
	s6 =	sld [smem:$0x7CE]  }
0x174: {  	s24 =	smul.u32 $0xC00, s24;
	s10 =	sadd.s32 $0xCD80, s10;
	s8 =	sadd.s32 s1, s8  }
0x175: {  	s13 =	smov.u32 s19;
	s19 =	simm.s32 $0x0;
	s8 =	sadd.s32 $0xC00, s8  }
0x176: {  	[tilespmem:s6], [sflag:$0x2] =	stream.linear.gather [hbm4b:s0+s19], $0x80, $0x38;
	[tilespmem:$0x14D80] =	vst v63  }
0x177: {  	s0 =	sadd.s32 s1, s26;
	s26 =	sand.u32 $0x1FFFFFF0, s29;
	s29 =	sld [smem:$0x7CF]  }
0x178: {  	s8 =	sshra.s32 s8, $0x2;
	s15 =	sshra.s32 s15, $0x2;
	s12 =	sadd.s32 $0x800, s12  }
0x179: {  	s8 =	sadd.s32 $0xCD80, s8;
	s12 =	sshra.s32 s12, $0x2;
	s0 =	sadd.s32 $0xE00, s0  }
0x17a: {  	[tilespmem:s29], [sflag:$0x2] =	stream.linear.gather [hbm4b:s9+s19], $0x80, $0x38;
	[tilespmem:$0x14D80] =	vst v63  }
0x17b: {  	s12 =	sadd.s32 $0xCD80, s12;
	s0 =	sshra.s32 s0, $0x2;
	s29 =	sld [smem:$0x7D0]  }
0x17c: {  	s7 =	sand.u32 $0x1FFFFFF0, s7;
	s14 =	sand.u32 $0x1FFFFFF0, s14;
	s0 =	sadd.s32 $0xCD80, s0  }
0x17d: {  	[tilespmem:s23], [sflag:$0x2] =	stream.linear.gather [hbm4b:s11+s19], $0x80, $0x38;
	[tilespmem:$0x14D80] =	vst v63  }
0x17e: {  	s11 =	sadd.s32 $0xCD80, s15;
	s15 =	sand.u32 $0x1FFFFFF0, s25;
	s6 =	sadd.s32 s1, s29  }
0x17f: {  	s25 =	rddreg [dreg:$0x3];
	s29 =	sand.u32 $0x1FFFFFF0, s17;
	s9 =	sadd.s32 $0x1400, s6  }
0x180: {  	[tilespmem:s5], [sflag:$0x2] =	stream.linear.gather [hbm4b:s31+s19], $0x80, $0x38;
	[tilespmem:$0x14D80] =	vst v63  }
0x181: {  	s19 =	smov.u32 s13;
	s31 =	simm.s32 $0x0;
	s13 =	rddreg [dreg:$0x3]  }
0x182: {  	[tilespmem:s12], [sflag:$0x2] =	stream.linear.gather [hbm4b:s4+s31], $0x80, $0x38;
	[tilespmem:$0x14D80] =	vst v63  }
0x183: {  	s6 =	rddreg [dreg:$0x3];
	s4 =	sadd.s32 s13, s14;
	s14 =	smov.u32 s16  }
0x184: {  	s16 =	sand.u32 $0x1FFFFFF0, s18;
	s18 =	smov.u32 s21;
	s21 =	sld [smem:$0x7D1]  }
0x185: {  	s17 =	smov.u32 s20;
	s20 =	smov.u32 s22;
	s12 =	rddreg [dreg:$0x9]  }
0x186: {  	s5 =	sadd.s32 s6, s29;
	s29 =	sadd.s32 s25, s16;
	s16 =	sld [smem:$0x7D2]  }
0x187: {  	s22 =	smov.u32 s2;
	s2 =	sshra.s32 s30, $0x2;
	s25 =	sld [smem:$0x7D3]  }
0x188: {  	[tilespmem:s10], [sflag:$0x2] =	stream.linear.gather [hbm4b:s5+s31], $0x80, $0x38;
	[tilespmem:$0x14D80] =	vst v63  }
0x189: {  	s22 =	sadd.s32 $0x10, s22;
	s23 =	smul.u32 $0xC00, s21;
	s21 =	rddreg [dreg:$0x3]  }
0x18a: {  	[tilespmem:s8], [sflag:$0x2] =	stream.linear.gather [hbm4b:s3+s31], $0x80, $0x38;
	[tilespmem:$0x14D80] =	vst v63  }
0x18b: {  	s10 =	sld [smem:$0x7D6];
	s8 =	sadd.s32 $0xCD80, s2;
	s13 =	sadd.s32 s21, s15  }
0x18c: {  	s15 =	smov.u32 s28;
	s7 =	sadd.s32 s21, s7;
	s28 =	sadd.s32 s1, s24  }
0x18d: {  	s24 =	sld [smem:$0x7D4];
	s26 =	sadd.s32 s21, s26;
	s6 =	sadd.s32 s1, s23  }
0x18e: {  	[tilespmem:s0], [sflag:$0x2] =	stream.linear.gather [hbm4b:s4+s31], $0x80, $0x38;
	[tilespmem:$0x14D80] =	vst v63  }
0x18f: {  	s23 =	sshra.s32 s9, $0x2;
	s9 =	rddreg [dreg:$0x1c];
	s3 =	sadd.s32 $0x1600, s6  }
0x190: {  	s0 =	sadd.s32 $0xCD80, s23;
	s6 =	sadd.s32 $0x1800, s28;
	s28 =	sld [smem:$0x7D7]  }
0x191: {  	[tilespmem:s11], [sflag:$0x2] =	stream.linear.gather [hbm4b:s29+s31], $0x80, $0x38;
	[tilespmem:$0x14D80] =	vst v63  }
0x192: {  	s4 =	sand.u32 $0x1FFFFFF0, s25;
	s3 =	sshra.s32 s3, $0x2;
	s29 =	sld [smem:$0x7D5]  }
0x193: {  	s25 =	sshra.s32 s6, $0x2;
	s11 =	rddreg [dreg:$0x8];
	s3 =	sadd.s32 $0xCD80, s3  }
0x194: {  	[tilespmem:s8], [sflag:$0x2] =	stream.linear.gather [hbm4b:s13+s31], $0x80, $0x38;
	[tilespmem:$0x14D80] =	vst v63  }
0x195: {  	s13 =	sadd.s32 s1, s10;
	s8 =	rddreg [dreg:$0x1e];
	s30 =	sand.u32 $0x1FFFFFF0, s29  }
0x196: {  	[tilespmem:s0], [sflag:$0x2] =	stream.linear.gather [hbm4b:s7+s31], $0x80, $0x38;
	[tilespmem:$0x14D80] =	vst v63  }
0x197: {  	s5 =	sadd.s32 $0x1A00, s13;
	s13 =	sadd.s32 s1, s28;
	s7 =	rddreg [dreg:$0xf]  }
.Ltmp2:
0x198: {  	s23 =	sadd.s32 s21, s30;
	s30 =	sld [smem:$0x7D8];
	(pc) =	sbr.rel @p0 .LBB2_6-.Ltmp2, $4  }
0x199: {  	s0 =	sadd.s32 $0xCD80, s25;
	s29 =	sshra.s32 s5, $0x2;
	s5 =	rddreg [dreg:$0xd]  }
0x19a: {  	[tilespmem:s3], [sflag:$0x2] =	stream.linear.gather [hbm4b:s23+s31], $0x80, $0x38;
	[tilespmem:$0x14D80] =	vst v63  }
0x19b: {  	s1 =	sadd.s32 $0xCD80, s29;
	s3 =	rddreg [dreg:$0x1d];
	s2 =	sadd.s32 s21, s30  }
0x19c: {  	[tilespmem:s0], [sflag:$0x2] =	stream.linear.gather [hbm4b:s26+s31], $0x80, $0x38;
	[tilespmem:$0x14D80] =	vst v63  }
0x19d: {  	[tilespmem:s1], [sflag:$0x2] =	stream.linear.gather [hbm4b:s2+s31], $0x80, $0x38;
	[tilespmem:$0x14D80] =	vst v63  }
0x19e: {  	s0 =	sadd.s32 s21, s4;
	s26 =	sadd.s32 $0x1E00, s13  }
0x19f: {  	s29 =	sand.u32 $0x1FFFFFF0, s16;
	s20 =	simm.s32 $0x4220;
	s28 =	sshra.s32 s26, $0x2  }
0x1a0: {  	[tilespmem:s24], [sflag:$0x2] =	stream.linear.gather [hbm4b:s0+s31], $0x80, $0x38;
	[tilespmem:$0x14D80] =	vst v63  }
0x1a1: {  	s30 =	simm.s32 $0x42F0;
	s1 =	sadd.s32 s21, s29;
	s0 =	sadd.s32 $0xCD80, s28  }
0x1a2: {  	[tilespmem:s0], [sflag:$0x2] =	stream.linear.gather [hbm4b:s1+s31], $0x80, $0x38;
	[tilespmem:$0x14D80] =	vst v63  }
0x1a3: {  	s19 =	simm.s32 $0x0;
	[smem:$0x7CC] =	sst s30;
	s1 =	smov.u32 s31  }
.LBB2_8:
0x1a4: {  	s0 =	simm.s32 $0x1  }
0x1a5: {  	_ =	swait.ge [sflag:s0], $0x6800  }
0x1a6: {  	s3 =	sld [smem:$0x7F9];
	_ =	sdelay $0x1  }
0x1a7: {  	s2 =	sshll.u32 s1, $0xD;
	[sflag:s0] =	ssyncset.done $0x0  }
0x1a8: {  	s4 =	simm.s32 $0x4D80;
	[sflag:s0] =	ssyncadd.s32 $0xFFFF9800;
	s0 =	sadd.s32 s2, s3  }
0x1a9: {  	[hbm4b:s0+s31] =	stream.linear.scatter [tilespmem:s4], [sflag:$0x3], $0xD00, $0x38;
	[tilespmem:$0x14D80] =	vst v63  }
0x1aa: {  	[smem:$0x7C7] =	sst s2;
	s2 =	simm.s32 $0x5D80;
	s5 =	sadd.s32 $0x200, s0  }
0x1ab: {  	[hbm4b:s5+s31] =	stream.linear.scatter [tilespmem:s2], [sflag:$0x3], $0xD00, $0x38;
	[tilespmem:$0x14D80] =	vst v63  }
0x1ac: {  	s7 =	simm.s32 $0x6D80;
	s6 =	sadd.s32 $0x400, s0  }
0x1ad: {  	[hbm4b:s6+s31] =	stream.linear.scatter [tilespmem:s7], [sflag:$0x3], $0xD00, $0x38;
	[tilespmem:$0x14D80] =	vst v63  }
0x1ae: {  	s9 =	simm.s32 $0x7D80;
	s8 =	sadd.s32 $0x600, s0  }
0x1af: {  	[hbm4b:s8+s31] =	stream.linear.scatter [tilespmem:s9], [sflag:$0x3], $0xD00, $0x38;
	[tilespmem:$0x14D80] =	vst v63  }
0x1b0: {  	s11 =	simm.s32 $0x8D80;
	s10 =	sadd.s32 $0x800, s0  }
0x1b1: {  	[hbm4b:s10+s31] =	stream.linear.scatter [tilespmem:s11], [sflag:$0x3], $0xD00, $0x38;
	[tilespmem:$0x14D80] =	vst v63  }
0x1b2: {  	s13 =	simm.s32 $0x9D80;
	s12 =	sadd.s32 $0xA00, s0  }
0x1b3: {  	[hbm4b:s12+s31] =	stream.linear.scatter [tilespmem:s13], [sflag:$0x3], $0xD00, $0x38;
	[tilespmem:$0x14D80] =	vst v63  }
0x1b4: {  	s15 =	simm.s32 $0xAD80;
	s16 =	simm.s32 $0xBD80;
	s14 =	sadd.s32 $0xC00, s0  }
0x1b5: {  	[hbm4b:s14+s31] =	stream.linear.scatter [tilespmem:s15], [sflag:$0x3], $0xD00, $0x38;
	[tilespmem:$0x14D80] =	vst v63  }
0x1b6: {  	[smem:$0x7C6] =	sst s1;
	s0 =	sadd.s32 $0xE00, s0;
	s2 =	simm.s32 $0x3  }
0x1b7: {  	[hbm4b:s0+s31] =	stream.linear.scatter [tilespmem:s16], [sflag:$0x3], $0xD00, $0x38;
	[tilespmem:$0x14D80] =	vst v63  }
0x1b8: {  	_ =	swait.ge [sflag:s2], $0x6800  }
0x1b9: {  	[sflag:s2] =	ssyncset.done $0x0  }
0x1ba: {  	[sflag:s2] =	ssyncadd.s32 $0xFFFF9800  }
0x1bb: {  	v0 =	vld [tilespmem:s20+$0x0];
	_ =	sdelay $0x4  }
0x1bc: {  	v0 =	vshll.u32 v0, $0x4  }
0x1bd: {  	(v2sf) =	vpush v0, $0xC  }
0x1be: {  	(v2sf) =	vpush v0, $0xF  }
0x1bf: {  	(v2sf) =	vpush v0, $0xD  }
0x1c0: {  	(v2sf) =	vpush v0, $0xA  }
0x1c1: {  	(v2sf) =	vpush v0, $0xE  }
0x1c2: {  	(v2sf) =	vpush v0, $0x3  }
0x1c3: {  	(v2sf) =	vpush v0, $0x2  }
0x1c4: {  	(v2sf) =	vpush v0, $0xB  }
0x1c5: {  	(v2sf) =	vpush v0, $0x6  }
0x1c6: {  	(v2sf) =	vpush v0, $0x9  }
0x1c7: {  	(v2sf) =	vpush v0, $0x4  }
0x1c8: {  	(v2sf) =	vpush v0, $0x8  }
0x1c9: {  	(v2sf) =	vpush v0, $0x7  }
0x1ca: {  	(v2sf) =	vpush v0, $0x5  }
0x1cb: {  	(v2sf) =	vpush v0, $0x1  }
0x1cc: {  	s26 =	simm.s32 $0xF;
	(v2sf) =	vpush v0, $0x0;
	s22 =	spop (v2sf)  }
0x1cd: {  	s3 =	smulhi.u32 $0x4EC4EC4F, s31;
	s9 =	simm.s32 $0x9;
	s29 =	spop (v2sf)  }
0x1ce: {  	s9 =	smulhi.u32 $0x4EC4EC4F, s9;
	s11 =	simm.s32 $0xC;
	s24 =	spop (v2sf)  }
0x1cf: {  	s6 =	sshrl.u32 s3, $0x3;
	s11 =	smulhi.u32 $0x4EC4EC4F, s11;
	s1 =	spop (v2sf)  }
0x1d0: {  	s12 =	simm.s32 $0xB;
	s13 =	smul.u32 $0xC00, s6;
	s23 =	spop (v2sf)  }
0x1d1: {  	s12 =	smulhi.u32 $0x4EC4EC4F, s12;
	s14 =	simm.s32 $0x2;
	s4 =	spop (v2sf)  }
0x1d2: {  	s10 =	simm.s32 $0xE;
	s14 =	smulhi.u32 $0x4EC4EC4F, s14;
	s7 =	spop (v2sf)  }
0x1d3: {  	s13 =	sshra.s32 s13, $0x2;
	s12 =	sshrl.u32 s12, $0x3;
	s17 =	spop (v2sf)  }
0x1d4: {  	s14 =	sshrl.u32 s14, $0x3;
	[smem:$0x7CB] =	sst s20;
	s5 =	spop (v2sf)  }
0x1d5: {  	s22 =	sand.u32 $0x1FFFFFF0, s22;
	s1 =	sand.u32 $0x1FFFFFF0, s1;
	s25 =	spop (v2sf)  }
0x1d6: {  	s4 =	sand.u32 $0x1FFFFFF0, s4;
	s7 =	sand.u32 $0x1FFFFFF0, s7;
	s8 =	spop (v2sf)  }
0x1d7: {  	s4 =	sadd.s32 s21, s4;
	[smem:$0x7C8] =	sst s17;
	s0 =	spop (v2sf)  }
0x1d8: {  	s17 =	sadd.s32 $0x0, s13;
	s7 =	sadd.s32 s21, s7;
	s3 =	spop (v2sf)  }
0x1d9: {  	s30 =	sadd.s32 $0x4D80, s17;
	s17 =	sadd.s32 $0x4E00, s17;
	s6 =	spop (v2sf)  }
0x1da: {  	s5 =	sand.u32 $0x1FFFFFF0, s5;
	s8 =	sand.u32 $0x1FFFFFF0, s8;
	s15 =	spop (v2sf)  }
0x1db: {  	s5 =	sadd.s32 s21, s5;
	s8 =	sadd.s32 s21, s8;
	s16 =	spop (v2sf)  }
0x1dc: {  	s0 =	sand.u32 $0x1FFFFFF0, s0;
	s3 =	sand.u32 $0x1FFFFFF0, s3;
	s18 =	sand.u32 $0x1FFFFFF0, s16  }
0x1dd: {  	s0 =	sadd.s32 s21, s0;
	s13 =	sadd.s32 s21, s18;
	s18 =	smulhi.u32 $0x4EC4EC4F, s2  }
0x1de: {  	[tilespmem:s30], [sflag:$0x1] =	stream.linear.gather [hbm4b:s13+s19], $0x80, $0x38;
	[tilespmem:$0x14D80] =	vst v63  }
0x1df: {  	s15 =	sand.u32 $0x1FFFFFF0, s15;
	s16 =	simm.s32 $0xA;
	s30 =	smul.u32 $0xC00, s14  }
0x1e0: {  	s14 =	sadd.s32 s21, s15;
	s15 =	sshrl.u32 s11, $0x3;
	s11 =	smulhi.u32 $0x4EC4EC4F, s16  }
0x1e1: {  	s6 =	sand.u32 $0x1FFFFFF0, s6;
	s2 =	smul.u32 $0xC00, s15;
	s16 =	sshrl.u32 s18, $0x3  }
0x1e2: {  	[tilespmem:s17], [sflag:$0x1] =	stream.linear.gather [hbm4b:s14+s19], $0x80, $0x38;
	[tilespmem:$0x14D80] =	vst v63  }
0x1e3: {  	s3 =	sadd.s32 s21, s3;
	s14 =	simm.s32 $0x6;
	s15 =	smul.u32 $0xC00, s16  }
0x1e4: {  	s18 =	sadd.s32 $0x0, s30;
	s30 =	simm.s32 $0x4;
	s14 =	smulhi.u32 $0x4EC4EC4F, s14  }
0x1e5: {  	s6 =	sadd.s32 s21, s6;
	s11 =	sshrl.u32 s11, $0x3;
	s30 =	smulhi.u32 $0x4EC4EC4F, s30  }
0x1e6: {  	s16 =	sadd.s32 $0x400, s18;
	s18 =	simm.s32 $0x8;
	s11 =	smul.u32 $0xC00, s11  }
0x1e7: {  	s16 =	sshra.s32 s16, $0x2;
	s15 =	sadd.s32 $0x0, s15;
	s17 =	smulhi.u32 $0x4EC4EC4F, s18  }
0x1e8: {  	s16 =	sadd.s32 $0x4D80, s16;
	s15 =	sadd.s32 $0x600, s15;
	s14 =	sshrl.u32 s14, $0x3  }
0x1e9: {  	[tilespmem:s16], [sflag:$0x1] =	stream.linear.gather [hbm4b:s7+s19], $0x80, $0x38;
	[tilespmem:$0x14D80] =	vst v63  }
0x1ea: {  	s18 =	sshrl.u32 s30, $0x3;
	s15 =	sshra.s32 s15, $0x2;
	s14 =	smul.u32 $0xC00, s14  }
0x1eb: {  	s17 =	sshrl.u32 s17, $0x3;
	s7 =	sadd.s32 $0x4D80, s15;
	s15 =	smul.u32 $0xC00, s18  }
0x1ec: {  	s13 =	simm.s32 $0xD;
	s30 =	simm.s32 $0x7;
	s17 =	smul.u32 $0xC00, s17  }
0x1ed: {  	[tilespmem:s7], [sflag:$0x1] =	stream.linear.gather [hbm4b:s4+s19], $0x80, $0x38;
	[tilespmem:$0x14D80] =	vst v63  }
0x1ee: {  	s2 =	sadd.s32 $0x0, s2;
	s7 =	simm.s32 $0x5;
	s4 =	smulhi.u32 $0x4EC4EC4F, s30  }
0x1ef: {  	s18 =	simm.s32 $0x2000;
	s30 =	simm.s32 $0xF;
	s16 =	smulhi.u32 $0x4EC4EC4F, s7  }
0x1f0: {  	s15 =	sadd.s32 $0x0, s15;
	[dreg:$0x4] =	wrdreg s30;
	s7 =	smulhi.u32 $0x4EC4EC4F, s26  }
0x1f1: {  	s26 =	sadd.s32 $0x0, s17;
	s15 =	sadd.s32 $0x800, s15;
	s4 =	sshrl.u32 s4, $0x3  }
0x1f2: {  	s17 =	sadd.s32 $0x1000, s26;
	s26 =	sadd.s32 $0x0, s14;
	s14 =	simm.s32 $0x16  }
0x1f3: {  	s16 =	sshrl.u32 s16, $0x3;
	s15 =	sshra.s32 s15, $0x2;
	s7 =	sshrl.u32 s7, $0x3  }
0x1f4: {  	s4 =	smul.u32 $0xC00, s4;
	[dreg:$0x13] =	wrdreg s14;
	s14 =	simm.s32 $0x19  }
0x1f5: {  	s16 =	smul.u32 $0xC00, s16;
	s15 =	sadd.s32 $0x4D80, s15;
	[dreg:$0x1a] =	wrdreg s14  }
0x1f6: {  	[tilespmem:s15], [sflag:$0x1] =	stream.linear.gather [hbm4b:s8+s19], $0x80, $0x38;
	[tilespmem:$0x14D80] =	vst v63  }
0x1f7: {  	s14 =	sadd.s32 $0x1800, s2;
	s15 =	simm.s32 $0x1D;
	s8 =	smul.u32 $0xC00, s12  }
0x1f8: {  	s12 =	sadd.s32 $0xC00, s26;
	s4 =	sadd.s32 $0x0, s4;
	s26 =	simm.s32 $0x18  }
0x1f9: {  	[dreg:$0x6] =	wrdreg s15;
	s16 =	sadd.s32 $0x0, s16;
	s12 =	sshra.s32 s12, $0x2  }
0x1fa: {  	s4 =	sadd.s32 $0xE00, s4;
	[dreg:$0x15] =	wrdreg s26;
	s26 =	smulhi.u32 $0x4EC4EC4F, s10  }
0x1fb: {  	s30 =	sadd.s32 $0xA00, s16;
	s16 =	simm.s32 $0x13;
	s12 =	sadd.s32 $0x4D80, s12  }
0x1fc: {  	s4 =	sshra.s32 s4, $0x2;
	s15 =	sshra.s32 s30, $0x2;
	s30 =	simm.s32 $0x15  }
0x1fd: {  	s4 =	sadd.s32 $0x4D80, s4;
	s15 =	sadd.s32 $0x4D80, s15;
	[dreg:$0x10] =	wrdreg s30  }
0x1fe: {  	[tilespmem:s15], [sflag:$0x1] =	stream.linear.gather [hbm4b:s6+s19], $0x80, $0x38;
	[tilespmem:$0x14D80] =	vst v63  }
0x1ff: {  	s30 =	simm.s32 $0x17;
	s15 =	simm.s32 $0x1E;
	s6 =	smul.u32 $0xC00, s7  }
0x200: {  	s7 =	simm.s32 $0x14;
	[dreg:$0x16] =	wrdreg s30;
	s30 =	sand.u32 $0x1FFFFFF0, s24  }
0x201: {  	s24 =	smulhi.u32 $0x4EC4EC4F, s13;
	[dreg:$0x11] =	wrdreg s7;
	s7 =	sand.u32 $0x1FFFFFF0, s25  }
0x202: {  	[tilespmem:s12], [sflag:$0x1] =	stream.linear.gather [hbm4b:s5+s19], $0x80, $0x38;
	[tilespmem:$0x14D80] =	vst v63  }
0x203: {  	s12 =	sshra.s32 s17, $0x2;
	s25 =	sshrl.u32 s24, $0x3;
	s24 =	sadd.s32 $0x10, s20  }
0x204: {  	[tilespmem:s4], [sflag:$0x1] =	stream.linear.gather [hbm4b:s3+s19], $0x80, $0x38;
	[tilespmem:$0x14D80] =	vst v63  }
0x205: {  	s17 =	sadd.s32 $0x4D80, s12;
	s3 =	sshrl.u32 s9, $0x3;
	s4 =	sadd.s32 $0x0, s11  }
0x206: {  	s11 =	sadd.s32 $0x0, s8;
	s9 =	sshrl.u32 s26, $0x3;
	s26 =	simm.s32 $0x1B  }
0x207: {  	s10 =	sadd.s32 $0x1400, s4;
	s12 =	smul.u32 $0xC00, s9;
	s4 =	sadd.s32 $0x1600, s11  }
0x208: {  	s9 =	sand.u32 $0x1FFFFFF0, s23;
	[smem:$0x7C9] =	sst s26;
	s26 =	simm.s32 $0x12  }
0x209: {  	[tilespmem:s17], [sflag:$0x1] =	stream.linear.gather [hbm4b:s0+s19], $0x80, $0x38;
	[tilespmem:$0x14D80] =	vst v63  }
0x20a: {  	s0 =	smul.u32 $0xC00, s3;
	s17 =	sadd.s32 $0x0, s6;
	s4 =	sshra.s32 s4, $0x2  }
0x20b: {  	s6 =	sshra.s32 s14, $0x2;
	s5 =	sadd.s32 $0x1E00, s17;
	s3 =	sadd.s32 $0x0, s12  }
0x20c: {  	s2 =	sadd.s32 $0x4D80, s4;
	s4 =	sadd.s32 s21, s7;
	s12 =	sadd.s32 s21, s1  }
0x20d: {  	s1 =	smov.u32 s31;
	s0 =	sadd.s32 $0x0, s0;
	s17 =	sshra.s32 s5, $0x2  }
0x20e: {  	s5 =	sadd.s32 s21, s22;
	s23 =	sadd.s32 $0x1C00, s3;
	s0 =	sadd.s32 $0x1200, s0  }
0x20f: {  	s3 =	sand.u32 $0x1FFFFFF0, s29;
	s29 =	sshra.s32 s23, $0x2;
	s0 =	sshra.s32 s0, $0x2  }
0x210: {  	s23 =	simm.s32 $0x1C;
	s28 =	sadd.s32 $0x4D80, s0;
	s0 =	sshra.s32 s10, $0x2  }
0x211: {  	s10 =	sadd.s32 s21, s30;
	s30 =	simm.s32 $0x1A;
	s8 =	sadd.s32 $0x4D80, s0  }
0x212: {  	s0 =	smul.u32 $0xC00, s25;
	[smem:$0x7CA] =	sst s30;
	s25 =	simm.s32 $0x10  }
.LBB2_9:
0x213: {  	s30 =	sld [smem:$0x7C8]  }
0x214: {  	s7 =	rddreg [dreg:$0x4]  }
0x215: {  	s14 =	rddreg [dreg:$0x6];
	s13 =	smov.u32 s15  }
0x216: {  	[tilespmem:s28], [sflag:$0x1] =	stream.linear.gather [hbm4b:s4+s19], $0x80, $0x38;
	[tilespmem:$0x14D80] =	vst v63  }
0x217: {  	s22 =	sadd.s32 $0x4D80, s6;
	s9 =	sadd.s32 s21, s9;
	s3 =	sadd.s32 s21, s3  }
0x218: {  	p0 =	sne.s32 s18, $0x18000;
	s11 =	sadd.s32 s1, s0;
	s31 =	smov.u32 s14  }
0x219: {  	s7 =	sadd.s32 $0x10, s7;
	s1 =	smov.u32 s18;
	[smem:$0x7C4] =	sst s31  }
0x21a: {  	[tilespmem:s8], [sflag:$0x1] =	stream.linear.gather [hbm4b:s12+s19], $0x80, $0x38;
	[tilespmem:$0x14D80] =	vst v63  }
0x21b: {  	s14 =	sadd.s32 $0x10, s14;
	s31 =	rddreg [dreg:$0x1a];
	s8 =	smulhi.u32 $0x4EC4EC4F, s23  }
0x21c: {  	s18 =	sadd.s32 $0x2000, s18;
	s12 =	smulhi.u32 $0x4EC4EC4F, s25;
	[dreg:$0x6] =	wrdreg s14  }
0x21d: {  	[dreg:$0x4] =	wrdreg s7;
	s7 =	smulhi.u32 $0x4EC4EC4F, s7;
	s14 =	sadd.s32 $0x10, s15  }
0x21e: {  	s20 =	sand.u32 $0x1FFFFFF0, s30;
	s30 =	sadd.s32 $0x1A00, s11;
	[dreg:$0xa] =	wrdreg s14  }
0x21f: {  	s23 =	sadd.s32 $0x10, s23;
	s6 =	sshra.s32 s30, $0x2;
	s30 =	sld [smem:$0x7C9]  }
0x220: {  	s4 =	smulhi.u32 $0x4EC4EC4F, s31;
	s0 =	sadd.s32 s21, s20;
	s21 =	rddreg [dreg:$0x13]  }
0x221: {  	s31 =	sadd.s32 $0x10, s31;
	s20 =	sadd.s32 $0x4D80, s29;
	s29 =	rddreg [dreg:$0x16]  }
0x222: {  	s25 =	sadd.s32 $0x10, s25;
	s8 =	sshrl.u32 s8, $0x3;
	[dreg:$0x1a] =	wrdreg s31  }
0x223: {  	[tilespmem:s2], [sflag:$0x1] =	stream.linear.gather [hbm4b:s0+s19], $0x80, $0x38;
	[tilespmem:$0x14D80] =	vst v63  }
0x224: {  	s15 =	sshrl.u32 s7, $0x3;
	[smem:$0x7BC] =	sst s4;
	s2 =	sshrl.u32 s12, $0x3  }
0x225: {  	s0 =	sadd.s32 $0x4D80, s6;
	s6 =	sadd.s32 $0x4D80, s17;
	s4 =	smulhi.u32 $0x4EC4EC4F, s21  }
0x226: {  	s17 =	rddreg [dreg:$0x10];
	s12 =	smulhi.u32 $0x4EC4EC4F, s29;
	s21 =	sadd.s32 $0x10, s21  }
0x227: {  	s29 =	sadd.s32 $0x10, s29;
	s2 =	smul.u32 $0xC00, s2;
	[dreg:$0x13] =	wrdreg s21  }
0x228: {  	[tilespmem:s22], [sflag:$0x1] =	stream.linear.gather [hbm4b:s5+s19], $0x80, $0x38;
	[tilespmem:$0x14D80] =	vst v63  }
0x229: {  	[dreg:$0x16] =	wrdreg s29;
	s22 =	smulhi.u32 $0x4EC4EC4F, s30;
	s30 =	sadd.s32 $0x10, s30  }
0x22a: {  	[tilespmem:s0], [sflag:$0x1] =	stream.linear.gather [hbm4b:s10+s19], $0x80, $0x38;
	[tilespmem:$0x14D80] =	vst v63  }
0x22b: {  	s29 =	smulhi.u32 $0x4EC4EC4F, s26;
	s4 =	sshrl.u32 s4, $0x3;
	[smem:$0x7C9] =	sst s30  }
0x22c: {  	[tilespmem:s20], [sflag:$0x1] =	stream.linear.gather [hbm4b:s9+s19], $0x80, $0x38;
	[tilespmem:$0x14D80] =	vst v63  }
0x22d: {  	s11 =	sshra.s32 s2, $0x2;
	s2 =	smulhi.u32 $0x4EC4EC4F, s17;
	s30 =	sld [smem:$0x7BC]  }
0x22e: {  	[tilespmem:s6], [sflag:$0x1] =	stream.linear.gather [hbm4b:s3+s19], $0x80, $0x38;
	[tilespmem:$0x14D80] =	vst v63  }
0x22f: {  	s4 =	smul.u32 $0xC00, s4;
	s5 =	sshrl.u32 s22, $0x3;
	s22 =	rddreg [dreg:$0x15];
	v0 =	vld [tilespmem:s24+$0x0]  }
0x230: {  	s17 =	sadd.s32 $0x10, s17;
	s0 =	sld [smem:$0x7CA];
	s10 =	smulhi.u32 $0x4EC4EC4F, s22  }
0x231: {  	s26 =	sadd.s32 $0x10, s26;
	[dreg:$0x10] =	wrdreg s17;
	s5 =	smul.u32 $0xC00, s5  }
0x232: {  	s22 =	sadd.s32 $0x10, s22;
	s14 =	sshrl.u32 s2, $0x3;
	s20 =	sshra.s32 s1, $0x2  }
0x233: {  	[dreg:$0x15] =	wrdreg s22;
	s31 =	sshrl.u32 s30, $0x3;
	s9 =	smulhi.u32 $0x4EC4EC4F, s0  }
0x234: {  	s20 =	sadd.s32 s20, s11;
	s11 =	sshrl.u32 s12, $0x3;
	s12 =	smul.u32 $0xC00, s15;
	v0 =	vshll.u32 v0, $0x4  }
0x235: {  	s5 =	sadd.s32 s1, s5;
	s31 =	smul.u32 $0xC00, s31;
	s19 =	rddreg [dreg:$0x11];
	(v2sf) =	vpush v0, $0xC  }
0x236: {  	s0 =	sadd.s32 $0x10, s0;
	s3 =	smul.u32 $0xC00, s8;
	[smem:$0x7BE] =	sst s5;
	(v2sf) =	vpush v0, $0xF  }
0x237: {  	s4 =	sadd.s32 s1, s4;
	s11 =	smul.u32 $0xC00, s11;
	[smem:$0x7CA] =	sst s0;
	(v2sf) =	vpush v0, $0xD  }
0x238: {  	s6 =	sshrl.u32 s9, $0x3;
	s8 =	smulhi.u32 $0x4EC4EC4F, s19;
	s9 =	sshrl.u32 s10, $0x3;
	(v2sf) =	vpush v0, $0xA  }
0x239: {  	s10 =	smulhi.u32 $0x4EC4EC4F, s16;
	s16 =	sadd.s32 $0x10, s16;
	s19 =	sadd.s32 $0x10, s19;
	(v2sf) =	vpush v0, $0xE  }
0x23a: {  	s15 =	sadd.s32 s1, s12;
	s12 =	sadd.s32 $0x4E00, s20;
	s9 =	smul.u32 $0xC00, s9;
	(v2sf) =	vpush v0, $0x3  }
0x23b: {  	s31 =	sadd.s32 s1, s31;
	s24 =	sadd.s32 $0x10, s24;
	s6 =	smul.u32 $0xC00, s6;
	(v2sf) =	vpush v0, $0x2  }
0x23c: {  	[dreg:$0x11] =	wrdreg s19;
	s3 =	sadd.s32 s1, s3;
	s21 =	sadd.s32 $0x1E00, s15;
	(v2sf) =	vpush v0, $0xB  }
0x23d: {  	s2 =	sadd.s32 s1, s11;
	s11 =	sadd.s32 $0x4D80, s20;
	s8 =	sshrl.u32 s8, $0x3;
	(v2sf) =	vpush v0, $0x6  }
0x23e: {  	s10 =	sshrl.u32 s10, $0x3;
	[smem:$0x7BF] =	sst s3;
	s22 =	sshra.s32 s21, $0x2;
	(v2sf) =	vpush v0, $0x9  }
0x23f: {  	s21 =	rddreg [dreg:$0x3];
	s9 =	sadd.s32 s1, s9;
	s8 =	smul.u32 $0xC00, s8;
	(v2sf) =	vpush v0, $0x4  }
0x240: {  	s19 =	smul.u32 $0xC00, s10;
	s7 =	sadd.s32 s1, s6;
	[smem:$0x7C2] =	sst s22;
	(v2sf) =	vpush v0, $0x8  }
0x241: {  	s2 =	sadd.s32 $0xE00, s2;
	s28 =	sadd.s32 $0x1000, s9;
	[smem:$0x7BD] =	sst s7;
	(v2sf) =	vpush v0, $0x7  }
0x242: {  	s9 =	smulhi.u32 $0x4EC4EC4F, s13;
	s8 =	sadd.s32 s1, s8;
	s10 =	sadd.s32 s1, s19;
	(v2sf) =	vpush v0, $0x5  }
0x243: {  	s19 =	sshra.s32 s28, $0x2;
	s28 =	sshrl.u32 s29, $0x3;
	s29 =	smul.u32 $0xC00, s14;
	(v2sf) =	vpush v0, $0x1  }
0x244: {  	s17 =	sadd.s32 $0x600, s10;
	[smem:$0x7C3] =	sst s19;
	(v2sf) =	vpush v0, $0x0;
	s5 =	spop (v2sf)  }
0x245: {  	s8 =	sadd.s32 $0x800, s8;
	s28 =	smul.u32 $0xC00, s28;
	s3 =	spop (v2sf)  }
0x246: {  	s0 =	sshra.s32 s17, $0x2;
	s14 =	sadd.s32 s1, s29;
	s7 =	spop (v2sf)  }
0x247: {  	s8 =	sshra.s32 s8, $0x2;
	s29 =	sadd.s32 $0x4D80, s0;
	s10 =	spop (v2sf)  }
0x248: {  	s20 =	sadd.s32 $0xA00, s14;
	s0 =	sadd.s32 $0xC00, s4;
	s6 =	spop (v2sf)  }
0x249: {  	s28 =	sadd.s32 s1, s28;
	s4 =	sadd.s32 $0x1200, s31;
	s15 =	spop (v2sf)  }
0x24a: {  	s0 =	sshra.s32 s0, $0x2;
	[smem:$0x7C0] =	sst s3;
	s19 =	spop (v2sf)  }
0x24b: {  	s3 =	sand.u32 $0x1FFFFFF0, s7;
	[smem:$0x7C5] =	sst s10;
	s22 =	spop (v2sf)  }
0x24c: {  	[smem:$0x7C1] =	sst s3;
	s17 =	sand.u32 $0x1FFFFFF0, s15;
	s7 =	spop (v2sf)  }
0x24d: {  	s13 =	sadd.s32 s21, s17;
	[smem:$0x7C8] =	sst s22;
	s15 =	spop (v2sf)  }
0x24e: {  	s17 =	sand.u32 $0x1FFFFFF0, s19;
	s22 =	rddreg [dreg:$0x3];
	s21 =	spop (v2sf)  }
0x24f: {  	s3 =	sadd.s32 s22, s17;
	s22 =	smov.u32 s16;
	s16 =	spop (v2sf)  }
0x250: {  	s19 =	rddreg [dreg:$0x3];
	s10 =	sand.u32 $0x1FFFFFF0, s7;
	s30 =	spop (v2sf)  }
0x251: {  	s14 =	sadd.s32 s19, s10;
	s10 =	sadd.s32 $0x4D80, s8;
	s17 =	spop (v2sf)  }
0x252: {  	s7 =	sand.u32 $0x1FFFFFF0, s21;
	s21 =	smov.u32 s18;
	s18 =	spop (v2sf)  }
0x253: {  	s8 =	sadd.s32 $0x4D80, s0;
	s0 =	sshra.s32 s4, $0x2;
	s19 =	spop (v2sf)  }
0x254: {  	s31 =	sand.u32 $0x1FFFFFF0, s19;
	s19 =	sadd.s32 $0x400, s28;
	s28 =	rddreg [dreg:$0x3]  }
0x255: {  	s4 =	simm.s32 $0x0;
	s28 =	sadd.s32 s28, s31;
	s31 =	rddreg [dreg:$0x3]  }
0x256: {  	[tilespmem:s11], [sflag:$0x1] =	stream.linear.gather [hbm4b:s28+s4], $0x80, $0x38;
	[tilespmem:$0x14D80] =	vst v63  }
0x257: {  	s16 =	sand.u32 $0x1FFFFFF0, s16;
	s7 =	sadd.s32 s31, s7;
	s31 =	rddreg [dreg:$0x3]  }
0x258: {  	s18 =	sand.u32 $0x1FFFFFF0, s18;
	s11 =	sadd.s32 s31, s16;
	s31 =	rddreg [dreg:$0x3]  }
0x259: {  	s20 =	sshra.s32 s20, $0x2;
	s16 =	sadd.s32 s31, s18;
	s31 =	rddreg [dreg:$0x3]  }
0x25a: {  	s20 =	sadd.s32 $0x4D80, s20;
	s17 =	sand.u32 $0x1FFFFFF0, s17;
	s18 =	sld [smem:$0x7BD]  }
0x25b: {  	[tilespmem:s12], [sflag:$0x1] =	stream.linear.gather [hbm4b:s16+s4], $0x80, $0x38;
	[tilespmem:$0x14D80] =	vst v63  }
0x25c: {  	s17 =	sadd.s32 s31, s17;
	s31 =	sshra.s32 s19, $0x2;
	s19 =	sld [smem:$0x7BE]  }
0x25d: {  	s5 =	sand.u32 $0x1FFFFFF0, s5;
	s15 =	sand.u32 $0x1FFFFFF0, s15;
	s16 =	sshrl.u32 s9, $0x3  }
0x25e: {  	s28 =	sadd.s32 $0x4D80, s0;
	s0 =	smul.u32 $0xC00, s16;
	s12 =	sadd.s32 $0x1400, s18  }
0x25f: {  	s18 =	sadd.s32 $0x4D80, s31;
	s31 =	sld [smem:$0x7BF];
	s16 =	sadd.s32 $0x1600, s19  }
0x260: {  	[tilespmem:s18], [sflag:$0x1] =	stream.linear.gather [hbm4b:s3+s4], $0x80, $0x38;
	[tilespmem:$0x14D80] =	vst v63  }
0x261: {  	s19 =	sshra.s32 s2, $0x2;
	s18 =	smov.u32 s21;
	s21 =	sld [smem:$0x7C0]  }
0x262: {  	s2 =	sshra.s32 s16, $0x2;
	s16 =	smov.u32 s22;
	s22 =	rddreg [dreg:$0x3]  }
0x263: {  	[tilespmem:s29], [sflag:$0x1] =	stream.linear.gather [hbm4b:s13+s4], $0x80, $0x38;
	[tilespmem:$0x14D80] =	vst v63  }
0x264: {  	s30 =	sand.u32 $0x1FFFFFF0, s30;
	s9 =	sand.u32 $0x1FFFFFF0, s6;
	s13 =	rddreg [dreg:$0x3]  }
0x265: {  	s12 =	sshra.s32 s12, $0x2;
	s6 =	sadd.s32 $0x1800, s31;
	s31 =	sld [smem:$0x7C1]  }
0x266: {  	s0 =	sadd.s32 s1, s0;
	s3 =	sand.u32 $0x1FFFFFF0, s21;
	s21 =	rddreg [dreg:$0x3]  }
0x267: {  	s0 =	sadd.s32 $0x1C00, s0;
	s5 =	sadd.s32 s13, s5;
	s13 =	sld [smem:$0x7C3]  }
0x268: {  	[tilespmem:s10], [sflag:$0x1] =	stream.linear.gather [hbm4b:s7+s4], $0x80, $0x38;
	[tilespmem:$0x14D80] =	vst v63  }
0x269: {  	s7 =	sadd.s32 $0x4D80, s19;
	s19 =	simm.s32 $0x0;
	s4 =	rddreg [dreg:$0x3]  }
0x26a: {  	[tilespmem:s20], [sflag:$0x1] =	stream.linear.gather [hbm4b:s17+s19], $0x80, $0x38;
	[tilespmem:$0x14D80] =	vst v63  }
0x26b: {  	s2 =	sadd.s32 $0x4D80, s2;
	s29 =	sshra.s32 s0, $0x2;
	s20 =	sld [smem:$0x7C4]  }
0x26c: {  	s0 =	sadd.s32 s4, s30;
	s4 =	sadd.s32 s21, s15;
	s15 =	rddreg [dreg:$0xa]  }
0x26d: {  	[tilespmem:s8], [sflag:$0x1] =	stream.linear.gather [hbm4b:s14+s19], $0x80, $0x38;
	[tilespmem:$0x14D80] =	vst v63  }
0x26e: {  	s10 =	sadd.s32 s22, s31;
	s30 =	sld [smem:$0x7C5];
	s22 =	smulhi.u32 $0x4EC4EC4F, s20  }
.Ltmp3:
0x26f: {  	s6 =	sshra.s32 s6, $0x2;
	s17 =	sld [smem:$0x7C2];
	(pc) =	sbr.rel @p0 .LBB2_9-.Ltmp3, $4  }
0x270: {  	[tilespmem:s7], [sflag:$0x1] =	stream.linear.gather [hbm4b:s0+s19], $0x80, $0x38;
	[tilespmem:$0x14D80] =	vst v63  }
0x271: {  	s13 =	sadd.s32 $0x4D80, s13;
	s14 =	sand.u32 $0x1FFFFFF0, s30;
	s31 =	sshrl.u32 s22, $0x3  }
0x272: {  	s8 =	sadd.s32 $0x4D80, s12;
	s12 =	sadd.s32 s21, s14;
	s0 =	smul.u32 $0xC00, s31  }
0x273: {  	[tilespmem:s13], [sflag:$0x1] =	stream.linear.gather [hbm4b:s11+s19], $0x80, $0x38;
	[tilespmem:$0x14D80] =	vst v63  }
0x274: {  	[tilespmem:s28], [sflag:$0x1] =	stream.linear.gather [hbm4b:s4+s19], $0x80, $0x38;
	[tilespmem:$0x14D80] =	vst v63  }
0x275: {  	s13 =	sld [smem:$0x7C8];
	_ =	sdelay $0x1  }
0x276: {  	[tilespmem:s8], [sflag:$0x1] =	stream.linear.gather [hbm4b:s12+s19], $0x80, $0x38;
	[tilespmem:$0x14D80] =	vst v63  }
0x277: {  	s0 =	sadd.s32 s1, s0;
	s1 =	sand.u32 $0x1FFFFFF0, s13  }
0x278: {  	s0 =	sadd.s32 $0x1A00, s0;
	s1 =	sadd.s32 s21, s1  }
0x279: {  	[tilespmem:s2], [sflag:$0x1] =	stream.linear.gather [hbm4b:s1+s19], $0x80, $0x38;
	[tilespmem:$0x14D80] =	vst v63  }
0x27a: {  	s14 =	sadd.s32 $0x4D80, s6;
	s0 =	sshra.s32 s0, $0x2  }
0x27b: {  	[tilespmem:s14], [sflag:$0x1] =	stream.linear.gather [hbm4b:s5+s19], $0x80, $0x38;
	[tilespmem:$0x14D80] =	vst v63  }
0x27c: {  	s0 =	sadd.s32 $0x4D80, s0  }
0x27d: {  	[tilespmem:s0], [sflag:$0x1] =	stream.linear.gather [hbm4b:s10+s19], $0x80, $0x38;
	[tilespmem:$0x14D80] =	vst v63  }
0x27e: {  	s15 =	sadd.s32 $0x4D80, s29;
	s16 =	sadd.s32 s21, s9  }
0x27f: {  	[tilespmem:s15], [sflag:$0x1] =	stream.linear.gather [hbm4b:s16+s19], $0x80, $0x38;
	[tilespmem:$0x14D80] =	vst v63  }
0x280: {  	s18 =	sadd.s32 $0x4D80, s17;
	s20 =	sadd.s32 s21, s3;
	s1 =	simm.s32 $0x2  }
0x281: {  	[tilespmem:s18], [sflag:$0x1] =	stream.linear.gather [hbm4b:s20+s19], $0x80, $0x38;
	[tilespmem:$0x14D80] =	vst v63  }
0x282: {  	_ =	swait.ge [sflag:s1], $0x6800  }
0x283: {  	s22 =	sld [smem:$0x7FD]  }
0x284: {  	s23 =	sld [smem:$0x7C7];
	_ =	sdelay $0x1  }
0x285: {  	s9 =	simm.s32 $0x0;
	[sflag:s1] =	ssyncset.done $0x0  }
0x286: {  	s24 =	simm.s32 $0xCD80;
	[sflag:s1] =	ssyncadd.s32 $0xFFFF9800;
	s0 =	sadd.s32 s22, s23  }
0x287: {  	[hbm4b:s0+s9] =	stream.linear.scatter [tilespmem:s24], [sflag:$0x3], $0xD00, $0x38;
	[tilespmem:$0x14D80] =	vst v63  }
0x288: {  	s26 =	simm.s32 $0xDD80;
	s25 =	sadd.s32 $0x200, s0  }
0x289: {  	[hbm4b:s25+s9] =	stream.linear.scatter [tilespmem:s26], [sflag:$0x3], $0xD00, $0x38;
	[tilespmem:$0x14D80] =	vst v63  }
0x28a: {  	s4 =	simm.s32 $0xED80;
	s3 =	sadd.s32 $0x400, s0  }
0x28b: {  	[hbm4b:s3+s9] =	stream.linear.scatter [tilespmem:s4], [sflag:$0x3], $0xD00, $0x38;
	[tilespmem:$0x14D80] =	vst v63  }
0x28c: {  	s6 =	simm.s32 $0xFD80;
	s5 =	sadd.s32 $0x600, s0  }
0x28d: {  	[hbm4b:s5+s9] =	stream.linear.scatter [tilespmem:s6], [sflag:$0x3], $0xD00, $0x38;
	[tilespmem:$0x14D80] =	vst v63  }
0x28e: {  	s8 =	simm.s32 $0x10D80;
	s7 =	sadd.s32 $0x800, s0  }
0x28f: {  	[hbm4b:s7+s9] =	stream.linear.scatter [tilespmem:s8], [sflag:$0x3], $0xD00, $0x38;
	[tilespmem:$0x14D80] =	vst v63  }
0x290: {  	s11 =	simm.s32 $0x11D80;
	s10 =	sadd.s32 $0xA00, s0  }
0x291: {  	[hbm4b:s10+s9] =	stream.linear.scatter [tilespmem:s11], [sflag:$0x3], $0xD00, $0x38;
	[tilespmem:$0x14D80] =	vst v63  }
0x292: {  	s13 =	simm.s32 $0x12D80;
	s12 =	sadd.s32 $0xC00, s0  }
0x293: {  	[hbm4b:s12+s9] =	stream.linear.scatter [tilespmem:s13], [sflag:$0x3], $0xD00, $0x38;
	[tilespmem:$0x14D80] =	vst v63  }
0x294: {  	s2 =	simm.s32 $0x3;
	s14 =	simm.s32 $0x13D80;
	s0 =	sadd.s32 $0xE00, s0  }
0x295: {  	[hbm4b:s0+s9] =	stream.linear.scatter [tilespmem:s14], [sflag:$0x3], $0xD00, $0x38;
	[tilespmem:$0x14D80] =	vst v63  }
0x296: {  	_ =	swait.ge [sflag:s2], $0x6800  }
0x297: {  	s29 =	sld [smem:$0x7CC]  }
0x298: {  	[sflag:s2] =	ssyncset.done $0x0  }
0x299: {  	[sflag:s2] =	ssyncadd.s32 $0xFFFF9800  }
0x29a: {  	v0 =	vld [tilespmem:s29+$0x0];
	_ =	sdelay $0x4  }
0x29b: {  	v0 =	vshll.u32 v0, $0x4  }
0x29c: {  	(v2sf) =	vpush v0, $0xC  }
0x29d: {  	(v2sf) =	vpush v0, $0xF  }
0x29e: {  	(v2sf) =	vpush v0, $0xD  }
0x29f: {  	(v2sf) =	vpush v0, $0xA  }
0x2a0: {  	(v2sf) =	vpush v0, $0xE  }
0x2a1: {  	(v2sf) =	vpush v0, $0x3  }
0x2a2: {  	(v2sf) =	vpush v0, $0x2  }
0x2a3: {  	(v2sf) =	vpush v0, $0xB  }
0x2a4: {  	(v2sf) =	vpush v0, $0x6  }
0x2a5: {  	(v2sf) =	vpush v0, $0x9  }
0x2a6: {  	(v2sf) =	vpush v0, $0x4  }
0x2a7: {  	(v2sf) =	vpush v0, $0x8  }
0x2a8: {  	(v2sf) =	vpush v0, $0x7  }
0x2a9: {  	(v2sf) =	vpush v0, $0x5  }
0x2aa: {  	s16 =	smulhi.u32 $0x4EC4EC4F, s9;
	(v2sf) =	vpush v0, $0x1  }
0x2ab: {  	s31 =	simm.s32 $0xF;
	(v2sf) =	vpush v0, $0x0;
	s22 =	spop (v2sf)  }
0x2ac: {  	s28 =	simm.s32 $0xE;
	s17 =	sshrl.u32 s16, $0x3;
	s10 =	spop (v2sf)  }
0x2ad: {  	s30 =	smov.u32 s21;
	s8 =	smul.u32 $0xC00, s17;
	s24 =	spop (v2sf)  }
0x2ae: {  	s18 =	simm.s32 $0x9;
	s17 =	smulhi.u32 $0x4EC4EC4F, s1;
	s20 =	spop (v2sf)  }
0x2af: {  	s1 =	simm.s32 $0xD;
	s8 =	sshra.s32 s8, $0x2;
	s23 =	spop (v2sf)  }
0x2b0: {  	s17 =	sshrl.u32 s17, $0x3;
	s8 =	sadd.s32 $0x0, s8;
	s4 =	spop (v2sf)  }
0x2b1: {  	s17 =	smul.u32 $0xC00, s17;
	s13 =	simm.s32 $0xC;
	s7 =	spop (v2sf)  }
0x2b2: {  	s12 =	smulhi.u32 $0x4EC4EC4F, s18;
	s14 =	simm.s32 $0xB;
	s15 =	spop (v2sf)  }
0x2b3: {  	s26 =	sadd.s32 $0xCD80, s8;
	s14 =	smulhi.u32 $0x4EC4EC4F, s14;
	s5 =	spop (v2sf)  }
0x2b4: {  	s18 =	smulhi.u32 $0x4EC4EC4F, s2;
	s8 =	sadd.s32 $0xCE00, s8;
	s25 =	spop (v2sf)  }
0x2b5: {  	s13 =	smulhi.u32 $0x4EC4EC4F, s13;
	s14 =	sshrl.u32 s14, $0x3;
	s6 =	spop (v2sf)  }
0x2b6: {  	s24 =	sand.u32 $0x1FFFFFF0, s24;
	s4 =	sand.u32 $0x1FFFFFF0, s4;
	s0 =	spop (v2sf)  }
0x2b7: {  	s7 =	sand.u32 $0x1FFFFFF0, s7;
	s4 =	sadd.s32 s21, s4;
	s3 =	spop (v2sf)  }
0x2b8: {  	[smem:$0x7BA] =	sst s15;
	s5 =	sand.u32 $0x1FFFFFF0, s5;
	s11 =	spop (v2sf)  }
0x2b9: {  	s7 =	sadd.s32 s21, s7;
	s5 =	sadd.s32 s21, s5;
	s15 =	spop (v2sf)  }
0x2ba: {  	s25 =	sand.u32 $0x1FFFFFF0, s25;
	s6 =	sand.u32 $0x1FFFFFF0, s6;
	s16 =	spop (v2sf)  }
0x2bb: {  	s6 =	sadd.s32 s21, s6;
	s0 =	sand.u32 $0x1FFFFFF0, s0;
	s16 =	sand.u32 $0x1FFFFFF0, s16  }
0x2bc: {  	s3 =	sand.u32 $0x1FFFFFF0, s3;
	s0 =	sadd.s32 s21, s0;
	s16 =	sadd.s32 s21, s16  }
0x2bd: {  	[tilespmem:s26], [sflag:$0x2] =	stream.linear.gather [hbm4b:s16+s19], $0x80, $0x38;
	[tilespmem:$0x14D80] =	vst v63  }
0x2be: {  	s11 =	sand.u32 $0x1FFFFFF0, s11;
	s15 =	sand.u32 $0x1FFFFFF0, s15;
	s16 =	simm.s32 $0xA  }
0x2bf: {  	s26 =	sadd.s32 s21, s15;
	s15 =	sshrl.u32 s13, $0x3;
	s13 =	smulhi.u32 $0x4EC4EC4F, s16  }
0x2c0: {  	s3 =	sadd.s32 s21, s3;
	s2 =	smul.u32 $0xC00, s15;
	s16 =	sshrl.u32 s18, $0x3  }
0x2c1: {  	[tilespmem:s8], [sflag:$0x2] =	stream.linear.gather [hbm4b:s26+s19], $0x80, $0x38;
	[tilespmem:$0x14D80] =	vst v63  }
0x2c2: {  	s11 =	sadd.s32 s21, s11;
	s8 =	simm.s32 $0x6;
	s15 =	smul.u32 $0xC00, s16  }
0x2c3: {  	s18 =	sadd.s32 $0x0, s17;
	s26 =	simm.s32 $0x4;
	s8 =	smulhi.u32 $0x4EC4EC4F, s8  }
0x2c4: {  	s16 =	sadd.s32 $0x400, s18;
	s18 =	simm.s32 $0x8;
	s26 =	smulhi.u32 $0x4EC4EC4F, s26  }
0x2c5: {  	s16 =	sshra.s32 s16, $0x2;
	s17 =	smulhi.u32 $0x4EC4EC4F, s18;
	s18 =	simm.s32 $0x5  }
0x2c6: {  	s13 =	sshrl.u32 s13, $0x3;
	s2 =	sadd.s32 $0x0, s2;
	s16 =	sadd.s32 $0xCD80, s16  }
0x2c7: {  	[tilespmem:s16], [sflag:$0x2] =	stream.linear.gather [hbm4b:s7+s19], $0x80, $0x38;
	[tilespmem:$0x14D80] =	vst v63  }
0x2c8: {  	s15 =	sadd.s32 $0x0, s15;
	s13 =	smul.u32 $0xC00, s13;
	s17 =	sshrl.u32 s17, $0x3  }
0x2c9: {  	s15 =	sadd.s32 $0x600, s15;
	s8 =	sshrl.u32 s8, $0x3;
	s17 =	smul.u32 $0xC00, s17  }
0x2ca: {  	s16 =	sshrl.u32 s26, $0x3;
	s15 =	sshra.s32 s15, $0x2;
	s8 =	smul.u32 $0xC00, s8  }
0x2cb: {  	s26 =	simm.s32 $0x7;
	s7 =	sadd.s32 $0xCD80, s15;
	s15 =	smul.u32 $0xC00, s16  }
0x2cc: {  	[tilespmem:s7], [sflag:$0x2] =	stream.linear.gather [hbm4b:s4+s19], $0x80, $0x38;
	[tilespmem:$0x14D80] =	vst v63  }
0x2cd: {  	s16 =	smulhi.u32 $0x4EC4EC4F, s18;
	s18 =	simm.s32 $0x1D;
	s7 =	simm.s32 $0x2000  }
0x2ce: {  	s4 =	smulhi.u32 $0x4EC4EC4F, s26;
	s26 =	sadd.s32 $0x0, s17;
	s8 =	sadd.s32 $0x0, s8  }
0x2cf: {  	s15 =	sadd.s32 $0x0, s15;
	s16 =	sshrl.u32 s16, $0x3;
	s17 =	sadd.s32 $0x1000, s26  }
0x2d0: {  	s8 =	sadd.s32 $0xC00, s8;
	s15 =	sadd.s32 $0x800, s15;
	s16 =	smul.u32 $0xC00, s16  }
0x2d1: {  	s4 =	sshrl.u32 s4, $0x3;
	s8 =	sshra.s32 s8, $0x2;
	s15 =	sshra.s32 s15, $0x2  }
0x2d2: {  	s17 =	sshra.s32 s17, $0x2;
	s4 =	smul.u32 $0xC00, s4;
	s15 =	sadd.s32 $0xCD80, s15  }
0x2d3: {  	[tilespmem:s15], [sflag:$0x2] =	stream.linear.gather [hbm4b:s6+s19], $0x80, $0x38;
	[tilespmem:$0x14D80] =	vst v63  }
0x2d4: {  	s8 =	sadd.s32 $0xCD80, s8;
	s16 =	sadd.s32 $0x0, s16;
	s6 =	smul.u32 $0xC00, s14  }
0x2d5: {  	s14 =	smulhi.u32 $0x4EC4EC4F, s31;
	s16 =	sadd.s32 $0xA00, s16;
	s4 =	sadd.s32 $0x0, s4  }
0x2d6: {  	s15 =	sshra.s32 s16, $0x2;
	s16 =	simm.s32 $0x14;
	s4 =	sadd.s32 $0xE00, s4  }
0x2d7: {  	s15 =	sadd.s32 $0xCD80, s15;
	s14 =	sshrl.u32 s14, $0x3;
	s4 =	sshra.s32 s4, $0x2  }
0x2d8: {  	[tilespmem:s15], [sflag:$0x2] =	stream.linear.gather [hbm4b:s11+s19], $0x80, $0x38;
	[tilespmem:$0x14D80] =	vst v63  }
0x2d9: {  	s11 =	simm.s32 $0x1E;
	s15 =	simm.s32 $0x13;
	s26 =	smul.u32 $0xC00, s14  }
0x2da: {  	[tilespmem:s8], [sflag:$0x2] =	stream.linear.gather [hbm4b:s5+s19], $0x80, $0x38;
	[tilespmem:$0x14D80] =	vst v63  }
0x2db: {  	s14 =	simm.s32 $0x15;
	s4 =	sadd.s32 $0xCD80, s4;
	s8 =	simm.s32 $0x18  }
0x2dc: {  	s5 =	sadd.s32 $0xCD80, s17;
	s17 =	simm.s32 $0x17;
	[dreg:$0x17] =	wrdreg s8  }
0x2dd: {  	[dreg:$0x18] =	wrdreg s17;
	s8 =	sadd.s32 $0x0, s6;
	s17 =	smulhi.u32 $0x4EC4EC4F, s28  }
0x2de: {  	[tilespmem:s4], [sflag:$0x2] =	stream.linear.gather [hbm4b:s3+s19], $0x80, $0x38;
	[tilespmem:$0x14D80] =	vst v63  }
0x2df: {  	s6 =	sadd.s32 $0x1800, s2;
	s4 =	simm.s32 $0x16;
	s3 =	sshrl.u32 s12, $0x3  }
0x2e0: {  	s12 =	simm.s32 $0x19;
	[dreg:$0x14] =	wrdreg s4;
	s4 =	sadd.s32 $0x0, s13  }
0x2e1: {  	[dreg:$0x1b] =	wrdreg s12;
	s13 =	sadd.s32 $0x0, s26;
	s26 =	sshrl.u32 s17, $0x3  }
0x2e2: {  	s12 =	sand.u32 $0x1FFFFFF0, s23;
	s17 =	sshra.s32 s6, $0x2;
	s23 =	smulhi.u32 $0x4EC4EC4F, s1  }
0x2e3: {  	[tilespmem:s5], [sflag:$0x2] =	stream.linear.gather [hbm4b:s0+s19], $0x80, $0x38;
	[tilespmem:$0x14D80] =	vst v63  }
0x2e4: {  	s1 =	sadd.s32 s21, s25;
	s25 =	sand.u32 $0x1FFFFFF0, s20;
	s0 =	smul.u32 $0xC00, s3  }
0x2e5: {  	s5 =	sadd.s32 $0x1E00, s13;
	s3 =	sadd.s32 $0x1400, s4;
	s4 =	sadd.s32 $0x1600, s8  }
0x2e6: {  	s13 =	sand.u32 $0x1FFFFFF0, s22;
	s6 =	sadd.s32 s21, s25;
	s25 =	sadd.s32 $0x10, s29  }
0x2e7: {  	s29 =	simm.s32 $0x12;
	s5 =	sshra.s32 s5, $0x2;
	s4 =	sshra.s32 s4, $0x2  }
0x2e8: {  	s0 =	sadd.s32 $0x0, s0;
	[smem:$0x7BB] =	sst s5;
	s5 =	smul.u32 $0xC00, s26  }
0x2e9: {  	s2 =	sadd.s32 $0xCD80, s4;
	s26 =	sshrl.u32 s23, $0x3;
	s0 =	sadd.s32 $0x1200, s0  }
0x2ea: {  	s23 =	simm.s32 $0x1A;
	s8 =	smul.u32 $0xC00, s26;
	s0 =	sshra.s32 s0, $0x2  }
0x2eb: {  	s28 =	sadd.s32 $0xCD80, s0;
	s0 =	sshra.s32 s3, $0x2;
	s3 =	sadd.s32 $0x0, s5  }
0x2ec: {  	s26 =	simm.s32 $0x10;
	s5 =	sadd.s32 s21, s13;
	s22 =	sadd.s32 $0x1C00, s3  }
0x2ed: {  	s3 =	sand.u32 $0x1FFFFFF0, s10;
	s10 =	sadd.s32 s21, s24;
	s4 =	sadd.s32 $0xCD80, s0  }
0x2ee: {  	s24 =	simm.s32 $0x1C;
	s13 =	sshra.s32 s22, $0x2;
	s22 =	simm.s32 $0x1B  }
.LBB2_11:
0x2ef: {  	s0 =	sld [smem:$0x7BA];
	s31 =	sadd.s32 $0x10, s31;
	s21 =	smov.u32 s18  }
0x2f0: {  	[tilespmem:s28], [sflag:$0x2] =	stream.linear.gather [hbm4b:s1+s19], $0x80, $0x38;
	[tilespmem:$0x14D80] =	vst v63  }
0x2f1: {  	s28 =	sadd.s32 $0xCD80, s17;
	s17 =	smulhi.u32 $0x4EC4EC4F, s26;
	[smem:$0x7B8] =	sst s29  }
0x2f2: {  	s12 =	sadd.s32 s30, s12;
	s3 =	sadd.s32 s30, s3;
	[smem:$0x7B6] =	sst s21  }
0x2f3: {  	p0 =	sne.s32 s7, $0x18000;
	s29 =	smulhi.u32 $0x4EC4EC4F, s29;
	s21 =	rddreg [dreg:$0x1b]  }
0x2f4: {  	s8 =	sadd.s32 s9, s8;
	s9 =	smov.u32 s7;
	s1 =	smulhi.u32 $0x4EC4EC4F, s21  }
0x2f5: {  	[tilespmem:s4], [sflag:$0x2] =	stream.linear.gather [hbm4b:s6+s19], $0x80, $0x38;
	[tilespmem:$0x14D80] =	vst v63  }
0x2f6: {  	s8 =	sadd.s32 $0x1A00, s8;
	s4 =	smulhi.u32 $0x4EC4EC4F, s24;
	s21 =	sadd.s32 $0x10, s21  }
0x2f7: {  	s24 =	sadd.s32 $0x10, s24;
	s20 =	sand.u32 $0x1FFFFFF0, s0;
	s0 =	smov.u32 s11  }
0x2f8: {  	s8 =	sshra.s32 s8, $0x2;
	[dreg:$0x1b] =	wrdreg s21;
	s20 =	sadd.s32 s30, s20  }
0x2f9: {  	s8 =	sadd.s32 $0xCD80, s8;
	s4 =	sshrl.u32 s4, $0x3;
	s1 =	sshrl.u32 s1, $0x3  }
0x2fa: {  	[tilespmem:s2], [sflag:$0x2] =	stream.linear.gather [hbm4b:s20+s19], $0x80, $0x38;
	[tilespmem:$0x14D80] =	vst v63  }
0x2fb: {  	s20 =	sadd.s32 $0xCD80, s13;
	s2 =	sshrl.u32 s17, $0x3;
	s13 =	smulhi.u32 $0x4EC4EC4F, s22  }
0x2fc: {  	s17 =	sld [smem:$0x7BB];
	s22 =	sadd.s32 $0x10, s22;
	s2 =	smul.u32 $0xC00, s2  }
0x2fd: {  	[tilespmem:s28], [sflag:$0x2] =	stream.linear.gather [hbm4b:s5+s19], $0x80, $0x38;
	[tilespmem:$0x14D80] =	vst v63  }
0x2fe: {  	s5 =	sshrl.u32 s13, $0x3;
	s13 =	sshra.s32 s2, $0x2;
	s2 =	smulhi.u32 $0x4EC4EC4F, s14  }
0x2ff: {  	[tilespmem:s8], [sflag:$0x2] =	stream.linear.gather [hbm4b:s10+s19], $0x80, $0x38;
	[tilespmem:$0x14D80] =	vst v63  }
0x300: {  	s5 =	smul.u32 $0xC00, s5;
	s10 =	sadd.s32 $0x2000, s7;
	s7 =	rddreg [dreg:$0x14]  }
0x301: {  	[tilespmem:s20], [sflag:$0x2] =	stream.linear.gather [hbm4b:s12+s19], $0x80, $0x38;
	[tilespmem:$0x14D80] =	vst v63  }
0x302: {  	s8 =	sadd.s32 $0xCD80, s17;
	s17 =	rddreg [dreg:$0x17];
	s20 =	smulhi.u32 $0x4EC4EC4F, s23  }
0x303: {  	[dreg:$0x5] =	wrdreg s10;
	s5 =	sadd.s32 s9, s5;
	s12 =	smulhi.u32 $0x4EC4EC4F, s17  }
0x304: {  	[tilespmem:s8], [sflag:$0x2] =	stream.linear.gather [hbm4b:s3+s19], $0x80, $0x38;
	[tilespmem:$0x14D80] =	vst v63  }
0x305: {  	s17 =	sadd.s32 $0x10, s17;
	[smem:$0x7AE] =	sst s5;
	s3 =	smul.u32 $0xC00, s4  }
0x306: {  	s23 =	sadd.s32 $0x10, s23;
	[dreg:$0x17] =	wrdreg s17;
	s4 =	smulhi.u32 $0x4EC4EC4F, s7  }
0x307: {  	s6 =	sshrl.u32 s20, $0x3;
	s8 =	smulhi.u32 $0x4EC4EC4F, s16;
	s20 =	sshra.s32 s9, $0x2  }
0x308: {  	s10 =	sshrl.u32 s12, $0x3;
	s19 =	rddreg [dreg:$0x18];
	s12 =	smulhi.u32 $0x4EC4EC4F, s15  }
0x309: {  	s16 =	sadd.s32 $0x10, s16;
	s7 =	sadd.s32 $0x10, s7;
	s28 =	smulhi.u32 $0x4EC4EC4F, s19  }
0x30a: {  	v0 =	vld [tilespmem:s25+$0x0];
	s20 =	sadd.s32 s20, s13;
	s13 =	sadd.s32 $0x10, s18;
	[dreg:$0x14] =	wrdreg s7  }
0x30b: {  	s10 =	smul.u32 $0xC00, s10;
	s18 =	sadd.s32 $0x10, s11;
	[dreg:$0x7] =	wrdreg s13  }
0x30c: {  	s6 =	smul.u32 $0xC00, s6;
	s11 =	sadd.s32 $0x10, s15;
	[dreg:$0xb] =	wrdreg s18  }
0x30d: {  	s15 =	sadd.s32 $0x10, s14;
	s19 =	sadd.s32 $0x10, s19;
	[dreg:$0xc] =	wrdreg s11  }
0x30e: {  	s8 =	sshrl.u32 s8, $0x3;
	s12 =	sshrl.u32 s12, $0x3;
	[dreg:$0x12] =	wrdreg s15  }
0x30f: {  	[dreg:$0x18] =	wrdreg s19;
	s13 =	sshrl.u32 s28, $0x3;
	s28 =	smulhi.u32 $0x4EC4EC4F, s31;
	v0 =	vshll.u32 v0, $0x4  }
0x310: {  	s3 =	sadd.s32 s9, s3;
	s4 =	sshrl.u32 s4, $0x3;
	s8 =	smul.u32 $0xC00, s8;
	(v2sf) =	vpush v0, $0xC  }
0x311: {  	s19 =	sshrl.u32 s2, $0x3;
	s2 =	sadd.s32 $0xCD80, s20;
	s12 =	smul.u32 $0xC00, s12;
	(v2sf) =	vpush v0, $0xF  }
0x312: {  	s10 =	sadd.s32 s9, s10;
	[smem:$0x7AF] =	sst s3;
	s4 =	smul.u32 $0xC00, s4;
	(v2sf) =	vpush v0, $0xD  }
0x313: {  	s17 =	sadd.s32 s9, s6;
	s19 =	smul.u32 $0xC00, s19;
	s6 =	sadd.s32 $0xCE00, s20;
	(v2sf) =	vpush v0, $0xA  }
0x314: {  	s3 =	smov.u32 s31;
	s31 =	smul.u32 $0xC00, s1;
	s10 =	sadd.s32 $0x1000, s10;
	(v2sf) =	vpush v0, $0xE  }
0x315: {  	s13 =	smul.u32 $0xC00, s13;
	[smem:$0x7AD] =	sst s17;
	s28 =	sshrl.u32 s28, $0x3;
	(v2sf) =	vpush v0, $0x3  }
0x316: {  	s8 =	sadd.s32 s9, s8;
	s18 =	sadd.s32 s9, s12;
	s12 =	smulhi.u32 $0x4EC4EC4F, s0;
	(v2sf) =	vpush v0, $0x2  }
0x317: {  	s4 =	sadd.s32 s9, s4;
	s10 =	sshra.s32 s10, $0x2;
	s1 =	sadd.s32 s9, s19;
	(v2sf) =	vpush v0, $0xB  }
0x318: {  	s31 =	sadd.s32 s9, s31;
	s28 =	smul.u32 $0xC00, s28;
	s7 =	sadd.s32 $0x600, s18;
	(v2sf) =	vpush v0, $0x6  }
0x319: {  	[smem:$0x7B4] =	sst s10;
	s8 =	sadd.s32 $0x800, s8;
	s20 =	sadd.s32 $0xA00, s1;
	(v2sf) =	vpush v0, $0x9  }
0x31a: {  	s1 =	sadd.s32 $0xC00, s4;
	s10 =	smov.u32 s16;
	s31 =	sadd.s32 $0x1200, s31;
	(v2sf) =	vpush v0, $0x4  }
0x31b: {  	s14 =	sshra.s32 s7, $0x2;
	s8 =	sshra.s32 s8, $0x2;
	s0 =	sshra.s32 s1, $0x2;
	(v2sf) =	vpush v0, $0x8  }
0x31c: {  	s20 =	sshra.s32 s20, $0x2;
	s1 =	smov.u32 s25;
	s25 =	smov.u32 s23;
	(v2sf) =	vpush v0, $0x7  }
0x31d: {  	s23 =	simm.s32 $0x0;
	s31 =	sshra.s32 s31, $0x2;
	s21 =	sadd.s32 s9, s28;
	(v2sf) =	vpush v0, $0x5  }
0x31e: {  	s28 =	sshrl.u32 s29, $0x3;
	s14 =	sadd.s32 $0xCD80, s14;
	s4 =	sadd.s32 $0xCD80, s8;
	(v2sf) =	vpush v0, $0x1  }
0x31f: {  	s8 =	sadd.s32 $0xCD80, s0;
	s20 =	sadd.s32 $0xCD80, s20;
	(v2sf) =	vpush v0, $0x0;
	s17 =	spop (v2sf)  }
0x320: {  	s11 =	sadd.s32 $0x1E00, s21;
	s28 =	smul.u32 $0xC00, s28;
	s18 =	spop (v2sf)  }
0x321: {  	[smem:$0x7B1] =	sst s14;
	s15 =	sshra.s32 s11, $0x2;
	s29 =	spop (v2sf)  }
0x322: {  	s11 =	sadd.s32 s9, s13;
	[smem:$0x7BB] =	sst s15;
	s21 =	spop (v2sf)  }
0x323: {  	s28 =	sadd.s32 s9, s28;
	[smem:$0x7B0] =	sst s17;
	s5 =	spop (v2sf)  }
0x324: {  	s11 =	sadd.s32 $0xE00, s11;
	[smem:$0x7B2] =	sst s18;
	s7 =	spop (v2sf)  }
0x325: {  	s11 =	sshra.s32 s11, $0x2;
	[smem:$0x7B7] =	sst s21;
	s17 =	spop (v2sf)  }
0x326: {  	s21 =	sand.u32 $0x1FFFFFF0, s29;
	s15 =	sand.u32 $0x1FFFFFF0, s7;
	s19 =	spop (v2sf)  }
0x327: {  	[smem:$0x7B3] =	sst s21;
	s13 =	sadd.s32 s30, s15;
	s29 =	spop (v2sf)  }
0x328: {  	[smem:$0x7BA] =	sst s19;
	s18 =	sand.u32 $0x1FFFFFF0, s29;
	s7 =	spop (v2sf)  }
0x329: {  	s29 =	sand.u32 $0x1FFFFFF0, s17;
	s19 =	sadd.s32 s30, s18;
	s21 =	spop (v2sf)  }
0x32a: {  	s17 =	sadd.s32 s30, s29;
	s7 =	sand.u32 $0x1FFFFFF0, s7;
	s18 =	spop (v2sf)  }
0x32b: {  	s29 =	sld [smem:$0x7B8];
	s16 =	sand.u32 $0x1FFFFFF0, s21;
	s21 =	spop (v2sf)  }
0x32c: {  	[smem:$0x7B5] =	sst s19;
	s18 =	sand.u32 $0x1FFFFFF0, s18;
	s15 =	spop (v2sf)  }
0x32d: {  	s16 =	sadd.s32 s30, s16;
	s14 =	sand.u32 $0x1FFFFFF0, s21;
	s19 =	spop (v2sf)  }
0x32e: {  	s29 =	sadd.s32 $0x10, s29;
	s15 =	sand.u32 $0x1FFFFFF0, s15;
	s0 =	spop (v2sf)  }
0x32f: {  	s19 =	sand.u32 $0x1FFFFFF0, s19;
	s21 =	sand.u32 $0x1FFFFFF0, s0;
	s0 =	smov.u32 s26  }
0x330: {  	s26 =	smov.u32 s24;
	s24 =	smov.u32 s22;
	s21 =	sadd.s32 s30, s21  }
0x331: {  	[tilespmem:s2], [sflag:$0x2] =	stream.linear.gather [hbm4b:s21+s23], $0x80, $0x38;
	[tilespmem:$0x14D80] =	vst v63  }
0x332: {  	s22 =	sadd.s32 $0x400, s28;
	s21 =	sadd.s32 s30, s18;
	s18 =	sld [smem:$0x7AD]  }
0x333: {  	s28 =	sadd.s32 $0xCD80, s31;
	s2 =	sadd.s32 s30, s19;
	[smem:$0x7B9] =	sst s21  }
0x334: {  	[tilespmem:s6], [sflag:$0x2] =	stream.linear.gather [hbm4b:s2+s23], $0x80, $0x38;
	[tilespmem:$0x14D80] =	vst v63  }
0x335: {  	s31 =	smov.u32 s3;
	s21 =	sld [smem:$0x7AE];
	s6 =	sshrl.u32 s12, $0x3  }
0x336: {  	s12 =	sshra.s32 s22, $0x2;
	s22 =	smov.u32 s24;
	s24 =	smov.u32 s26  }
0x337: {  	s26 =	smov.u32 s0;
	s19 =	sadd.s32 $0x1400, s18;
	s2 =	smul.u32 $0xC00, s6  }
0x338: {  	s6 =	sadd.s32 $0xCD80, s12;
	s18 =	sshra.s32 s19, $0x2;
	s19 =	sld [smem:$0x7AF]  }
0x339: {  	[tilespmem:s6], [sflag:$0x2] =	stream.linear.gather [hbm4b:s17+s23], $0x80, $0x38;
	[tilespmem:$0x14D80] =	vst v63  }
0x33a: {  	s23 =	smov.u32 s25;
	s25 =	smov.u32 s1;
	s1 =	sld [smem:$0x7B0]  }
0x33b: {  	s12 =	sand.u32 $0x1FFFFFF0, s5;
	s3 =	sadd.s32 $0x1600, s21;
	s6 =	sld [smem:$0x7B1]  }
0x33c: {  	s5 =	sshra.s32 s3, $0x2;
	s0 =	sadd.s32 $0x1800, s19;
	s19 =	simm.s32 $0x0  }
0x33d: {  	s3 =	sand.u32 $0x1FFFFFF0, s1;
	s1 =	sadd.s32 s30, s7;
	s7 =	sld [smem:$0x7B7]  }
0x33e: {  	[tilespmem:s6], [sflag:$0x2] =	stream.linear.gather [hbm4b:s13+s19], $0x80, $0x38;
	[tilespmem:$0x14D80] =	vst v63  }
0x33f: {  	s15 =	sadd.s32 s30, s15;
	s21 =	sadd.s32 s9, s2;
	s6 =	sld [smem:$0x7B2]  }
0x340: {  	[tilespmem:s4], [sflag:$0x2] =	stream.linear.gather [hbm4b:s16+s19], $0x80, $0x38;
	[tilespmem:$0x14D80] =	vst v63  }
0x341: {  	s2 =	sadd.s32 $0xCD80, s5;
	s16 =	smov.u32 s10;
	s10 =	sld [smem:$0x7B3]  }
0x342: {  	s5 =	sadd.s32 s30, s3;
	s4 =	sadd.s32 $0xCD80, s11;
	s11 =	sld [smem:$0x7B4]  }
0x343: {  	s3 =	sand.u32 $0x1FFFFFF0, s6;
	s6 =	sadd.s32 s30, s14;
	s14 =	sld [smem:$0x7B5]  }
0x344: {  	[tilespmem:s20], [sflag:$0x2] =	stream.linear.gather [hbm4b:s15+s19], $0x80, $0x38;
	[tilespmem:$0x14D80] =	vst v63  }
0x345: {  	s26 =	sadd.s32 $0x10, s26;
	s25 =	sadd.s32 $0x10, s25;
	s20 =	sld [smem:$0x7B6]  }
0x346: {  	s21 =	sadd.s32 $0x1C00, s21;
	s17 =	sshra.s32 s0, $0x2;
	s15 =	rddreg [dreg:$0xc]  }
0x347: {  	[tilespmem:s8], [sflag:$0x2] =	stream.linear.gather [hbm4b:s14+s19], $0x80, $0x38;
	[tilespmem:$0x14D80] =	vst v63  }
0x348: {  	s13 =	sshra.s32 s21, $0x2;
	s14 =	rddreg [dreg:$0x12];
	s21 =	smulhi.u32 $0x4EC4EC4F, s20  }
0x349: {  	s10 =	sadd.s32 s30, s10;
	s20 =	sand.u32 $0x1FFFFFF0, s7;
	s7 =	rddreg [dreg:$0x5]  }
.Ltmp4:
0x34a: {  	s8 =	sshrl.u32 s21, $0x3;
	s21 =	sld [smem:$0x7B9];
	(pc) =	sbr.rel @p0 .LBB2_11-.Ltmp4, $4  }
0x34b: {  	[tilespmem:s4], [sflag:$0x2] =	stream.linear.gather [hbm4b:s6+s19], $0x80, $0x38;
	[tilespmem:$0x14D80] =	vst v63  }
0x34c: {  	s11 =	sadd.s32 $0xCD80, s11;
	s4 =	sadd.s32 $0xCD80, s18;
	s18 =	rddreg [dreg:$0x7]  }
0x34d: {  	[tilespmem:s11], [sflag:$0x2] =	stream.linear.gather [hbm4b:s21+s19], $0x80, $0x38;
	[tilespmem:$0x14D80] =	vst v63  }
0x34e: {  	s6 =	sadd.s32 s30, s20;
	s8 =	smul.u32 $0xC00, s8;
	s11 =	rddreg [dreg:$0xb]  }
0x34f: {  	[tilespmem:s28], [sflag:$0x2] =	stream.linear.gather [hbm4b:s1+s19], $0x80, $0x38;
	[tilespmem:$0x14D80] =	vst v63  }
0x350: {  	s21 =	sld [smem:$0x7BA];
	_ =	sdelay $0x1  }
0x351: {  	[tilespmem:s4], [sflag:$0x2] =	stream.linear.gather [hbm4b:s6+s19], $0x80, $0x38;
	[tilespmem:$0x14D80] =	vst v63  }
0x352: {  	s0 =	sadd.s32 s9, s8;
	s1 =	sand.u32 $0x1FFFFFF0, s21  }
0x353: {  	s28 =	sld [smem:$0x7C6];
	s0 =	sadd.s32 $0x1A00, s0;
	s1 =	sadd.s32 s30, s1  }
0x354: {  	[tilespmem:s2], [sflag:$0x2] =	stream.linear.gather [hbm4b:s1+s19], $0x80, $0x38;
	[tilespmem:$0x14D80] =	vst v63  }
0x355: {  	s22 =	sadd.s32 $0xCD80, s17;
	s0 =	sshra.s32 s0, $0x2  }
0x356: {  	[tilespmem:s22], [sflag:$0x2] =	stream.linear.gather [hbm4b:s5+s19], $0x80, $0x38;
	[tilespmem:$0x14D80] =	vst v63  }
0x357: {  	s23 =	sadd.s32 $0xCD80, s13;
	s0 =	sadd.s32 $0xCD80, s0;
	s1 =	sadd.s32 $0x1, s28  }
0x358: {  	[tilespmem:s0], [sflag:$0x2] =	stream.linear.gather [hbm4b:s10+s19], $0x80, $0x38;
	[tilespmem:$0x14D80] =	vst v63  }
0x359: {  	s24 =	sadd.s32 s30, s12;
	s25 =	sld [smem:$0x7BB];
	p0 =	sne.s32 s1, $0x7  }
0x35a: {  	[tilespmem:s23], [sflag:$0x2] =	stream.linear.gather [hbm4b:s24+s19], $0x80, $0x38;
	[tilespmem:$0x14D80] =	vst v63  }
.Ltmp5:
0x35b: {  	s29 =	sld [smem:$0x7CC];
	(pc) =	sbr.rel @p0 .LBB2_8-.Ltmp5, $4  }
0x35c: {  	s26 =	sadd.s32 s30, s3;
	s20 =	sld [smem:$0x7CB];
	s0 =	sadd.s32 $0xCD80, s25  }
0x35d: {  	[tilespmem:s0], [sflag:$0x2] =	stream.linear.gather [hbm4b:s26+s19], $0x80, $0x38;
	[tilespmem:$0x14D80] =	vst v63  }
0x35e: {  	s31 =	simm.s32 $0x0;
	s0 =	sadd.s32 $0x1A0, s29  }
0x35f: {  	s20 =	sadd.s32 $0x1A0, s20;
	s21 =	smov.u32 s30;
	[smem:$0x7CC] =	sst s0  }
0x360: {  	s0 =	simm.s32 $0x1  }
0x361: {  	_ =	swait.ge [sflag:s0], $0x6800  }
0x362: {  	s1 =	sld [smem:$0x7FA]  }
0x363: {  	[sflag:s0] =	ssyncset.done $0x0  }
0x364: {  	s25 =	simm.s32 $0x4D80;
	[sflag:s0] =	ssyncadd.s32 $0xFFFF9800  }
0x365: {  	[hbm4b:s1+s19] =	stream.linear.scatter [tilespmem:s25], [sflag:$0x3], $0xD00, $0x38;
	[tilespmem:$0x14D80] =	vst v63  }
0x366: {  	s2 =	simm.s32 $0x5D80;
	s26 =	sadd.s32 $0x200, s1  }
0x367: {  	[hbm4b:s26+s19] =	stream.linear.scatter [tilespmem:s2], [sflag:$0x3], $0xD00, $0x38;
	[tilespmem:$0x14D80] =	vst v63  }
0x368: {  	s29 =	simm.s32 $0x6D80;
	s28 =	sadd.s32 $0x400, s1  }
0x369: {  	[hbm4b:s28+s19] =	stream.linear.scatter [tilespmem:s29], [sflag:$0x3], $0xD00, $0x38;
	[tilespmem:$0x14D80] =	vst v63  }
0x36a: {  	s31 =	simm.s32 $0x7D80;
	s30 =	sadd.s32 $0x600, s1  }
0x36b: {  	[hbm4b:s30+s19] =	stream.linear.scatter [tilespmem:s31], [sflag:$0x3], $0xD00, $0x38;
	[tilespmem:$0x14D80] =	vst v63  }
0x36c: {  	s4 =	simm.s32 $0x8D80;
	s3 =	sadd.s32 $0x800, s1  }
0x36d: {  	[hbm4b:s3+s19] =	stream.linear.scatter [tilespmem:s4], [sflag:$0x3], $0xD00, $0x38;
	[tilespmem:$0x14D80] =	vst v63  }
0x36e: {  	s6 =	simm.s32 $0x9D80;
	s5 =	sadd.s32 $0xA00, s1  }
0x36f: {  	[hbm4b:s5+s19] =	stream.linear.scatter [tilespmem:s6], [sflag:$0x3], $0xD00, $0x38;
	[tilespmem:$0x14D80] =	vst v63  }
0x370: {  	s8 =	simm.s32 $0xAD80;
	s7 =	sadd.s32 $0xC00, s1  }
0x371: {  	[hbm4b:s7+s19] =	stream.linear.scatter [tilespmem:s8], [sflag:$0x3], $0xD00, $0x38;
	[tilespmem:$0x14D80] =	vst v63  }
0x372: {  	s10 =	simm.s32 $0xBD80;
	s9 =	sadd.s32 $0xE00, s1;
	s2 =	simm.s32 $0x3  }
0x373: {  	[hbm4b:s9+s19] =	stream.linear.scatter [tilespmem:s10], [sflag:$0x3], $0xD00, $0x38;
	[tilespmem:$0x14D80] =	vst v63  }
0x374: {  	_ =	swait.ge [sflag:s2], $0x6800  }
0x375: {  	[sflag:s2] =	ssyncset.done $0x0  }
0x376: {  	s11 =	simm.s32 $0x2;
	[sflag:s2] =	ssyncadd.s32 $0xFFFF9800  }
0x377: {  	_ =	swait.ge [sflag:s11], $0x6800  }
0x378: {  	s12 =	sld [smem:$0x7FB]  }
0x379: {  	[sflag:s11] =	ssyncset.done $0x0  }
0x37a: {  	s13 =	simm.s32 $0xCD80;
	[sflag:s11] =	ssyncadd.s32 $0xFFFF9800  }
0x37b: {  	[hbm4b:s12+s19] =	stream.linear.scatter [tilespmem:s13], [sflag:$0x3], $0xD00, $0x38;
	[tilespmem:$0x14D80] =	vst v63  }
0x37c: {  	s3 =	simm.s32 $0xDD80;
	s14 =	sadd.s32 $0x200, s12  }
0x37d: {  	[hbm4b:s14+s19] =	stream.linear.scatter [tilespmem:s3], [sflag:$0x3], $0xD00, $0x38;
	[tilespmem:$0x14D80] =	vst v63  }
0x37e: {  	s16 =	simm.s32 $0xED80;
	s15 =	sadd.s32 $0x400, s12  }
0x37f: {  	[hbm4b:s15+s19] =	stream.linear.scatter [tilespmem:s16], [sflag:$0x3], $0xD00, $0x38;
	[tilespmem:$0x14D80] =	vst v63  }
0x380: {  	s18 =	simm.s32 $0xFD80;
	s17 =	sadd.s32 $0x600, s12  }
0x381: {  	[hbm4b:s17+s19] =	stream.linear.scatter [tilespmem:s18], [sflag:$0x3], $0xD00, $0x38;
	[tilespmem:$0x14D80] =	vst v63  }
0x382: {  	s22 =	simm.s32 $0x10D80;
	s20 =	sadd.s32 $0x800, s12  }
0x383: {  	[hbm4b:s20+s19] =	stream.linear.scatter [tilespmem:s22], [sflag:$0x3], $0xD00, $0x38;
	[tilespmem:$0x14D80] =	vst v63  }
0x384: {  	s24 =	simm.s32 $0x11D80;
	s23 =	sadd.s32 $0xA00, s12  }
0x385: {  	[hbm4b:s23+s19] =	stream.linear.scatter [tilespmem:s24], [sflag:$0x3], $0xD00, $0x38;
	[tilespmem:$0x14D80] =	vst v63  }
0x386: {  	s26 =	simm.s32 $0x12D80;
	s25 =	sadd.s32 $0xC00, s12  }
0x387: {  	[hbm4b:s25+s19] =	stream.linear.scatter [tilespmem:s26], [sflag:$0x3], $0xD00, $0x38;
	[tilespmem:$0x14D80] =	vst v63  }
0x388: {  	s29 =	simm.s32 $0x13D80;
	s28 =	sadd.s32 $0xE00, s12  }
0x389: {  	[hbm4b:s28+s19] =	stream.linear.scatter [tilespmem:s29], [sflag:$0x3], $0xD00, $0x38;
	[tilespmem:$0x14D80] =	vst v63  }
0x38a: {  	_ =	swait.ge [sflag:s2], $0x6800  }
0x38b: {  	s30 =	sld [smem:$0x7F6]  }
0x38c: {  	s31 =	sld [smem:$0x7FC];
	_ =	sdelay $0x1  }
0x38d: {  	s1 =	sadd.s32 $0x1, s30  }
0x38e: {  	p0 =	sne.s32 s1, s31  }
.Ltmp6:
0x38f: {  	_ = 	snop;
	(pc) =	sbr.rel @p0 .LBB2_1-.Ltmp6, $3  }
0x390: {  	_ =	sdelay $0x1  }
0x391: {  	[sflag:s2] =	ssyncset.done $0x0  }
0x392: {  	[sflag:s2] =	ssyncadd.s32 $0xFFFF9800  }
0x393: {  	_ =	sfence.sel $0x180000  }
0x394: {  	[bflag:$0x0] =	sbarrier.arrive $0xFFFF  }
0x395: {  	_ =	strace $0x90000047  }
0x396: {  	s0 =	stileid.u32;
	[bflag:$0x2] =	sbarrier.arrive $0xFFFF  }
0x397: {  	p0 =	sne.s32 s0, $0x0;
	s0 =	rddreg [dreg:$0x2]  }
0x398: {  	s0 =	sadd.s32 @!p0 $0x100000, s0  }
0x399: {  	[sflag:s0] =	ssyncadd.tile.s32 @!p0 $0x1;
	_ =	shalt  }
.Lfunc_end2:
_tile_overlayer_lowered:
.L_overlay_start_2:
0x39a: {  	(tag) =	ssettag $0x2  }
0x39b: {  	s0 =	rddreg [dreg:$0x0];
	s2 =	stileid.u32  }
0x39c: {  	s1 =	rddreg [dreg:$0x1];
	p0 =	sne.s32 s2, $0x0  }
0x39d: {  	s3 =	rddreg [dreg:$0x2];
	[bflag:$0x3] =	sbarrier.arrive $0xFFFF;
	s2 =	simm.s32 @!p0 $0x1C03  }
0x39e: {  	[timem:s3], [sflag:s2] =	dma.local @!p0 [hbm:s0], s1  }
0x39f: {  	s0 =	simm.s32 @!p0 $0x3  }
0x3a0: {  	_ =	swait.ge @!p0 [sflag:s0], s1  }
0x3a1: {  	s1 =	ssub.s32 @!p0 $0x0, s1;
	[sflag:s0] =	ssyncset.done @!p0 $0x0  }
0x3a2: {  	[sflag:s0] =	ssyncadd.s32 @!p0 s1  }
0x3a3: {  	[bflag:$0x3] =	sbarrier.arrive $0xFFFF  }
0x3a4: {  	_ =	shalt  }

</sc_bundles>
